<compile_context>
chip_gen: v7x
topology: tpu7x:2x2x1
jax: 0.10.2.dev20260603
libtpu: 0.0.44.dev20260713+nightly
codegen_flags: <defaults>
</compile_context>

<pallas_src>
import functools

import jax
import jax.numpy as jnp
from jax import lax
from jax.experimental import pallas as pl
from jax.experimental.pallas import tpu as pltpu
from jax.experimental.pallas import tpu_sc as plsc

NC = 2
NS = 16
LANES = 16


def _make_pool_kernel(B, CTX, V, D):
    NW = NC * NS
    NB = 2
    assert B % (8 * NW) == 0
    b_per_w = B // NW
    assert b_per_w % NB == 0
    n_groups = b_per_w // NB
    n_vec = D // LANES
    inv_ctx = jnp.float32(1.0 / CTX)

    mesh = plsc.VectorSubcoreMesh(
        core_axis_name="c", subcore_axis_name="s",
        num_cores=NC, num_subcores=NS)

    @functools.partial(
        pl.kernel,
        mesh=mesh,
        out_type=jax.ShapeDtypeStruct((B, D), jnp.float32),
        scratch_types=[
            pltpu.VMEM((b_per_w, CTX), jnp.int32),
            pltpu.VMEM((NB, CTX, D), jnp.float32),
            pltpu.VMEM((b_per_w, D), jnp.float32),
            pltpu.VMEM_SHARED((V, D), jnp.float32),
            [pltpu.SemaphoreType.DMA] * NB,
        ],
    )
    def pool(x_hbm, table_hbm, out_hbm, idx_v, rows_v, pooled_v, tab_sh, sems):
        wid = lax.axis_index("s") * NC + lax.axis_index("c")
        base = wid * b_per_w
        sid = lax.axis_index("s")
        n_load = 10
        v_per_s = V // n_load
        assert V % n_load == 0 and v_per_s % 8 == 0

        @pl.when(sid < n_load)
        def _stage():
            pltpu.sync_copy(table_hbm.at[pl.ds(sid * v_per_s, v_per_s)],
                            tab_sh.at[pl.ds(sid * v_per_s, v_per_s)])

        pltpu.sync_copy(x_hbm.at[pl.ds(base, b_per_w)], idx_v)
        plsc.subcore_barrier()

        def gather(s, b):
            return pltpu.make_async_copy(
                tab_sh.at[idx_v.at[s]], rows_v.at[b], sems[b])

        UNROLL = 5
        assert CTX % UNROLL == 0

        def reduce(s, b):
            def acc_body(r0, accs):
                out = list(accs)
                for u in range(UNROLL):
                    r = r0 * UNROLL + u
                    out = [out[j] + rows_v[b, r, pl.ds(LANES * j, LANES)]
                           for j in range(n_vec)]
                return tuple(out)

            zero = jnp.zeros((LANES,), jnp.float32)
            accs = lax.fori_loop(0, CTX // UNROLL, acc_body,
                                 (zero,) * n_vec)
            for j in range(n_vec):
                pooled_v[s, pl.ds(LANES * j, LANES)] = accs[j] * inv_ctx

        for b in range(NB):
            gather(b, b).start()

        def group_body(g, carry):
            for b in range(NB):
                s = g * NB + b
                gather(s, b).wait()
                reduce(s, b)
                gather(s + NB, b).start()
            return carry

        lax.fori_loop(0, n_groups - 1, group_body, 0)
        for b in range(NB):
            s = (n_groups - 1) * NB + b
            gather(s, b).wait()
            reduce(s, b)
        pltpu.sync_copy(pooled_v, out_hbm.at[pl.ds(base, b_per_w)])

    return pool


def _dense_softmax_chunk(B, D, V, BB, blk0, nblk, first):
    def body(pooled_ref, w_ref, b_ref, *rest):
        out_ref = rest[-1]
        logits = jnp.dot(pooled_ref[...], w_ref[...],
                         preferred_element_type=jnp.float32) + b_ref[...]
        m = jnp.max(logits, axis=-1, keepdims=True)
        e = jnp.exp(logits - m)
        out_ref[...] = e / jnp.sum(e, axis=-1, keepdims=True)

    in_specs = [
        pl.BlockSpec((BB, D), lambda i: (i, 0)),
        pl.BlockSpec((D, V), lambda i: (0, 0)),
        pl.BlockSpec((1, V), lambda i: (0, 0)),
    ]
    aliases = {}
    if not first:
        in_specs.append(pl.BlockSpec(memory_space=pl.ANY))
        aliases = {3: 0}
    return pl.pallas_call(
        body,
        grid=(nblk,),
        in_specs=in_specs,
        out_specs=pl.BlockSpec((BB, V), lambda i: (i + blk0, 0)),
        out_shape=jax.ShapeDtypeStruct((B, V), jnp.float32),
        input_output_aliases=aliases,
    )


def kernel(x, table, W, b):
    B, CTX = x.shape
    V, D = table.shape
    x = x.astype(jnp.int32)
    NCHUNK = 2
    BB = 256
    Bc = B // NCHUNK
    nblk = Bc // BB
    pool = _make_pool_kernel(Bc, CTX, V, D)
    b2 = b.reshape(1, V)
    pooled = [pool(x[c * Bc:(c + 1) * Bc], table) for c in range(NCHUNK)]
    out = _dense_softmax_chunk(B, D, V, BB, 0, nblk, True)(
        pooled[0], W, b2)
    for c in range(1, NCHUNK):
        out = _dense_softmax_chunk(B, D, V, BB, c * nblk, nblk, False)(
            pooled[c], W, b2, out)
    return out

# --- scband reference (transcript-rebuilt; emitter-appended) ---
"""Pipeline reference for scband-cbowmodel-55705725829162 (READ-ONLY COPY).

The authoritative reference and input builder live on the scoring server;
editing this copy changes nothing except your own understanding.
"""

import jax, jax.numpy as jnp
import numpy as np

VOCAB = 10000
EMBED = 128
BATCH = 4096
CTX = 50

def setup_inputs(seed: int = 0) -> dict:
    key = jax.random.key(seed)
    k1, k2, k3, k4 = jax.random.split(key, 4)
    x = jax.random.randint(k1, (BATCH, CTX), 0, VOCAB, dtype=jnp.int64 if jax.config.jax_enable_x64 else jnp.int32)
    # embedding table (Keras Embedding default: uniform init)
    table = jax.random.uniform(k2, (VOCAB, EMBED), dtype=jnp.float32, minval=-0.05, maxval=0.05)
    # dense layer params (Keras Dense default: glorot uniform)
    limit = float(np.sqrt(6.0 / (EMBED + VOCAB)))
    W = jax.random.uniform(k3, (EMBED, VOCAB), dtype=jnp.float32, minval=-limit, maxval=limit)
    b = jnp.zeros((VOCAB,), dtype=jnp.float32)
    return {"x": x, "table": table, "W": W, "b": b}

def reference(x, table, W, b):
    # Embedding lookup: gather rows of table
    emb = jnp.take(table, x, axis=0)            # [B, CTX, EMBED]
    # Mean over context window
    pooled = jnp.mean(emb, axis=1)              # [B, EMBED]
    # Dense with softmax activation
    logits = pooled @ W + b                     # [B, VOCAB]
    return jax.nn.softmax(logits, axis=-1)

if __name__ == "__main__":
    import jax
    _d = setup_inputs()
    print(jax.jit(kernel)(*tuple(_d.values())))

</pallas_src>

<mosaic_0001>
#map = affine_map<(d0, d1) -> (0, 0)>
#map1 = affine_map<(d0, d1) -> (0)>
module attributes {stable_mosaic.version = 14 : i64} {
  func.func @_rewritten_body(%arg0: i32, %arg1: i32, %arg2: memref<2048x50xi32, #tpu.memory_space<hbm>>, %arg3: memref<10000x128xf32, #tpu.memory_space<hbm>>, %arg4: memref<1xf32, #tpu.memory_space<hbm>>, %arg5: memref<2048x128xf32, #tpu.memory_space<hbm>>, %arg6: memref<64x50xi32, #tpu.memory_space<vmem>>, %arg7: memref<2x50x128xf32, #tpu.memory_space<vmem>>, %arg8: memref<64x128xf32, #tpu.memory_space<vmem>>, %arg9: memref<10000x128xf32, #tpu.memory_space<vmem_shared>>, %arg10: memref<!tpu.dma_semaphore, #tpu.memory_space<semaphore_mem>>, %arg11: memref<!tpu.dma_semaphore, #tpu.memory_space<semaphore_mem>>) attributes {dimension_semantics = [#tpu.dimension_semantics<core_parallel>, #tpu.dimension_semantics<subcore_parallel>], iteration_bounds = array<i64: 2, 16>, scalar_prefetch = 0 : i64, scratch_operands = 6 : i64, tpu.core_type = #tpu.core_type<sc_vector_subcore>, window_params = [{transform_indices = #map}, {transform_indices = #map}, {transform_indices = #map1}, {transform_indices = #map}]} {
    %empty_ref3A = memref.alloca() : memref<16xf32, #tpu.memory_space<vmem>>
    "tpu.region"() ({
      %run_scoped3A = tpu.sem_alloc : memref<!tpu.dma_semaphore, #tpu.memory_space<semaphore_mem>>
      %dma_start3A_200 = arith.constant 0 : i32
      %dma_start3A_201 = tpu.memref_slice %empty_ref3A[%dma_start3A_200] : memref<16xf32, #tpu.memory_space<vmem>> -> memref<1xf32, #tpu.memory_space<vmem>>
      %dma_start3A_202 = arith.constant 0 : i32
      %dma_start3A_203 = tpu.memref_slice %empty_ref3A[%dma_start3A_202] : memref<16xf32, #tpu.memory_space<vmem>> -> memref<1xf32, #tpu.memory_space<vmem>>
      tpu.enqueue_dma source(%arg4 : memref<1xf32, #tpu.memory_space<hbm>>) target(%dma_start3A_203 : memref<1xf32, #tpu.memory_space<vmem>>) target_semaphore(%run_scoped3A : memref<!tpu.dma_semaphore, #tpu.memory_space<semaphore_mem>>)
      %dma_wait3A_204 = arith.constant 0 : i32
      %dma_wait3A_205 = tpu.memref_slice %empty_ref3A[%dma_wait3A_204] : memref<16xf32, #tpu.memory_space<vmem>> -> memref<1xf32, #tpu.memory_space<vmem>>
      %dma_wait3A_206 = arith.constant 0 : i32
      %dma_wait3A_207 = tpu.memref_slice %empty_ref3A[%dma_wait3A_206] : memref<16xf32, #tpu.memory_space<vmem>> -> memref<1xf32, #tpu.memory_space<vmem>>
      tpu.wait_dma2 semaphore(%run_scoped3A : memref<!tpu.dma_semaphore, #tpu.memory_space<semaphore_mem>>) src(%arg4 : memref<1xf32, #tpu.memory_space<hbm>>) dst(%dma_wait3A_207 : memref<1xf32, #tpu.memory_space<vmem>>)
      tpu.yield
    }) : () -> ()
    %get3A = arith.constant 0 : index
    %get3A_0 = tpu.vector_load %empty_ref3A[%get3A] {strides = array<i32>} : memref<16xf32, #tpu.memory_space<vmem>>, vector<16xf32>,
    %get3A_1 = vector.shape_cast %get3A_0 : vector<16xf32> to vector<16xf32>
    %slice3A = vector.extract_strided_slice %get3A_1 {offsets = [0], sizes = [1], strides = [1]} : vector<16xf32> to vector<1xf32>
    %squeeze3A = vector.extract %slice3A[0] : f32 from vector<1xf32>
    %mul3A = arith.constant 2 : i32
    %mul3A_2 = arith.muli %arg1, %mul3A : i32
    %add3A = arith.addi %mul3A_2, %arg0 : i32
    %mul3A_3 = arith.constant 64 : i32
    %mul3A_4 = arith.muli %add3A, %mul3A_3 : i32
    %lt3A = arith.constant 10 : i32
    %lt3A_5 = arith.cmpi slt, %arg1, %lt3A : i32
    %convert_element_type3A = arith.extui %lt3A_5 : i1 to i32
    %cond3A = arith.constant 0 : i32
    %cond3A_6 = arith.cmpi ne, %convert_element_type3A, %cond3A : i32
    scf.if %cond3A_6 {
      %mul3A_200 = arith.constant 1000 : i32
      %mul3A_201 = arith.muli %arg1, %mul3A_200 : i32
      %mul3A_202 = arith.constant 1000 : i32
      %mul3A_203 = arith.muli %arg1, %mul3A_202 : i32
      "tpu.region"() ({
        %run_scoped3A = tpu.sem_alloc : memref<!tpu.dma_semaphore, #tpu.memory_space<semaphore_mem>>
        %dma_start3A_204 = arith.constant 0 : i32
        %dma_start3A_205 = tpu.memref_slice %arg9[%mul3A_203, %dma_start3A_204] : memref<10000x128xf32, #tpu.memory_space<vmem_shared>> -> memref<1000x128xf32, #tpu.memory_space<vmem_shared>>
        %dma_start3A_206 = arith.constant 0 : i32
        %dma_start3A_207 = tpu.memref_slice %arg3[%mul3A_201, %dma_start3A_206] : memref<10000x128xf32, #tpu.memory_space<hbm>> -> memref<1000x128xf32, #tpu.memory_space<hbm>>
        tpu.enqueue_dma source(%dma_start3A_207 : memref<1000x128xf32, #tpu.memory_space<hbm>>) target(%dma_start3A_205 : memref<1000x128xf32, #tpu.memory_space<vmem_shared>>) target_semaphore(%run_scoped3A : memref<!tpu.dma_semaphore, #tpu.memory_space<semaphore_mem>>)
        %dma_wait3A_208 = arith.constant 0 : i32
        %dma_wait3A_209 = tpu.memref_slice %arg9[%mul3A_203, %dma_wait3A_208] : memref<10000x128xf32, #tpu.memory_space<vmem_shared>> -> memref<1000x128xf32, #tpu.memory_space<vmem_shared>>
        %dma_wait3A_210 = arith.constant 0 : i32
        %dma_wait3A_211 = tpu.memref_slice %arg3[%mul3A_201, %dma_wait3A_210] : memref<10000x128xf32, #tpu.memory_space<hbm>> -> memref<1000x128xf32, #tpu.memory_space<hbm>>
        tpu.wait_dma2 semaphore(%run_scoped3A : memref<!tpu.dma_semaphore, #tpu.memory_space<semaphore_mem>>) src(%dma_wait3A_211 : memref<1000x128xf32, #tpu.memory_space<hbm>>) dst(%dma_wait3A_209 : memref<1000x128xf32, #tpu.memory_space<vmem_shared>>)
        tpu.yield
      }) : () -> ()
    } else {
    }
    "tpu.region"() ({
      %run_scoped3A = tpu.sem_alloc : memref<!tpu.dma_semaphore, #tpu.memory_space<semaphore_mem>>
      %dma_start3A_200 = arith.constant 0 : i32
      %dma_start3A_201 = tpu.memref_slice %arg2[%mul3A_4, %dma_start3A_200] : memref<2048x50xi32, #tpu.memory_space<hbm>> -> memref<64x50xi32, #tpu.memory_space<hbm>>
      %dma_start3A_202 = arith.constant 0 : i32
      %dma_start3A_203 = tpu.memref_slice %arg2[%mul3A_4, %dma_start3A_202] : memref<2048x50xi32, #tpu.memory_space<hbm>> -> memref<64x50xi32, #tpu.memory_space<hbm>>
      tpu.enqueue_dma source(%dma_start3A_203 : memref<64x50xi32, #tpu.memory_space<hbm>>) target(%arg6 : memref<64x50xi32, #tpu.memory_space<vmem>>) target_semaphore(%run_scoped3A : memref<!tpu.dma_semaphore, #tpu.memory_space<semaphore_mem>>)
      %dma_wait3A_204 = arith.constant 0 : i32
      %dma_wait3A_205 = tpu.memref_slice %arg2[%mul3A_4, %dma_wait3A_204] : memref<2048x50xi32, #tpu.memory_space<hbm>> -> memref<64x50xi32, #tpu.memory_space<hbm>>
      %dma_wait3A_206 = arith.constant 0 : i32
      %dma_wait3A_207 = tpu.memref_slice %arg2[%mul3A_4, %dma_wait3A_206] : memref<2048x50xi32, #tpu.memory_space<hbm>> -> memref<64x50xi32, #tpu.memory_space<hbm>>
      tpu.wait_dma2 semaphore(%run_scoped3A : memref<!tpu.dma_semaphore, #tpu.memory_space<semaphore_mem>>) src(%dma_wait3A_207 : memref<64x50xi32, #tpu.memory_space<hbm>>) dst(%arg6 : memref<64x50xi32, #tpu.memory_space<vmem>>)
      tpu.yield
    }) : () -> ()
    %barrier3A = arith.constant 0 : index
    tpu.barrier barrier_id(%barrier3A)
    %dma_start3A = arith.constant 0 : i32
    %dma_start3A_7 = arith.constant 0 : i32
    %dma_start3A_8 = arith.constant 0 : i32
    %dma_start3A_9 = arith.constant 0 : i32
    %dma_start3A_10 = tpu.memref_slice %arg7[%dma_start3A_7, %dma_start3A_8, %dma_start3A_9] : memref<2x50x128xf32, #tpu.memory_space<vmem>> -> memref<1x50x128xf32, #tpu.memory_space<vmem>>
    %dma_start3A_11 = tpu.memref_squeeze %dma_start3A_10 : memref<1x50x128xf32, #tpu.memory_space<vmem>> -> memref<50x128xf32, #tpu.memory_space<vmem>>
    %dma_start3A_12 = arith.constant 0 : i32
    %dma_start3A_13 = tpu.memref_slice %arg6[%dma_start3A, %dma_start3A_12] : memref<64x50xi32, #tpu.memory_space<vmem>> -> memref<1x50xi32, #tpu.memory_space<vmem>>
    %dma_start3A_14 = tpu.memref_squeeze %dma_start3A_13 : memref<1x50xi32, #tpu.memory_space<vmem>> -> memref<50xi32, #tpu.memory_space<vmem>>
    %dma_start3A_15 = arith.constant 0 : i32
    %dma_start3A_16 = arith.constant 0 : i32
    %dma_start3A_17 = tpu.memref_slice %arg9[%dma_start3A_15, %dma_start3A_16] : memref<10000x128xf32, #tpu.memory_space<vmem_shared>> -> memref<10000x128xf32, #tpu.memory_space<vmem_shared>>
    tpu.enqueue_indirect_dma source(%dma_start3A_17 : memref<10000x128xf32, #tpu.memory_space<vmem_shared>>) target(%dma_start3A_11 : memref<50x128xf32, #tpu.memory_space<vmem>>) offsets(%dma_start3A_14 : memref<50xi32, #tpu.memory_space<vmem>>) semaphore(%arg10 : memref<!tpu.dma_semaphore, #tpu.memory_space<semaphore_mem>>)
    %dma_start3A_18 = arith.constant 1 : i32
    %dma_start3A_19 = arith.constant 1 : i32
    %dma_start3A_20 = arith.constant 0 : i32
    %dma_start3A_21 = arith.constant 0 : i32
    %dma_start3A_22 = tpu.memref_slice %arg7[%dma_start3A_19, %dma_start3A_20, %dma_start3A_21] : memref<2x50x128xf32, #tpu.memory_space<vmem>> -> memref<1x50x128xf32, #tpu.memory_space<vmem>>
    %dma_start3A_23 = tpu.memref_squeeze %dma_start3A_22 : memref<1x50x128xf32, #tpu.memory_space<vmem>> -> memref<50x128xf32, #tpu.memory_space<vmem>>
    %dma_start3A_24 = arith.constant 0 : i32
    %dma_start3A_25 = tpu.memref_slice %arg6[%dma_start3A_18, %dma_start3A_24] : memref<64x50xi32, #tpu.memory_space<vmem>> -> memref<1x50xi32, #tpu.memory_space<vmem>>
    %dma_start3A_26 = tpu.memref_squeeze %dma_start3A_25 : memref<1x50xi32, #tpu.memory_space<vmem>> -> memref<50xi32, #tpu.memory_space<vmem>>
    %dma_start3A_27 = arith.constant 0 : i32
    %dma_start3A_28 = arith.constant 0 : i32
    %dma_start3A_29 = tpu.memref_slice %arg9[%dma_start3A_27, %dma_start3A_28] : memref<10000x128xf32, #tpu.memory_space<vmem_shared>> -> memref<10000x128xf32, #tpu.memory_space<vmem_shared>>
    tpu.enqueue_indirect_dma source(%dma_start3A_29 : memref<10000x128xf32, #tpu.memory_space<vmem_shared>>) target(%dma_start3A_23 : memref<50x128xf32, #tpu.memory_space<vmem>>) offsets(%dma_start3A_26 : memref<50xi32, #tpu.memory_space<vmem>>) semaphore(%arg11 : memref<!tpu.dma_semaphore, #tpu.memory_space<semaphore_mem>>)
    %scan3A = arith.constant 0 : i32
    %scan3A_30 = arith.constant 0 : i32
    %scan3A_31 = arith.constant 31 : i32
    %scan3A_32 = arith.addi %scan3A_30, %scan3A_31 : i32
    %scan3A_33 = arith.constant 1 : i32
    scf.for %scan3A_200 = %scan3A_30 to %scan3A_32 step %scan3A_33  : i32 {
      %mul3A_201 = arith.constant 2 : i32
      %mul3A_202 = arith.muli %scan3A_200, %mul3A_201 : i32
      %add3A_203 = arith.constant 0 : i32
      %add3A_204 = arith.addi %mul3A_202, %add3A_203 : i32
      %dma_wait3A_205 = arith.constant 0 : i32
      %dma_wait3A_206 = arith.constant 0 : i32
      %dma_wait3A_207 = arith.constant 0 : i32
      %dma_wait3A_208 = tpu.memref_slice %arg7[%dma_wait3A_205, %dma_wait3A_206, %dma_wait3A_207] : memref<2x50x128xf32, #tpu.memory_space<vmem>> -> memref<1x50x128xf32, #tpu.memory_space<vmem>>
      %dma_wait3A_209 = tpu.memref_squeeze %dma_wait3A_208 : memref<1x50x128xf32, #tpu.memory_space<vmem>> -> memref<50x128xf32, #tpu.memory_space<vmem>>
      %dma_wait3A_210 = arith.constant 0 : i32
      %dma_wait3A_211 = tpu.memref_slice %arg6[%add3A_204, %dma_wait3A_210] : memref<64x50xi32, #tpu.memory_space<vmem>> -> memref<1x50xi32, #tpu.memory_space<vmem>>
      %dma_wait3A_212 = tpu.memref_squeeze %dma_wait3A_211 : memref<1x50xi32, #tpu.memory_space<vmem>> -> memref<50xi32, #tpu.memory_space<vmem>>
      %dma_wait3A_213 = arith.constant 0 : i32
      %dma_wait3A_214 = arith.constant 0 : i32
      %dma_wait3A_215 = tpu.memref_slice %arg9[%dma_wait3A_213, %dma_wait3A_214] : memref<10000x128xf32, #tpu.memory_space<vmem_shared>> -> memref<10000x128xf32, #tpu.memory_space<vmem_shared>>
      tpu.wait_indirect_dma semaphore(%arg10 : memref<!tpu.dma_semaphore, #tpu.memory_space<semaphore_mem>>) src(%dma_wait3A_215 : memref<10000x128xf32, #tpu.memory_space<vmem_shared>>) dst(%dma_wait3A_209 : memref<50x128xf32, #tpu.memory_space<vmem>>)
      %broadcast_in_dim3A_216 = arith.constant 0.000000e+00 : f32
      %broadcast_in_dim3A_217 = vector.broadcast %broadcast_in_dim3A_216 : f32 to vector<16xf32>
      %scan3A_218 = arith.constant 0 : i32
      %scan3A_219 = arith.constant 10 : i32
      %scan3A_220 = arith.addi %scan3A_218, %scan3A_219 : i32
      %scan3A_221 = arith.constant 1 : i32
      %scan3A_222:8 = scf.for %scan3A_385 = %scan3A_218 to %scan3A_220 step %scan3A_221 iter_args(%scan3A_386 = %broadcast_in_dim3A_217, %scan3A_387 = %broadcast_in_dim3A_217, %scan3A_388 = %broadcast_in_dim3A_217, %scan3A_389 = %broadcast_in_dim3A_217, %scan3A_390 = %broadcast_in_dim3A_217, %scan3A_391 = %broadcast_in_dim3A_217, %scan3A_392 = %broadcast_in_dim3A_217, %scan3A_393 = %broadcast_in_dim3A_217) -> (vector<16xf32>, vector<16xf32>, vector<16xf32>, vector<16xf32>, vector<16xf32>, vector<16xf32>, vector<16xf32>, vector<16xf32>)  : i32 {
        %mul3A_394 = arith.constant 5 : i32
        %mul3A_395 = arith.muli %scan3A_385, %mul3A_394 : i32
        %add3A_396 = arith.constant 0 : i32
        %add3A_397 = arith.addi %mul3A_395, %add3A_396 : i32
        %get3A_398 = arith.constant 0 : i32
        %get3A_399 = arith.index_cast %get3A_398 : i32 to index
        %get3A_400 = arith.index_cast %add3A_397 : i32 to index
        %get3A_401 = arith.constant 0 : index
        %get3A_402 = tpu.vector_load %arg7[%get3A_399, %get3A_400, %get3A_401] {strides = array<i32>} : memref<2x50x128xf32, #tpu.memory_space<vmem>>, vector<1x1x16xf32>,
        %get3A_403 = vector.shape_cast %get3A_402 : vector<1x1x16xf32> to vector<16xf32>
        %add3A_404 = arith.addf %scan3A_386, %get3A_403 : vector<16xf32>
        %get3A_405 = arith.constant 0 : i32
        %get3A_406 = arith.index_cast %get3A_405 : i32 to index
        %get3A_407 = arith.index_cast %add3A_397 : i32 to index
        %get3A_408 = arith.constant 16 : index
        %get3A_409 = tpu.vector_load %arg7[%get3A_406, %get3A_407, %get3A_408] {strides = array<i32>} : memref<2x50x128xf32, #tpu.memory_space<vmem>>, vector<1x1x16xf32>,
        %get3A_410 = vector.shape_cast %get3A_409 : vector<1x1x16xf32> to vector<16xf32>
        %add3A_411 = arith.addf %scan3A_387, %get3A_410 : vector<16xf32>
        %get3A_412 = arith.constant 0 : i32
        %get3A_413 = arith.index_cast %get3A_412 : i32 to index
        %get3A_414 = arith.index_cast %add3A_397 : i32 to index
        %get3A_415 = arith.constant 32 : index
        %get3A_416 = tpu.vector_load %arg7[%get3A_413, %get3A_414, %get3A_415] {strides = array<i32>} : memref<2x50x128xf32, #tpu.memory_space<vmem>>, vector<1x1x16xf32>,
        %get3A_417 = vector.shape_cast %get3A_416 : vector<1x1x16xf32> to vector<16xf32>
        %add3A_418 = arith.addf %scan3A_388, %get3A_417 : vector<16xf32>
        %get3A_419 = arith.constant 0 : i32
        %get3A_420 = arith.index_cast %get3A_419 : i32 to index
        %get3A_421 = arith.index_cast %add3A_397 : i32 to index
        %get3A_422 = arith.constant 48 : index
        %get3A_423 = tpu.vector_load %arg7[%get3A_420, %get3A_421, %get3A_422] {strides = array<i32>} : memref<2x50x128xf32, #tpu.memory_space<vmem>>, vector<1x1x16xf32>,
        %get3A_424 = vector.shape_cast %get3A_423 : vector<1x1x16xf32> to vector<16xf32>
        %add3A_425 = arith.addf %scan3A_389, %get3A_424 : vector<16xf32>
        %get3A_426 = arith.constant 0 : i32
        %get3A_427 = arith.index_cast %get3A_426 : i32 to index
        %get3A_428 = arith.index_cast %add3A_397 : i32 to index
        %get3A_429 = arith.constant 64 : index
        %get3A_430 = tpu.vector_load %arg7[%get3A_427, %get3A_428, %get3A_429] {strides = array<i32>} : memref<2x50x128xf32, #tpu.memory_space<vmem>>, vector<1x1x16xf32>,
        %get3A_431 = vector.shape_cast %get3A_430 : vector<1x1x16xf32> to vector<16xf32>
        %add3A_432 = arith.addf %scan3A_390, %get3A_431 : vector<16xf32>
        %get3A_433 = arith.constant 0 : i32
        %get3A_434 = arith.index_cast %get3A_433 : i32 to index
        %get3A_435 = arith.index_cast %add3A_397 : i32 to index
        %get3A_436 = arith.constant 80 : index
        %get3A_437 = tpu.vector_load %arg7[%get3A_434, %get3A_435, %get3A_436] {strides = array<i32>} : memref<2x50x128xf32, #tpu.memory_space<vmem>>, vector<1x1x16xf32>,
        %get3A_438 = vector.shape_cast %get3A_437 : vector<1x1x16xf32> to vector<16xf32>
        %add3A_439 = arith.addf %scan3A_391, %get3A_438 : vector<16xf32>
        %get3A_440 = arith.constant 0 : i32
        %get3A_441 = arith.index_cast %get3A_440 : i32 to index
        %get3A_442 = arith.index_cast %add3A_397 : i32 to index
        %get3A_443 = arith.constant 96 : index
        %get3A_444 = tpu.vector_load %arg7[%get3A_441, %get3A_442, %get3A_443] {strides = array<i32>} : memref<2x50x128xf32, #tpu.memory_space<vmem>>, vector<1x1x16xf32>,
        %get3A_445 = vector.shape_cast %get3A_444 : vector<1x1x16xf32> to vector<16xf32>
        %add3A_446 = arith.addf %scan3A_392, %get3A_445 : vector<16xf32>
        %get3A_447 = arith.constant 0 : i32
        %get3A_448 = arith.index_cast %get3A_447 : i32 to index
        %get3A_449 = arith.index_cast %add3A_397 : i32 to index
        %get3A_450 = arith.constant 112 : index
        %get3A_451 = tpu.vector_load %arg7[%get3A_448, %get3A_449, %get3A_450] {strides = array<i32>} : memref<2x50x128xf32, #tpu.memory_space<vmem>>, vector<1x1x16xf32>,
        %get3A_452 = vector.shape_cast %get3A_451 : vector<1x1x16xf32> to vector<16xf32>
        %add3A_453 = arith.addf %scan3A_393, %get3A_452 : vector<16xf32>
        %mul3A_454 = arith.constant 5 : i32
        %mul3A_455 = arith.muli %scan3A_385, %mul3A_454 : i32
        %add3A_456 = arith.constant 1 : i32
        %add3A_457 = arith.addi %mul3A_455, %add3A_456 : i32
        %get3A_458 = arith.constant 0 : i32
        %get3A_459 = arith.index_cast %get3A_458 : i32 to index
        %get3A_460 = arith.index_cast %add3A_457 : i32 to index
        %get3A_461 = arith.constant 0 : index
        %get3A_462 = tpu.vector_load %arg7[%get3A_459, %get3A_460, %get3A_461] {strides = array<i32>} : memref<2x50x128xf32, #tpu.memory_space<vmem>>, vector<1x1x16xf32>,
        %get3A_463 = vector.shape_cast %get3A_462 : vector<1x1x16xf32> to vector<16xf32>
        %add3A_464 = arith.addf %add3A_404, %get3A_463 : vector<16xf32>
        %get3A_465 = arith.constant 0 : i32
        %get3A_466 = arith.index_cast %get3A_465 : i32 to index
        %get3A_467 = arith.index_cast %add3A_457 : i32 to index
        %get3A_468 = arith.constant 16 : index
        %get3A_469 = tpu.vector_load %arg7[%get3A_466, %get3A_467, %get3A_468] {strides = array<i32>} : memref<2x50x128xf32, #tpu.memory_space<vmem>>, vector<1x1x16xf32>,
        %get3A_470 = vector.shape_cast %get3A_469 : vector<1x1x16xf32> to vector<16xf32>
        %add3A_471 = arith.addf %add3A_411, %get3A_470 : vector<16xf32>
        %get3A_472 = arith.constant 0 : i32
        %get3A_473 = arith.index_cast %get3A_472 : i32 to index
        %get3A_474 = arith.index_cast %add3A_457 : i32 to index
        %get3A_475 = arith.constant 32 : index
        %get3A_476 = tpu.vector_load %arg7[%get3A_473, %get3A_474, %get3A_475] {strides = array<i32>} : memref<2x50x128xf32, #tpu.memory_space<vmem>>, vector<1x1x16xf32>,
        %get3A_477 = vector.shape_cast %get3A_476 : vector<1x1x16xf32> to vector<16xf32>
        %add3A_478 = arith.addf %add3A_418, %get3A_477 : vector<16xf32>
        %get3A_479 = arith.constant 0 : i32
        %get3A_480 = arith.index_cast %get3A_479 : i32 to index
        %get3A_481 = arith.index_cast %add3A_457 : i32 to index
        %get3A_482 = arith.constant 48 : index
        %get3A_483 = tpu.vector_load %arg7[%get3A_480, %get3A_481, %get3A_482] {strides = array<i32>} : memref<2x50x128xf32, #tpu.memory_space<vmem>>, vector<1x1x16xf32>,
        %get3A_484 = vector.shape_cast %get3A_483 : vector<1x1x16xf32> to vector<16xf32>
        %add3A_485 = arith.addf %add3A_425, %get3A_484 : vector<16xf32>
        %get3A_486 = arith.constant 0 : i32
        %get3A_487 = arith.index_cast %get3A_486 : i32 to index
        %get3A_488 = arith.index_cast %add3A_457 : i32 to index
        %get3A_489 = arith.constant 64 : index
        %get3A_490 = tpu.vector_load %arg7[%get3A_487, %get3A_488, %get3A_489] {strides = array<i32>} : memref<2x50x128xf32, #tpu.memory_space<vmem>>, vector<1x1x16xf32>,
        %get3A_491 = vector.shape_cast %get3A_490 : vector<1x1x16xf32> to vector<16xf32>
        %add3A_492 = arith.addf %add3A_432, %get3A_491 : vector<16xf32>
        %get3A_493 = arith.constant 0 : i32
        %get3A_494 = arith.index_cast %get3A_493 : i32 to index
        %get3A_495 = arith.index_cast %add3A_457 : i32 to index
        %get3A_496 = arith.constant 80 : index
        %get3A_497 = tpu.vector_load %arg7[%get3A_494, %get3A_495, %get3A_496] {strides = array<i32>} : memref<2x50x128xf32, #tpu.memory_space<vmem>>, vector<1x1x16xf32>,
        %get3A_498 = vector.shape_cast %get3A_497 : vector<1x1x16xf32> to vector<16xf32>
        %add3A_499 = arith.addf %add3A_439, %get3A_498 : vector<16xf32>
        %get3A_500 = arith.constant 0 : i32
        %get3A_501 = arith.index_cast %get3A_500 : i32 to index
        %get3A_502 = arith.index_cast %add3A_457 : i32 to index
        %get3A_503 = arith.constant 96 : index
        %get3A_504 = tpu.vector_load %arg7[%get3A_501, %get3A_502, %get3A_503] {strides = array<i32>} : memref<2x50x128xf32, #tpu.memory_space<vmem>>, vector<1x1x16xf32>,
        %get3A_505 = vector.shape_cast %get3A_504 : vector<1x1x16xf32> to vector<16xf32>
        %add3A_506 = arith.addf %add3A_446, %get3A_505 : vector<16xf32>
        %get3A_507 = arith.constant 0 : i32
        %get3A_508 = arith.index_cast %get3A_507 : i32 to index
        %get3A_509 = arith.index_cast %add3A_457 : i32 to index
        %get3A_510 = arith.constant 112 : index
        %get3A_511 = tpu.vector_load %arg7[%get3A_508, %get3A_509, %get3A_510] {strides = array<i32>} : memref<2x50x128xf32, #tpu.memory_space<vmem>>, vector<1x1x16xf32>,
        %get3A_512 = vector.shape_cast %get3A_511 : vector<1x1x16xf32> to vector<16xf32>
        %add3A_513 = arith.addf %add3A_453, %get3A_512 : vector<16xf32>
        %mul3A_514 = arith.constant 5 : i32
        %mul3A_515 = arith.muli %scan3A_385, %mul3A_514 : i32
        %add3A_516 = arith.constant 2 : i32
        %add3A_517 = arith.addi %mul3A_515, %add3A_516 : i32
        %get3A_518 = arith.constant 0 : i32
        %get3A_519 = arith.index_cast %get3A_518 : i32 to index
        %get3A_520 = arith.index_cast %add3A_517 : i32 to index
        %get3A_521 = arith.constant 0 : index
        %get3A_522 = tpu.vector_load %arg7[%get3A_519, %get3A_520, %get3A_521] {strides = array<i32>} : memref<2x50x128xf32, #tpu.memory_space<vmem>>, vector<1x1x16xf32>,
        %get3A_523 = vector.shape_cast %get3A_522 : vector<1x1x16xf32> to vector<16xf32>
        %add3A_524 = arith.addf %add3A_464, %get3A_523 : vector<16xf32>
        %get3A_525 = arith.constant 0 : i32
        %get3A_526 = arith.index_cast %get3A_525 : i32 to index
        %get3A_527 = arith.index_cast %add3A_517 : i32 to index
        %get3A_528 = arith.constant 16 : index
        %get3A_529 = tpu.vector_load %arg7[%get3A_526, %get3A_527, %get3A_528] {strides = array<i32>} : memref<2x50x128xf32, #tpu.memory_space<vmem>>, vector<1x1x16xf32>,
        %get3A_530 = vector.shape_cast %get3A_529 : vector<1x1x16xf32> to vector<16xf32>
        %add3A_531 = arith.addf %add3A_471, %get3A_530 : vector<16xf32>
        %get3A_532 = arith.constant 0 : i32
        %get3A_533 = arith.index_cast %get3A_532 : i32 to index
        %get3A_534 = arith.index_cast %add3A_517 : i32 to index
        %get3A_535 = arith.constant 32 : index
        %get3A_536 = tpu.vector_load %arg7[%get3A_533, %get3A_534, %get3A_535] {strides = array<i32>} : memref<2x50x128xf32, #tpu.memory_space<vmem>>, vector<1x1x16xf32>,
        %get3A_537 = vector.shape_cast %get3A_536 : vector<1x1x16xf32> to vector<16xf32>
        %add3A_538 = arith.addf %add3A_478, %get3A_537 : vector<16xf32>
        %get3A_539 = arith.constant 0 : i32
        %get3A_540 = arith.index_cast %get3A_539 : i32 to index
        %get3A_541 = arith.index_cast %add3A_517 : i32 to index
        %get3A_542 = arith.constant 48 : index
        %get3A_543 = tpu.vector_load %arg7[%get3A_540, %get3A_541, %get3A_542] {strides = array<i32>} : memref<2x50x128xf32, #tpu.memory_space<vmem>>, vector<1x1x16xf32>,
        %get3A_544 = vector.shape_cast %get3A_543 : vector<1x1x16xf32> to vector<16xf32>
        %add3A_545 = arith.addf %add3A_485, %get3A_544 : vector<16xf32>
        %get3A_546 = arith.constant 0 : i32
        %get3A_547 = arith.index_cast %get3A_546 : i32 to index
        %get3A_548 = arith.index_cast %add3A_517 : i32 to index
        %get3A_549 = arith.constant 64 : index
        %get3A_550 = tpu.vector_load %arg7[%get3A_547, %get3A_548, %get3A_549] {strides = array<i32>} : memref<2x50x128xf32, #tpu.memory_space<vmem>>, vector<1x1x16xf32>,
        %get3A_551 = vector.shape_cast %get3A_550 : vector<1x1x16xf32> to vector<16xf32>
        %add3A_552 = arith.addf %add3A_492, %get3A_551 : vector<16xf32>
        %get3A_553 = arith.constant 0 : i32
        %get3A_554 = arith.index_cast %get3A_553 : i32 to index
        %get3A_555 = arith.index_cast %add3A_517 : i32 to index
        %get3A_556 = arith.constant 80 : index
        %get3A_557 = tpu.vector_load %arg7[%get3A_554, %get3A_555, %get3A_556] {strides = array<i32>} : memref<2x50x128xf32, #tpu.memory_space<vmem>>, vector<1x1x16xf32>,
        %get3A_558 = vector.shape_cast %get3A_557 : vector<1x1x16xf32> to vector<16xf32>
        %add3A_559 = arith.addf %add3A_499, %get3A_558 : vector<16xf32>
        %get3A_560 = arith.constant 0 : i32
        %get3A_561 = arith.index_cast %get3A_560 : i32 to index
        %get3A_562 = arith.index_cast %add3A_517 : i32 to index
        %get3A_563 = arith.constant 96 : index
        %get3A_564 = tpu.vector_load %arg7[%get3A_561, %get3A_562, %get3A_563] {strides = array<i32>} : memref<2x50x128xf32, #tpu.memory_space<vmem>>, vector<1x1x16xf32>,
        %get3A_565 = vector.shape_cast %get3A_564 : vector<1x1x16xf32> to vector<16xf32>
        %add3A_566 = arith.addf %add3A_506, %get3A_565 : vector<16xf32>
        %get3A_567 = arith.constant 0 : i32
        %get3A_568 = arith.index_cast %get3A_567 : i32 to index
        %get3A_569 = arith.index_cast %add3A_517 : i32 to index
        %get3A_570 = arith.constant 112 : index
        %get3A_571 = tpu.vector_load %arg7[%get3A_568, %get3A_569, %get3A_570] {strides = array<i32>} : memref<2x50x128xf32, #tpu.memory_space<vmem>>, vector<1x1x16xf32>,
        %get3A_572 = vector.shape_cast %get3A_571 : vector<1x1x16xf32> to vector<16xf32>
        %add3A_573 = arith.addf %add3A_513, %get3A_572 : vector<16xf32>
        %mul3A_574 = arith.constant 5 : i32
        %mul3A_575 = arith.muli %scan3A_385, %mul3A_574 : i32
        %add3A_576 = arith.constant 3 : i32
        %add3A_577 = arith.addi %mul3A_575, %add3A_576 : i32
        %get3A_578 = arith.constant 0 : i32
        %get3A_579 = arith.index_cast %get3A_578 : i32 to index
        %get3A_580 = arith.index_cast %add3A_577 : i32 to index
        %get3A_581 = arith.constant 0 : index
        %get3A_582 = tpu.vector_load %arg7[%get3A_579, %get3A_580, %get3A_581] {strides = array<i32>} : memref<2x50x128xf32, #tpu.memory_space<vmem>>, vector<1x1x16xf32>,
        %get3A_583 = vector.shape_cast %get3A_582 : vector<1x1x16xf32> to vector<16xf32>
        %add3A_584 = arith.addf %add3A_524, %get3A_583 : vector<16xf32>
        %get3A_585 = arith.constant 0 : i32
        %get3A_586 = arith.index_cast %get3A_585 : i32 to index
        %get3A_587 = arith.index_cast %add3A_577 : i32 to index
        %get3A_588 = arith.constant 16 : index
        %get3A_589 = tpu.vector_load %arg7[%get3A_586, %get3A_587, %get3A_588] {strides = array<i32>} : memref<2x50x128xf32, #tpu.memory_space<vmem>>, vector<1x1x16xf32>,
        %get3A_590 = vector.shape_cast %get3A_589 : vector<1x1x16xf32> to vector<16xf32>
        %add3A_591 = arith.addf %add3A_531, %get3A_590 : vector<16xf32>
        %get3A_592 = arith.constant 0 : i32
        %get3A_593 = arith.index_cast %get3A_592 : i32 to index
        %get3A_594 = arith.index_cast %add3A_577 : i32 to index
        %get3A_595 = arith.constant 32 : index
        %get3A_596 = tpu.vector_load %arg7[%get3A_593, %get3A_594, %get3A_595] {strides = array<i32>} : memref<2x50x128xf32, #tpu.memory_space<vmem>>, vector<1x1x16xf32>,
        %get3A_597 = vector.shape_cast %get3A_596 : vector<1x1x16xf32> to vector<16xf32>
        %add3A_598 = arith.addf %add3A_538, %get3A_597 : vector<16xf32>
        %get3A_599 = arith.constant 0 : i32
        %get3A_600 = arith.index_cast %get3A_599 : i32 to index
        %get3A_601 = arith.index_cast %add3A_577 : i32 to index
        %get3A_602 = arith.constant 48 : index
        %get3A_603 = tpu.vector_load %arg7[%get3A_600, %get3A_601, %get3A_602] {strides = array<i32>} : memref<2x50x128xf32, #tpu.memory_space<vmem>>, vector<1x1x16xf32>,
        %get3A_604 = vector.shape_cast %get3A_603 : vector<1x1x16xf32> to vector<16xf32>
        %add3A_605 = arith.addf %add3A_545, %get3A_604 : vector<16xf32>
        %get3A_606 = arith.constant 0 : i32
        %get3A_607 = arith.index_cast %get3A_606 : i32 to index
        %get3A_608 = arith.index_cast %add3A_577 : i32 to index
        %get3A_609 = arith.constant 64 : index
        %get3A_610 = tpu.vector_load %arg7[%get3A_607, %get3A_608, %get3A_609] {strides = array<i32>} : memref<2x50x128xf32, #tpu.memory_space<vmem>>, vector<1x1x16xf32>,
        %get3A_611 = vector.shape_cast %get3A_610 : vector<1x1x16xf32> to vector<16xf32>
        %add3A_612 = arith.addf %add3A_552, %get3A_611 : vector<16xf32>
        %get3A_613 = arith.constant 0 : i32
        %get3A_614 = arith.index_cast %get3A_613 : i32 to index
        %get3A_615 = arith.index_cast %add3A_577 : i32 to index
        %get3A_616 = arith.constant 80 : index
        %get3A_617 = tpu.vector_load %arg7[%get3A_614, %get3A_615, %get3A_616] {strides = array<i32>} : memref<2x50x128xf32, #tpu.memory_space<vmem>>, vector<1x1x16xf32>,
        %get3A_618 = vector.shape_cast %get3A_617 : vector<1x1x16xf32> to vector<16xf32>
        %add3A_619 = arith.addf %add3A_559, %get3A_618 : vector<16xf32>
        %get3A_620 = arith.constant 0 : i32
        %get3A_621 = arith.index_cast %get3A_620 : i32 to index
        %get3A_622 = arith.index_cast %add3A_577 : i32 to index
        %get3A_623 = arith.constant 96 : index
        %get3A_624 = tpu.vector_load %arg7[%get3A_621, %get3A_622, %get3A_623] {strides = array<i32>} : memref<2x50x128xf32, #tpu.memory_space<vmem>>, vector<1x1x16xf32>,
        %get3A_625 = vector.shape_cast %get3A_624 : vector<1x1x16xf32> to vector<16xf32>
        %add3A_626 = arith.addf %add3A_566, %get3A_625 : vector<16xf32>
        %get3A_627 = arith.constant 0 : i32
        %get3A_628 = arith.index_cast %get3A_627 : i32 to index
        %get3A_629 = arith.index_cast %add3A_577 : i32 to index
        %get3A_630 = arith.constant 112 : index
        %get3A_631 = tpu.vector_load %arg7[%get3A_628, %get3A_629, %get3A_630] {strides = array<i32>} : memref<2x50x128xf32, #tpu.memory_space<vmem>>, vector<1x1x16xf32>,
        %get3A_632 = vector.shape_cast %get3A_631 : vector<1x1x16xf32> to vector<16xf32>
        %add3A_633 = arith.addf %add3A_573, %get3A_632 : vector<16xf32>
        %mul3A_634 = arith.constant 5 : i32
        %mul3A_635 = arith.muli %scan3A_385, %mul3A_634 : i32
        %add3A_636 = arith.constant 4 : i32
        %add3A_637 = arith.addi %mul3A_635, %add3A_636 : i32
        %get3A_638 = arith.constant 0 : i32
        %get3A_639 = arith.index_cast %get3A_638 : i32 to index
        %get3A_640 = arith.index_cast %add3A_637 : i32 to index
        %get3A_641 = arith.constant 0 : index
        %get3A_642 = tpu.vector_load %arg7[%get3A_639, %get3A_640, %get3A_641] {strides = array<i32>} : memref<2x50x128xf32, #tpu.memory_space<vmem>>, vector<1x1x16xf32>,
        %get3A_643 = vector.shape_cast %get3A_642 : vector<1x1x16xf32> to vector<16xf32>
        %add3A_644 = arith.addf %add3A_584, %get3A_643 : vector<16xf32>
        %get3A_645 = arith.constant 0 : i32
        %get3A_646 = arith.index_cast %get3A_645 : i32 to index
        %get3A_647 = arith.index_cast %add3A_637 : i32 to index
        %get3A_648 = arith.constant 16 : index
        %get3A_649 = tpu.vector_load %arg7[%get3A_646, %get3A_647, %get3A_648] {strides = array<i32>} : memref<2x50x128xf32, #tpu.memory_space<vmem>>, vector<1x1x16xf32>,
        %get3A_650 = vector.shape_cast %get3A_649 : vector<1x1x16xf32> to vector<16xf32>
        %add3A_651 = arith.addf %add3A_591, %get3A_650 : vector<16xf32>
        %get3A_652 = arith.constant 0 : i32
        %get3A_653 = arith.index_cast %get3A_652 : i32 to index
        %get3A_654 = arith.index_cast %add3A_637 : i32 to index
        %get3A_655 = arith.constant 32 : index
        %get3A_656 = tpu.vector_load %arg7[%get3A_653, %get3A_654, %get3A_655] {strides = array<i32>} : memref<2x50x128xf32, #tpu.memory_space<vmem>>, vector<1x1x16xf32>,
        %get3A_657 = vector.shape_cast %get3A_656 : vector<1x1x16xf32> to vector<16xf32>
        %add3A_658 = arith.addf %add3A_598, %get3A_657 : vector<16xf32>
        %get3A_659 = arith.constant 0 : i32
        %get3A_660 = arith.index_cast %get3A_659 : i32 to index
        %get3A_661 = arith.index_cast %add3A_637 : i32 to index
        %get3A_662 = arith.constant 48 : index
        %get3A_663 = tpu.vector_load %arg7[%get3A_660, %get3A_661, %get3A_662] {strides = array<i32>} : memref<2x50x128xf32, #tpu.memory_space<vmem>>, vector<1x1x16xf32>,
        %get3A_664 = vector.shape_cast %get3A_663 : vector<1x1x16xf32> to vector<16xf32>
        %add3A_665 = arith.addf %add3A_605, %get3A_664 : vector<16xf32>
        %get3A_666 = arith.constant 0 : i32
        %get3A_667 = arith.index_cast %get3A_666 : i32 to index
        %get3A_668 = arith.index_cast %add3A_637 : i32 to index
        %get3A_669 = arith.constant 64 : index
        %get3A_670 = tpu.vector_load %arg7[%get3A_667, %get3A_668, %get3A_669] {strides = array<i32>} : memref<2x50x128xf32, #tpu.memory_space<vmem>>, vector<1x1x16xf32>,
        %get3A_671 = vector.shape_cast %get3A_670 : vector<1x1x16xf32> to vector<16xf32>
        %add3A_672 = arith.addf %add3A_612, %get3A_671 : vector<16xf32>
        %get3A_673 = arith.constant 0 : i32
        %get3A_674 = arith.index_cast %get3A_673 : i32 to index
        %get3A_675 = arith.index_cast %add3A_637 : i32 to index
        %get3A_676 = arith.constant 80 : index
        %get3A_677 = tpu.vector_load %arg7[%get3A_674, %get3A_675, %get3A_676] {strides = array<i32>} : memref<2x50x128xf32, #tpu.memory_space<vmem>>, vector<1x1x16xf32>,
        %get3A_678 = vector.shape_cast %get3A_677 : vector<1x1x16xf32> to vector<16xf32>
        %add3A_679 = arith.addf %add3A_619, %get3A_678 : vector<16xf32>
        %get3A_680 = arith.constant 0 : i32
        %get3A_681 = arith.index_cast %get3A_680 : i32 to index
        %get3A_682 = arith.index_cast %add3A_637 : i32 to index
        %get3A_683 = arith.constant 96 : index
        %get3A_684 = tpu.vector_load %arg7[%get3A_681, %get3A_682, %get3A_683] {strides = array<i32>} : memref<2x50x128xf32, #tpu.memory_space<vmem>>, vector<1x1x16xf32>,
        %get3A_685 = vector.shape_cast %get3A_684 : vector<1x1x16xf32> to vector<16xf32>
        %add3A_686 = arith.addf %add3A_626, %get3A_685 : vector<16xf32>
        %get3A_687 = arith.constant 0 : i32
        %get3A_688 = arith.index_cast %get3A_687 : i32 to index
        %get3A_689 = arith.index_cast %add3A_637 : i32 to index
        %get3A_690 = arith.constant 112 : index
        %get3A_691 = tpu.vector_load %arg7[%get3A_688, %get3A_689, %get3A_690] {strides = array<i32>} : memref<2x50x128xf32, #tpu.memory_space<vmem>>, vector<1x1x16xf32>,
        %get3A_692 = vector.shape_cast %get3A_691 : vector<1x1x16xf32> to vector<16xf32>
        %add3A_693 = arith.addf %add3A_633, %get3A_692 : vector<16xf32>
        scf.yield %add3A_644, %add3A_651, %add3A_658, %add3A_665, %add3A_672, %add3A_679, %add3A_686, %add3A_693 : vector<16xf32>, vector<16xf32>, vector<16xf32>, vector<16xf32>, vector<16xf32>, vector<16xf32>, vector<16xf32>, vector<16xf32>
      }
      %scan3A_223 = arith.constant 10 : i32
      %mul3A_224 = vector.broadcast %squeeze3A : f32 to vector<16xf32>
      %mul3A_225 = arith.mulf %scan3A_222#0, %mul3A_224 : vector<16xf32>
      %swap3A_226 = arith.index_cast %add3A_204 : i32 to index
      %swap3A_227 = arith.constant 0 : index
      %swap3A_228 = tpu.vector_load %arg8[%swap3A_226, %swap3A_227] {strides = array<i32>} : memref<64x128xf32, #tpu.memory_space<vmem>>, vector<1x16xf32>,
      %swap3A_229 = vector.shape_cast %swap3A_228 : vector<1x16xf32> to vector<16xf32>
      %swap3A_230 = vector.shape_cast %mul3A_225 : vector<16xf32> to vector<1x16xf32>
      tpu.vector_store %arg8[%swap3A_226, %swap3A_227], %swap3A_230 {strides = array<i32>} : memref<64x128xf32, #tpu.memory_space<vmem>>, vector<1x16xf32>,
      %mul3A_231 = vector.broadcast %squeeze3A : f32 to vector<16xf32>
      %mul3A_232 = arith.mulf %scan3A_222#1, %mul3A_231 : vector<16xf32>
      %swap3A_233 = arith.index_cast %add3A_204 : i32 to index
      %swap3A_234 = arith.constant 16 : index
      %swap3A_235 = tpu.vector_load %arg8[%swap3A_233, %swap3A_234] {strides = array<i32>} : memref<64x128xf32, #tpu.memory_space<vmem>>, vector<1x16xf32>,
      %swap3A_236 = vector.shape_cast %swap3A_235 : vector<1x16xf32> to vector<16xf32>
      %swap3A_237 = vector.shape_cast %mul3A_232 : vector<16xf32> to vector<1x16xf32>
      tpu.vector_store %arg8[%swap3A_233, %swap3A_234], %swap3A_237 {strides = array<i32>} : memref<64x128xf32, #tpu.memory_space<vmem>>, vector<1x16xf32>,
      %mul3A_238 = vector.broadcast %squeeze3A : f32 to vector<16xf32>
      %mul3A_239 = arith.mulf %scan3A_222#2, %mul3A_238 : vector<16xf32>
      %swap3A_240 = arith.index_cast %add3A_204 : i32 to index
      %swap3A_241 = arith.constant 32 : index
      %swap3A_242 = tpu.vector_load %arg8[%swap3A_240, %swap3A_241] {strides = array<i32>} : memref<64x128xf32, #tpu.memory_space<vmem>>, vector<1x16xf32>,
      %swap3A_243 = vector.shape_cast %swap3A_242 : vector<1x16xf32> to vector<16xf32>
      %swap3A_244 = vector.shape_cast %mul3A_239 : vector<16xf32> to vector<1x16xf32>
      tpu.vector_store %arg8[%swap3A_240, %swap3A_241], %swap3A_244 {strides = array<i32>} : memref<64x128xf32, #tpu.memory_space<vmem>>, vector<1x16xf32>,
      %mul3A_245 = vector.broadcast %squeeze3A : f32 to vector<16xf32>
      %mul3A_246 = arith.mulf %scan3A_222#3, %mul3A_245 : vector<16xf32>
      %swap3A_247 = arith.index_cast %add3A_204 : i32 to index
      %swap3A_248 = arith.constant 48 : index
      %swap3A_249 = tpu.vector_load %arg8[%swap3A_247, %swap3A_248] {strides = array<i32>} : memref<64x128xf32, #tpu.memory_space<vmem>>, vector<1x16xf32>,
      %swap3A_250 = vector.shape_cast %swap3A_249 : vector<1x16xf32> to vector<16xf32>
      %swap3A_251 = vector.shape_cast %mul3A_246 : vector<16xf32> to vector<1x16xf32>
      tpu.vector_store %arg8[%swap3A_247, %swap3A_248], %swap3A_251 {strides = array<i32>} : memref<64x128xf32, #tpu.memory_space<vmem>>, vector<1x16xf32>,
      %mul3A_252 = vector.broadcast %squeeze3A : f32 to vector<16xf32>
      %mul3A_253 = arith.mulf %scan3A_222#4, %mul3A_252 : vector<16xf32>
      %swap3A_254 = arith.index_cast %add3A_204 : i32 to index
      %swap3A_255 = arith.constant 64 : index
      %swap3A_256 = tpu.vector_load %arg8[%swap3A_254, %swap3A_255] {strides = array<i32>} : memref<64x128xf32, #tpu.memory_space<vmem>>, vector<1x16xf32>,
      %swap3A_257 = vector.shape_cast %swap3A_256 : vector<1x16xf32> to vector<16xf32>
      %swap3A_258 = vector.shape_cast %mul3A_253 : vector<16xf32> to vector<1x16xf32>
      tpu.vector_store %arg8[%swap3A_254, %swap3A_255], %swap3A_258 {strides = array<i32>} : memref<64x128xf32, #tpu.memory_space<vmem>>, vector<1x16xf32>,
      %mul3A_259 = vector.broadcast %squeeze3A : f32 to vector<16xf32>
      %mul3A_260 = arith.mulf %scan3A_222#5, %mul3A_259 : vector<16xf32>
      %swap3A_261 = arith.index_cast %add3A_204 : i32 to index
      %swap3A_262 = arith.constant 80 : index
      %swap3A_263 = tpu.vector_load %arg8[%swap3A_261, %swap3A_262] {strides = array<i32>} : memref<64x128xf32, #tpu.memory_space<vmem>>, vector<1x16xf32>,
      %swap3A_264 = vector.shape_cast %swap3A_263 : vector<1x16xf32> to vector<16xf32>
      %swap3A_265 = vector.shape_cast %mul3A_260 : vector<16xf32> to vector<1x16xf32>
      tpu.vector_store %arg8[%swap3A_261, %swap3A_262], %swap3A_265 {strides = array<i32>} : memref<64x128xf32, #tpu.memory_space<vmem>>, vector<1x16xf32>,
      %mul3A_266 = vector.broadcast %squeeze3A : f32 to vector<16xf32>
      %mul3A_267 = arith.mulf %scan3A_222#6, %mul3A_266 : vector<16xf32>
      %swap3A_268 = arith.index_cast %add3A_204 : i32 to index
      %swap3A_269 = arith.constant 96 : index
      %swap3A_270 = tpu.vector_load %arg8[%swap3A_268, %swap3A_269] {strides = array<i32>} : memref<64x128xf32, #tpu.memory_space<vmem>>, vector<1x16xf32>,
      %swap3A_271 = vector.shape_cast %swap3A_270 : vector<1x16xf32> to vector<16xf32>
      %swap3A_272 = vector.shape_cast %mul3A_267 : vector<16xf32> to vector<1x16xf32>
      tpu.vector_store %arg8[%swap3A_268, %swap3A_269], %swap3A_272 {strides = array<i32>} : memref<64x128xf32, #tpu.memory_space<vmem>>, vector<1x16xf32>,
      %mul3A_273 = vector.broadcast %squeeze3A : f32 to vector<16xf32>
      %mul3A_274 = arith.mulf %scan3A_222#7, %mul3A_273 : vector<16xf32>
      %swap3A_275 = arith.index_cast %add3A_204 : i32 to index
      %swap3A_276 = arith.constant 112 : index
      %swap3A_277 = tpu.vector_load %arg8[%swap3A_275, %swap3A_276] {strides = array<i32>} : memref<64x128xf32, #tpu.memory_space<vmem>>, vector<1x16xf32>,
      %swap3A_278 = vector.shape_cast %swap3A_277 : vector<1x16xf32> to vector<16xf32>
      %swap3A_279 = vector.shape_cast %mul3A_274 : vector<16xf32> to vector<1x16xf32>
      tpu.vector_store %arg8[%swap3A_275, %swap3A_276], %swap3A_279 {strides = array<i32>} : memref<64x128xf32, #tpu.memory_space<vmem>>, vector<1x16xf32>,
      %add3A_280 = arith.constant 2 : i32
      %add3A_281 = arith.addi %add3A_204, %add3A_280 : i32
      %dma_start3A_282 = arith.constant 0 : i32
      %dma_start3A_283 = arith.constant 0 : i32
      %dma_start3A_284 = arith.constant 0 : i32
      %dma_start3A_285 = tpu.memref_slice %arg7[%dma_start3A_282, %dma_start3A_283, %dma_start3A_284] : memref<2x50x128xf32, #tpu.memory_space<vmem>> -> memref<1x50x128xf32, #tpu.memory_space<vmem>>
      %dma_start3A_286 = tpu.memref_squeeze %dma_start3A_285 : memref<1x50x128xf32, #tpu.memory_space<vmem>> -> memref<50x128xf32, #tpu.memory_space<vmem>>
      %dma_start3A_287 = arith.constant 0 : i32
      %dma_start3A_288 = tpu.memref_slice %arg6[%add3A_281, %dma_start3A_287] : memref<64x50xi32, #tpu.memory_space<vmem>> -> memref<1x50xi32, #tpu.memory_space<vmem>>
      %dma_start3A_289 = tpu.memref_squeeze %dma_start3A_288 : memref<1x50xi32, #tpu.memory_space<vmem>> -> memref<50xi32, #tpu.memory_space<vmem>>
      %dma_start3A_290 = arith.constant 0 : i32
      %dma_start3A_291 = arith.constant 0 : i32
      %dma_start3A_292 = tpu.memref_slice %arg9[%dma_start3A_290, %dma_start3A_291] : memref<10000x128xf32, #tpu.memory_space<vmem_shared>> -> memref<10000x128xf32, #tpu.memory_space<vmem_shared>>
      tpu.enqueue_indirect_dma source(%dma_start3A_292 : memref<10000x128xf32, #tpu.memory_space<vmem_shared>>) target(%dma_start3A_286 : memref<50x128xf32, #tpu.memory_space<vmem>>) offsets(%dma_start3A_289 : memref<50xi32, #tpu.memory_space<vmem>>) semaphore(%arg10 : memref<!tpu.dma_semaphore, #tpu.memory_space<semaphore_mem>>)
      %mul3A_293 = arith.constant 2 : i32
      %mul3A_294 = arith.muli %scan3A_200, %mul3A_293 : i32
      %add3A_295 = arith.constant 1 : i32
      %add3A_296 = arith.addi %mul3A_294, %add3A_295 : i32
      %dma_wait3A_297 = arith.constant 1 : i32
      %dma_wait3A_298 = arith.constant 0 : i32
      %dma_wait3A_299 = arith.constant 0 : i32
      %dma_wait3A_300 = tpu.memref_slice %arg7[%dma_wait3A_297, %dma_wait3A_298, %dma_wait3A_299] : memref<2x50x128xf32, #tpu.memory_space<vmem>> -> memref<1x50x128xf32, #tpu.memory_space<vmem>>
      %dma_wait3A_301 = tpu.memref_squeeze %dma_wait3A_300 : memref<1x50x128xf32, #tpu.memory_space<vmem>> -> memref<50x128xf32, #tpu.memory_space<vmem>>
      %dma_wait3A_302 = arith.constant 0 : i32
      %dma_wait3A_303 = tpu.memref_slice %arg6[%add3A_296, %dma_wait3A_302] : memref<64x50xi32, #tpu.memory_space<vmem>> -> memref<1x50xi32, #tpu.memory_space<vmem>>
      %dma_wait3A_304 = tpu.memref_squeeze %dma_wait3A_303 : memref<1x50xi32, #tpu.memory_space<vmem>> -> memref<50xi32, #tpu.memory_space<vmem>>
      %dma_wait3A_305 = arith.constant 0 : i32
      %dma_wait3A_306 = arith.constant 0 : i32
      %dma_wait3A_307 = tpu.memref_slice %arg9[%dma_wait3A_305, %dma_wait3A_306] : memref<10000x128xf32, #tpu.memory_space<vmem_shared>> -> memref<10000x128xf32, #tpu.memory_space<vmem_shared>>
      tpu.wait_indirect_dma semaphore(%arg11 : memref<!tpu.dma_semaphore, #tpu.memory_space<semaphore_mem>>) src(%dma_wait3A_307 : memref<10000x128xf32, #tpu.memory_space<vmem_shared>>) dst(%dma_wait3A_301 : memref<50x128xf32, #tpu.memory_space<vmem>>)
      %broadcast_in_dim3A_308 = arith.constant 0.000000e+00 : f32
      %broadcast_in_dim3A_309 = vector.broadcast %broadcast_in_dim3A_308 : f32 to vector<16xf32>
      %scan3A_310 = arith.constant 0 : i32
      %scan3A_311 = arith.constant 10 : i32
      %scan3A_312 = arith.addi %scan3A_310, %scan3A_311 : i32
      %scan3A_313 = arith.constant 1 : i32
      %scan3A_314:8 = scf.for %scan3A_385 = %scan3A_310 to %scan3A_312 step %scan3A_313 iter_args(%scan3A_386 = %broadcast_in_dim3A_309, %scan3A_387 = %broadcast_in_dim3A_309, %scan3A_388 = %broadcast_in_dim3A_309, %scan3A_389 = %broadcast_in_dim3A_309, %scan3A_390 = %broadcast_in_dim3A_309, %scan3A_391 = %broadcast_in_dim3A_309, %scan3A_392 = %broadcast_in_dim3A_309, %scan3A_393 = %broadcast_in_dim3A_309) -> (vector<16xf32>, vector<16xf32>, vector<16xf32>, vector<16xf32>, vector<16xf32>, vector<16xf32>, vector<16xf32>, vector<16xf32>)  : i32 {
        %mul3A_394 = arith.constant 5 : i32
        %mul3A_395 = arith.muli %scan3A_385, %mul3A_394 : i32
        %add3A_396 = arith.constant 0 : i32
        %add3A_397 = arith.addi %mul3A_395, %add3A_396 : i32
        %get3A_398 = arith.constant 1 : i32
        %get3A_399 = arith.index_cast %get3A_398 : i32 to index
        %get3A_400 = arith.index_cast %add3A_397 : i32 to index
        %get3A_401 = arith.constant 0 : index
        %get3A_402 = tpu.vector_load %arg7[%get3A_399, %get3A_400, %get3A_401] {strides = array<i32>} : memref<2x50x128xf32, #tpu.memory_space<vmem>>, vector<1x1x16xf32>,
        %get3A_403 = vector.shape_cast %get3A_402 : vector<1x1x16xf32> to vector<16xf32>
        %add3A_404 = arith.addf %scan3A_386, %get3A_403 : vector<16xf32>
        %get3A_405 = arith.constant 1 : i32
        %get3A_406 = arith.index_cast %get3A_405 : i32 to index
        %get3A_407 = arith.index_cast %add3A_397 : i32 to index
        %get3A_408 = arith.constant 16 : index
        %get3A_409 = tpu.vector_load %arg7[%get3A_406, %get3A_407, %get3A_408] {strides = array<i32>} : memref<2x50x128xf32, #tpu.memory_space<vmem>>, vector<1x1x16xf32>,
        %get3A_410 = vector.shape_cast %get3A_409 : vector<1x1x16xf32> to vector<16xf32>
        %add3A_411 = arith.addf %scan3A_387, %get3A_410 : vector<16xf32>
        %get3A_412 = arith.constant 1 : i32
        %get3A_413 = arith.index_cast %get3A_412 : i32 to index
        %get3A_414 = arith.index_cast %add3A_397 : i32 to index
        %get3A_415 = arith.constant 32 : index
        %get3A_416 = tpu.vector_load %arg7[%get3A_413, %get3A_414, %get3A_415] {strides = array<i32>} : memref<2x50x128xf32, #tpu.memory_space<vmem>>, vector<1x1x16xf32>,
        %get3A_417 = vector.shape_cast %get3A_416 : vector<1x1x16xf32> to vector<16xf32>
        %add3A_418 = arith.addf %scan3A_388, %get3A_417 : vector<16xf32>
        %get3A_419 = arith.constant 1 : i32
        %get3A_420 = arith.index_cast %get3A_419 : i32 to index
        %get3A_421 = arith.index_cast %add3A_397 : i32 to index
        %get3A_422 = arith.constant 48 : index
        %get3A_423 = tpu.vector_load %arg7[%get3A_420, %get3A_421, %get3A_422] {strides = array<i32>} : memref<2x50x128xf32, #tpu.memory_space<vmem>>, vector<1x1x16xf32>,
        %get3A_424 = vector.shape_cast %get3A_423 : vector<1x1x16xf32> to vector<16xf32>
        %add3A_425 = arith.addf %scan3A_389, %get3A_424 : vector<16xf32>
        %get3A_426 = arith.constant 1 : i32
        %get3A_427 = arith.index_cast %get3A_426 : i32 to index
        %get3A_428 = arith.index_cast %add3A_397 : i32 to index
        %get3A_429 = arith.constant 64 : index
        %get3A_430 = tpu.vector_load %arg7[%get3A_427, %get3A_428, %get3A_429] {strides = array<i32>} : memref<2x50x128xf32, #tpu.memory_space<vmem>>, vector<1x1x16xf32>,
        %get3A_431 = vector.shape_cast %get3A_430 : vector<1x1x16xf32> to vector<16xf32>
        %add3A_432 = arith.addf %scan3A_390, %get3A_431 : vector<16xf32>
        %get3A_433 = arith.constant 1 : i32
        %get3A_434 = arith.index_cast %get3A_433 : i32 to index
        %get3A_435 = arith.index_cast %add3A_397 : i32 to index
        %get3A_436 = arith.constant 80 : index
        %get3A_437 = tpu.vector_load %arg7[%get3A_434, %get3A_435, %get3A_436] {strides = array<i32>} : memref<2x50x128xf32, #tpu.memory_space<vmem>>, vector<1x1x16xf32>,
        %get3A_438 = vector.shape_cast %get3A_437 : vector<1x1x16xf32> to vector<16xf32>
        %add3A_439 = arith.addf %scan3A_391, %get3A_438 : vector<16xf32>
        %get3A_440 = arith.constant 1 : i32
        %get3A_441 = arith.index_cast %get3A_440 : i32 to index
        %get3A_442 = arith.index_cast %add3A_397 : i32 to index
        %get3A_443 = arith.constant 96 : index
        %get3A_444 = tpu.vector_load %arg7[%get3A_441, %get3A_442, %get3A_443] {strides = array<i32>} : memref<2x50x128xf32, #tpu.memory_space<vmem>>, vector<1x1x16xf32>,
        %get3A_445 = vector.shape_cast %get3A_444 : vector<1x1x16xf32> to vector<16xf32>
        %add3A_446 = arith.addf %scan3A_392, %get3A_445 : vector<16xf32>
        %get3A_447 = arith.constant 1 : i32
        %get3A_448 = arith.index_cast %get3A_447 : i32 to index
        %get3A_449 = arith.index_cast %add3A_397 : i32 to index
        %get3A_450 = arith.constant 112 : index
        %get3A_451 = tpu.vector_load %arg7[%get3A_448, %get3A_449, %get3A_450] {strides = array<i32>} : memref<2x50x128xf32, #tpu.memory_space<vmem>>, vector<1x1x16xf32>,
        %get3A_452 = vector.shape_cast %get3A_451 : vector<1x1x16xf32> to vector<16xf32>
        %add3A_453 = arith.addf %scan3A_393, %get3A_452 : vector<16xf32>
        %mul3A_454 = arith.constant 5 : i32
        %mul3A_455 = arith.muli %scan3A_385, %mul3A_454 : i32
        %add3A_456 = arith.constant 1 : i32
        %add3A_457 = arith.addi %mul3A_455, %add3A_456 : i32
        %get3A_458 = arith.constant 1 : i32
        %get3A_459 = arith.index_cast %get3A_458 : i32 to index
        %get3A_460 = arith.index_cast %add3A_457 : i32 to index
        %get3A_461 = arith.constant 0 : index
        %get3A_462 = tpu.vector_load %arg7[%get3A_459, %get3A_460, %get3A_461] {strides = array<i32>} : memref<2x50x128xf32, #tpu.memory_space<vmem>>, vector<1x1x16xf32>,
        %get3A_463 = vector.shape_cast %get3A_462 : vector<1x1x16xf32> to vector<16xf32>
        %add3A_464 = arith.addf %add3A_404, %get3A_463 : vector<16xf32>
        %get3A_465 = arith.constant 1 : i32
        %get3A_466 = arith.index_cast %get3A_465 : i32 to index
        %get3A_467 = arith.index_cast %add3A_457 : i32 to index
        %get3A_468 = arith.constant 16 : index
        %get3A_469 = tpu.vector_load %arg7[%get3A_466, %get3A_467, %get3A_468] {strides = array<i32>} : memref<2x50x128xf32, #tpu.memory_space<vmem>>, vector<1x1x16xf32>,
        %get3A_470 = vector.shape_cast %get3A_469 : vector<1x1x16xf32> to vector<16xf32>
        %add3A_471 = arith.addf %add3A_411, %get3A_470 : vector<16xf32>
        %get3A_472 = arith.constant 1 : i32
        %get3A_473 = arith.index_cast %get3A_472 : i32 to index
        %get3A_474 = arith.index_cast %add3A_457 : i32 to index
        %get3A_475 = arith.constant 32 : index
        %get3A_476 = tpu.vector_load %arg7[%get3A_473, %get3A_474, %get3A_475] {strides = array<i32>} : memref<2x50x128xf32, #tpu.memory_space<vmem>>, vector<1x1x16xf32>,
        %get3A_477 = vector.shape_cast %get3A_476 : vector<1x1x16xf32> to vector<16xf32>
        %add3A_478 = arith.addf %add3A_418, %get3A_477 : vector<16xf32>
        %get3A_479 = arith.constant 1 : i32
        %get3A_480 = arith.index_cast %get3A_479 : i32 to index
        %get3A_481 = arith.index_cast %add3A_457 : i32 to index
        %get3A_482 = arith.constant 48 : index
        %get3A_483 = tpu.vector_load %arg7[%get3A_480, %get3A_481, %get3A_482] {strides = array<i32>} : memref<2x50x128xf32, #tpu.memory_space<vmem>>, vector<1x1x16xf32>,
        %get3A_484 = vector.shape_cast %get3A_483 : vector<1x1x16xf32> to vector<16xf32>
        %add3A_485 = arith.addf %add3A_425, %get3A_484 : vector<16xf32>
        %get3A_486 = arith.constant 1 : i32
        %get3A_487 = arith.index_cast %get3A_486 : i32 to index
        %get3A_488 = arith.index_cast %add3A_457 : i32 to index
        %get3A_489 = arith.constant 64 : index
        %get3A_490 = tpu.vector_load %arg7[%get3A_487, %get3A_488, %get3A_489] {strides = array<i32>} : memref<2x50x128xf32, #tpu.memory_space<vmem>>, vector<1x1x16xf32>,
        %get3A_491 = vector.shape_cast %get3A_490 : vector<1x1x16xf32> to vector<16xf32>
        %add3A_492 = arith.addf %add3A_432, %get3A_491 : vector<16xf32>
        %get3A_493 = arith.constant 1 : i32
        %get3A_494 = arith.index_cast %get3A_493 : i32 to index
        %get3A_495 = arith.index_cast %add3A_457 : i32 to index
        %get3A_496 = arith.constant 80 : index
        %get3A_497 = tpu.vector_load %arg7[%get3A_494, %get3A_495, %get3A_496] {strides = array<i32>} : memref<2x50x128xf32, #tpu.memory_space<vmem>>, vector<1x1x16xf32>,
        %get3A_498 = vector.shape_cast %get3A_497 : vector<1x1x16xf32> to vector<16xf32>
        %add3A_499 = arith.addf %add3A_439, %get3A_498 : vector<16xf32>
        %get3A_500 = arith.constant 1 : i32
        %get3A_501 = arith.index_cast %get3A_500 : i32 to index
        %get3A_502 = arith.index_cast %add3A_457 : i32 to index
        %get3A_503 = arith.constant 96 : index
        %get3A_504 = tpu.vector_load %arg7[%get3A_501, %get3A_502, %get3A_503] {strides = array<i32>} : memref<2x50x128xf32, #tpu.memory_space<vmem>>, vector<1x1x16xf32>,
        %get3A_505 = vector.shape_cast %get3A_504 : vector<1x1x16xf32> to vector<16xf32>
        %add3A_506 = arith.addf %add3A_446, %get3A_505 : vector<16xf32>
        %get3A_507 = arith.constant 1 : i32
        %get3A_508 = arith.index_cast %get3A_507 : i32 to index
        %get3A_509 = arith.index_cast %add3A_457 : i32 to index
        %get3A_510 = arith.constant 112 : index
        %get3A_511 = tpu.vector_load %arg7[%get3A_508, %get3A_509, %get3A_510] {strides = array<i32>} : memref<2x50x128xf32, #tpu.memory_space<vmem>>, vector<1x1x16xf32>,
        %get3A_512 = vector.shape_cast %get3A_511 : vector<1x1x16xf32> to vector<16xf32>
        %add3A_513 = arith.addf %add3A_453, %get3A_512 : vector<16xf32>
        %mul3A_514 = arith.constant 5 : i32
        %mul3A_515 = arith.muli %scan3A_385, %mul3A_514 : i32
        %add3A_516 = arith.constant 2 : i32
        %add3A_517 = arith.addi %mul3A_515, %add3A_516 : i32
        %get3A_518 = arith.constant 1 : i32
        %get3A_519 = arith.index_cast %get3A_518 : i32 to index
        %get3A_520 = arith.index_cast %add3A_517 : i32 to index
        %get3A_521 = arith.constant 0 : index
        %get3A_522 = tpu.vector_load %arg7[%get3A_519, %get3A_520, %get3A_521] {strides = array<i32>} : memref<2x50x128xf32, #tpu.memory_space<vmem>>, vector<1x1x16xf32>,
        %get3A_523 = vector.shape_cast %get3A_522 : vector<1x1x16xf32> to vector<16xf32>
        %add3A_524 = arith.addf %add3A_464, %get3A_523 : vector<16xf32>
        %get3A_525 = arith.constant 1 : i32
        %get3A_526 = arith.index_cast %get3A_525 : i32 to index
        %get3A_527 = arith.index_cast %add3A_517 : i32 to index
        %get3A_528 = arith.constant 16 : index
        %get3A_529 = tpu.vector_load %arg7[%get3A_526, %get3A_527, %get3A_528] {strides = array<i32>} : memref<2x50x128xf32, #tpu.memory_space<vmem>>, vector<1x1x16xf32>,
        %get3A_530 = vector.shape_cast %get3A_529 : vector<1x1x16xf32> to vector<16xf32>
        %add3A_531 = arith.addf %add3A_471, %get3A_530 : vector<16xf32>
        %get3A_532 = arith.constant 1 : i32
        %get3A_533 = arith.index_cast %get3A_532 : i32 to index
        %get3A_534 = arith.index_cast %add3A_517 : i32 to index
        %get3A_535 = arith.constant 32 : index
        %get3A_536 = tpu.vector_load %arg7[%get3A_533, %get3A_534, %get3A_535] {strides = array<i32>} : memref<2x50x128xf32, #tpu.memory_space<vmem>>, vector<1x1x16xf32>,
        %get3A_537 = vector.shape_cast %get3A_536 : vector<1x1x16xf32> to vector<16xf32>
        %add3A_538 = arith.addf %add3A_478, %get3A_537 : vector<16xf32>
        %get3A_539 = arith.constant 1 : i32
        %get3A_540 = arith.index_cast %get3A_539 : i32 to index
        %get3A_541 = arith.index_cast %add3A_517 : i32 to index
        %get3A_542 = arith.constant 48 : index
        %get3A_543 = tpu.vector_load %arg7[%get3A_540, %get3A_541, %get3A_542] {strides = array<i32>} : memref<2x50x128xf32, #tpu.memory_space<vmem>>, vector<1x1x16xf32>,
        %get3A_544 = vector.shape_cast %get3A_543 : vector<1x1x16xf32> to vector<16xf32>
        %add3A_545 = arith.addf %add3A_485, %get3A_544 : vector<16xf32>
        %get3A_546 = arith.constant 1 : i32
        %get3A_547 = arith.index_cast %get3A_546 : i32 to index
        %get3A_548 = arith.index_cast %add3A_517 : i32 to index
        %get3A_549 = arith.constant 64 : index
        %get3A_550 = tpu.vector_load %arg7[%get3A_547, %get3A_548, %get3A_549] {strides = array<i32>} : memref<2x50x128xf32, #tpu.memory_space<vmem>>, vector<1x1x16xf32>,
        %get3A_551 = vector.shape_cast %get3A_550 : vector<1x1x16xf32> to vector<16xf32>
        %add3A_552 = arith.addf %add3A_492, %get3A_551 : vector<16xf32>
        %get3A_553 = arith.constant 1 : i32
        %get3A_554 = arith.index_cast %get3A_553 : i32 to index
        %get3A_555 = arith.index_cast %add3A_517 : i32 to index
        %get3A_556 = arith.constant 80 : index
        %get3A_557 = tpu.vector_load %arg7[%get3A_554, %get3A_555, %get3A_556] {strides = array<i32>} : memref<2x50x128xf32, #tpu.memory_space<vmem>>, vector<1x1x16xf32>,
        %get3A_558 = vector.shape_cast %get3A_557 : vector<1x1x16xf32> to vector<16xf32>
        %add3A_559 = arith.addf %add3A_499, %get3A_558 : vector<16xf32>
        %get3A_560 = arith.constant 1 : i32
        %get3A_561 = arith.index_cast %get3A_560 : i32 to index
        %get3A_562 = arith.index_cast %add3A_517 : i32 to index
        %get3A_563 = arith.constant 96 : index
        %get3A_564 = tpu.vector_load %arg7[%get3A_561, %get3A_562, %get3A_563] {strides = array<i32>} : memref<2x50x128xf32, #tpu.memory_space<vmem>>, vector<1x1x16xf32>,
        %get3A_565 = vector.shape_cast %get3A_564 : vector<1x1x16xf32> to vector<16xf32>
        %add3A_566 = arith.addf %add3A_506, %get3A_565 : vector<16xf32>
        %get3A_567 = arith.constant 1 : i32
        %get3A_568 = arith.index_cast %get3A_567 : i32 to index
        %get3A_569 = arith.index_cast %add3A_517 : i32 to index
        %get3A_570 = arith.constant 112 : index
        %get3A_571 = tpu.vector_load %arg7[%get3A_568, %get3A_569, %get3A_570] {strides = array<i32>} : memref<2x50x128xf32, #tpu.memory_space<vmem>>, vector<1x1x16xf32>,
        %get3A_572 = vector.shape_cast %get3A_571 : vector<1x1x16xf32> to vector<16xf32>
        %add3A_573 = arith.addf %add3A_513, %get3A_572 : vector<16xf32>
        %mul3A_574 = arith.constant 5 : i32
        %mul3A_575 = arith.muli %scan3A_385, %mul3A_574 : i32
        %add3A_576 = arith.constant 3 : i32
        %add3A_577 = arith.addi %mul3A_575, %add3A_576 : i32
        %get3A_578 = arith.constant 1 : i32
        %get3A_579 = arith.index_cast %get3A_578 : i32 to index
        %get3A_580 = arith.index_cast %add3A_577 : i32 to index
        %get3A_581 = arith.constant 0 : index
        %get3A_582 = tpu.vector_load %arg7[%get3A_579, %get3A_580, %get3A_581] {strides = array<i32>} : memref<2x50x128xf32, #tpu.memory_space<vmem>>, vector<1x1x16xf32>,
        %get3A_583 = vector.shape_cast %get3A_582 : vector<1x1x16xf32> to vector<16xf32>
        %add3A_584 = arith.addf %add3A_524, %get3A_583 : vector<16xf32>
        %get3A_585 = arith.constant 1 : i32
        %get3A_586 = arith.index_cast %get3A_585 : i32 to index
        %get3A_587 = arith.index_cast %add3A_577 : i32 to index
        %get3A_588 = arith.constant 16 : index
        %get3A_589 = tpu.vector_load %arg7[%get3A_586, %get3A_587, %get3A_588] {strides = array<i32>} : memref<2x50x128xf32, #tpu.memory_space<vmem>>, vector<1x1x16xf32>,
        %get3A_590 = vector.shape_cast %get3A_589 : vector<1x1x16xf32> to vector<16xf32>
        %add3A_591 = arith.addf %add3A_531, %get3A_590 : vector<16xf32>
        %get3A_592 = arith.constant 1 : i32
        %get3A_593 = arith.index_cast %get3A_592 : i32 to index
        %get3A_594 = arith.index_cast %add3A_577 : i32 to index
        %get3A_595 = arith.constant 32 : index
        %get3A_596 = tpu.vector_load %arg7[%get3A_593, %get3A_594, %get3A_595] {strides = array<i32>} : memref<2x50x128xf32, #tpu.memory_space<vmem>>, vector<1x1x16xf32>,
        %get3A_597 = vector.shape_cast %get3A_596 : vector<1x1x16xf32> to vector<16xf32>
        %add3A_598 = arith.addf %add3A_538, %get3A_597 : vector<16xf32>
        %get3A_599 = arith.constant 1 : i32
        %get3A_600 = arith.index_cast %get3A_599 : i32 to index
        %get3A_601 = arith.index_cast %add3A_577 : i32 to index
        %get3A_602 = arith.constant 48 : index
        %get3A_603 = tpu.vector_load %arg7[%get3A_600, %get3A_601, %get3A_602] {strides = array<i32>} : memref<2x50x128xf32, #tpu.memory_space<vmem>>, vector<1x1x16xf32>,
        %get3A_604 = vector.shape_cast %get3A_603 : vector<1x1x16xf32> to vector<16xf32>
        %add3A_605 = arith.addf %add3A_545, %get3A_604 : vector<16xf32>
        %get3A_606 = arith.constant 1 : i32
        %get3A_607 = arith.index_cast %get3A_606 : i32 to index
        %get3A_608 = arith.index_cast %add3A_577 : i32 to index
        %get3A_609 = arith.constant 64 : index
        %get3A_610 = tpu.vector_load %arg7[%get3A_607, %get3A_608, %get3A_609] {strides = array<i32>} : memref<2x50x128xf32, #tpu.memory_space<vmem>>, vector<1x1x16xf32>,
        %get3A_611 = vector.shape_cast %get3A_610 : vector<1x1x16xf32> to vector<16xf32>
        %add3A_612 = arith.addf %add3A_552, %get3A_611 : vector<16xf32>
        %get3A_613 = arith.constant 1 : i32
        %get3A_614 = arith.index_cast %get3A_613 : i32 to index
        %get3A_615 = arith.index_cast %add3A_577 : i32 to index
        %get3A_616 = arith.constant 80 : index
        %get3A_617 = tpu.vector_load %arg7[%get3A_614, %get3A_615, %get3A_616] {strides = array<i32>} : memref<2x50x128xf32, #tpu.memory_space<vmem>>, vector<1x1x16xf32>,
        %get3A_618 = vector.shape_cast %get3A_617 : vector<1x1x16xf32> to vector<16xf32>
        %add3A_619 = arith.addf %add3A_559, %get3A_618 : vector<16xf32>
        %get3A_620 = arith.constant 1 : i32
        %get3A_621 = arith.index_cast %get3A_620 : i32 to index
        %get3A_622 = arith.index_cast %add3A_577 : i32 to index
        %get3A_623 = arith.constant 96 : index
        %get3A_624 = tpu.vector_load %arg7[%get3A_621, %get3A_622, %get3A_623] {strides = array<i32>} : memref<2x50x128xf32, #tpu.memory_space<vmem>>, vector<1x1x16xf32>,
        %get3A_625 = vector.shape_cast %get3A_624 : vector<1x1x16xf32> to vector<16xf32>
        %add3A_626 = arith.addf %add3A_566, %get3A_625 : vector<16xf32>
        %get3A_627 = arith.constant 1 : i32
        %get3A_628 = arith.index_cast %get3A_627 : i32 to index
        %get3A_629 = arith.index_cast %add3A_577 : i32 to index
        %get3A_630 = arith.constant 112 : index
        %get3A_631 = tpu.vector_load %arg7[%get3A_628, %get3A_629, %get3A_630] {strides = array<i32>} : memref<2x50x128xf32, #tpu.memory_space<vmem>>, vector<1x1x16xf32>,
        %get3A_632 = vector.shape_cast %get3A_631 : vector<1x1x16xf32> to vector<16xf32>
        %add3A_633 = arith.addf %add3A_573, %get3A_632 : vector<16xf32>
        %mul3A_634 = arith.constant 5 : i32
        %mul3A_635 = arith.muli %scan3A_385, %mul3A_634 : i32
        %add3A_636 = arith.constant 4 : i32
        %add3A_637 = arith.addi %mul3A_635, %add3A_636 : i32
        %get3A_638 = arith.constant 1 : i32
        %get3A_639 = arith.index_cast %get3A_638 : i32 to index
        %get3A_640 = arith.index_cast %add3A_637 : i32 to index
        %get3A_641 = arith.constant 0 : index
        %get3A_642 = tpu.vector_load %arg7[%get3A_639, %get3A_640, %get3A_641] {strides = array<i32>} : memref<2x50x128xf32, #tpu.memory_space<vmem>>, vector<1x1x16xf32>,
        %get3A_643 = vector.shape_cast %get3A_642 : vector<1x1x16xf32> to vector<16xf32>
        %add3A_644 = arith.addf %add3A_584, %get3A_643 : vector<16xf32>
        %get3A_645 = arith.constant 1 : i32
        %get3A_646 = arith.index_cast %get3A_645 : i32 to index
        %get3A_647 = arith.index_cast %add3A_637 : i32 to index
        %get3A_648 = arith.constant 16 : index
        %get3A_649 = tpu.vector_load %arg7[%get3A_646, %get3A_647, %get3A_648] {strides = array<i32>} : memref<2x50x128xf32, #tpu.memory_space<vmem>>, vector<1x1x16xf32>,
        %get3A_650 = vector.shape_cast %get3A_649 : vector<1x1x16xf32> to vector<16xf32>
        %add3A_651 = arith.addf %add3A_591, %get3A_650 : vector<16xf32>
        %get3A_652 = arith.constant 1 : i32
        %get3A_653 = arith.index_cast %get3A_652 : i32 to index
        %get3A_654 = arith.index_cast %add3A_637 : i32 to index
        %get3A_655 = arith.constant 32 : index
        %get3A_656 = tpu.vector_load %arg7[%get3A_653, %get3A_654, %get3A_655] {strides = array<i32>} : memref<2x50x128xf32, #tpu.memory_space<vmem>>, vector<1x1x16xf32>,
        %get3A_657 = vector.shape_cast %get3A_656 : vector<1x1x16xf32> to vector<16xf32>
        %add3A_658 = arith.addf %add3A_598, %get3A_657 : vector<16xf32>
        %get3A_659 = arith.constant 1 : i32
        %get3A_660 = arith.index_cast %get3A_659 : i32 to index
        %get3A_661 = arith.index_cast %add3A_637 : i32 to index
        %get3A_662 = arith.constant 48 : index
        %get3A_663 = tpu.vector_load %arg7[%get3A_660, %get3A_661, %get3A_662] {strides = array<i32>} : memref<2x50x128xf32, #tpu.memory_space<vmem>>, vector<1x1x16xf32>,
        %get3A_664 = vector.shape_cast %get3A_663 : vector<1x1x16xf32> to vector<16xf32>
        %add3A_665 = arith.addf %add3A_605, %get3A_664 : vector<16xf32>
        %get3A_666 = arith.constant 1 : i32
        %get3A_667 = arith.index_cast %get3A_666 : i32 to index
        %get3A_668 = arith.index_cast %add3A_637 : i32 to index
        %get3A_669 = arith.constant 64 : index
        %get3A_670 = tpu.vector_load %arg7[%get3A_667, %get3A_668, %get3A_669] {strides = array<i32>} : memref<2x50x128xf32, #tpu.memory_space<vmem>>, vector<1x1x16xf32>,
        %get3A_671 = vector.shape_cast %get3A_670 : vector<1x1x16xf32> to vector<16xf32>
        %add3A_672 = arith.addf %add3A_612, %get3A_671 : vector<16xf32>
        %get3A_673 = arith.constant 1 : i32
        %get3A_674 = arith.index_cast %get3A_673 : i32 to index
        %get3A_675 = arith.index_cast %add3A_637 : i32 to index
        %get3A_676 = arith.constant 80 : index
        %get3A_677 = tpu.vector_load %arg7[%get3A_674, %get3A_675, %get3A_676] {strides = array<i32>} : memref<2x50x128xf32, #tpu.memory_space<vmem>>, vector<1x1x16xf32>,
        %get3A_678 = vector.shape_cast %get3A_677 : vector<1x1x16xf32> to vector<16xf32>
        %add3A_679 = arith.addf %add3A_619, %get3A_678 : vector<16xf32>
        %get3A_680 = arith.constant 1 : i32
        %get3A_681 = arith.index_cast %get3A_680 : i32 to index
        %get3A_682 = arith.index_cast %add3A_637 : i32 to index
        %get3A_683 = arith.constant 96 : index
        %get3A_684 = tpu.vector_load %arg7[%get3A_681, %get3A_682, %get3A_683] {strides = array<i32>} : memref<2x50x128xf32, #tpu.memory_space<vmem>>, vector<1x1x16xf32>,
        %get3A_685 = vector.shape_cast %get3A_684 : vector<1x1x16xf32> to vector<16xf32>
        %add3A_686 = arith.addf %add3A_626, %get3A_685 : vector<16xf32>
        %get3A_687 = arith.constant 1 : i32
        %get3A_688 = arith.index_cast %get3A_687 : i32 to index
        %get3A_689 = arith.index_cast %add3A_637 : i32 to index
        %get3A_690 = arith.constant 112 : index
        %get3A_691 = tpu.vector_load %arg7[%get3A_688, %get3A_689, %get3A_690] {strides = array<i32>} : memref<2x50x128xf32, #tpu.memory_space<vmem>>, vector<1x1x16xf32>,
        %get3A_692 = vector.shape_cast %get3A_691 : vector<1x1x16xf32> to vector<16xf32>
        %add3A_693 = arith.addf %add3A_633, %get3A_692 : vector<16xf32>
        scf.yield %add3A_644, %add3A_651, %add3A_658, %add3A_665, %add3A_672, %add3A_679, %add3A_686, %add3A_693 : vector<16xf32>, vector<16xf32>, vector<16xf32>, vector<16xf32>, vector<16xf32>, vector<16xf32>, vector<16xf32>, vector<16xf32>
      }
      %scan3A_315 = arith.constant 10 : i32
      %mul3A_316 = vector.broadcast %squeeze3A : f32 to vector<16xf32>
      %mul3A_317 = arith.mulf %scan3A_314#0, %mul3A_316 : vector<16xf32>
      %swap3A_318 = arith.index_cast %add3A_296 : i32 to index
      %swap3A_319 = arith.constant 0 : index
      %swap3A_320 = tpu.vector_load %arg8[%swap3A_318, %swap3A_319] {strides = array<i32>} : memref<64x128xf32, #tpu.memory_space<vmem>>, vector<1x16xf32>,
      %swap3A_321 = vector.shape_cast %swap3A_320 : vector<1x16xf32> to vector<16xf32>
      %swap3A_322 = vector.shape_cast %mul3A_317 : vector<16xf32> to vector<1x16xf32>
      tpu.vector_store %arg8[%swap3A_318, %swap3A_319], %swap3A_322 {strides = array<i32>} : memref<64x128xf32, #tpu.memory_space<vmem>>, vector<1x16xf32>,
      %mul3A_323 = vector.broadcast %squeeze3A : f32 to vector<16xf32>
      %mul3A_324 = arith.mulf %scan3A_314#1, %mul3A_323 : vector<16xf32>
      %swap3A_325 = arith.index_cast %add3A_296 : i32 to index
      %swap3A_326 = arith.constant 16 : index
      %swap3A_327 = tpu.vector_load %arg8[%swap3A_325, %swap3A_326] {strides = array<i32>} : memref<64x128xf32, #tpu.memory_space<vmem>>, vector<1x16xf32>,
      %swap3A_328 = vector.shape_cast %swap3A_327 : vector<1x16xf32> to vector<16xf32>
      %swap3A_329 = vector.shape_cast %mul3A_324 : vector<16xf32> to vector<1x16xf32>
      tpu.vector_store %arg8[%swap3A_325, %swap3A_326], %swap3A_329 {strides = array<i32>} : memref<64x128xf32, #tpu.memory_space<vmem>>, vector<1x16xf32>,
      %mul3A_330 = vector.broadcast %squeeze3A : f32 to vector<16xf32>
      %mul3A_331 = arith.mulf %scan3A_314#2, %mul3A_330 : vector<16xf32>
      %swap3A_332 = arith.index_cast %add3A_296 : i32 to index
      %swap3A_333 = arith.constant 32 : index
      %swap3A_334 = tpu.vector_load %arg8[%swap3A_332, %swap3A_333] {strides = array<i32>} : memref<64x128xf32, #tpu.memory_space<vmem>>, vector<1x16xf32>,
      %swap3A_335 = vector.shape_cast %swap3A_334 : vector<1x16xf32> to vector<16xf32>
      %swap3A_336 = vector.shape_cast %mul3A_331 : vector<16xf32> to vector<1x16xf32>
      tpu.vector_store %arg8[%swap3A_332, %swap3A_333], %swap3A_336 {strides = array<i32>} : memref<64x128xf32, #tpu.memory_space<vmem>>, vector<1x16xf32>,
      %mul3A_337 = vector.broadcast %squeeze3A : f32 to vector<16xf32>
      %mul3A_338 = arith.mulf %scan3A_314#3, %mul3A_337 : vector<16xf32>
      %swap3A_339 = arith.index_cast %add3A_296 : i32 to index
      %swap3A_340 = arith.constant 48 : index
      %swap3A_341 = tpu.vector_load %arg8[%swap3A_339, %swap3A_340] {strides = array<i32>} : memref<64x128xf32, #tpu.memory_space<vmem>>, vector<1x16xf32>,
      %swap3A_342 = vector.shape_cast %swap3A_341 : vector<1x16xf32> to vector<16xf32>
      %swap3A_343 = vector.shape_cast %mul3A_338 : vector<16xf32> to vector<1x16xf32>
      tpu.vector_store %arg8[%swap3A_339, %swap3A_340], %swap3A_343 {strides = array<i32>} : memref<64x128xf32, #tpu.memory_space<vmem>>, vector<1x16xf32>,
      %mul3A_344 = vector.broadcast %squeeze3A : f32 to vector<16xf32>
      %mul3A_345 = arith.mulf %scan3A_314#4, %mul3A_344 : vector<16xf32>
      %swap3A_346 = arith.index_cast %add3A_296 : i32 to index
      %swap3A_347 = arith.constant 64 : index
      %swap3A_348 = tpu.vector_load %arg8[%swap3A_346, %swap3A_347] {strides = array<i32>} : memref<64x128xf32, #tpu.memory_space<vmem>>, vector<1x16xf32>,
      %swap3A_349 = vector.shape_cast %swap3A_348 : vector<1x16xf32> to vector<16xf32>
      %swap3A_350 = vector.shape_cast %mul3A_345 : vector<16xf32> to vector<1x16xf32>
      tpu.vector_store %arg8[%swap3A_346, %swap3A_347], %swap3A_350 {strides = array<i32>} : memref<64x128xf32, #tpu.memory_space<vmem>>, vector<1x16xf32>,
      %mul3A_351 = vector.broadcast %squeeze3A : f32 to vector<16xf32>
      %mul3A_352 = arith.mulf %scan3A_314#5, %mul3A_351 : vector<16xf32>
      %swap3A_353 = arith.index_cast %add3A_296 : i32 to index
      %swap3A_354 = arith.constant 80 : index
      %swap3A_355 = tpu.vector_load %arg8[%swap3A_353, %swap3A_354] {strides = array<i32>} : memref<64x128xf32, #tpu.memory_space<vmem>>, vector<1x16xf32>,
      %swap3A_356 = vector.shape_cast %swap3A_355 : vector<1x16xf32> to vector<16xf32>
      %swap3A_357 = vector.shape_cast %mul3A_352 : vector<16xf32> to vector<1x16xf32>
      tpu.vector_store %arg8[%swap3A_353, %swap3A_354], %swap3A_357 {strides = array<i32>} : memref<64x128xf32, #tpu.memory_space<vmem>>, vector<1x16xf32>,
      %mul3A_358 = vector.broadcast %squeeze3A : f32 to vector<16xf32>
      %mul3A_359 = arith.mulf %scan3A_314#6, %mul3A_358 : vector<16xf32>
      %swap3A_360 = arith.index_cast %add3A_296 : i32 to index
      %swap3A_361 = arith.constant 96 : index
      %swap3A_362 = tpu.vector_load %arg8[%swap3A_360, %swap3A_361] {strides = array<i32>} : memref<64x128xf32, #tpu.memory_space<vmem>>, vector<1x16xf32>,
      %swap3A_363 = vector.shape_cast %swap3A_362 : vector<1x16xf32> to vector<16xf32>
      %swap3A_364 = vector.shape_cast %mul3A_359 : vector<16xf32> to vector<1x16xf32>
      tpu.vector_store %arg8[%swap3A_360, %swap3A_361], %swap3A_364 {strides = array<i32>} : memref<64x128xf32, #tpu.memory_space<vmem>>, vector<1x16xf32>,
      %mul3A_365 = vector.broadcast %squeeze3A : f32 to vector<16xf32>
      %mul3A_366 = arith.mulf %scan3A_314#7, %mul3A_365 : vector<16xf32>
      %swap3A_367 = arith.index_cast %add3A_296 : i32 to index
      %swap3A_368 = arith.constant 112 : index
      %swap3A_369 = tpu.vector_load %arg8[%swap3A_367, %swap3A_368] {strides = array<i32>} : memref<64x128xf32, #tpu.memory_space<vmem>>, vector<1x16xf32>,
      %swap3A_370 = vector.shape_cast %swap3A_369 : vector<1x16xf32> to vector<16xf32>
      %swap3A_371 = vector.shape_cast %mul3A_366 : vector<16xf32> to vector<1x16xf32>
      tpu.vector_store %arg8[%swap3A_367, %swap3A_368], %swap3A_371 {strides = array<i32>} : memref<64x128xf32, #tpu.memory_space<vmem>>, vector<1x16xf32>,
      %add3A_372 = arith.constant 2 : i32
      %add3A_373 = arith.addi %add3A_296, %add3A_372 : i32
      %dma_start3A_374 = arith.constant 1 : i32
      %dma_start3A_375 = arith.constant 0 : i32
      %dma_start3A_376 = arith.constant 0 : i32
      %dma_start3A_377 = tpu.memref_slice %arg7[%dma_start3A_374, %dma_start3A_375, %dma_start3A_376] : memref<2x50x128xf32, #tpu.memory_space<vmem>> -> memref<1x50x128xf32, #tpu.memory_space<vmem>>
      %dma_start3A_378 = tpu.memref_squeeze %dma_start3A_377 : memref<1x50x128xf32, #tpu.memory_space<vmem>> -> memref<50x128xf32, #tpu.memory_space<vmem>>
      %dma_start3A_379 = arith.constant 0 : i32
      %dma_start3A_380 = tpu.memref_slice %arg6[%add3A_373, %dma_start3A_379] : memref<64x50xi32, #tpu.memory_space<vmem>> -> memref<1x50xi32, #tpu.memory_space<vmem>>
      %dma_start3A_381 = tpu.memref_squeeze %dma_start3A_380 : memref<1x50xi32, #tpu.memory_space<vmem>> -> memref<50xi32, #tpu.memory_space<vmem>>
      %dma_start3A_382 = arith.constant 0 : i32
      %dma_start3A_383 = arith.constant 0 : i32
      %dma_start3A_384 = tpu.memref_slice %arg9[%dma_start3A_382, %dma_start3A_383] : memref<10000x128xf32, #tpu.memory_space<vmem_shared>> -> memref<10000x128xf32, #tpu.memory_space<vmem_shared>>
      tpu.enqueue_indirect_dma source(%dma_start3A_384 : memref<10000x128xf32, #tpu.memory_space<vmem_shared>>) target(%dma_start3A_378 : memref<50x128xf32, #tpu.memory_space<vmem>>) offsets(%dma_start3A_381 : memref<50xi32, #tpu.memory_space<vmem>>) semaphore(%arg11 : memref<!tpu.dma_semaphore, #tpu.memory_space<semaphore_mem>>)
    }
    %scan3A_34 = arith.constant 31 : i32
    %dma_wait3A = arith.constant 62 : i32
    %dma_wait3A_35 = arith.constant 0 : i32
    %dma_wait3A_36 = arith.constant 0 : i32
    %dma_wait3A_37 = arith.constant 0 : i32
    %dma_wait3A_38 = tpu.memref_slice %arg7[%dma_wait3A_35, %dma_wait3A_36, %dma_wait3A_37] : memref<2x50x128xf32, #tpu.memory_space<vmem>> -> memref<1x50x128xf32, #tpu.memory_space<vmem>>
    %dma_wait3A_39 = tpu.memref_squeeze %dma_wait3A_38 : memref<1x50x128xf32, #tpu.memory_space<vmem>> -> memref<50x128xf32, #tpu.memory_space<vmem>>
    %dma_wait3A_40 = arith.constant 0 : i32
    %dma_wait3A_41 = tpu.memref_slice %arg6[%dma_wait3A, %dma_wait3A_40] : memref<64x50xi32, #tpu.memory_space<vmem>> -> memref<1x50xi32, #tpu.memory_space<vmem>>
    %dma_wait3A_42 = tpu.memref_squeeze %dma_wait3A_41 : memref<1x50xi32, #tpu.memory_space<vmem>> -> memref<50xi32, #tpu.memory_space<vmem>>
    %dma_wait3A_43 = arith.constant 0 : i32
    %dma_wait3A_44 = arith.constant 0 : i32
    %dma_wait3A_45 = tpu.memref_slice %arg9[%dma_wait3A_43, %dma_wait3A_44] : memref<10000x128xf32, #tpu.memory_space<vmem_shared>> -> memref<10000x128xf32, #tpu.memory_space<vmem_shared>>
    tpu.wait_indirect_dma semaphore(%arg10 : memref<!tpu.dma_semaphore, #tpu.memory_space<semaphore_mem>>) src(%dma_wait3A_45 : memref<10000x128xf32, #tpu.memory_space<vmem_shared>>) dst(%dma_wait3A_39 : memref<50x128xf32, #tpu.memory_space<vmem>>)
    %broadcast_in_dim3A = arith.constant 0.000000e+00 : f32
    %broadcast_in_dim3A_46 = vector.broadcast %broadcast_in_dim3A : f32 to vector<16xf32>
    %scan3A_47 = arith.constant 0 : i32
    %scan3A_48 = arith.constant 10 : i32
    %scan3A_49 = arith.addi %scan3A_47, %scan3A_48 : i32
    %scan3A_50 = arith.constant 1 : i32
    %scan3A_51:8 = scf.for %scan3A_200 = %scan3A_47 to %scan3A_49 step %scan3A_50 iter_args(%scan3A_201 = %broadcast_in_dim3A_46, %scan3A_202 = %broadcast_in_dim3A_46, %scan3A_203 = %broadcast_in_dim3A_46, %scan3A_204 = %broadcast_in_dim3A_46, %scan3A_205 = %broadcast_in_dim3A_46, %scan3A_206 = %broadcast_in_dim3A_46, %scan3A_207 = %broadcast_in_dim3A_46, %scan3A_208 = %broadcast_in_dim3A_46) -> (vector<16xf32>, vector<16xf32>, vector<16xf32>, vector<16xf32>, vector<16xf32>, vector<16xf32>, vector<16xf32>, vector<16xf32>)  : i32 {
      %mul3A_209 = arith.constant 5 : i32
      %mul3A_210 = arith.muli %scan3A_200, %mul3A_209 : i32
      %add3A_211 = arith.constant 0 : i32
      %add3A_212 = arith.addi %mul3A_210, %add3A_211 : i32
      %get3A_213 = arith.constant 0 : i32
      %get3A_214 = arith.index_cast %get3A_213 : i32 to index
      %get3A_215 = arith.index_cast %add3A_212 : i32 to index
      %get3A_216 = arith.constant 0 : index
      %get3A_217 = tpu.vector_load %arg7[%get3A_214, %get3A_215, %get3A_216] {strides = array<i32>} : memref<2x50x128xf32, #tpu.memory_space<vmem>>, vector<1x1x16xf32>,
      %get3A_218 = vector.shape_cast %get3A_217 : vector<1x1x16xf32> to vector<16xf32>
      %add3A_219 = arith.addf %scan3A_201, %get3A_218 : vector<16xf32>
      %get3A_220 = arith.constant 0 : i32
      %get3A_221 = arith.index_cast %get3A_220 : i32 to index
      %get3A_222 = arith.index_cast %add3A_212 : i32 to index
      %get3A_223 = arith.constant 16 : index
      %get3A_224 = tpu.vector_load %arg7[%get3A_221, %get3A_222, %get3A_223] {strides = array<i32>} : memref<2x50x128xf32, #tpu.memory_space<vmem>>, vector<1x1x16xf32>,
      %get3A_225 = vector.shape_cast %get3A_224 : vector<1x1x16xf32> to vector<16xf32>
      %add3A_226 = arith.addf %scan3A_202, %get3A_225 : vector<16xf32>
      %get3A_227 = arith.constant 0 : i32
      %get3A_228 = arith.index_cast %get3A_227 : i32 to index
      %get3A_229 = arith.index_cast %add3A_212 : i32 to index
      %get3A_230 = arith.constant 32 : index
      %get3A_231 = tpu.vector_load %arg7[%get3A_228, %get3A_229, %get3A_230] {strides = array<i32>} : memref<2x50x128xf32, #tpu.memory_space<vmem>>, vector<1x1x16xf32>,
      %get3A_232 = vector.shape_cast %get3A_231 : vector<1x1x16xf32> to vector<16xf32>
      %add3A_233 = arith.addf %scan3A_203, %get3A_232 : vector<16xf32>
      %get3A_234 = arith.constant 0 : i32
      %get3A_235 = arith.index_cast %get3A_234 : i32 to index
      %get3A_236 = arith.index_cast %add3A_212 : i32 to index
      %get3A_237 = arith.constant 48 : index
      %get3A_238 = tpu.vector_load %arg7[%get3A_235, %get3A_236, %get3A_237] {strides = array<i32>} : memref<2x50x128xf32, #tpu.memory_space<vmem>>, vector<1x1x16xf32>,
      %get3A_239 = vector.shape_cast %get3A_238 : vector<1x1x16xf32> to vector<16xf32>
      %add3A_240 = arith.addf %scan3A_204, %get3A_239 : vector<16xf32>
      %get3A_241 = arith.constant 0 : i32
      %get3A_242 = arith.index_cast %get3A_241 : i32 to index
      %get3A_243 = arith.index_cast %add3A_212 : i32 to index
      %get3A_244 = arith.constant 64 : index
      %get3A_245 = tpu.vector_load %arg7[%get3A_242, %get3A_243, %get3A_244] {strides = array<i32>} : memref<2x50x128xf32, #tpu.memory_space<vmem>>, vector<1x1x16xf32>,
      %get3A_246 = vector.shape_cast %get3A_245 : vector<1x1x16xf32> to vector<16xf32>
      %add3A_247 = arith.addf %scan3A_205, %get3A_246 : vector<16xf32>
      %get3A_248 = arith.constant 0 : i32
      %get3A_249 = arith.index_cast %get3A_248 : i32 to index
      %get3A_250 = arith.index_cast %add3A_212 : i32 to index
      %get3A_251 = arith.constant 80 : index
      %get3A_252 = tpu.vector_load %arg7[%get3A_249, %get3A_250, %get3A_251] {strides = array<i32>} : memref<2x50x128xf32, #tpu.memory_space<vmem>>, vector<1x1x16xf32>,
      %get3A_253 = vector.shape_cast %get3A_252 : vector<1x1x16xf32> to vector<16xf32>
      %add3A_254 = arith.addf %scan3A_206, %get3A_253 : vector<16xf32>
      %get3A_255 = arith.constant 0 : i32
      %get3A_256 = arith.index_cast %get3A_255 : i32 to index
      %get3A_257 = arith.index_cast %add3A_212 : i32 to index
      %get3A_258 = arith.constant 96 : index
      %get3A_259 = tpu.vector_load %arg7[%get3A_256, %get3A_257, %get3A_258] {strides = array<i32>} : memref<2x50x128xf32, #tpu.memory_space<vmem>>, vector<1x1x16xf32>,
      %get3A_260 = vector.shape_cast %get3A_259 : vector<1x1x16xf32> to vector<16xf32>
      %add3A_261 = arith.addf %scan3A_207, %get3A_260 : vector<16xf32>
      %get3A_262 = arith.constant 0 : i32
      %get3A_263 = arith.index_cast %get3A_262 : i32 to index
      %get3A_264 = arith.index_cast %add3A_212 : i32 to index
      %get3A_265 = arith.constant 112 : index
      %get3A_266 = tpu.vector_load %arg7[%get3A_263, %get3A_264, %get3A_265] {strides = array<i32>} : memref<2x50x128xf32, #tpu.memory_space<vmem>>, vector<1x1x16xf32>,
      %get3A_267 = vector.shape_cast %get3A_266 : vector<1x1x16xf32> to vector<16xf32>
      %add3A_268 = arith.addf %scan3A_208, %get3A_267 : vector<16xf32>
      %mul3A_269 = arith.constant 5 : i32
      %mul3A_270 = arith.muli %scan3A_200, %mul3A_269 : i32
      %add3A_271 = arith.constant 1 : i32
      %add3A_272 = arith.addi %mul3A_270, %add3A_271 : i32
      %get3A_273 = arith.constant 0 : i32
      %get3A_274 = arith.index_cast %get3A_273 : i32 to index
      %get3A_275 = arith.index_cast %add3A_272 : i32 to index
      %get3A_276 = arith.constant 0 : index
      %get3A_277 = tpu.vector_load %arg7[%get3A_274, %get3A_275, %get3A_276] {strides = array<i32>} : memref<2x50x128xf32, #tpu.memory_space<vmem>>, vector<1x1x16xf32>,
      %get3A_278 = vector.shape_cast %get3A_277 : vector<1x1x16xf32> to vector<16xf32>
      %add3A_279 = arith.addf %add3A_219, %get3A_278 : vector<16xf32>
      %get3A_280 = arith.constant 0 : i32
      %get3A_281 = arith.index_cast %get3A_280 : i32 to index
      %get3A_282 = arith.index_cast %add3A_272 : i32 to index
      %get3A_283 = arith.constant 16 : index
      %get3A_284 = tpu.vector_load %arg7[%get3A_281, %get3A_282, %get3A_283] {strides = array<i32>} : memref<2x50x128xf32, #tpu.memory_space<vmem>>, vector<1x1x16xf32>,
      %get3A_285 = vector.shape_cast %get3A_284 : vector<1x1x16xf32> to vector<16xf32>
      %add3A_286 = arith.addf %add3A_226, %get3A_285 : vector<16xf32>
      %get3A_287 = arith.constant 0 : i32
      %get3A_288 = arith.index_cast %get3A_287 : i32 to index
      %get3A_289 = arith.index_cast %add3A_272 : i32 to index
      %get3A_290 = arith.constant 32 : index
      %get3A_291 = tpu.vector_load %arg7[%get3A_288, %get3A_289, %get3A_290] {strides = array<i32>} : memref<2x50x128xf32, #tpu.memory_space<vmem>>, vector<1x1x16xf32>,
      %get3A_292 = vector.shape_cast %get3A_291 : vector<1x1x16xf32> to vector<16xf32>
      %add3A_293 = arith.addf %add3A_233, %get3A_292 : vector<16xf32>
      %get3A_294 = arith.constant 0 : i32
      %get3A_295 = arith.index_cast %get3A_294 : i32 to index
      %get3A_296 = arith.index_cast %add3A_272 : i32 to index
      %get3A_297 = arith.constant 48 : index
      %get3A_298 = tpu.vector_load %arg7[%get3A_295, %get3A_296, %get3A_297] {strides = array<i32>} : memref<2x50x128xf32, #tpu.memory_space<vmem>>, vector<1x1x16xf32>,
      %get3A_299 = vector.shape_cast %get3A_298 : vector<1x1x16xf32> to vector<16xf32>
      %add3A_300 = arith.addf %add3A_240, %get3A_299 : vector<16xf32>
      %get3A_301 = arith.constant 0 : i32
      %get3A_302 = arith.index_cast %get3A_301 : i32 to index
      %get3A_303 = arith.index_cast %add3A_272 : i32 to index
      %get3A_304 = arith.constant 64 : index
      %get3A_305 = tpu.vector_load %arg7[%get3A_302, %get3A_303, %get3A_304] {strides = array<i32>} : memref<2x50x128xf32, #tpu.memory_space<vmem>>, vector<1x1x16xf32>,
      %get3A_306 = vector.shape_cast %get3A_305 : vector<1x1x16xf32> to vector<16xf32>
      %add3A_307 = arith.addf %add3A_247, %get3A_306 : vector<16xf32>
      %get3A_308 = arith.constant 0 : i32
      %get3A_309 = arith.index_cast %get3A_308 : i32 to index
      %get3A_310 = arith.index_cast %add3A_272 : i32 to index
      %get3A_311 = arith.constant 80 : index
      %get3A_312 = tpu.vector_load %arg7[%get3A_309, %get3A_310, %get3A_311] {strides = array<i32>} : memref<2x50x128xf32, #tpu.memory_space<vmem>>, vector<1x1x16xf32>,
      %get3A_313 = vector.shape_cast %get3A_312 : vector<1x1x16xf32> to vector<16xf32>
      %add3A_314 = arith.addf %add3A_254, %get3A_313 : vector<16xf32>
      %get3A_315 = arith.constant 0 : i32
      %get3A_316 = arith.index_cast %get3A_315 : i32 to index
      %get3A_317 = arith.index_cast %add3A_272 : i32 to index
      %get3A_318 = arith.constant 96 : index
      %get3A_319 = tpu.vector_load %arg7[%get3A_316, %get3A_317, %get3A_318] {strides = array<i32>} : memref<2x50x128xf32, #tpu.memory_space<vmem>>, vector<1x1x16xf32>,
      %get3A_320 = vector.shape_cast %get3A_319 : vector<1x1x16xf32> to vector<16xf32>
      %add3A_321 = arith.addf %add3A_261, %get3A_320 : vector<16xf32>
      %get3A_322 = arith.constant 0 : i32
      %get3A_323 = arith.index_cast %get3A_322 : i32 to index
      %get3A_324 = arith.index_cast %add3A_272 : i32 to index
      %get3A_325 = arith.constant 112 : index
      %get3A_326 = tpu.vector_load %arg7[%get3A_323, %get3A_324, %get3A_325] {strides = array<i32>} : memref<2x50x128xf32, #tpu.memory_space<vmem>>, vector<1x1x16xf32>,
      %get3A_327 = vector.shape_cast %get3A_326 : vector<1x1x16xf32> to vector<16xf32>
      %add3A_328 = arith.addf %add3A_268, %get3A_327 : vector<16xf32>
      %mul3A_329 = arith.constant 5 : i32
      %mul3A_330 = arith.muli %scan3A_200, %mul3A_329 : i32
      %add3A_331 = arith.constant 2 : i32
      %add3A_332 = arith.addi %mul3A_330, %add3A_331 : i32
      %get3A_333 = arith.constant 0 : i32
      %get3A_334 = arith.index_cast %get3A_333 : i32 to index
      %get3A_335 = arith.index_cast %add3A_332 : i32 to index
      %get3A_336 = arith.constant 0 : index
      %get3A_337 = tpu.vector_load %arg7[%get3A_334, %get3A_335, %get3A_336] {strides = array<i32>} : memref<2x50x128xf32, #tpu.memory_space<vmem>>, vector<1x1x16xf32>,
      %get3A_338 = vector.shape_cast %get3A_337 : vector<1x1x16xf32> to vector<16xf32>
      %add3A_339 = arith.addf %add3A_279, %get3A_338 : vector<16xf32>
      %get3A_340 = arith.constant 0 : i32
      %get3A_341 = arith.index_cast %get3A_340 : i32 to index
      %get3A_342 = arith.index_cast %add3A_332 : i32 to index
      %get3A_343 = arith.constant 16 : index
      %get3A_344 = tpu.vector_load %arg7[%get3A_341, %get3A_342, %get3A_343] {strides = array<i32>} : memref<2x50x128xf32, #tpu.memory_space<vmem>>, vector<1x1x16xf32>,
      %get3A_345 = vector.shape_cast %get3A_344 : vector<1x1x16xf32> to vector<16xf32>
      %add3A_346 = arith.addf %add3A_286, %get3A_345 : vector<16xf32>
      %get3A_347 = arith.constant 0 : i32
      %get3A_348 = arith.index_cast %get3A_347 : i32 to index
      %get3A_349 = arith.index_cast %add3A_332 : i32 to index
      %get3A_350 = arith.constant 32 : index
      %get3A_351 = tpu.vector_load %arg7[%get3A_348, %get3A_349, %get3A_350] {strides = array<i32>} : memref<2x50x128xf32, #tpu.memory_space<vmem>>, vector<1x1x16xf32>,
      %get3A_352 = vector.shape_cast %get3A_351 : vector<1x1x16xf32> to vector<16xf32>
      %add3A_353 = arith.addf %add3A_293, %get3A_352 : vector<16xf32>
      %get3A_354 = arith.constant 0 : i32
      %get3A_355 = arith.index_cast %get3A_354 : i32 to index
      %get3A_356 = arith.index_cast %add3A_332 : i32 to index
      %get3A_357 = arith.constant 48 : index
      %get3A_358 = tpu.vector_load %arg7[%get3A_355, %get3A_356, %get3A_357] {strides = array<i32>} : memref<2x50x128xf32, #tpu.memory_space<vmem>>, vector<1x1x16xf32>,
      %get3A_359 = vector.shape_cast %get3A_358 : vector<1x1x16xf32> to vector<16xf32>
      %add3A_360 = arith.addf %add3A_300, %get3A_359 : vector<16xf32>
      %get3A_361 = arith.constant 0 : i32
      %get3A_362 = arith.index_cast %get3A_361 : i32 to index
      %get3A_363 = arith.index_cast %add3A_332 : i32 to index
      %get3A_364 = arith.constant 64 : index
      %get3A_365 = tpu.vector_load %arg7[%get3A_362, %get3A_363, %get3A_364] {strides = array<i32>} : memref<2x50x128xf32, #tpu.memory_space<vmem>>, vector<1x1x16xf32>,
      %get3A_366 = vector.shape_cast %get3A_365 : vector<1x1x16xf32> to vector<16xf32>
      %add3A_367 = arith.addf %add3A_307, %get3A_366 : vector<16xf32>
      %get3A_368 = arith.constant 0 : i32
      %get3A_369 = arith.index_cast %get3A_368 : i32 to index
      %get3A_370 = arith.index_cast %add3A_332 : i32 to index
      %get3A_371 = arith.constant 80 : index
      %get3A_372 = tpu.vector_load %arg7[%get3A_369, %get3A_370, %get3A_371] {strides = array<i32>} : memref<2x50x128xf32, #tpu.memory_space<vmem>>, vector<1x1x16xf32>,
      %get3A_373 = vector.shape_cast %get3A_372 : vector<1x1x16xf32> to vector<16xf32>
      %add3A_374 = arith.addf %add3A_314, %get3A_373 : vector<16xf32>
      %get3A_375 = arith.constant 0 : i32
      %get3A_376 = arith.index_cast %get3A_375 : i32 to index
      %get3A_377 = arith.index_cast %add3A_332 : i32 to index
      %get3A_378 = arith.constant 96 : index
      %get3A_379 = tpu.vector_load %arg7[%get3A_376, %get3A_377, %get3A_378] {strides = array<i32>} : memref<2x50x128xf32, #tpu.memory_space<vmem>>, vector<1x1x16xf32>,
      %get3A_380 = vector.shape_cast %get3A_379 : vector<1x1x16xf32> to vector<16xf32>
      %add3A_381 = arith.addf %add3A_321, %get3A_380 : vector<16xf32>
      %get3A_382 = arith.constant 0 : i32
      %get3A_383 = arith.index_cast %get3A_382 : i32 to index
      %get3A_384 = arith.index_cast %add3A_332 : i32 to index
      %get3A_385 = arith.constant 112 : index
      %get3A_386 = tpu.vector_load %arg7[%get3A_383, %get3A_384, %get3A_385] {strides = array<i32>} : memref<2x50x128xf32, #tpu.memory_space<vmem>>, vector<1x1x16xf32>,
      %get3A_387 = vector.shape_cast %get3A_386 : vector<1x1x16xf32> to vector<16xf32>
      %add3A_388 = arith.addf %add3A_328, %get3A_387 : vector<16xf32>
      %mul3A_389 = arith.constant 5 : i32
      %mul3A_390 = arith.muli %scan3A_200, %mul3A_389 : i32
      %add3A_391 = arith.constant 3 : i32
      %add3A_392 = arith.addi %mul3A_390, %add3A_391 : i32
      %get3A_393 = arith.constant 0 : i32
      %get3A_394 = arith.index_cast %get3A_393 : i32 to index
      %get3A_395 = arith.index_cast %add3A_392 : i32 to index
      %get3A_396 = arith.constant 0 : index
      %get3A_397 = tpu.vector_load %arg7[%get3A_394, %get3A_395, %get3A_396] {strides = array<i32>} : memref<2x50x128xf32, #tpu.memory_space<vmem>>, vector<1x1x16xf32>,
      %get3A_398 = vector.shape_cast %get3A_397 : vector<1x1x16xf32> to vector<16xf32>
      %add3A_399 = arith.addf %add3A_339, %get3A_398 : vector<16xf32>
      %get3A_400 = arith.constant 0 : i32
      %get3A_401 = arith.index_cast %get3A_400 : i32 to index
      %get3A_402 = arith.index_cast %add3A_392 : i32 to index
      %get3A_403 = arith.constant 16 : index
      %get3A_404 = tpu.vector_load %arg7[%get3A_401, %get3A_402, %get3A_403] {strides = array<i32>} : memref<2x50x128xf32, #tpu.memory_space<vmem>>, vector<1x1x16xf32>,
      %get3A_405 = vector.shape_cast %get3A_404 : vector<1x1x16xf32> to vector<16xf32>
      %add3A_406 = arith.addf %add3A_346, %get3A_405 : vector<16xf32>
      %get3A_407 = arith.constant 0 : i32
      %get3A_408 = arith.index_cast %get3A_407 : i32 to index
      %get3A_409 = arith.index_cast %add3A_392 : i32 to index
      %get3A_410 = arith.constant 32 : index
      %get3A_411 = tpu.vector_load %arg7[%get3A_408, %get3A_409, %get3A_410] {strides = array<i32>} : memref<2x50x128xf32, #tpu.memory_space<vmem>>, vector<1x1x16xf32>,
      %get3A_412 = vector.shape_cast %get3A_411 : vector<1x1x16xf32> to vector<16xf32>
      %add3A_413 = arith.addf %add3A_353, %get3A_412 : vector<16xf32>
      %get3A_414 = arith.constant 0 : i32
      %get3A_415 = arith.index_cast %get3A_414 : i32 to index
      %get3A_416 = arith.index_cast %add3A_392 : i32 to index
      %get3A_417 = arith.constant 48 : index
      %get3A_418 = tpu.vector_load %arg7[%get3A_415, %get3A_416, %get3A_417] {strides = array<i32>} : memref<2x50x128xf32, #tpu.memory_space<vmem>>, vector<1x1x16xf32>,
      %get3A_419 = vector.shape_cast %get3A_418 : vector<1x1x16xf32> to vector<16xf32>
      %add3A_420 = arith.addf %add3A_360, %get3A_419 : vector<16xf32>
      %get3A_421 = arith.constant 0 : i32
      %get3A_422 = arith.index_cast %get3A_421 : i32 to index
      %get3A_423 = arith.index_cast %add3A_392 : i32 to index
      %get3A_424 = arith.constant 64 : index
      %get3A_425 = tpu.vector_load %arg7[%get3A_422, %get3A_423, %get3A_424] {strides = array<i32>} : memref<2x50x128xf32, #tpu.memory_space<vmem>>, vector<1x1x16xf32>,
      %get3A_426 = vector.shape_cast %get3A_425 : vector<1x1x16xf32> to vector<16xf32>
      %add3A_427 = arith.addf %add3A_367, %get3A_426 : vector<16xf32>
      %get3A_428 = arith.constant 0 : i32
      %get3A_429 = arith.index_cast %get3A_428 : i32 to index
      %get3A_430 = arith.index_cast %add3A_392 : i32 to index
      %get3A_431 = arith.constant 80 : index
      %get3A_432 = tpu.vector_load %arg7[%get3A_429, %get3A_430, %get3A_431] {strides = array<i32>} : memref<2x50x128xf32, #tpu.memory_space<vmem>>, vector<1x1x16xf32>,
      %get3A_433 = vector.shape_cast %get3A_432 : vector<1x1x16xf32> to vector<16xf32>
      %add3A_434 = arith.addf %add3A_374, %get3A_433 : vector<16xf32>
      %get3A_435 = arith.constant 0 : i32
      %get3A_436 = arith.index_cast %get3A_435 : i32 to index
      %get3A_437 = arith.index_cast %add3A_392 : i32 to index
      %get3A_438 = arith.constant 96 : index
      %get3A_439 = tpu.vector_load %arg7[%get3A_436, %get3A_437, %get3A_438] {strides = array<i32>} : memref<2x50x128xf32, #tpu.memory_space<vmem>>, vector<1x1x16xf32>,
      %get3A_440 = vector.shape_cast %get3A_439 : vector<1x1x16xf32> to vector<16xf32>
      %add3A_441 = arith.addf %add3A_381, %get3A_440 : vector<16xf32>
      %get3A_442 = arith.constant 0 : i32
      %get3A_443 = arith.index_cast %get3A_442 : i32 to index
      %get3A_444 = arith.index_cast %add3A_392 : i32 to index
      %get3A_445 = arith.constant 112 : index
      %get3A_446 = tpu.vector_load %arg7[%get3A_443, %get3A_444, %get3A_445] {strides = array<i32>} : memref<2x50x128xf32, #tpu.memory_space<vmem>>, vector<1x1x16xf32>,
      %get3A_447 = vector.shape_cast %get3A_446 : vector<1x1x16xf32> to vector<16xf32>
      %add3A_448 = arith.addf %add3A_388, %get3A_447 : vector<16xf32>
      %mul3A_449 = arith.constant 5 : i32
      %mul3A_450 = arith.muli %scan3A_200, %mul3A_449 : i32
      %add3A_451 = arith.constant 4 : i32
      %add3A_452 = arith.addi %mul3A_450, %add3A_451 : i32
      %get3A_453 = arith.constant 0 : i32
      %get3A_454 = arith.index_cast %get3A_453 : i32 to index
      %get3A_455 = arith.index_cast %add3A_452 : i32 to index
      %get3A_456 = arith.constant 0 : index
      %get3A_457 = tpu.vector_load %arg7[%get3A_454, %get3A_455, %get3A_456] {strides = array<i32>} : memref<2x50x128xf32, #tpu.memory_space<vmem>>, vector<1x1x16xf32>,
      %get3A_458 = vector.shape_cast %get3A_457 : vector<1x1x16xf32> to vector<16xf32>
      %add3A_459 = arith.addf %add3A_399, %get3A_458 : vector<16xf32>
      %get3A_460 = arith.constant 0 : i32
      %get3A_461 = arith.index_cast %get3A_460 : i32 to index
      %get3A_462 = arith.index_cast %add3A_452 : i32 to index
      %get3A_463 = arith.constant 16 : index
      %get3A_464 = tpu.vector_load %arg7[%get3A_461, %get3A_462, %get3A_463] {strides = array<i32>} : memref<2x50x128xf32, #tpu.memory_space<vmem>>, vector<1x1x16xf32>,
      %get3A_465 = vector.shape_cast %get3A_464 : vector<1x1x16xf32> to vector<16xf32>
      %add3A_466 = arith.addf %add3A_406, %get3A_465 : vector<16xf32>
      %get3A_467 = arith.constant 0 : i32
      %get3A_468 = arith.index_cast %get3A_467 : i32 to index
      %get3A_469 = arith.index_cast %add3A_452 : i32 to index
      %get3A_470 = arith.constant 32 : index
      %get3A_471 = tpu.vector_load %arg7[%get3A_468, %get3A_469, %get3A_470] {strides = array<i32>} : memref<2x50x128xf32, #tpu.memory_space<vmem>>, vector<1x1x16xf32>,
      %get3A_472 = vector.shape_cast %get3A_471 : vector<1x1x16xf32> to vector<16xf32>
      %add3A_473 = arith.addf %add3A_413, %get3A_472 : vector<16xf32>
      %get3A_474 = arith.constant 0 : i32
      %get3A_475 = arith.index_cast %get3A_474 : i32 to index
      %get3A_476 = arith.index_cast %add3A_452 : i32 to index
      %get3A_477 = arith.constant 48 : index
      %get3A_478 = tpu.vector_load %arg7[%get3A_475, %get3A_476, %get3A_477] {strides = array<i32>} : memref<2x50x128xf32, #tpu.memory_space<vmem>>, vector<1x1x16xf32>,
      %get3A_479 = vector.shape_cast %get3A_478 : vector<1x1x16xf32> to vector<16xf32>
      %add3A_480 = arith.addf %add3A_420, %get3A_479 : vector<16xf32>
      %get3A_481 = arith.constant 0 : i32
      %get3A_482 = arith.index_cast %get3A_481 : i32 to index
      %get3A_483 = arith.index_cast %add3A_452 : i32 to index
      %get3A_484 = arith.constant 64 : index
      %get3A_485 = tpu.vector_load %arg7[%get3A_482, %get3A_483, %get3A_484] {strides = array<i32>} : memref<2x50x128xf32, #tpu.memory_space<vmem>>, vector<1x1x16xf32>,
      %get3A_486 = vector.shape_cast %get3A_485 : vector<1x1x16xf32> to vector<16xf32>
      %add3A_487 = arith.addf %add3A_427, %get3A_486 : vector<16xf32>
      %get3A_488 = arith.constant 0 : i32
      %get3A_489 = arith.index_cast %get3A_488 : i32 to index
      %get3A_490 = arith.index_cast %add3A_452 : i32 to index
      %get3A_491 = arith.constant 80 : index
      %get3A_492 = tpu.vector_load %arg7[%get3A_489, %get3A_490, %get3A_491] {strides = array<i32>} : memref<2x50x128xf32, #tpu.memory_space<vmem>>, vector<1x1x16xf32>,
      %get3A_493 = vector.shape_cast %get3A_492 : vector<1x1x16xf32> to vector<16xf32>
      %add3A_494 = arith.addf %add3A_434, %get3A_493 : vector<16xf32>
      %get3A_495 = arith.constant 0 : i32
      %get3A_496 = arith.index_cast %get3A_495 : i32 to index
      %get3A_497 = arith.index_cast %add3A_452 : i32 to index
      %get3A_498 = arith.constant 96 : index
      %get3A_499 = tpu.vector_load %arg7[%get3A_496, %get3A_497, %get3A_498] {strides = array<i32>} : memref<2x50x128xf32, #tpu.memory_space<vmem>>, vector<1x1x16xf32>,
      %get3A_500 = vector.shape_cast %get3A_499 : vector<1x1x16xf32> to vector<16xf32>
      %add3A_501 = arith.addf %add3A_441, %get3A_500 : vector<16xf32>
      %get3A_502 = arith.constant 0 : i32
      %get3A_503 = arith.index_cast %get3A_502 : i32 to index
      %get3A_504 = arith.index_cast %add3A_452 : i32 to index
      %get3A_505 = arith.constant 112 : index
      %get3A_506 = tpu.vector_load %arg7[%get3A_503, %get3A_504, %get3A_505] {strides = array<i32>} : memref<2x50x128xf32, #tpu.memory_space<vmem>>, vector<1x1x16xf32>,
      %get3A_507 = vector.shape_cast %get3A_506 : vector<1x1x16xf32> to vector<16xf32>
      %add3A_508 = arith.addf %add3A_448, %get3A_507 : vector<16xf32>
      scf.yield %add3A_459, %add3A_466, %add3A_473, %add3A_480, %add3A_487, %add3A_494, %add3A_501, %add3A_508 : vector<16xf32>, vector<16xf32>, vector<16xf32>, vector<16xf32>, vector<16xf32>, vector<16xf32>, vector<16xf32>, vector<16xf32>
    }
    %scan3A_52 = arith.constant 10 : i32
    %mul3A_53 = vector.broadcast %squeeze3A : f32 to vector<16xf32>
    %mul3A_54 = arith.mulf %scan3A_51#0, %mul3A_53 : vector<16xf32>
    %swap3A = arith.constant 62 : i32
    %swap3A_55 = arith.index_cast %swap3A : i32 to index
    %swap3A_56 = arith.constant 0 : index
    %swap3A_57 = tpu.vector_load %arg8[%swap3A_55, %swap3A_56] {strides = array<i32>} : memref<64x128xf32, #tpu.memory_space<vmem>>, vector<1x16xf32>,
    %swap3A_58 = vector.shape_cast %swap3A_57 : vector<1x16xf32> to vector<16xf32>
    %swap3A_59 = vector.shape_cast %mul3A_54 : vector<16xf32> to vector<1x16xf32>
    tpu.vector_store %arg8[%swap3A_55, %swap3A_56], %swap3A_59 {strides = array<i32>} : memref<64x128xf32, #tpu.memory_space<vmem>>, vector<1x16xf32>,
    %mul3A_60 = vector.broadcast %squeeze3A : f32 to vector<16xf32>
    %mul3A_61 = arith.mulf %scan3A_51#1, %mul3A_60 : vector<16xf32>
    %swap3A_62 = arith.constant 62 : i32
    %swap3A_63 = arith.index_cast %swap3A_62 : i32 to index
    %swap3A_64 = arith.constant 16 : index
    %swap3A_65 = tpu.vector_load %arg8[%swap3A_63, %swap3A_64] {strides = array<i32>} : memref<64x128xf32, #tpu.memory_space<vmem>>, vector<1x16xf32>,
    %swap3A_66 = vector.shape_cast %swap3A_65 : vector<1x16xf32> to vector<16xf32>
    %swap3A_67 = vector.shape_cast %mul3A_61 : vector<16xf32> to vector<1x16xf32>
    tpu.vector_store %arg8[%swap3A_63, %swap3A_64], %swap3A_67 {strides = array<i32>} : memref<64x128xf32, #tpu.memory_space<vmem>>, vector<1x16xf32>,
    %mul3A_68 = vector.broadcast %squeeze3A : f32 to vector<16xf32>
    %mul3A_69 = arith.mulf %scan3A_51#2, %mul3A_68 : vector<16xf32>
    %swap3A_70 = arith.constant 62 : i32
    %swap3A_71 = arith.index_cast %swap3A_70 : i32 to index
    %swap3A_72 = arith.constant 32 : index
    %swap3A_73 = tpu.vector_load %arg8[%swap3A_71, %swap3A_72] {strides = array<i32>} : memref<64x128xf32, #tpu.memory_space<vmem>>, vector<1x16xf32>,
    %swap3A_74 = vector.shape_cast %swap3A_73 : vector<1x16xf32> to vector<16xf32>
    %swap3A_75 = vector.shape_cast %mul3A_69 : vector<16xf32> to vector<1x16xf32>
    tpu.vector_store %arg8[%swap3A_71, %swap3A_72], %swap3A_75 {strides = array<i32>} : memref<64x128xf32, #tpu.memory_space<vmem>>, vector<1x16xf32>,
    %mul3A_76 = vector.broadcast %squeeze3A : f32 to vector<16xf32>
    %mul3A_77 = arith.mulf %scan3A_51#3, %mul3A_76 : vector<16xf32>
    %swap3A_78 = arith.constant 62 : i32
    %swap3A_79 = arith.index_cast %swap3A_78 : i32 to index
    %swap3A_80 = arith.constant 48 : index
    %swap3A_81 = tpu.vector_load %arg8[%swap3A_79, %swap3A_80] {strides = array<i32>} : memref<64x128xf32, #tpu.memory_space<vmem>>, vector<1x16xf32>,
    %swap3A_82 = vector.shape_cast %swap3A_81 : vector<1x16xf32> to vector<16xf32>
    %swap3A_83 = vector.shape_cast %mul3A_77 : vector<16xf32> to vector<1x16xf32>
    tpu.vector_store %arg8[%swap3A_79, %swap3A_80], %swap3A_83 {strides = array<i32>} : memref<64x128xf32, #tpu.memory_space<vmem>>, vector<1x16xf32>,
    %mul3A_84 = vector.broadcast %squeeze3A : f32 to vector<16xf32>
    %mul3A_85 = arith.mulf %scan3A_51#4, %mul3A_84 : vector<16xf32>
    %swap3A_86 = arith.constant 62 : i32
    %swap3A_87 = arith.index_cast %swap3A_86 : i32 to index
    %swap3A_88 = arith.constant 64 : index
    %swap3A_89 = tpu.vector_load %arg8[%swap3A_87, %swap3A_88] {strides = array<i32>} : memref<64x128xf32, #tpu.memory_space<vmem>>, vector<1x16xf32>,
    %swap3A_90 = vector.shape_cast %swap3A_89 : vector<1x16xf32> to vector<16xf32>
    %swap3A_91 = vector.shape_cast %mul3A_85 : vector<16xf32> to vector<1x16xf32>
    tpu.vector_store %arg8[%swap3A_87, %swap3A_88], %swap3A_91 {strides = array<i32>} : memref<64x128xf32, #tpu.memory_space<vmem>>, vector<1x16xf32>,
    %mul3A_92 = vector.broadcast %squeeze3A : f32 to vector<16xf32>
    %mul3A_93 = arith.mulf %scan3A_51#5, %mul3A_92 : vector<16xf32>
    %swap3A_94 = arith.constant 62 : i32
    %swap3A_95 = arith.index_cast %swap3A_94 : i32 to index
    %swap3A_96 = arith.constant 80 : index
    %swap3A_97 = tpu.vector_load %arg8[%swap3A_95, %swap3A_96] {strides = array<i32>} : memref<64x128xf32, #tpu.memory_space<vmem>>, vector<1x16xf32>,
    %swap3A_98 = vector.shape_cast %swap3A_97 : vector<1x16xf32> to vector<16xf32>
    %swap3A_99 = vector.shape_cast %mul3A_93 : vector<16xf32> to vector<1x16xf32>
    tpu.vector_store %arg8[%swap3A_95, %swap3A_96], %swap3A_99 {strides = array<i32>} : memref<64x128xf32, #tpu.memory_space<vmem>>, vector<1x16xf32>,
    %mul3A_100 = vector.broadcast %squeeze3A : f32 to vector<16xf32>
    %mul3A_101 = arith.mulf %scan3A_51#6, %mul3A_100 : vector<16xf32>
    %swap3A_102 = arith.constant 62 : i32
    %swap3A_103 = arith.index_cast %swap3A_102 : i32 to index
    %swap3A_104 = arith.constant 96 : index
    %swap3A_105 = tpu.vector_load %arg8[%swap3A_103, %swap3A_104] {strides = array<i32>} : memref<64x128xf32, #tpu.memory_space<vmem>>, vector<1x16xf32>,
    %swap3A_106 = vector.shape_cast %swap3A_105 : vector<1x16xf32> to vector<16xf32>
    %swap3A_107 = vector.shape_cast %mul3A_101 : vector<16xf32> to vector<1x16xf32>
    tpu.vector_store %arg8[%swap3A_103, %swap3A_104], %swap3A_107 {strides = array<i32>} : memref<64x128xf32, #tpu.memory_space<vmem>>, vector<1x16xf32>,
    %mul3A_108 = vector.broadcast %squeeze3A : f32 to vector<16xf32>
    %mul3A_109 = arith.mulf %scan3A_51#7, %mul3A_108 : vector<16xf32>
    %swap3A_110 = arith.constant 62 : i32
    %swap3A_111 = arith.index_cast %swap3A_110 : i32 to index
    %swap3A_112 = arith.constant 112 : index
    %swap3A_113 = tpu.vector_load %arg8[%swap3A_111, %swap3A_112] {strides = array<i32>} : memref<64x128xf32, #tpu.memory_space<vmem>>, vector<1x16xf32>,
    %swap3A_114 = vector.shape_cast %swap3A_113 : vector<1x16xf32> to vector<16xf32>
    %swap3A_115 = vector.shape_cast %mul3A_109 : vector<16xf32> to vector<1x16xf32>
    tpu.vector_store %arg8[%swap3A_111, %swap3A_112], %swap3A_115 {strides = array<i32>} : memref<64x128xf32, #tpu.memory_space<vmem>>, vector<1x16xf32>,
    %dma_wait3A_116 = arith.constant 63 : i32
    %dma_wait3A_117 = arith.constant 1 : i32
    %dma_wait3A_118 = arith.constant 0 : i32
    %dma_wait3A_119 = arith.constant 0 : i32
    %dma_wait3A_120 = tpu.memref_slice %arg7[%dma_wait3A_117, %dma_wait3A_118, %dma_wait3A_119] : memref<2x50x128xf32, #tpu.memory_space<vmem>> -> memref<1x50x128xf32, #tpu.memory_space<vmem>>
    %dma_wait3A_121 = tpu.memref_squeeze %dma_wait3A_120 : memref<1x50x128xf32, #tpu.memory_space<vmem>> -> memref<50x128xf32, #tpu.memory_space<vmem>>
    %dma_wait3A_122 = arith.constant 0 : i32
    %dma_wait3A_123 = tpu.memref_slice %arg6[%dma_wait3A_116, %dma_wait3A_122] : memref<64x50xi32, #tpu.memory_space<vmem>> -> memref<1x50xi32, #tpu.memory_space<vmem>>
    %dma_wait3A_124 = tpu.memref_squeeze %dma_wait3A_123 : memref<1x50xi32, #tpu.memory_space<vmem>> -> memref<50xi32, #tpu.memory_space<vmem>>
    %dma_wait3A_125 = arith.constant 0 : i32
    %dma_wait3A_126 = arith.constant 0 : i32
    %dma_wait3A_127 = tpu.memref_slice %arg9[%dma_wait3A_125, %dma_wait3A_126] : memref<10000x128xf32, #tpu.memory_space<vmem_shared>> -> memref<10000x128xf32, #tpu.memory_space<vmem_shared>>
    tpu.wait_indirect_dma semaphore(%arg11 : memref<!tpu.dma_semaphore, #tpu.memory_space<semaphore_mem>>) src(%dma_wait3A_127 : memref<10000x128xf32, #tpu.memory_space<vmem_shared>>) dst(%dma_wait3A_121 : memref<50x128xf32, #tpu.memory_space<vmem>>)
    %broadcast_in_dim3A_128 = arith.constant 0.000000e+00 : f32
    %broadcast_in_dim3A_129 = vector.broadcast %broadcast_in_dim3A_128 : f32 to vector<16xf32>
    %scan3A_130 = arith.constant 0 : i32
    %scan3A_131 = arith.constant 10 : i32
    %scan3A_132 = arith.addi %scan3A_130, %scan3A_131 : i32
    %scan3A_133 = arith.constant 1 : i32
    %scan3A_134:8 = scf.for %scan3A_200 = %scan3A_130 to %scan3A_132 step %scan3A_133 iter_args(%scan3A_201 = %broadcast_in_dim3A_129, %scan3A_202 = %broadcast_in_dim3A_129, %scan3A_203 = %broadcast_in_dim3A_129, %scan3A_204 = %broadcast_in_dim3A_129, %scan3A_205 = %broadcast_in_dim3A_129, %scan3A_206 = %broadcast_in_dim3A_129, %scan3A_207 = %broadcast_in_dim3A_129, %scan3A_208 = %broadcast_in_dim3A_129) -> (vector<16xf32>, vector<16xf32>, vector<16xf32>, vector<16xf32>, vector<16xf32>, vector<16xf32>, vector<16xf32>, vector<16xf32>)  : i32 {
      %mul3A_209 = arith.constant 5 : i32
      %mul3A_210 = arith.muli %scan3A_200, %mul3A_209 : i32
      %add3A_211 = arith.constant 0 : i32
      %add3A_212 = arith.addi %mul3A_210, %add3A_211 : i32
      %get3A_213 = arith.constant 1 : i32
      %get3A_214 = arith.index_cast %get3A_213 : i32 to index
      %get3A_215 = arith.index_cast %add3A_212 : i32 to index
      %get3A_216 = arith.constant 0 : index
      %get3A_217 = tpu.vector_load %arg7[%get3A_214, %get3A_215, %get3A_216] {strides = array<i32>} : memref<2x50x128xf32, #tpu.memory_space<vmem>>, vector<1x1x16xf32>,
      %get3A_218 = vector.shape_cast %get3A_217 : vector<1x1x16xf32> to vector<16xf32>
      %add3A_219 = arith.addf %scan3A_201, %get3A_218 : vector<16xf32>
      %get3A_220 = arith.constant 1 : i32
      %get3A_221 = arith.index_cast %get3A_220 : i32 to index
      %get3A_222 = arith.index_cast %add3A_212 : i32 to index
      %get3A_223 = arith.constant 16 : index
      %get3A_224 = tpu.vector_load %arg7[%get3A_221, %get3A_222, %get3A_223] {strides = array<i32>} : memref<2x50x128xf32, #tpu.memory_space<vmem>>, vector<1x1x16xf32>,
      %get3A_225 = vector.shape_cast %get3A_224 : vector<1x1x16xf32> to vector<16xf32>
      %add3A_226 = arith.addf %scan3A_202, %get3A_225 : vector<16xf32>
      %get3A_227 = arith.constant 1 : i32
      %get3A_228 = arith.index_cast %get3A_227 : i32 to index
      %get3A_229 = arith.index_cast %add3A_212 : i32 to index
      %get3A_230 = arith.constant 32 : index
      %get3A_231 = tpu.vector_load %arg7[%get3A_228, %get3A_229, %get3A_230] {strides = array<i32>} : memref<2x50x128xf32, #tpu.memory_space<vmem>>, vector<1x1x16xf32>,
      %get3A_232 = vector.shape_cast %get3A_231 : vector<1x1x16xf32> to vector<16xf32>
      %add3A_233 = arith.addf %scan3A_203, %get3A_232 : vector<16xf32>
      %get3A_234 = arith.constant 1 : i32
      %get3A_235 = arith.index_cast %get3A_234 : i32 to index
      %get3A_236 = arith.index_cast %add3A_212 : i32 to index
      %get3A_237 = arith.constant 48 : index
      %get3A_238 = tpu.vector_load %arg7[%get3A_235, %get3A_236, %get3A_237] {strides = array<i32>} : memref<2x50x128xf32, #tpu.memory_space<vmem>>, vector<1x1x16xf32>,
      %get3A_239 = vector.shape_cast %get3A_238 : vector<1x1x16xf32> to vector<16xf32>
      %add3A_240 = arith.addf %scan3A_204, %get3A_239 : vector<16xf32>
      %get3A_241 = arith.constant 1 : i32
      %get3A_242 = arith.index_cast %get3A_241 : i32 to index
      %get3A_243 = arith.index_cast %add3A_212 : i32 to index
      %get3A_244 = arith.constant 64 : index
      %get3A_245 = tpu.vector_load %arg7[%get3A_242, %get3A_243, %get3A_244] {strides = array<i32>} : memref<2x50x128xf32, #tpu.memory_space<vmem>>, vector<1x1x16xf32>,
      %get3A_246 = vector.shape_cast %get3A_245 : vector<1x1x16xf32> to vector<16xf32>
      %add3A_247 = arith.addf %scan3A_205, %get3A_246 : vector<16xf32>
      %get3A_248 = arith.constant 1 : i32
      %get3A_249 = arith.index_cast %get3A_248 : i32 to index
      %get3A_250 = arith.index_cast %add3A_212 : i32 to index
      %get3A_251 = arith.constant 80 : index
      %get3A_252 = tpu.vector_load %arg7[%get3A_249, %get3A_250, %get3A_251] {strides = array<i32>} : memref<2x50x128xf32, #tpu.memory_space<vmem>>, vector<1x1x16xf32>,
      %get3A_253 = vector.shape_cast %get3A_252 : vector<1x1x16xf32> to vector<16xf32>
      %add3A_254 = arith.addf %scan3A_206, %get3A_253 : vector<16xf32>
      %get3A_255 = arith.constant 1 : i32
      %get3A_256 = arith.index_cast %get3A_255 : i32 to index
      %get3A_257 = arith.index_cast %add3A_212 : i32 to index
      %get3A_258 = arith.constant 96 : index
      %get3A_259 = tpu.vector_load %arg7[%get3A_256, %get3A_257, %get3A_258] {strides = array<i32>} : memref<2x50x128xf32, #tpu.memory_space<vmem>>, vector<1x1x16xf32>,
      %get3A_260 = vector.shape_cast %get3A_259 : vector<1x1x16xf32> to vector<16xf32>
      %add3A_261 = arith.addf %scan3A_207, %get3A_260 : vector<16xf32>
      %get3A_262 = arith.constant 1 : i32
      %get3A_263 = arith.index_cast %get3A_262 : i32 to index
      %get3A_264 = arith.index_cast %add3A_212 : i32 to index
      %get3A_265 = arith.constant 112 : index
      %get3A_266 = tpu.vector_load %arg7[%get3A_263, %get3A_264, %get3A_265] {strides = array<i32>} : memref<2x50x128xf32, #tpu.memory_space<vmem>>, vector<1x1x16xf32>,
      %get3A_267 = vector.shape_cast %get3A_266 : vector<1x1x16xf32> to vector<16xf32>
      %add3A_268 = arith.addf %scan3A_208, %get3A_267 : vector<16xf32>
      %mul3A_269 = arith.constant 5 : i32
      %mul3A_270 = arith.muli %scan3A_200, %mul3A_269 : i32
      %add3A_271 = arith.constant 1 : i32
      %add3A_272 = arith.addi %mul3A_270, %add3A_271 : i32
      %get3A_273 = arith.constant 1 : i32
      %get3A_274 = arith.index_cast %get3A_273 : i32 to index
      %get3A_275 = arith.index_cast %add3A_272 : i32 to index
      %get3A_276 = arith.constant 0 : index
      %get3A_277 = tpu.vector_load %arg7[%get3A_274, %get3A_275, %get3A_276] {strides = array<i32>} : memref<2x50x128xf32, #tpu.memory_space<vmem>>, vector<1x1x16xf32>,
      %get3A_278 = vector.shape_cast %get3A_277 : vector<1x1x16xf32> to vector<16xf32>
      %add3A_279 = arith.addf %add3A_219, %get3A_278 : vector<16xf32>
      %get3A_280 = arith.constant 1 : i32
      %get3A_281 = arith.index_cast %get3A_280 : i32 to index
      %get3A_282 = arith.index_cast %add3A_272 : i32 to index
      %get3A_283 = arith.constant 16 : index
      %get3A_284 = tpu.vector_load %arg7[%get3A_281, %get3A_282, %get3A_283] {strides = array<i32>} : memref<2x50x128xf32, #tpu.memory_space<vmem>>, vector<1x1x16xf32>,
      %get3A_285 = vector.shape_cast %get3A_284 : vector<1x1x16xf32> to vector<16xf32>
      %add3A_286 = arith.addf %add3A_226, %get3A_285 : vector<16xf32>
      %get3A_287 = arith.constant 1 : i32
      %get3A_288 = arith.index_cast %get3A_287 : i32 to index
      %get3A_289 = arith.index_cast %add3A_272 : i32 to index
      %get3A_290 = arith.constant 32 : index
      %get3A_291 = tpu.vector_load %arg7[%get3A_288, %get3A_289, %get3A_290] {strides = array<i32>} : memref<2x50x128xf32, #tpu.memory_space<vmem>>, vector<1x1x16xf32>,
      %get3A_292 = vector.shape_cast %get3A_291 : vector<1x1x16xf32> to vector<16xf32>
      %add3A_293 = arith.addf %add3A_233, %get3A_292 : vector<16xf32>
      %get3A_294 = arith.constant 1 : i32
      %get3A_295 = arith.index_cast %get3A_294 : i32 to index
      %get3A_296 = arith.index_cast %add3A_272 : i32 to index
      %get3A_297 = arith.constant 48 : index
      %get3A_298 = tpu.vector_load %arg7[%get3A_295, %get3A_296, %get3A_297] {strides = array<i32>} : memref<2x50x128xf32, #tpu.memory_space<vmem>>, vector<1x1x16xf32>,
      %get3A_299 = vector.shape_cast %get3A_298 : vector<1x1x16xf32> to vector<16xf32>
      %add3A_300 = arith.addf %add3A_240, %get3A_299 : vector<16xf32>
      %get3A_301 = arith.constant 1 : i32
      %get3A_302 = arith.index_cast %get3A_301 : i32 to index
      %get3A_303 = arith.index_cast %add3A_272 : i32 to index
      %get3A_304 = arith.constant 64 : index
      %get3A_305 = tpu.vector_load %arg7[%get3A_302, %get3A_303, %get3A_304] {strides = array<i32>} : memref<2x50x128xf32, #tpu.memory_space<vmem>>, vector<1x1x16xf32>,
      %get3A_306 = vector.shape_cast %get3A_305 : vector<1x1x16xf32> to vector<16xf32>
      %add3A_307 = arith.addf %add3A_247, %get3A_306 : vector<16xf32>
      %get3A_308 = arith.constant 1 : i32
      %get3A_309 = arith.index_cast %get3A_308 : i32 to index
      %get3A_310 = arith.index_cast %add3A_272 : i32 to index
      %get3A_311 = arith.constant 80 : index
      %get3A_312 = tpu.vector_load %arg7[%get3A_309, %get3A_310, %get3A_311] {strides = array<i32>} : memref<2x50x128xf32, #tpu.memory_space<vmem>>, vector<1x1x16xf32>,
      %get3A_313 = vector.shape_cast %get3A_312 : vector<1x1x16xf32> to vector<16xf32>
      %add3A_314 = arith.addf %add3A_254, %get3A_313 : vector<16xf32>
      %get3A_315 = arith.constant 1 : i32
      %get3A_316 = arith.index_cast %get3A_315 : i32 to index
      %get3A_317 = arith.index_cast %add3A_272 : i32 to index
      %get3A_318 = arith.constant 96 : index
      %get3A_319 = tpu.vector_load %arg7[%get3A_316, %get3A_317, %get3A_318] {strides = array<i32>} : memref<2x50x128xf32, #tpu.memory_space<vmem>>, vector<1x1x16xf32>,
      %get3A_320 = vector.shape_cast %get3A_319 : vector<1x1x16xf32> to vector<16xf32>
      %add3A_321 = arith.addf %add3A_261, %get3A_320 : vector<16xf32>
      %get3A_322 = arith.constant 1 : i32
      %get3A_323 = arith.index_cast %get3A_322 : i32 to index
      %get3A_324 = arith.index_cast %add3A_272 : i32 to index
      %get3A_325 = arith.constant 112 : index
      %get3A_326 = tpu.vector_load %arg7[%get3A_323, %get3A_324, %get3A_325] {strides = array<i32>} : memref<2x50x128xf32, #tpu.memory_space<vmem>>, vector<1x1x16xf32>,
      %get3A_327 = vector.shape_cast %get3A_326 : vector<1x1x16xf32> to vector<16xf32>
      %add3A_328 = arith.addf %add3A_268, %get3A_327 : vector<16xf32>
      %mul3A_329 = arith.constant 5 : i32
      %mul3A_330 = arith.muli %scan3A_200, %mul3A_329 : i32
      %add3A_331 = arith.constant 2 : i32
      %add3A_332 = arith.addi %mul3A_330, %add3A_331 : i32
      %get3A_333 = arith.constant 1 : i32
      %get3A_334 = arith.index_cast %get3A_333 : i32 to index
      %get3A_335 = arith.index_cast %add3A_332 : i32 to index
      %get3A_336 = arith.constant 0 : index
      %get3A_337 = tpu.vector_load %arg7[%get3A_334, %get3A_335, %get3A_336] {strides = array<i32>} : memref<2x50x128xf32, #tpu.memory_space<vmem>>, vector<1x1x16xf32>,
      %get3A_338 = vector.shape_cast %get3A_337 : vector<1x1x16xf32> to vector<16xf32>
      %add3A_339 = arith.addf %add3A_279, %get3A_338 : vector<16xf32>
      %get3A_340 = arith.constant 1 : i32
      %get3A_341 = arith.index_cast %get3A_340 : i32 to index
      %get3A_342 = arith.index_cast %add3A_332 : i32 to index
      %get3A_343 = arith.constant 16 : index
      %get3A_344 = tpu.vector_load %arg7[%get3A_341, %get3A_342, %get3A_343] {strides = array<i32>} : memref<2x50x128xf32, #tpu.memory_space<vmem>>, vector<1x1x16xf32>,
      %get3A_345 = vector.shape_cast %get3A_344 : vector<1x1x16xf32> to vector<16xf32>
      %add3A_346 = arith.addf %add3A_286, %get3A_345 : vector<16xf32>
      %get3A_347 = arith.constant 1 : i32
      %get3A_348 = arith.index_cast %get3A_347 : i32 to index
      %get3A_349 = arith.index_cast %add3A_332 : i32 to index
      %get3A_350 = arith.constant 32 : index
      %get3A_351 = tpu.vector_load %arg7[%get3A_348, %get3A_349, %get3A_350] {strides = array<i32>} : memref<2x50x128xf32, #tpu.memory_space<vmem>>, vector<1x1x16xf32>,
      %get3A_352 = vector.shape_cast %get3A_351 : vector<1x1x16xf32> to vector<16xf32>
      %add3A_353 = arith.addf %add3A_293, %get3A_352 : vector<16xf32>
      %get3A_354 = arith.constant 1 : i32
      %get3A_355 = arith.index_cast %get3A_354 : i32 to index
      %get3A_356 = arith.index_cast %add3A_332 : i32 to index
      %get3A_357 = arith.constant 48 : index
      %get3A_358 = tpu.vector_load %arg7[%get3A_355, %get3A_356, %get3A_357] {strides = array<i32>} : memref<2x50x128xf32, #tpu.memory_space<vmem>>, vector<1x1x16xf32>,
      %get3A_359 = vector.shape_cast %get3A_358 : vector<1x1x16xf32> to vector<16xf32>
      %add3A_360 = arith.addf %add3A_300, %get3A_359 : vector<16xf32>
      %get3A_361 = arith.constant 1 : i32
      %get3A_362 = arith.index_cast %get3A_361 : i32 to index
      %get3A_363 = arith.index_cast %add3A_332 : i32 to index
      %get3A_364 = arith.constant 64 : index
      %get3A_365 = tpu.vector_load %arg7[%get3A_362, %get3A_363, %get3A_364] {strides = array<i32>} : memref<2x50x128xf32, #tpu.memory_space<vmem>>, vector<1x1x16xf32>,
      %get3A_366 = vector.shape_cast %get3A_365 : vector<1x1x16xf32> to vector<16xf32>
      %add3A_367 = arith.addf %add3A_307, %get3A_366 : vector<16xf32>
      %get3A_368 = arith.constant 1 : i32
      %get3A_369 = arith.index_cast %get3A_368 : i32 to index
      %get3A_370 = arith.index_cast %add3A_332 : i32 to index
      %get3A_371 = arith.constant 80 : index
      %get3A_372 = tpu.vector_load %arg7[%get3A_369, %get3A_370, %get3A_371] {strides = array<i32>} : memref<2x50x128xf32, #tpu.memory_space<vmem>>, vector<1x1x16xf32>,
      %get3A_373 = vector.shape_cast %get3A_372 : vector<1x1x16xf32> to vector<16xf32>
      %add3A_374 = arith.addf %add3A_314, %get3A_373 : vector<16xf32>
      %get3A_375 = arith.constant 1 : i32
      %get3A_376 = arith.index_cast %get3A_375 : i32 to index
      %get3A_377 = arith.index_cast %add3A_332 : i32 to index
      %get3A_378 = arith.constant 96 : index
      %get3A_379 = tpu.vector_load %arg7[%get3A_376, %get3A_377, %get3A_378] {strides = array<i32>} : memref<2x50x128xf32, #tpu.memory_space<vmem>>, vector<1x1x16xf32>,
      %get3A_380 = vector.shape_cast %get3A_379 : vector<1x1x16xf32> to vector<16xf32>
      %add3A_381 = arith.addf %add3A_321, %get3A_380 : vector<16xf32>
      %get3A_382 = arith.constant 1 : i32
      %get3A_383 = arith.index_cast %get3A_382 : i32 to index
      %get3A_384 = arith.index_cast %add3A_332 : i32 to index
      %get3A_385 = arith.constant 112 : index
      %get3A_386 = tpu.vector_load %arg7[%get3A_383, %get3A_384, %get3A_385] {strides = array<i32>} : memref<2x50x128xf32, #tpu.memory_space<vmem>>, vector<1x1x16xf32>,
      %get3A_387 = vector.shape_cast %get3A_386 : vector<1x1x16xf32> to vector<16xf32>
      %add3A_388 = arith.addf %add3A_328, %get3A_387 : vector<16xf32>
      %mul3A_389 = arith.constant 5 : i32
      %mul3A_390 = arith.muli %scan3A_200, %mul3A_389 : i32
      %add3A_391 = arith.constant 3 : i32
      %add3A_392 = arith.addi %mul3A_390, %add3A_391 : i32
      %get3A_393 = arith.constant 1 : i32
      %get3A_394 = arith.index_cast %get3A_393 : i32 to index
      %get3A_395 = arith.index_cast %add3A_392 : i32 to index
      %get3A_396 = arith.constant 0 : index
      %get3A_397 = tpu.vector_load %arg7[%get3A_394, %get3A_395, %get3A_396] {strides = array<i32>} : memref<2x50x128xf32, #tpu.memory_space<vmem>>, vector<1x1x16xf32>,
      %get3A_398 = vector.shape_cast %get3A_397 : vector<1x1x16xf32> to vector<16xf32>
      %add3A_399 = arith.addf %add3A_339, %get3A_398 : vector<16xf32>
      %get3A_400 = arith.constant 1 : i32
      %get3A_401 = arith.index_cast %get3A_400 : i32 to index
      %get3A_402 = arith.index_cast %add3A_392 : i32 to index
      %get3A_403 = arith.constant 16 : index
      %get3A_404 = tpu.vector_load %arg7[%get3A_401, %get3A_402, %get3A_403] {strides = array<i32>} : memref<2x50x128xf32, #tpu.memory_space<vmem>>, vector<1x1x16xf32>,
      %get3A_405 = vector.shape_cast %get3A_404 : vector<1x1x16xf32> to vector<16xf32>
      %add3A_406 = arith.addf %add3A_346, %get3A_405 : vector<16xf32>
      %get3A_407 = arith.constant 1 : i32
      %get3A_408 = arith.index_cast %get3A_407 : i32 to index
      %get3A_409 = arith.index_cast %add3A_392 : i32 to index
      %get3A_410 = arith.constant 32 : index
      %get3A_411 = tpu.vector_load %arg7[%get3A_408, %get3A_409, %get3A_410] {strides = array<i32>} : memref<2x50x128xf32, #tpu.memory_space<vmem>>, vector<1x1x16xf32>,
      %get3A_412 = vector.shape_cast %get3A_411 : vector<1x1x16xf32> to vector<16xf32>
      %add3A_413 = arith.addf %add3A_353, %get3A_412 : vector<16xf32>
      %get3A_414 = arith.constant 1 : i32
      %get3A_415 = arith.index_cast %get3A_414 : i32 to index
      %get3A_416 = arith.index_cast %add3A_392 : i32 to index
      %get3A_417 = arith.constant 48 : index
      %get3A_418 = tpu.vector_load %arg7[%get3A_415, %get3A_416, %get3A_417] {strides = array<i32>} : memref<2x50x128xf32, #tpu.memory_space<vmem>>, vector<1x1x16xf32>,
      %get3A_419 = vector.shape_cast %get3A_418 : vector<1x1x16xf32> to vector<16xf32>
      %add3A_420 = arith.addf %add3A_360, %get3A_419 : vector<16xf32>
      %get3A_421 = arith.constant 1 : i32
      %get3A_422 = arith.index_cast %get3A_421 : i32 to index
      %get3A_423 = arith.index_cast %add3A_392 : i32 to index
      %get3A_424 = arith.constant 64 : index
      %get3A_425 = tpu.vector_load %arg7[%get3A_422, %get3A_423, %get3A_424] {strides = array<i32>} : memref<2x50x128xf32, #tpu.memory_space<vmem>>, vector<1x1x16xf32>,
      %get3A_426 = vector.shape_cast %get3A_425 : vector<1x1x16xf32> to vector<16xf32>
      %add3A_427 = arith.addf %add3A_367, %get3A_426 : vector<16xf32>
      %get3A_428 = arith.constant 1 : i32
      %get3A_429 = arith.index_cast %get3A_428 : i32 to index
      %get3A_430 = arith.index_cast %add3A_392 : i32 to index
      %get3A_431 = arith.constant 80 : index
      %get3A_432 = tpu.vector_load %arg7[%get3A_429, %get3A_430, %get3A_431] {strides = array<i32>} : memref<2x50x128xf32, #tpu.memory_space<vmem>>, vector<1x1x16xf32>,
      %get3A_433 = vector.shape_cast %get3A_432 : vector<1x1x16xf32> to vector<16xf32>
      %add3A_434 = arith.addf %add3A_374, %get3A_433 : vector<16xf32>
      %get3A_435 = arith.constant 1 : i32
      %get3A_436 = arith.index_cast %get3A_435 : i32 to index
      %get3A_437 = arith.index_cast %add3A_392 : i32 to index
      %get3A_438 = arith.constant 96 : index
      %get3A_439 = tpu.vector_load %arg7[%get3A_436, %get3A_437, %get3A_438] {strides = array<i32>} : memref<2x50x128xf32, #tpu.memory_space<vmem>>, vector<1x1x16xf32>,
      %get3A_440 = vector.shape_cast %get3A_439 : vector<1x1x16xf32> to vector<16xf32>
      %add3A_441 = arith.addf %add3A_381, %get3A_440 : vector<16xf32>
      %get3A_442 = arith.constant 1 : i32
      %get3A_443 = arith.index_cast %get3A_442 : i32 to index
      %get3A_444 = arith.index_cast %add3A_392 : i32 to index
      %get3A_445 = arith.constant 112 : index
      %get3A_446 = tpu.vector_load %arg7[%get3A_443, %get3A_444, %get3A_445] {strides = array<i32>} : memref<2x50x128xf32, #tpu.memory_space<vmem>>, vector<1x1x16xf32>,
      %get3A_447 = vector.shape_cast %get3A_446 : vector<1x1x16xf32> to vector<16xf32>
      %add3A_448 = arith.addf %add3A_388, %get3A_447 : vector<16xf32>
      %mul3A_449 = arith.constant 5 : i32
      %mul3A_450 = arith.muli %scan3A_200, %mul3A_449 : i32
      %add3A_451 = arith.constant 4 : i32
      %add3A_452 = arith.addi %mul3A_450, %add3A_451 : i32
      %get3A_453 = arith.constant 1 : i32
      %get3A_454 = arith.index_cast %get3A_453 : i32 to index
      %get3A_455 = arith.index_cast %add3A_452 : i32 to index
      %get3A_456 = arith.constant 0 : index
      %get3A_457 = tpu.vector_load %arg7[%get3A_454, %get3A_455, %get3A_456] {strides = array<i32>} : memref<2x50x128xf32, #tpu.memory_space<vmem>>, vector<1x1x16xf32>,
      %get3A_458 = vector.shape_cast %get3A_457 : vector<1x1x16xf32> to vector<16xf32>
      %add3A_459 = arith.addf %add3A_399, %get3A_458 : vector<16xf32>
      %get3A_460 = arith.constant 1 : i32
      %get3A_461 = arith.index_cast %get3A_460 : i32 to index
      %get3A_462 = arith.index_cast %add3A_452 : i32 to index
      %get3A_463 = arith.constant 16 : index
      %get3A_464 = tpu.vector_load %arg7[%get3A_461, %get3A_462, %get3A_463] {strides = array<i32>} : memref<2x50x128xf32, #tpu.memory_space<vmem>>, vector<1x1x16xf32>,
      %get3A_465 = vector.shape_cast %get3A_464 : vector<1x1x16xf32> to vector<16xf32>
      %add3A_466 = arith.addf %add3A_406, %get3A_465 : vector<16xf32>
      %get3A_467 = arith.constant 1 : i32
      %get3A_468 = arith.index_cast %get3A_467 : i32 to index
      %get3A_469 = arith.index_cast %add3A_452 : i32 to index
      %get3A_470 = arith.constant 32 : index
      %get3A_471 = tpu.vector_load %arg7[%get3A_468, %get3A_469, %get3A_470] {strides = array<i32>} : memref<2x50x128xf32, #tpu.memory_space<vmem>>, vector<1x1x16xf32>,
      %get3A_472 = vector.shape_cast %get3A_471 : vector<1x1x16xf32> to vector<16xf32>
      %add3A_473 = arith.addf %add3A_413, %get3A_472 : vector<16xf32>
      %get3A_474 = arith.constant 1 : i32
      %get3A_475 = arith.index_cast %get3A_474 : i32 to index
      %get3A_476 = arith.index_cast %add3A_452 : i32 to index
      %get3A_477 = arith.constant 48 : index
      %get3A_478 = tpu.vector_load %arg7[%get3A_475, %get3A_476, %get3A_477] {strides = array<i32>} : memref<2x50x128xf32, #tpu.memory_space<vmem>>, vector<1x1x16xf32>,
      %get3A_479 = vector.shape_cast %get3A_478 : vector<1x1x16xf32> to vector<16xf32>
      %add3A_480 = arith.addf %add3A_420, %get3A_479 : vector<16xf32>
      %get3A_481 = arith.constant 1 : i32
      %get3A_482 = arith.index_cast %get3A_481 : i32 to index
      %get3A_483 = arith.index_cast %add3A_452 : i32 to index
      %get3A_484 = arith.constant 64 : index
      %get3A_485 = tpu.vector_load %arg7[%get3A_482, %get3A_483, %get3A_484] {strides = array<i32>} : memref<2x50x128xf32, #tpu.memory_space<vmem>>, vector<1x1x16xf32>,
      %get3A_486 = vector.shape_cast %get3A_485 : vector<1x1x16xf32> to vector<16xf32>
      %add3A_487 = arith.addf %add3A_427, %get3A_486 : vector<16xf32>
      %get3A_488 = arith.constant 1 : i32
      %get3A_489 = arith.index_cast %get3A_488 : i32 to index
      %get3A_490 = arith.index_cast %add3A_452 : i32 to index
      %get3A_491 = arith.constant 80 : index
      %get3A_492 = tpu.vector_load %arg7[%get3A_489, %get3A_490, %get3A_491] {strides = array<i32>} : memref<2x50x128xf32, #tpu.memory_space<vmem>>, vector<1x1x16xf32>,
      %get3A_493 = vector.shape_cast %get3A_492 : vector<1x1x16xf32> to vector<16xf32>
      %add3A_494 = arith.addf %add3A_434, %get3A_493 : vector<16xf32>
      %get3A_495 = arith.constant 1 : i32
      %get3A_496 = arith.index_cast %get3A_495 : i32 to index
      %get3A_497 = arith.index_cast %add3A_452 : i32 to index
      %get3A_498 = arith.constant 96 : index
      %get3A_499 = tpu.vector_load %arg7[%get3A_496, %get3A_497, %get3A_498] {strides = array<i32>} : memref<2x50x128xf32, #tpu.memory_space<vmem>>, vector<1x1x16xf32>,
      %get3A_500 = vector.shape_cast %get3A_499 : vector<1x1x16xf32> to vector<16xf32>
      %add3A_501 = arith.addf %add3A_441, %get3A_500 : vector<16xf32>
      %get3A_502 = arith.constant 1 : i32
      %get3A_503 = arith.index_cast %get3A_502 : i32 to index
      %get3A_504 = arith.index_cast %add3A_452 : i32 to index
      %get3A_505 = arith.constant 112 : index
      %get3A_506 = tpu.vector_load %arg7[%get3A_503, %get3A_504, %get3A_505] {strides = array<i32>} : memref<2x50x128xf32, #tpu.memory_space<vmem>>, vector<1x1x16xf32>,
      %get3A_507 = vector.shape_cast %get3A_506 : vector<1x1x16xf32> to vector<16xf32>
      %add3A_508 = arith.addf %add3A_448, %get3A_507 : vector<16xf32>
      scf.yield %add3A_459, %add3A_466, %add3A_473, %add3A_480, %add3A_487, %add3A_494, %add3A_501, %add3A_508 : vector<16xf32>, vector<16xf32>, vector<16xf32>, vector<16xf32>, vector<16xf32>, vector<16xf32>, vector<16xf32>, vector<16xf32>
    }
    %scan3A_135 = arith.constant 10 : i32
    %mul3A_136 = vector.broadcast %squeeze3A : f32 to vector<16xf32>
    %mul3A_137 = arith.mulf %scan3A_134#0, %mul3A_136 : vector<16xf32>
    %swap3A_138 = arith.constant 63 : i32
    %swap3A_139 = arith.index_cast %swap3A_138 : i32 to index
    %swap3A_140 = arith.constant 0 : index
    %swap3A_141 = tpu.vector_load %arg8[%swap3A_139, %swap3A_140] {strides = array<i32>} : memref<64x128xf32, #tpu.memory_space<vmem>>, vector<1x16xf32>,
    %swap3A_142 = vector.shape_cast %swap3A_141 : vector<1x16xf32> to vector<16xf32>
    %swap3A_143 = vector.shape_cast %mul3A_137 : vector<16xf32> to vector<1x16xf32>
    tpu.vector_store %arg8[%swap3A_139, %swap3A_140], %swap3A_143 {strides = array<i32>} : memref<64x128xf32, #tpu.memory_space<vmem>>, vector<1x16xf32>,
    %mul3A_144 = vector.broadcast %squeeze3A : f32 to vector<16xf32>
    %mul3A_145 = arith.mulf %scan3A_134#1, %mul3A_144 : vector<16xf32>
    %swap3A_146 = arith.constant 63 : i32
    %swap3A_147 = arith.index_cast %swap3A_146 : i32 to index
    %swap3A_148 = arith.constant 16 : index
    %swap3A_149 = tpu.vector_load %arg8[%swap3A_147, %swap3A_148] {strides = array<i32>} : memref<64x128xf32, #tpu.memory_space<vmem>>, vector<1x16xf32>,
    %swap3A_150 = vector.shape_cast %swap3A_149 : vector<1x16xf32> to vector<16xf32>
    %swap3A_151 = vector.shape_cast %mul3A_145 : vector<16xf32> to vector<1x16xf32>
    tpu.vector_store %arg8[%swap3A_147, %swap3A_148], %swap3A_151 {strides = array<i32>} : memref<64x128xf32, #tpu.memory_space<vmem>>, vector<1x16xf32>,
    %mul3A_152 = vector.broadcast %squeeze3A : f32 to vector<16xf32>
    %mul3A_153 = arith.mulf %scan3A_134#2, %mul3A_152 : vector<16xf32>
    %swap3A_154 = arith.constant 63 : i32
    %swap3A_155 = arith.index_cast %swap3A_154 : i32 to index
    %swap3A_156 = arith.constant 32 : index
    %swap3A_157 = tpu.vector_load %arg8[%swap3A_155, %swap3A_156] {strides = array<i32>} : memref<64x128xf32, #tpu.memory_space<vmem>>, vector<1x16xf32>,
    %swap3A_158 = vector.shape_cast %swap3A_157 : vector<1x16xf32> to vector<16xf32>
    %swap3A_159 = vector.shape_cast %mul3A_153 : vector<16xf32> to vector<1x16xf32>
    tpu.vector_store %arg8[%swap3A_155, %swap3A_156], %swap3A_159 {strides = array<i32>} : memref<64x128xf32, #tpu.memory_space<vmem>>, vector<1x16xf32>,
    %mul3A_160 = vector.broadcast %squeeze3A : f32 to vector<16xf32>
    %mul3A_161 = arith.mulf %scan3A_134#3, %mul3A_160 : vector<16xf32>
    %swap3A_162 = arith.constant 63 : i32
    %swap3A_163 = arith.index_cast %swap3A_162 : i32 to index
    %swap3A_164 = arith.constant 48 : index
    %swap3A_165 = tpu.vector_load %arg8[%swap3A_163, %swap3A_164] {strides = array<i32>} : memref<64x128xf32, #tpu.memory_space<vmem>>, vector<1x16xf32>,
    %swap3A_166 = vector.shape_cast %swap3A_165 : vector<1x16xf32> to vector<16xf32>
    %swap3A_167 = vector.shape_cast %mul3A_161 : vector<16xf32> to vector<1x16xf32>
    tpu.vector_store %arg8[%swap3A_163, %swap3A_164], %swap3A_167 {strides = array<i32>} : memref<64x128xf32, #tpu.memory_space<vmem>>, vector<1x16xf32>,
    %mul3A_168 = vector.broadcast %squeeze3A : f32 to vector<16xf32>
    %mul3A_169 = arith.mulf %scan3A_134#4, %mul3A_168 : vector<16xf32>
    %swap3A_170 = arith.constant 63 : i32
    %swap3A_171 = arith.index_cast %swap3A_170 : i32 to index
    %swap3A_172 = arith.constant 64 : index
    %swap3A_173 = tpu.vector_load %arg8[%swap3A_171, %swap3A_172] {strides = array<i32>} : memref<64x128xf32, #tpu.memory_space<vmem>>, vector<1x16xf32>,
    %swap3A_174 = vector.shape_cast %swap3A_173 : vector<1x16xf32> to vector<16xf32>
    %swap3A_175 = vector.shape_cast %mul3A_169 : vector<16xf32> to vector<1x16xf32>
    tpu.vector_store %arg8[%swap3A_171, %swap3A_172], %swap3A_175 {strides = array<i32>} : memref<64x128xf32, #tpu.memory_space<vmem>>, vector<1x16xf32>,
    %mul3A_176 = vector.broadcast %squeeze3A : f32 to vector<16xf32>
    %mul3A_177 = arith.mulf %scan3A_134#5, %mul3A_176 : vector<16xf32>
    %swap3A_178 = arith.constant 63 : i32
    %swap3A_179 = arith.index_cast %swap3A_178 : i32 to index
    %swap3A_180 = arith.constant 80 : index
    %swap3A_181 = tpu.vector_load %arg8[%swap3A_179, %swap3A_180] {strides = array<i32>} : memref<64x128xf32, #tpu.memory_space<vmem>>, vector<1x16xf32>,
    %swap3A_182 = vector.shape_cast %swap3A_181 : vector<1x16xf32> to vector<16xf32>
    %swap3A_183 = vector.shape_cast %mul3A_177 : vector<16xf32> to vector<1x16xf32>
    tpu.vector_store %arg8[%swap3A_179, %swap3A_180], %swap3A_183 {strides = array<i32>} : memref<64x128xf32, #tpu.memory_space<vmem>>, vector<1x16xf32>,
    %mul3A_184 = vector.broadcast %squeeze3A : f32 to vector<16xf32>
    %mul3A_185 = arith.mulf %scan3A_134#6, %mul3A_184 : vector<16xf32>
    %swap3A_186 = arith.constant 63 : i32
    %swap3A_187 = arith.index_cast %swap3A_186 : i32 to index
    %swap3A_188 = arith.constant 96 : index
    %swap3A_189 = tpu.vector_load %arg8[%swap3A_187, %swap3A_188] {strides = array<i32>} : memref<64x128xf32, #tpu.memory_space<vmem>>, vector<1x16xf32>,
    %swap3A_190 = vector.shape_cast %swap3A_189 : vector<1x16xf32> to vector<16xf32>
    %swap3A_191 = vector.shape_cast %mul3A_185 : vector<16xf32> to vector<1x16xf32>
    tpu.vector_store %arg8[%swap3A_187, %swap3A_188], %swap3A_191 {strides = array<i32>} : memref<64x128xf32, #tpu.memory_space<vmem>>, vector<1x16xf32>,
    %mul3A_192 = vector.broadcast %squeeze3A : f32 to vector<16xf32>
    %mul3A_193 = arith.mulf %scan3A_134#7, %mul3A_192 : vector<16xf32>
    %swap3A_194 = arith.constant 63 : i32
    %swap3A_195 = arith.index_cast %swap3A_194 : i32 to index
    %swap3A_196 = arith.constant 112 : index
    %swap3A_197 = tpu.vector_load %arg8[%swap3A_195, %swap3A_196] {strides = array<i32>} : memref<64x128xf32, #tpu.memory_space<vmem>>, vector<1x16xf32>,
    %swap3A_198 = vector.shape_cast %swap3A_197 : vector<1x16xf32> to vector<16xf32>
    %swap3A_199 = vector.shape_cast %mul3A_193 : vector<16xf32> to vector<1x16xf32>
    tpu.vector_store %arg8[%swap3A_195, %swap3A_196], %swap3A_199 {strides = array<i32>} : memref<64x128xf32, #tpu.memory_space<vmem>>, vector<1x16xf32>,
    "tpu.region"() ({
      %run_scoped3A = tpu.sem_alloc : memref<!tpu.dma_semaphore, #tpu.memory_space<semaphore_mem>>
      %dma_start3A_200 = arith.constant 0 : i32
      %dma_start3A_201 = tpu.memref_slice %arg5[%mul3A_4, %dma_start3A_200] : memref<2048x128xf32, #tpu.memory_space<hbm>> -> memref<64x128xf32, #tpu.memory_space<hbm>>
      %dma_start3A_202 = arith.constant 0 : i32
      %dma_start3A_203 = tpu.memref_slice %arg5[%mul3A_4, %dma_start3A_202] : memref<2048x128xf32, #tpu.memory_space<hbm>> -> memref<64x128xf32, #tpu.memory_space<hbm>>
      tpu.enqueue_dma source(%arg8 : memref<64x128xf32, #tpu.memory_space<vmem>>) target(%dma_start3A_203 : memref<64x128xf32, #tpu.memory_space<hbm>>) target_semaphore(%run_scoped3A : memref<!tpu.dma_semaphore, #tpu.memory_space<semaphore_mem>>)
      %dma_wait3A_204 = arith.constant 0 : i32
      %dma_wait3A_205 = tpu.memref_slice %arg5[%mul3A_4, %dma_wait3A_204] : memref<2048x128xf32, #tpu.memory_space<hbm>> -> memref<64x128xf32, #tpu.memory_space<hbm>>
      %dma_wait3A_206 = arith.constant 0 : i32
      %dma_wait3A_207 = tpu.memref_slice %arg5[%mul3A_4, %dma_wait3A_206] : memref<2048x128xf32, #tpu.memory_space<hbm>> -> memref<64x128xf32, #tpu.memory_space<hbm>>
      tpu.wait_dma2 semaphore(%run_scoped3A : memref<!tpu.dma_semaphore, #tpu.memory_space<semaphore_mem>>) src(%arg8 : memref<64x128xf32, #tpu.memory_space<vmem>>) dst(%dma_wait3A_207 : memref<64x128xf32, #tpu.memory_space<hbm>>)
      tpu.yield
    }) : () -> ()
    return
  }
}

#map = affine_map<(d0, d1) -> (0, 0)>
#map1 = affine_map<(d0, d1) -> (0)>
module attributes {stable_mosaic.version = 14 : i64} {
  func.func @_rewritten_body(%arg0: i32, %arg1: i32, %arg2: memref<2048x50xi32, #tpu.memory_space<hbm>>, %arg3: memref<10000x128xf32, #tpu.memory_space<hbm>>, %arg4: memref<1xf32, #tpu.memory_space<hbm>>, %arg5: memref<2048x128xf32, #tpu.memory_space<hbm>>, %arg6: memref<64x50xi32, #tpu.memory_space<vmem>>, %arg7: memref<2x50x128xf32, #tpu.memory_space<vmem>>, %arg8: memref<64x128xf32, #tpu.memory_space<vmem>>, %arg9: memref<10000x128xf32, #tpu.memory_space<vmem_shared>>, %arg10: memref<!tpu.dma_semaphore, #tpu.memory_space<semaphore_mem>>, %arg11: memref<!tpu.dma_semaphore, #tpu.memory_space<semaphore_mem>>) attributes {dimension_semantics = [#tpu.dimension_semantics<core_parallel>, #tpu.dimension_semantics<subcore_parallel>], iteration_bounds = array<i64: 2, 16>, scalar_prefetch = 0 : i64, scratch_operands = 6 : i64, tpu.core_type = #tpu.core_type<sc_vector_subcore>, window_params = [{transform_indices = #map}, {transform_indices = #map}, {transform_indices = #map1}, {transform_indices = #map}]} {
    %empty_ref3A = memref.alloca() : memref<16xf32, #tpu.memory_space<vmem>>
    "tpu.region"() ({
      %run_scoped3A = tpu.sem_alloc : memref<!tpu.dma_semaphore, #tpu.memory_space<semaphore_mem>>
      %dma_start3A_200 = arith.constant 0 : i32
      %dma_start3A_201 = tpu.memref_slice %empty_ref3A[%dma_start3A_200] : memref<16xf32, #tpu.memory_space<vmem>> -> memref<1xf32, #tpu.memory_space<vmem>>
      %dma_start3A_202 = arith.constant 0 : i32
      %dma_start3A_203 = tpu.memref_slice %empty_ref3A[%dma_start3A_202] : memref<16xf32, #tpu.memory_space<vmem>> -> memref<1xf32, #tpu.memory_space<vmem>>
      tpu.enqueue_dma source(%arg4 : memref<1xf32, #tpu.memory_space<hbm>>) target(%dma_start3A_203 : memref<1xf32, #tpu.memory_space<vmem>>) target_semaphore(%run_scoped3A : memref<!tpu.dma_semaphore, #tpu.memory_space<semaphore_mem>>)
      %dma_wait3A_204 = arith.constant 0 : i32
      %dma_wait3A_205 = tpu.memref_slice %empty_ref3A[%dma_wait3A_204] : memref<16xf32, #tpu.memory_space<vmem>> -> memref<1xf32, #tpu.memory_space<vmem>>
      %dma_wait3A_206 = arith.constant 0 : i32
      %dma_wait3A_207 = tpu.memref_slice %empty_ref3A[%dma_wait3A_206] : memref<16xf32, #tpu.memory_space<vmem>> -> memref<1xf32, #tpu.memory_space<vmem>>
      tpu.wait_dma2 semaphore(%run_scoped3A : memref<!tpu.dma_semaphore, #tpu.memory_space<semaphore_mem>>) src(%arg4 : memref<1xf32, #tpu.memory_space<hbm>>) dst(%dma_wait3A_207 : memref<1xf32, #tpu.memory_space<vmem>>)
      tpu.yield
    }) : () -> ()
    %get3A = arith.constant 0 : index
    %get3A_0 = tpu.vector_load %empty_ref3A[%get3A] {strides = array<i32>} : memref<16xf32, #tpu.memory_space<vmem>>, vector<16xf32>,
    %get3A_1 = vector.shape_cast %get3A_0 : vector<16xf32> to vector<16xf32>
    %slice3A = vector.extract_strided_slice %get3A_1 {offsets = [0], sizes = [1], strides = [1]} : vector<16xf32> to vector<1xf32>
    %squeeze3A = vector.extract %slice3A[0] : f32 from vector<1xf32>
    %mul3A = arith.constant 2 : i32
    %mul3A_2 = arith.muli %arg1, %mul3A : i32
    %add3A = arith.addi %mul3A_2, %arg0 : i32
    %mul3A_3 = arith.constant 64 : i32
    %mul3A_4 = arith.muli %add3A, %mul3A_3 : i32
    %lt3A = arith.constant 10 : i32
    %lt3A_5 = arith.cmpi slt, %arg1, %lt3A : i32
    %convert_element_type3A = arith.extui %lt3A_5 : i1 to i32
    %cond3A = arith.constant 0 : i32
    %cond3A_6 = arith.cmpi ne, %convert_element_type3A, %cond3A : i32
    scf.if %cond3A_6 {
      %mul3A_200 = arith.constant 1000 : i32
      %mul3A_201 = arith.muli %arg1, %mul3A_200 : i32
      %mul3A_202 = arith.constant 1000 : i32
      %mul3A_203 = arith.muli %arg1, %mul3A_202 : i32
      "tpu.region"() ({
        %run_scoped3A = tpu.sem_alloc : memref<!tpu.dma_semaphore, #tpu.memory_space<semaphore_mem>>
        %dma_start3A_204 = arith.constant 0 : i32
        %dma_start3A_205 = tpu.memref_slice %arg9[%mul3A_203, %dma_start3A_204] : memref<10000x128xf32, #tpu.memory_space<vmem_shared>> -> memref<1000x128xf32, #tpu.memory_space<vmem_shared>>
        %dma_start3A_206 = arith.constant 0 : i32
        %dma_start3A_207 = tpu.memref_slice %arg3[%mul3A_201, %dma_start3A_206] : memref<10000x128xf32, #tpu.memory_space<hbm>> -> memref<1000x128xf32, #tpu.memory_space<hbm>>
        tpu.enqueue_dma source(%dma_start3A_207 : memref<1000x128xf32, #tpu.memory_space<hbm>>) target(%dma_start3A_205 : memref<1000x128xf32, #tpu.memory_space<vmem_shared>>) target_semaphore(%run_scoped3A : memref<!tpu.dma_semaphore, #tpu.memory_space<semaphore_mem>>)
        %dma_wait3A_208 = arith.constant 0 : i32
        %dma_wait3A_209 = tpu.memref_slice %arg9[%mul3A_203, %dma_wait3A_208] : memref<10000x128xf32, #tpu.memory_space<vmem_shared>> -> memref<1000x128xf32, #tpu.memory_space<vmem_shared>>
        %dma_wait3A_210 = arith.constant 0 : i32
        %dma_wait3A_211 = tpu.memref_slice %arg3[%mul3A_201, %dma_wait3A_210] : memref<10000x128xf32, #tpu.memory_space<hbm>> -> memref<1000x128xf32, #tpu.memory_space<hbm>>
        tpu.wait_dma2 semaphore(%run_scoped3A : memref<!tpu.dma_semaphore, #tpu.memory_space<semaphore_mem>>) src(%dma_wait3A_211 : memref<1000x128xf32, #tpu.memory_space<hbm>>) dst(%dma_wait3A_209 : memref<1000x128xf32, #tpu.memory_space<vmem_shared>>)
        tpu.yield
      }) : () -> ()
    } else {
    }
    "tpu.region"() ({
      %run_scoped3A = tpu.sem_alloc : memref<!tpu.dma_semaphore, #tpu.memory_space<semaphore_mem>>
      %dma_start3A_200 = arith.constant 0 : i32
      %dma_start3A_201 = tpu.memref_slice %arg2[%mul3A_4, %dma_start3A_200] : memref<2048x50xi32, #tpu.memory_space<hbm>> -> memref<64x50xi32, #tpu.memory_space<hbm>>
      %dma_start3A_202 = arith.constant 0 : i32
      %dma_start3A_203 = tpu.memref_slice %arg2[%mul3A_4, %dma_start3A_202] : memref<2048x50xi32, #tpu.memory_space<hbm>> -> memref<64x50xi32, #tpu.memory_space<hbm>>
      tpu.enqueue_dma source(%dma_start3A_203 : memref<64x50xi32, #tpu.memory_space<hbm>>) target(%arg6 : memref<64x50xi32, #tpu.memory_space<vmem>>) target_semaphore(%run_scoped3A : memref<!tpu.dma_semaphore, #tpu.memory_space<semaphore_mem>>)
      %dma_wait3A_204 = arith.constant 0 : i32
      %dma_wait3A_205 = tpu.memref_slice %arg2[%mul3A_4, %dma_wait3A_204] : memref<2048x50xi32, #tpu.memory_space<hbm>> -> memref<64x50xi32, #tpu.memory_space<hbm>>
      %dma_wait3A_206 = arith.constant 0 : i32
      %dma_wait3A_207 = tpu.memref_slice %arg2[%mul3A_4, %dma_wait3A_206] : memref<2048x50xi32, #tpu.memory_space<hbm>> -> memref<64x50xi32, #tpu.memory_space<hbm>>
      tpu.wait_dma2 semaphore(%run_scoped3A : memref<!tpu.dma_semaphore, #tpu.memory_space<semaphore_mem>>) src(%dma_wait3A_207 : memref<64x50xi32, #tpu.memory_space<hbm>>) dst(%arg6 : memref<64x50xi32, #tpu.memory_space<vmem>>)
      tpu.yield
    }) : () -> ()
    %barrier3A = arith.constant 0 : index
    tpu.barrier barrier_id(%barrier3A)
    %dma_start3A = arith.constant 0 : i32
    %dma_start3A_7 = arith.constant 0 : i32
    %dma_start3A_8 = arith.constant 0 : i32
    %dma_start3A_9 = arith.constant 0 : i32
    %dma_start3A_10 = tpu.memref_slice %arg7[%dma_start3A_7, %dma_start3A_8, %dma_start3A_9] : memref<2x50x128xf32, #tpu.memory_space<vmem>> -> memref<1x50x128xf32, #tpu.memory_space<vmem>>
    %dma_start3A_11 = tpu.memref_squeeze %dma_start3A_10 : memref<1x50x128xf32, #tpu.memory_space<vmem>> -> memref<50x128xf32, #tpu.memory_space<vmem>>
    %dma_start3A_12 = arith.constant 0 : i32
    %dma_start3A_13 = tpu.memref_slice %arg6[%dma_start3A, %dma_start3A_12] : memref<64x50xi32, #tpu.memory_space<vmem>> -> memref<1x50xi32, #tpu.memory_space<vmem>>
    %dma_start3A_14 = tpu.memref_squeeze %dma_start3A_13 : memref<1x50xi32, #tpu.memory_space<vmem>> -> memref<50xi32, #tpu.memory_space<vmem>>
    %dma_start3A_15 = arith.constant 0 : i32
    %dma_start3A_16 = arith.constant 0 : i32
    %dma_start3A_17 = tpu.memref_slice %arg9[%dma_start3A_15, %dma_start3A_16] : memref<10000x128xf32, #tpu.memory_space<vmem_shared>> -> memref<10000x128xf32, #tpu.memory_space<vmem_shared>>
    tpu.enqueue_indirect_dma source(%dma_start3A_17 : memref<10000x128xf32, #tpu.memory_space<vmem_shared>>) target(%dma_start3A_11 : memref<50x128xf32, #tpu.memory_space<vmem>>) offsets(%dma_start3A_14 : memref<50xi32, #tpu.memory_space<vmem>>) semaphore(%arg10 : memref<!tpu.dma_semaphore, #tpu.memory_space<semaphore_mem>>)
    %dma_start3A_18 = arith.constant 1 : i32
    %dma_start3A_19 = arith.constant 1 : i32
    %dma_start3A_20 = arith.constant 0 : i32
    %dma_start3A_21 = arith.constant 0 : i32
    %dma_start3A_22 = tpu.memref_slice %arg7[%dma_start3A_19, %dma_start3A_20, %dma_start3A_21] : memref<2x50x128xf32, #tpu.memory_space<vmem>> -> memref<1x50x128xf32, #tpu.memory_space<vmem>>
    %dma_start3A_23 = tpu.memref_squeeze %dma_start3A_22 : memref<1x50x128xf32, #tpu.memory_space<vmem>> -> memref<50x128xf32, #tpu.memory_space<vmem>>
    %dma_start3A_24 = arith.constant 0 : i32
    %dma_start3A_25 = tpu.memref_slice %arg6[%dma_start3A_18, %dma_start3A_24] : memref<64x50xi32, #tpu.memory_space<vmem>> -> memref<1x50xi32, #tpu.memory_space<vmem>>
    %dma_start3A_26 = tpu.memref_squeeze %dma_start3A_25 : memref<1x50xi32, #tpu.memory_space<vmem>> -> memref<50xi32, #tpu.memory_space<vmem>>
    %dma_start3A_27 = arith.constant 0 : i32
    %dma_start3A_28 = arith.constant 0 : i32
    %dma_start3A_29 = tpu.memref_slice %arg9[%dma_start3A_27, %dma_start3A_28] : memref<10000x128xf32, #tpu.memory_space<vmem_shared>> -> memref<10000x128xf32, #tpu.memory_space<vmem_shared>>
    tpu.enqueue_indirect_dma source(%dma_start3A_29 : memref<10000x128xf32, #tpu.memory_space<vmem_shared>>) target(%dma_start3A_23 : memref<50x128xf32, #tpu.memory_space<vmem>>) offsets(%dma_start3A_26 : memref<50xi32, #tpu.memory_space<vmem>>) semaphore(%arg11 : memref<!tpu.dma_semaphore, #tpu.memory_space<semaphore_mem>>)
    %scan3A = arith.constant 0 : i32
    %scan3A_30 = arith.constant 0 : i32
    %scan3A_31 = arith.constant 31 : i32
    %scan3A_32 = arith.addi %scan3A_30, %scan3A_31 : i32
    %scan3A_33 = arith.constant 1 : i32
    scf.for %scan3A_200 = %scan3A_30 to %scan3A_32 step %scan3A_33  : i32 {
      %mul3A_201 = arith.constant 2 : i32
      %mul3A_202 = arith.muli %scan3A_200, %mul3A_201 : i32
      %add3A_203 = arith.constant 0 : i32
      %add3A_204 = arith.addi %mul3A_202, %add3A_203 : i32
      %dma_wait3A_205 = arith.constant 0 : i32
      %dma_wait3A_206 = arith.constant 0 : i32
      %dma_wait3A_207 = arith.constant 0 : i32
      %dma_wait3A_208 = tpu.memref_slice %arg7[%dma_wait3A_205, %dma_wait3A_206, %dma_wait3A_207] : memref<2x50x128xf32, #tpu.memory_space<vmem>> -> memref<1x50x128xf32, #tpu.memory_space<vmem>>
      %dma_wait3A_209 = tpu.memref_squeeze %dma_wait3A_208 : memref<1x50x128xf32, #tpu.memory_space<vmem>> -> memref<50x128xf32, #tpu.memory_space<vmem>>
      %dma_wait3A_210 = arith.constant 0 : i32
      %dma_wait3A_211 = tpu.memref_slice %arg6[%add3A_204, %dma_wait3A_210] : memref<64x50xi32, #tpu.memory_space<vmem>> -> memref<1x50xi32, #tpu.memory_space<vmem>>
      %dma_wait3A_212 = tpu.memref_squeeze %dma_wait3A_211 : memref<1x50xi32, #tpu.memory_space<vmem>> -> memref<50xi32, #tpu.memory_space<vmem>>
      %dma_wait3A_213 = arith.constant 0 : i32
      %dma_wait3A_214 = arith.constant 0 : i32
      %dma_wait3A_215 = tpu.memref_slice %arg9[%dma_wait3A_213, %dma_wait3A_214] : memref<10000x128xf32, #tpu.memory_space<vmem_shared>> -> memref<10000x128xf32, #tpu.memory_space<vmem_shared>>
      tpu.wait_indirect_dma semaphore(%arg10 : memref<!tpu.dma_semaphore, #tpu.memory_space<semaphore_mem>>) src(%dma_wait3A_215 : memref<10000x128xf32, #tpu.memory_space<vmem_shared>>) dst(%dma_wait3A_209 : memref<50x128xf32, #tpu.memory_space<vmem>>)
      %broadcast_in_dim3A_216 = arith.constant 0.000000e+00 : f32
      %broadcast_in_dim3A_217 = vector.broadcast %broadcast_in_dim3A_216 : f32 to vector<16xf32>
      %scan3A_218 = arith.constant 0 : i32
      %scan3A_219 = arith.constant 10 : i32
      %scan3A_220 = arith.addi %scan3A_218, %scan3A_219 : i32
      %scan3A_221 = arith.constant 1 : i32
      %scan3A_222:8 = scf.for %scan3A_385 = %scan3A_218 to %scan3A_220 step %scan3A_221 iter_args(%scan3A_386 = %broadcast_in_dim3A_217, %scan3A_387 = %broadcast_in_dim3A_217, %scan3A_388 = %broadcast_in_dim3A_217, %scan3A_389 = %broadcast_in_dim3A_217, %scan3A_390 = %broadcast_in_dim3A_217, %scan3A_391 = %broadcast_in_dim3A_217, %scan3A_392 = %broadcast_in_dim3A_217, %scan3A_393 = %broadcast_in_dim3A_217) -> (vector<16xf32>, vector<16xf32>, vector<16xf32>, vector<16xf32>, vector<16xf32>, vector<16xf32>, vector<16xf32>, vector<16xf32>)  : i32 {
        %mul3A_394 = arith.constant 5 : i32
        %mul3A_395 = arith.muli %scan3A_385, %mul3A_394 : i32
        %add3A_396 = arith.constant 0 : i32
        %add3A_397 = arith.addi %mul3A_395, %add3A_396 : i32
        %get3A_398 = arith.constant 0 : i32
        %get3A_399 = arith.index_cast %get3A_398 : i32 to index
        %get3A_400 = arith.index_cast %add3A_397 : i32 to index
        %get3A_401 = arith.constant 0 : index
        %get3A_402 = tpu.vector_load %arg7[%get3A_399, %get3A_400, %get3A_401] {strides = array<i32>} : memref<2x50x128xf32, #tpu.memory_space<vmem>>, vector<1x1x16xf32>,
        %get3A_403 = vector.shape_cast %get3A_402 : vector<1x1x16xf32> to vector<16xf32>
        %add3A_404 = arith.addf %scan3A_386, %get3A_403 : vector<16xf32>
        %get3A_405 = arith.constant 0 : i32
        %get3A_406 = arith.index_cast %get3A_405 : i32 to index
        %get3A_407 = arith.index_cast %add3A_397 : i32 to index
        %get3A_408 = arith.constant 16 : index
        %get3A_409 = tpu.vector_load %arg7[%get3A_406, %get3A_407, %get3A_408] {strides = array<i32>} : memref<2x50x128xf32, #tpu.memory_space<vmem>>, vector<1x1x16xf32>,
        %get3A_410 = vector.shape_cast %get3A_409 : vector<1x1x16xf32> to vector<16xf32>
        %add3A_411 = arith.addf %scan3A_387, %get3A_410 : vector<16xf32>
        %get3A_412 = arith.constant 0 : i32
        %get3A_413 = arith.index_cast %get3A_412 : i32 to index
        %get3A_414 = arith.index_cast %add3A_397 : i32 to index
        %get3A_415 = arith.constant 32 : index
        %get3A_416 = tpu.vector_load %arg7[%get3A_413, %get3A_414, %get3A_415] {strides = array<i32>} : memref<2x50x128xf32, #tpu.memory_space<vmem>>, vector<1x1x16xf32>,
        %get3A_417 = vector.shape_cast %get3A_416 : vector<1x1x16xf32> to vector<16xf32>
        %add3A_418 = arith.addf %scan3A_388, %get3A_417 : vector<16xf32>
        %get3A_419 = arith.constant 0 : i32
        %get3A_420 = arith.index_cast %get3A_419 : i32 to index
        %get3A_421 = arith.index_cast %add3A_397 : i32 to index
        %get3A_422 = arith.constant 48 : index
        %get3A_423 = tpu.vector_load %arg7[%get3A_420, %get3A_421, %get3A_422] {strides = array<i32>} : memref<2x50x128xf32, #tpu.memory_space<vmem>>, vector<1x1x16xf32>,
        %get3A_424 = vector.shape_cast %get3A_423 : vector<1x1x16xf32> to vector<16xf32>
        %add3A_425 = arith.addf %scan3A_389, %get3A_424 : vector<16xf32>
        %get3A_426 = arith.constant 0 : i32
        %get3A_427 = arith.index_cast %get3A_426 : i32 to index
        %get3A_428 = arith.index_cast %add3A_397 : i32 to index
        %get3A_429 = arith.constant 64 : index
        %get3A_430 = tpu.vector_load %arg7[%get3A_427, %get3A_428, %get3A_429] {strides = array<i32>} : memref<2x50x128xf32, #tpu.memory_space<vmem>>, vector<1x1x16xf32>,
        %get3A_431 = vector.shape_cast %get3A_430 : vector<1x1x16xf32> to vector<16xf32>
        %add3A_432 = arith.addf %scan3A_390, %get3A_431 : vector<16xf32>
        %get3A_433 = arith.constant 0 : i32
        %get3A_434 = arith.index_cast %get3A_433 : i32 to index
        %get3A_435 = arith.index_cast %add3A_397 : i32 to index
        %get3A_436 = arith.constant 80 : index
        %get3A_437 = tpu.vector_load %arg7[%get3A_434, %get3A_435, %get3A_436] {strides = array<i32>} : memref<2x50x128xf32, #tpu.memory_space<vmem>>, vector<1x1x16xf32>,
        %get3A_438 = vector.shape_cast %get3A_437 : vector<1x1x16xf32> to vector<16xf32>
        %add3A_439 = arith.addf %scan3A_391, %get3A_438 : vector<16xf32>
        %get3A_440 = arith.constant 0 : i32
        %get3A_441 = arith.index_cast %get3A_440 : i32 to index
        %get3A_442 = arith.index_cast %add3A_397 : i32 to index
        %get3A_443 = arith.constant 96 : index
        %get3A_444 = tpu.vector_load %arg7[%get3A_441, %get3A_442, %get3A_443] {strides = array<i32>} : memref<2x50x128xf32, #tpu.memory_space<vmem>>, vector<1x1x16xf32>,
        %get3A_445 = vector.shape_cast %get3A_444 : vector<1x1x16xf32> to vector<16xf32>
        %add3A_446 = arith.addf %scan3A_392, %get3A_445 : vector<16xf32>
        %get3A_447 = arith.constant 0 : i32
        %get3A_448 = arith.index_cast %get3A_447 : i32 to index
        %get3A_449 = arith.index_cast %add3A_397 : i32 to index
        %get3A_450 = arith.constant 112 : index
        %get3A_451 = tpu.vector_load %arg7[%get3A_448, %get3A_449, %get3A_450] {strides = array<i32>} : memref<2x50x128xf32, #tpu.memory_space<vmem>>, vector<1x1x16xf32>,
        %get3A_452 = vector.shape_cast %get3A_451 : vector<1x1x16xf32> to vector<16xf32>
        %add3A_453 = arith.addf %scan3A_393, %get3A_452 : vector<16xf32>
        %mul3A_454 = arith.constant 5 : i32
        %mul3A_455 = arith.muli %scan3A_385, %mul3A_454 : i32
        %add3A_456 = arith.constant 1 : i32
        %add3A_457 = arith.addi %mul3A_455, %add3A_456 : i32
        %get3A_458 = arith.constant 0 : i32
        %get3A_459 = arith.index_cast %get3A_458 : i32 to index
        %get3A_460 = arith.index_cast %add3A_457 : i32 to index
        %get3A_461 = arith.constant 0 : index
        %get3A_462 = tpu.vector_load %arg7[%get3A_459, %get3A_460, %get3A_461] {strides = array<i32>} : memref<2x50x128xf32, #tpu.memory_space<vmem>>, vector<1x1x16xf32>,
        %get3A_463 = vector.shape_cast %get3A_462 : vector<1x1x16xf32> to vector<16xf32>
        %add3A_464 = arith.addf %add3A_404, %get3A_463 : vector<16xf32>
        %get3A_465 = arith.constant 0 : i32
        %get3A_466 = arith.index_cast %get3A_465 : i32 to index
        %get3A_467 = arith.index_cast %add3A_457 : i32 to index
        %get3A_468 = arith.constant 16 : index
        %get3A_469 = tpu.vector_load %arg7[%get3A_466, %get3A_467, %get3A_468] {strides = array<i32>} : memref<2x50x128xf32, #tpu.memory_space<vmem>>, vector<1x1x16xf32>,
        %get3A_470 = vector.shape_cast %get3A_469 : vector<1x1x16xf32> to vector<16xf32>
        %add3A_471 = arith.addf %add3A_411, %get3A_470 : vector<16xf32>
        %get3A_472 = arith.constant 0 : i32
        %get3A_473 = arith.index_cast %get3A_472 : i32 to index
        %get3A_474 = arith.index_cast %add3A_457 : i32 to index
        %get3A_475 = arith.constant 32 : index
        %get3A_476 = tpu.vector_load %arg7[%get3A_473, %get3A_474, %get3A_475] {strides = array<i32>} : memref<2x50x128xf32, #tpu.memory_space<vmem>>, vector<1x1x16xf32>,
        %get3A_477 = vector.shape_cast %get3A_476 : vector<1x1x16xf32> to vector<16xf32>
        %add3A_478 = arith.addf %add3A_418, %get3A_477 : vector<16xf32>
        %get3A_479 = arith.constant 0 : i32
        %get3A_480 = arith.index_cast %get3A_479 : i32 to index
        %get3A_481 = arith.index_cast %add3A_457 : i32 to index
        %get3A_482 = arith.constant 48 : index
        %get3A_483 = tpu.vector_load %arg7[%get3A_480, %get3A_481, %get3A_482] {strides = array<i32>} : memref<2x50x128xf32, #tpu.memory_space<vmem>>, vector<1x1x16xf32>,
        %get3A_484 = vector.shape_cast %get3A_483 : vector<1x1x16xf32> to vector<16xf32>
        %add3A_485 = arith.addf %add3A_425, %get3A_484 : vector<16xf32>
        %get3A_486 = arith.constant 0 : i32
        %get3A_487 = arith.index_cast %get3A_486 : i32 to index
        %get3A_488 = arith.index_cast %add3A_457 : i32 to index
        %get3A_489 = arith.constant 64 : index
        %get3A_490 = tpu.vector_load %arg7[%get3A_487, %get3A_488, %get3A_489] {strides = array<i32>} : memref<2x50x128xf32, #tpu.memory_space<vmem>>, vector<1x1x16xf32>,
        %get3A_491 = vector.shape_cast %get3A_490 : vector<1x1x16xf32> to vector<16xf32>
        %add3A_492 = arith.addf %add3A_432, %get3A_491 : vector<16xf32>
        %get3A_493 = arith.constant 0 : i32
        %get3A_494 = arith.index_cast %get3A_493 : i32 to index
        %get3A_495 = arith.index_cast %add3A_457 : i32 to index
        %get3A_496 = arith.constant 80 : index
        %get3A_497 = tpu.vector_load %arg7[%get3A_494, %get3A_495, %get3A_496] {strides = array<i32>} : memref<2x50x128xf32, #tpu.memory_space<vmem>>, vector<1x1x16xf32>,
        %get3A_498 = vector.shape_cast %get3A_497 : vector<1x1x16xf32> to vector<16xf32>
        %add3A_499 = arith.addf %add3A_439, %get3A_498 : vector<16xf32>
        %get3A_500 = arith.constant 0 : i32
        %get3A_501 = arith.index_cast %get3A_500 : i32 to index
        %get3A_502 = arith.index_cast %add3A_457 : i32 to index
        %get3A_503 = arith.constant 96 : index
        %get3A_504 = tpu.vector_load %arg7[%get3A_501, %get3A_502, %get3A_503] {strides = array<i32>} : memref<2x50x128xf32, #tpu.memory_space<vmem>>, vector<1x1x16xf32>,
        %get3A_505 = vector.shape_cast %get3A_504 : vector<1x1x16xf32> to vector<16xf32>
        %add3A_506 = arith.addf %add3A_446, %get3A_505 : vector<16xf32>
        %get3A_507 = arith.constant 0 : i32
        %get3A_508 = arith.index_cast %get3A_507 : i32 to index
        %get3A_509 = arith.index_cast %add3A_457 : i32 to index
        %get3A_510 = arith.constant 112 : index
        %get3A_511 = tpu.vector_load %arg7[%get3A_508, %get3A_509, %get3A_510] {strides = array<i32>} : memref<2x50x128xf32, #tpu.memory_space<vmem>>, vector<1x1x16xf32>,
        %get3A_512 = vector.shape_cast %get3A_511 : vector<1x1x16xf32> to vector<16xf32>
        %add3A_513 = arith.addf %add3A_453, %get3A_512 : vector<16xf32>
        %mul3A_514 = arith.constant 5 : i32
        %mul3A_515 = arith.muli %scan3A_385, %mul3A_514 : i32
        %add3A_516 = arith.constant 2 : i32
        %add3A_517 = arith.addi %mul3A_515, %add3A_516 : i32
        %get3A_518 = arith.constant 0 : i32
        %get3A_519 = arith.index_cast %get3A_518 : i32 to index
        %get3A_520 = arith.index_cast %add3A_517 : i32 to index
        %get3A_521 = arith.constant 0 : index
        %get3A_522 = tpu.vector_load %arg7[%get3A_519, %get3A_520, %get3A_521] {strides = array<i32>} : memref<2x50x128xf32, #tpu.memory_space<vmem>>, vector<1x1x16xf32>,
        %get3A_523 = vector.shape_cast %get3A_522 : vector<1x1x16xf32> to vector<16xf32>
        %add3A_524 = arith.addf %add3A_464, %get3A_523 : vector<16xf32>
        %get3A_525 = arith.constant 0 : i32
        %get3A_526 = arith.index_cast %get3A_525 : i32 to index
        %get3A_527 = arith.index_cast %add3A_517 : i32 to index
        %get3A_528 = arith.constant 16 : index
        %get3A_529 = tpu.vector_load %arg7[%get3A_526, %get3A_527, %get3A_528] {strides = array<i32>} : memref<2x50x128xf32, #tpu.memory_space<vmem>>, vector<1x1x16xf32>,
        %get3A_530 = vector.shape_cast %get3A_529 : vector<1x1x16xf32> to vector<16xf32>
        %add3A_531 = arith.addf %add3A_471, %get3A_530 : vector<16xf32>
        %get3A_532 = arith.constant 0 : i32
        %get3A_533 = arith.index_cast %get3A_532 : i32 to index
        %get3A_534 = arith.index_cast %add3A_517 : i32 to index
        %get3A_535 = arith.constant 32 : index
        %get3A_536 = tpu.vector_load %arg7[%get3A_533, %get3A_534, %get3A_535] {strides = array<i32>} : memref<2x50x128xf32, #tpu.memory_space<vmem>>, vector<1x1x16xf32>,
        %get3A_537 = vector.shape_cast %get3A_536 : vector<1x1x16xf32> to vector<16xf32>
        %add3A_538 = arith.addf %add3A_478, %get3A_537 : vector<16xf32>
        %get3A_539 = arith.constant 0 : i32
        %get3A_540 = arith.index_cast %get3A_539 : i32 to index
        %get3A_541 = arith.index_cast %add3A_517 : i32 to index
        %get3A_542 = arith.constant 48 : index
        %get3A_543 = tpu.vector_load %arg7[%get3A_540, %get3A_541, %get3A_542] {strides = array<i32>} : memref<2x50x128xf32, #tpu.memory_space<vmem>>, vector<1x1x16xf32>,
        %get3A_544 = vector.shape_cast %get3A_543 : vector<1x1x16xf32> to vector<16xf32>
        %add3A_545 = arith.addf %add3A_485, %get3A_544 : vector<16xf32>
        %get3A_546 = arith.constant 0 : i32
        %get3A_547 = arith.index_cast %get3A_546 : i32 to index
        %get3A_548 = arith.index_cast %add3A_517 : i32 to index
        %get3A_549 = arith.constant 64 : index
        %get3A_550 = tpu.vector_load %arg7[%get3A_547, %get3A_548, %get3A_549] {strides = array<i32>} : memref<2x50x128xf32, #tpu.memory_space<vmem>>, vector<1x1x16xf32>,
        %get3A_551 = vector.shape_cast %get3A_550 : vector<1x1x16xf32> to vector<16xf32>
        %add3A_552 = arith.addf %add3A_492, %get3A_551 : vector<16xf32>
        %get3A_553 = arith.constant 0 : i32
        %get3A_554 = arith.index_cast %get3A_553 : i32 to index
        %get3A_555 = arith.index_cast %add3A_517 : i32 to index
        %get3A_556 = arith.constant 80 : index
        %get3A_557 = tpu.vector_load %arg7[%get3A_554, %get3A_555, %get3A_556] {strides = array<i32>} : memref<2x50x128xf32, #tpu.memory_space<vmem>>, vector<1x1x16xf32>,
        %get3A_558 = vector.shape_cast %get3A_557 : vector<1x1x16xf32> to vector<16xf32>
        %add3A_559 = arith.addf %add3A_499, %get3A_558 : vector<16xf32>
        %get3A_560 = arith.constant 0 : i32
        %get3A_561 = arith.index_cast %get3A_560 : i32 to index
        %get3A_562 = arith.index_cast %add3A_517 : i32 to index
        %get3A_563 = arith.constant 96 : index
        %get3A_564 = tpu.vector_load %arg7[%get3A_561, %get3A_562, %get3A_563] {strides = array<i32>} : memref<2x50x128xf32, #tpu.memory_space<vmem>>, vector<1x1x16xf32>,
        %get3A_565 = vector.shape_cast %get3A_564 : vector<1x1x16xf32> to vector<16xf32>
        %add3A_566 = arith.addf %add3A_506, %get3A_565 : vector<16xf32>
        %get3A_567 = arith.constant 0 : i32
        %get3A_568 = arith.index_cast %get3A_567 : i32 to index
        %get3A_569 = arith.index_cast %add3A_517 : i32 to index
        %get3A_570 = arith.constant 112 : index
        %get3A_571 = tpu.vector_load %arg7[%get3A_568, %get3A_569, %get3A_570] {strides = array<i32>} : memref<2x50x128xf32, #tpu.memory_space<vmem>>, vector<1x1x16xf32>,
        %get3A_572 = vector.shape_cast %get3A_571 : vector<1x1x16xf32> to vector<16xf32>
        %add3A_573 = arith.addf %add3A_513, %get3A_572 : vector<16xf32>
        %mul3A_574 = arith.constant 5 : i32
        %mul3A_575 = arith.muli %scan3A_385, %mul3A_574 : i32
        %add3A_576 = arith.constant 3 : i32
        %add3A_577 = arith.addi %mul3A_575, %add3A_576 : i32
        %get3A_578 = arith.constant 0 : i32
        %get3A_579 = arith.index_cast %get3A_578 : i32 to index
        %get3A_580 = arith.index_cast %add3A_577 : i32 to index
        %get3A_581 = arith.constant 0 : index
        %get3A_582 = tpu.vector_load %arg7[%get3A_579, %get3A_580, %get3A_581] {strides = array<i32>} : memref<2x50x128xf32, #tpu.memory_space<vmem>>, vector<1x1x16xf32>,
        %get3A_583 = vector.shape_cast %get3A_582 : vector<1x1x16xf32> to vector<16xf32>
        %add3A_584 = arith.addf %add3A_524, %get3A_583 : vector<16xf32>
        %get3A_585 = arith.constant 0 : i32
        %get3A_586 = arith.index_cast %get3A_585 : i32 to index
        %get3A_587 = arith.index_cast %add3A_577 : i32 to index
        %get3A_588 = arith.constant 16 : index
        %get3A_589 = tpu.vector_load %arg7[%get3A_586, %get3A_587, %get3A_588] {strides = array<i32>} : memref<2x50x128xf32, #tpu.memory_space<vmem>>, vector<1x1x16xf32>,
        %get3A_590 = vector.shape_cast %get3A_589 : vector<1x1x16xf32> to vector<16xf32>
        %add3A_591 = arith.addf %add3A_531, %get3A_590 : vector<16xf32>
        %get3A_592 = arith.constant 0 : i32
        %get3A_593 = arith.index_cast %get3A_592 : i32 to index
        %get3A_594 = arith.index_cast %add3A_577 : i32 to index
        %get3A_595 = arith.constant 32 : index
        %get3A_596 = tpu.vector_load %arg7[%get3A_593, %get3A_594, %get3A_595] {strides = array<i32>} : memref<2x50x128xf32, #tpu.memory_space<vmem>>, vector<1x1x16xf32>,
        %get3A_597 = vector.shape_cast %get3A_596 : vector<1x1x16xf32> to vector<16xf32>
        %add3A_598 = arith.addf %add3A_538, %get3A_597 : vector<16xf32>
        %get3A_599 = arith.constant 0 : i32
        %get3A_600 = arith.index_cast %get3A_599 : i32 to index
        %get3A_601 = arith.index_cast %add3A_577 : i32 to index
        %get3A_602 = arith.constant 48 : index
        %get3A_603 = tpu.vector_load %arg7[%get3A_600, %get3A_601, %get3A_602] {strides = array<i32>} : memref<2x50x128xf32, #tpu.memory_space<vmem>>, vector<1x1x16xf32>,
        %get3A_604 = vector.shape_cast %get3A_603 : vector<1x1x16xf32> to vector<16xf32>
        %add3A_605 = arith.addf %add3A_545, %get3A_604 : vector<16xf32>
        %get3A_606 = arith.constant 0 : i32
        %get3A_607 = arith.index_cast %get3A_606 : i32 to index
        %get3A_608 = arith.index_cast %add3A_577 : i32 to index
        %get3A_609 = arith.constant 64 : index
        %get3A_610 = tpu.vector_load %arg7[%get3A_607, %get3A_608, %get3A_609] {strides = array<i32>} : memref<2x50x128xf32, #tpu.memory_space<vmem>>, vector<1x1x16xf32>,
        %get3A_611 = vector.shape_cast %get3A_610 : vector<1x1x16xf32> to vector<16xf32>
        %add3A_612 = arith.addf %add3A_552, %get3A_611 : vector<16xf32>
        %get3A_613 = arith.constant 0 : i32
        %get3A_614 = arith.index_cast %get3A_613 : i32 to index
        %get3A_615 = arith.index_cast %add3A_577 : i32 to index
        %get3A_616 = arith.constant 80 : index
        %get3A_617 = tpu.vector_load %arg7[%get3A_614, %get3A_615, %get3A_616] {strides = array<i32>} : memref<2x50x128xf32, #tpu.memory_space<vmem>>, vector<1x1x16xf32>,
        %get3A_618 = vector.shape_cast %get3A_617 : vector<1x1x16xf32> to vector<16xf32>
        %add3A_619 = arith.addf %add3A_559, %get3A_618 : vector<16xf32>
        %get3A_620 = arith.constant 0 : i32
        %get3A_621 = arith.index_cast %get3A_620 : i32 to index
        %get3A_622 = arith.index_cast %add3A_577 : i32 to index
        %get3A_623 = arith.constant 96 : index
        %get3A_624 = tpu.vector_load %arg7[%get3A_621, %get3A_622, %get3A_623] {strides = array<i32>} : memref<2x50x128xf32, #tpu.memory_space<vmem>>, vector<1x1x16xf32>,
        %get3A_625 = vector.shape_cast %get3A_624 : vector<1x1x16xf32> to vector<16xf32>
        %add3A_626 = arith.addf %add3A_566, %get3A_625 : vector<16xf32>
        %get3A_627 = arith.constant 0 : i32
        %get3A_628 = arith.index_cast %get3A_627 : i32 to index
        %get3A_629 = arith.index_cast %add3A_577 : i32 to index
        %get3A_630 = arith.constant 112 : index
        %get3A_631 = tpu.vector_load %arg7[%get3A_628, %get3A_629, %get3A_630] {strides = array<i32>} : memref<2x50x128xf32, #tpu.memory_space<vmem>>, vector<1x1x16xf32>,
        %get3A_632 = vector.shape_cast %get3A_631 : vector<1x1x16xf32> to vector<16xf32>
        %add3A_633 = arith.addf %add3A_573, %get3A_632 : vector<16xf32>
        %mul3A_634 = arith.constant 5 : i32
        %mul3A_635 = arith.muli %scan3A_385, %mul3A_634 : i32
        %add3A_636 = arith.constant 4 : i32
        %add3A_637 = arith.addi %mul3A_635, %add3A_636 : i32
        %get3A_638 = arith.constant 0 : i32
        %get3A_639 = arith.index_cast %get3A_638 : i32 to index
        %get3A_640 = arith.index_cast %add3A_637 : i32 to index
        %get3A_641 = arith.constant 0 : index
        %get3A_642 = tpu.vector_load %arg7[%get3A_639, %get3A_640, %get3A_641] {strides = array<i32>} : memref<2x50x128xf32, #tpu.memory_space<vmem>>, vector<1x1x16xf32>,
        %get3A_643 = vector.shape_cast %get3A_642 : vector<1x1x16xf32> to vector<16xf32>
        %add3A_644 = arith.addf %add3A_584, %get3A_643 : vector<16xf32>
        %get3A_645 = arith.constant 0 : i32
        %get3A_646 = arith.index_cast %get3A_645 : i32 to index
        %get3A_647 = arith.index_cast %add3A_637 : i32 to index
        %get3A_648 = arith.constant 16 : index
        %get3A_649 = tpu.vector_load %arg7[%get3A_646, %get3A_647, %get3A_648] {strides = array<i32>} : memref<2x50x128xf32, #tpu.memory_space<vmem>>, vector<1x1x16xf32>,
        %get3A_650 = vector.shape_cast %get3A_649 : vector<1x1x16xf32> to vector<16xf32>
        %add3A_651 = arith.addf %add3A_591, %get3A_650 : vector<16xf32>
        %get3A_652 = arith.constant 0 : i32
        %get3A_653 = arith.index_cast %get3A_652 : i32 to index
        %get3A_654 = arith.index_cast %add3A_637 : i32 to index
        %get3A_655 = arith.constant 32 : index
        %get3A_656 = tpu.vector_load %arg7[%get3A_653, %get3A_654, %get3A_655] {strides = array<i32>} : memref<2x50x128xf32, #tpu.memory_space<vmem>>, vector<1x1x16xf32>,
        %get3A_657 = vector.shape_cast %get3A_656 : vector<1x1x16xf32> to vector<16xf32>
        %add3A_658 = arith.addf %add3A_598, %get3A_657 : vector<16xf32>
        %get3A_659 = arith.constant 0 : i32
        %get3A_660 = arith.index_cast %get3A_659 : i32 to index
        %get3A_661 = arith.index_cast %add3A_637 : i32 to index
        %get3A_662 = arith.constant 48 : index
        %get3A_663 = tpu.vector_load %arg7[%get3A_660, %get3A_661, %get3A_662] {strides = array<i32>} : memref<2x50x128xf32, #tpu.memory_space<vmem>>, vector<1x1x16xf32>,
        %get3A_664 = vector.shape_cast %get3A_663 : vector<1x1x16xf32> to vector<16xf32>
        %add3A_665 = arith.addf %add3A_605, %get3A_664 : vector<16xf32>
        %get3A_666 = arith.constant 0 : i32
        %get3A_667 = arith.index_cast %get3A_666 : i32 to index
        %get3A_668 = arith.index_cast %add3A_637 : i32 to index
        %get3A_669 = arith.constant 64 : index
        %get3A_670 = tpu.vector_load %arg7[%get3A_667, %get3A_668, %get3A_669] {strides = array<i32>} : memref<2x50x128xf32, #tpu.memory_space<vmem>>, vector<1x1x16xf32>,
        %get3A_671 = vector.shape_cast %get3A_670 : vector<1x1x16xf32> to vector<16xf32>
        %add3A_672 = arith.addf %add3A_612, %get3A_671 : vector<16xf32>
        %get3A_673 = arith.constant 0 : i32
        %get3A_674 = arith.index_cast %get3A_673 : i32 to index
        %get3A_675 = arith.index_cast %add3A_637 : i32 to index
        %get3A_676 = arith.constant 80 : index
        %get3A_677 = tpu.vector_load %arg7[%get3A_674, %get3A_675, %get3A_676] {strides = array<i32>} : memref<2x50x128xf32, #tpu.memory_space<vmem>>, vector<1x1x16xf32>,
        %get3A_678 = vector.shape_cast %get3A_677 : vector<1x1x16xf32> to vector<16xf32>
        %add3A_679 = arith.addf %add3A_619, %get3A_678 : vector<16xf32>
        %get3A_680 = arith.constant 0 : i32
        %get3A_681 = arith.index_cast %get3A_680 : i32 to index
        %get3A_682 = arith.index_cast %add3A_637 : i32 to index
        %get3A_683 = arith.constant 96 : index
        %get3A_684 = tpu.vector_load %arg7[%get3A_681, %get3A_682, %get3A_683] {strides = array<i32>} : memref<2x50x128xf32, #tpu.memory_space<vmem>>, vector<1x1x16xf32>,
        %get3A_685 = vector.shape_cast %get3A_684 : vector<1x1x16xf32> to vector<16xf32>
        %add3A_686 = arith.addf %add3A_626, %get3A_685 : vector<16xf32>
        %get3A_687 = arith.constant 0 : i32
        %get3A_688 = arith.index_cast %get3A_687 : i32 to index
        %get3A_689 = arith.index_cast %add3A_637 : i32 to index
        %get3A_690 = arith.constant 112 : index
        %get3A_691 = tpu.vector_load %arg7[%get3A_688, %get3A_689, %get3A_690] {strides = array<i32>} : memref<2x50x128xf32, #tpu.memory_space<vmem>>, vector<1x1x16xf32>,
        %get3A_692 = vector.shape_cast %get3A_691 : vector<1x1x16xf32> to vector<16xf32>
        %add3A_693 = arith.addf %add3A_633, %get3A_692 : vector<16xf32>
        scf.yield %add3A_644, %add3A_651, %add3A_658, %add3A_665, %add3A_672, %add3A_679, %add3A_686, %add3A_693 : vector<16xf32>, vector<16xf32>, vector<16xf32>, vector<16xf32>, vector<16xf32>, vector<16xf32>, vector<16xf32>, vector<16xf32>
      }
      %scan3A_223 = arith.constant 10 : i32
      %mul3A_224 = vector.broadcast %squeeze3A : f32 to vector<16xf32>
      %mul3A_225 = arith.mulf %scan3A_222#0, %mul3A_224 : vector<16xf32>
      %swap3A_226 = arith.index_cast %add3A_204 : i32 to index
      %swap3A_227 = arith.constant 0 : index
      %swap3A_228 = tpu.vector_load %arg8[%swap3A_226, %swap3A_227] {strides = array<i32>} : memref<64x128xf32, #tpu.memory_space<vmem>>, vector<1x16xf32>,
      %swap3A_229 = vector.shape_cast %swap3A_228 : vector<1x16xf32> to vector<16xf32>
      %swap3A_230 = vector.shape_cast %mul3A_225 : vector<16xf32> to vector<1x16xf32>
      tpu.vector_store %arg8[%swap3A_226, %swap3A_227], %swap3A_230 {strides = array<i32>} : memref<64x128xf32, #tpu.memory_space<vmem>>, vector<1x16xf32>,
      %mul3A_231 = vector.broadcast %squeeze3A : f32 to vector<16xf32>
      %mul3A_232 = arith.mulf %scan3A_222#1, %mul3A_231 : vector<16xf32>
      %swap3A_233 = arith.index_cast %add3A_204 : i32 to index
      %swap3A_234 = arith.constant 16 : index
      %swap3A_235 = tpu.vector_load %arg8[%swap3A_233, %swap3A_234] {strides = array<i32>} : memref<64x128xf32, #tpu.memory_space<vmem>>, vector<1x16xf32>,
      %swap3A_236 = vector.shape_cast %swap3A_235 : vector<1x16xf32> to vector<16xf32>
      %swap3A_237 = vector.shape_cast %mul3A_232 : vector<16xf32> to vector<1x16xf32>
      tpu.vector_store %arg8[%swap3A_233, %swap3A_234], %swap3A_237 {strides = array<i32>} : memref<64x128xf32, #tpu.memory_space<vmem>>, vector<1x16xf32>,
      %mul3A_238 = vector.broadcast %squeeze3A : f32 to vector<16xf32>
      %mul3A_239 = arith.mulf %scan3A_222#2, %mul3A_238 : vector<16xf32>
      %swap3A_240 = arith.index_cast %add3A_204 : i32 to index
      %swap3A_241 = arith.constant 32 : index
      %swap3A_242 = tpu.vector_load %arg8[%swap3A_240, %swap3A_241] {strides = array<i32>} : memref<64x128xf32, #tpu.memory_space<vmem>>, vector<1x16xf32>,
      %swap3A_243 = vector.shape_cast %swap3A_242 : vector<1x16xf32> to vector<16xf32>
      %swap3A_244 = vector.shape_cast %mul3A_239 : vector<16xf32> to vector<1x16xf32>
      tpu.vector_store %arg8[%swap3A_240, %swap3A_241], %swap3A_244 {strides = array<i32>} : memref<64x128xf32, #tpu.memory_space<vmem>>, vector<1x16xf32>,
      %mul3A_245 = vector.broadcast %squeeze3A : f32 to vector<16xf32>
      %mul3A_246 = arith.mulf %scan3A_222#3, %mul3A_245 : vector<16xf32>
      %swap3A_247 = arith.index_cast %add3A_204 : i32 to index
      %swap3A_248 = arith.constant 48 : index
      %swap3A_249 = tpu.vector_load %arg8[%swap3A_247, %swap3A_248] {strides = array<i32>} : memref<64x128xf32, #tpu.memory_space<vmem>>, vector<1x16xf32>,
      %swap3A_250 = vector.shape_cast %swap3A_249 : vector<1x16xf32> to vector<16xf32>
      %swap3A_251 = vector.shape_cast %mul3A_246 : vector<16xf32> to vector<1x16xf32>
      tpu.vector_store %arg8[%swap3A_247, %swap3A_248], %swap3A_251 {strides = array<i32>} : memref<64x128xf32, #tpu.memory_space<vmem>>, vector<1x16xf32>,
      %mul3A_252 = vector.broadcast %squeeze3A : f32 to vector<16xf32>
      %mul3A_253 = arith.mulf %scan3A_222#4, %mul3A_252 : vector<16xf32>
      %swap3A_254 = arith.index_cast %add3A_204 : i32 to index
      %swap3A_255 = arith.constant 64 : index
      %swap3A_256 = tpu.vector_load %arg8[%swap3A_254, %swap3A_255] {strides = array<i32>} : memref<64x128xf32, #tpu.memory_space<vmem>>, vector<1x16xf32>,
      %swap3A_257 = vector.shape_cast %swap3A_256 : vector<1x16xf32> to vector<16xf32>
      %swap3A_258 = vector.shape_cast %mul3A_253 : vector<16xf32> to vector<1x16xf32>
      tpu.vector_store %arg8[%swap3A_254, %swap3A_255], %swap3A_258 {strides = array<i32>} : memref<64x128xf32, #tpu.memory_space<vmem>>, vector<1x16xf32>,
      %mul3A_259 = vector.broadcast %squeeze3A : f32 to vector<16xf32>
      %mul3A_260 = arith.mulf %scan3A_222#5, %mul3A_259 : vector<16xf32>
      %swap3A_261 = arith.index_cast %add3A_204 : i32 to index
      %swap3A_262 = arith.constant 80 : index
      %swap3A_263 = tpu.vector_load %arg8[%swap3A_261, %swap3A_262] {strides = array<i32>} : memref<64x128xf32, #tpu.memory_space<vmem>>, vector<1x16xf32>,
      %swap3A_264 = vector.shape_cast %swap3A_263 : vector<1x16xf32> to vector<16xf32>
      %swap3A_265 = vector.shape_cast %mul3A_260 : vector<16xf32> to vector<1x16xf32>
      tpu.vector_store %arg8[%swap3A_261, %swap3A_262], %swap3A_265 {strides = array<i32>} : memref<64x128xf32, #tpu.memory_space<vmem>>, vector<1x16xf32>,
      %mul3A_266 = vector.broadcast %squeeze3A : f32 to vector<16xf32>
      %mul3A_267 = arith.mulf %scan3A_222#6, %mul3A_266 : vector<16xf32>
      %swap3A_268 = arith.index_cast %add3A_204 : i32 to index
      %swap3A_269 = arith.constant 96 : index
      %swap3A_270 = tpu.vector_load %arg8[%swap3A_268, %swap3A_269] {strides = array<i32>} : memref<64x128xf32, #tpu.memory_space<vmem>>, vector<1x16xf32>,
      %swap3A_271 = vector.shape_cast %swap3A_270 : vector<1x16xf32> to vector<16xf32>
      %swap3A_272 = vector.shape_cast %mul3A_267 : vector<16xf32> to vector<1x16xf32>
      tpu.vector_store %arg8[%swap3A_268, %swap3A_269], %swap3A_272 {strides = array<i32>} : memref<64x128xf32, #tpu.memory_space<vmem>>, vector<1x16xf32>,
      %mul3A_273 = vector.broadcast %squeeze3A : f32 to vector<16xf32>
      %mul3A_274 = arith.mulf %scan3A_222#7, %mul3A_273 : vector<16xf32>
      %swap3A_275 = arith.index_cast %add3A_204 : i32 to index
      %swap3A_276 = arith.constant 112 : index
      %swap3A_277 = tpu.vector_load %arg8[%swap3A_275, %swap3A_276] {strides = array<i32>} : memref<64x128xf32, #tpu.memory_space<vmem>>, vector<1x16xf32>,
      %swap3A_278 = vector.shape_cast %swap3A_277 : vector<1x16xf32> to vector<16xf32>
      %swap3A_279 = vector.shape_cast %mul3A_274 : vector<16xf32> to vector<1x16xf32>
      tpu.vector_store %arg8[%swap3A_275, %swap3A_276], %swap3A_279 {strides = array<i32>} : memref<64x128xf32, #tpu.memory_space<vmem>>, vector<1x16xf32>,
      %add3A_280 = arith.constant 2 : i32
      %add3A_281 = arith.addi %add3A_204, %add3A_280 : i32
      %dma_start3A_282 = arith.constant 0 : i32
      %dma_start3A_283 = arith.constant 0 : i32
      %dma_start3A_284 = arith.constant 0 : i32
      %dma_start3A_285 = tpu.memref_slice %arg7[%dma_start3A_282, %dma_start3A_283, %dma_start3A_284] : memref<2x50x128xf32, #tpu.memory_space<vmem>> -> memref<1x50x128xf32, #tpu.memory_space<vmem>>
      %dma_start3A_286 = tpu.memref_squeeze %dma_start3A_285 : memref<1x50x128xf32, #tpu.memory_space<vmem>> -> memref<50x128xf32, #tpu.memory_space<vmem>>
      %dma_start3A_287 = arith.constant 0 : i32
      %dma_start3A_288 = tpu.memref_slice %arg6[%add3A_281, %dma_start3A_287] : memref<64x50xi32, #tpu.memory_space<vmem>> -> memref<1x50xi32, #tpu.memory_space<vmem>>
      %dma_start3A_289 = tpu.memref_squeeze %dma_start3A_288 : memref<1x50xi32, #tpu.memory_space<vmem>> -> memref<50xi32, #tpu.memory_space<vmem>>
      %dma_start3A_290 = arith.constant 0 : i32
      %dma_start3A_291 = arith.constant 0 : i32
      %dma_start3A_292 = tpu.memref_slice %arg9[%dma_start3A_290, %dma_start3A_291] : memref<10000x128xf32, #tpu.memory_space<vmem_shared>> -> memref<10000x128xf32, #tpu.memory_space<vmem_shared>>
      tpu.enqueue_indirect_dma source(%dma_start3A_292 : memref<10000x128xf32, #tpu.memory_space<vmem_shared>>) target(%dma_start3A_286 : memref<50x128xf32, #tpu.memory_space<vmem>>) offsets(%dma_start3A_289 : memref<50xi32, #tpu.memory_space<vmem>>) semaphore(%arg10 : memref<!tpu.dma_semaphore, #tpu.memory_space<semaphore_mem>>)
      %mul3A_293 = arith.constant 2 : i32
      %mul3A_294 = arith.muli %scan3A_200, %mul3A_293 : i32
      %add3A_295 = arith.constant 1 : i32
      %add3A_296 = arith.addi %mul3A_294, %add3A_295 : i32
      %dma_wait3A_297 = arith.constant 1 : i32
      %dma_wait3A_298 = arith.constant 0 : i32
      %dma_wait3A_299 = arith.constant 0 : i32
      %dma_wait3A_300 = tpu.memref_slice %arg7[%dma_wait3A_297, %dma_wait3A_298, %dma_wait3A_299] : memref<2x50x128xf32, #tpu.memory_space<vmem>> -> memref<1x50x128xf32, #tpu.memory_space<vmem>>
      %dma_wait3A_301 = tpu.memref_squeeze %dma_wait3A_300 : memref<1x50x128xf32, #tpu.memory_space<vmem>> -> memref<50x128xf32, #tpu.memory_space<vmem>>
      %dma_wait3A_302 = arith.constant 0 : i32
      %dma_wait3A_303 = tpu.memref_slice %arg6[%add3A_296, %dma_wait3A_302] : memref<64x50xi32, #tpu.memory_space<vmem>> -> memref<1x50xi32, #tpu.memory_space<vmem>>
      %dma_wait3A_304 = tpu.memref_squeeze %dma_wait3A_303 : memref<1x50xi32, #tpu.memory_space<vmem>> -> memref<50xi32, #tpu.memory_space<vmem>>
      %dma_wait3A_305 = arith.constant 0 : i32
      %dma_wait3A_306 = arith.constant 0 : i32
      %dma_wait3A_307 = tpu.memref_slice %arg9[%dma_wait3A_305, %dma_wait3A_306] : memref<10000x128xf32, #tpu.memory_space<vmem_shared>> -> memref<10000x128xf32, #tpu.memory_space<vmem_shared>>
      tpu.wait_indirect_dma semaphore(%arg11 : memref<!tpu.dma_semaphore, #tpu.memory_space<semaphore_mem>>) src(%dma_wait3A_307 : memref<10000x128xf32, #tpu.memory_space<vmem_shared>>) dst(%dma_wait3A_301 : memref<50x128xf32, #tpu.memory_space<vmem>>)
      %broadcast_in_dim3A_308 = arith.constant 0.000000e+00 : f32
      %broadcast_in_dim3A_309 = vector.broadcast %broadcast_in_dim3A_308 : f32 to vector<16xf32>
      %scan3A_310 = arith.constant 0 : i32
      %scan3A_311 = arith.constant 10 : i32
      %scan3A_312 = arith.addi %scan3A_310, %scan3A_311 : i32
      %scan3A_313 = arith.constant 1 : i32
      %scan3A_314:8 = scf.for %scan3A_385 = %scan3A_310 to %scan3A_312 step %scan3A_313 iter_args(%scan3A_386 = %broadcast_in_dim3A_309, %scan3A_387 = %broadcast_in_dim3A_309, %scan3A_388 = %broadcast_in_dim3A_309, %scan3A_389 = %broadcast_in_dim3A_309, %scan3A_390 = %broadcast_in_dim3A_309, %scan3A_391 = %broadcast_in_dim3A_309, %scan3A_392 = %broadcast_in_dim3A_309, %scan3A_393 = %broadcast_in_dim3A_309) -> (vector<16xf32>, vector<16xf32>, vector<16xf32>, vector<16xf32>, vector<16xf32>, vector<16xf32>, vector<16xf32>, vector<16xf32>)  : i32 {
        %mul3A_394 = arith.constant 5 : i32
        %mul3A_395 = arith.muli %scan3A_385, %mul3A_394 : i32
        %add3A_396 = arith.constant 0 : i32
        %add3A_397 = arith.addi %mul3A_395, %add3A_396 : i32
        %get3A_398 = arith.constant 1 : i32
        %get3A_399 = arith.index_cast %get3A_398 : i32 to index
        %get3A_400 = arith.index_cast %add3A_397 : i32 to index
        %get3A_401 = arith.constant 0 : index
        %get3A_402 = tpu.vector_load %arg7[%get3A_399, %get3A_400, %get3A_401] {strides = array<i32>} : memref<2x50x128xf32, #tpu.memory_space<vmem>>, vector<1x1x16xf32>,
        %get3A_403 = vector.shape_cast %get3A_402 : vector<1x1x16xf32> to vector<16xf32>
        %add3A_404 = arith.addf %scan3A_386, %get3A_403 : vector<16xf32>
        %get3A_405 = arith.constant 1 : i32
        %get3A_406 = arith.index_cast %get3A_405 : i32 to index
        %get3A_407 = arith.index_cast %add3A_397 : i32 to index
        %get3A_408 = arith.constant 16 : index
        %get3A_409 = tpu.vector_load %arg7[%get3A_406, %get3A_407, %get3A_408] {strides = array<i32>} : memref<2x50x128xf32, #tpu.memory_space<vmem>>, vector<1x1x16xf32>,
        %get3A_410 = vector.shape_cast %get3A_409 : vector<1x1x16xf32> to vector<16xf32>
        %add3A_411 = arith.addf %scan3A_387, %get3A_410 : vector<16xf32>
        %get3A_412 = arith.constant 1 : i32
        %get3A_413 = arith.index_cast %get3A_412 : i32 to index
        %get3A_414 = arith.index_cast %add3A_397 : i32 to index
        %get3A_415 = arith.constant 32 : index
        %get3A_416 = tpu.vector_load %arg7[%get3A_413, %get3A_414, %get3A_415] {strides = array<i32>} : memref<2x50x128xf32, #tpu.memory_space<vmem>>, vector<1x1x16xf32>,
        %get3A_417 = vector.shape_cast %get3A_416 : vector<1x1x16xf32> to vector<16xf32>
        %add3A_418 = arith.addf %scan3A_388, %get3A_417 : vector<16xf32>
        %get3A_419 = arith.constant 1 : i32
        %get3A_420 = arith.index_cast %get3A_419 : i32 to index
        %get3A_421 = arith.index_cast %add3A_397 : i32 to index
        %get3A_422 = arith.constant 48 : index
        %get3A_423 = tpu.vector_load %arg7[%get3A_420, %get3A_421, %get3A_422] {strides = array<i32>} : memref<2x50x128xf32, #tpu.memory_space<vmem>>, vector<1x1x16xf32>,
        %get3A_424 = vector.shape_cast %get3A_423 : vector<1x1x16xf32> to vector<16xf32>
        %add3A_425 = arith.addf %scan3A_389, %get3A_424 : vector<16xf32>
        %get3A_426 = arith.constant 1 : i32
        %get3A_427 = arith.index_cast %get3A_426 : i32 to index
        %get3A_428 = arith.index_cast %add3A_397 : i32 to index
        %get3A_429 = arith.constant 64 : index
        %get3A_430 = tpu.vector_load %arg7[%get3A_427, %get3A_428, %get3A_429] {strides = array<i32>} : memref<2x50x128xf32, #tpu.memory_space<vmem>>, vector<1x1x16xf32>,
        %get3A_431 = vector.shape_cast %get3A_430 : vector<1x1x16xf32> to vector<16xf32>
        %add3A_432 = arith.addf %scan3A_390, %get3A_431 : vector<16xf32>
        %get3A_433 = arith.constant 1 : i32
        %get3A_434 = arith.index_cast %get3A_433 : i32 to index
        %get3A_435 = arith.index_cast %add3A_397 : i32 to index
        %get3A_436 = arith.constant 80 : index
        %get3A_437 = tpu.vector_load %arg7[%get3A_434, %get3A_435, %get3A_436] {strides = array<i32>} : memref<2x50x128xf32, #tpu.memory_space<vmem>>, vector<1x1x16xf32>,
        %get3A_438 = vector.shape_cast %get3A_437 : vector<1x1x16xf32> to vector<16xf32>
        %add3A_439 = arith.addf %scan3A_391, %get3A_438 : vector<16xf32>
        %get3A_440 = arith.constant 1 : i32
        %get3A_441 = arith.index_cast %get3A_440 : i32 to index
        %get3A_442 = arith.index_cast %add3A_397 : i32 to index
        %get3A_443 = arith.constant 96 : index
        %get3A_444 = tpu.vector_load %arg7[%get3A_441, %get3A_442, %get3A_443] {strides = array<i32>} : memref<2x50x128xf32, #tpu.memory_space<vmem>>, vector<1x1x16xf32>,
        %get3A_445 = vector.shape_cast %get3A_444 : vector<1x1x16xf32> to vector<16xf32>
        %add3A_446 = arith.addf %scan3A_392, %get3A_445 : vector<16xf32>
        %get3A_447 = arith.constant 1 : i32
        %get3A_448 = arith.index_cast %get3A_447 : i32 to index
        %get3A_449 = arith.index_cast %add3A_397 : i32 to index
        %get3A_450 = arith.constant 112 : index
        %get3A_451 = tpu.vector_load %arg7[%get3A_448, %get3A_449, %get3A_450] {strides = array<i32>} : memref<2x50x128xf32, #tpu.memory_space<vmem>>, vector<1x1x16xf32>,
        %get3A_452 = vector.shape_cast %get3A_451 : vector<1x1x16xf32> to vector<16xf32>
        %add3A_453 = arith.addf %scan3A_393, %get3A_452 : vector<16xf32>
        %mul3A_454 = arith.constant 5 : i32
        %mul3A_455 = arith.muli %scan3A_385, %mul3A_454 : i32
        %add3A_456 = arith.constant 1 : i32
        %add3A_457 = arith.addi %mul3A_455, %add3A_456 : i32
        %get3A_458 = arith.constant 1 : i32
        %get3A_459 = arith.index_cast %get3A_458 : i32 to index
        %get3A_460 = arith.index_cast %add3A_457 : i32 to index
        %get3A_461 = arith.constant 0 : index
        %get3A_462 = tpu.vector_load %arg7[%get3A_459, %get3A_460, %get3A_461] {strides = array<i32>} : memref<2x50x128xf32, #tpu.memory_space<vmem>>, vector<1x1x16xf32>,
        %get3A_463 = vector.shape_cast %get3A_462 : vector<1x1x16xf32> to vector<16xf32>
        %add3A_464 = arith.addf %add3A_404, %get3A_463 : vector<16xf32>
        %get3A_465 = arith.constant 1 : i32
        %get3A_466 = arith.index_cast %get3A_465 : i32 to index
        %get3A_467 = arith.index_cast %add3A_457 : i32 to index
        %get3A_468 = arith.constant 16 : index
        %get3A_469 = tpu.vector_load %arg7[%get3A_466, %get3A_467, %get3A_468] {strides = array<i32>} : memref<2x50x128xf32, #tpu.memory_space<vmem>>, vector<1x1x16xf32>,
        %get3A_470 = vector.shape_cast %get3A_469 : vector<1x1x16xf32> to vector<16xf32>
        %add3A_471 = arith.addf %add3A_411, %get3A_470 : vector<16xf32>
        %get3A_472 = arith.constant 1 : i32
        %get3A_473 = arith.index_cast %get3A_472 : i32 to index
        %get3A_474 = arith.index_cast %add3A_457 : i32 to index
        %get3A_475 = arith.constant 32 : index
        %get3A_476 = tpu.vector_load %arg7[%get3A_473, %get3A_474, %get3A_475] {strides = array<i32>} : memref<2x50x128xf32, #tpu.memory_space<vmem>>, vector<1x1x16xf32>,
        %get3A_477 = vector.shape_cast %get3A_476 : vector<1x1x16xf32> to vector<16xf32>
        %add3A_478 = arith.addf %add3A_418, %get3A_477 : vector<16xf32>
        %get3A_479 = arith.constant 1 : i32
        %get3A_480 = arith.index_cast %get3A_479 : i32 to index
        %get3A_481 = arith.index_cast %add3A_457 : i32 to index
        %get3A_482 = arith.constant 48 : index
        %get3A_483 = tpu.vector_load %arg7[%get3A_480, %get3A_481, %get3A_482] {strides = array<i32>} : memref<2x50x128xf32, #tpu.memory_space<vmem>>, vector<1x1x16xf32>,
        %get3A_484 = vector.shape_cast %get3A_483 : vector<1x1x16xf32> to vector<16xf32>
        %add3A_485 = arith.addf %add3A_425, %get3A_484 : vector<16xf32>
        %get3A_486 = arith.constant 1 : i32
        %get3A_487 = arith.index_cast %get3A_486 : i32 to index
        %get3A_488 = arith.index_cast %add3A_457 : i32 to index
        %get3A_489 = arith.constant 64 : index
        %get3A_490 = tpu.vector_load %arg7[%get3A_487, %get3A_488, %get3A_489] {strides = array<i32>} : memref<2x50x128xf32, #tpu.memory_space<vmem>>, vector<1x1x16xf32>,
        %get3A_491 = vector.shape_cast %get3A_490 : vector<1x1x16xf32> to vector<16xf32>
        %add3A_492 = arith.addf %add3A_432, %get3A_491 : vector<16xf32>
        %get3A_493 = arith.constant 1 : i32
        %get3A_494 = arith.index_cast %get3A_493 : i32 to index
        %get3A_495 = arith.index_cast %add3A_457 : i32 to index
        %get3A_496 = arith.constant 80 : index
        %get3A_497 = tpu.vector_load %arg7[%get3A_494, %get3A_495, %get3A_496] {strides = array<i32>} : memref<2x50x128xf32, #tpu.memory_space<vmem>>, vector<1x1x16xf32>,
        %get3A_498 = vector.shape_cast %get3A_497 : vector<1x1x16xf32> to vector<16xf32>
        %add3A_499 = arith.addf %add3A_439, %get3A_498 : vector<16xf32>
        %get3A_500 = arith.constant 1 : i32
        %get3A_501 = arith.index_cast %get3A_500 : i32 to index
        %get3A_502 = arith.index_cast %add3A_457 : i32 to index
        %get3A_503 = arith.constant 96 : index
        %get3A_504 = tpu.vector_load %arg7[%get3A_501, %get3A_502, %get3A_503] {strides = array<i32>} : memref<2x50x128xf32, #tpu.memory_space<vmem>>, vector<1x1x16xf32>,
        %get3A_505 = vector.shape_cast %get3A_504 : vector<1x1x16xf32> to vector<16xf32>
        %add3A_506 = arith.addf %add3A_446, %get3A_505 : vector<16xf32>
        %get3A_507 = arith.constant 1 : i32
        %get3A_508 = arith.index_cast %get3A_507 : i32 to index
        %get3A_509 = arith.index_cast %add3A_457 : i32 to index
        %get3A_510 = arith.constant 112 : index
        %get3A_511 = tpu.vector_load %arg7[%get3A_508, %get3A_509, %get3A_510] {strides = array<i32>} : memref<2x50x128xf32, #tpu.memory_space<vmem>>, vector<1x1x16xf32>,
        %get3A_512 = vector.shape_cast %get3A_511 : vector<1x1x16xf32> to vector<16xf32>
        %add3A_513 = arith.addf %add3A_453, %get3A_512 : vector<16xf32>
        %mul3A_514 = arith.constant 5 : i32
        %mul3A_515 = arith.muli %scan3A_385, %mul3A_514 : i32
        %add3A_516 = arith.constant 2 : i32
        %add3A_517 = arith.addi %mul3A_515, %add3A_516 : i32
        %get3A_518 = arith.constant 1 : i32
        %get3A_519 = arith.index_cast %get3A_518 : i32 to index
        %get3A_520 = arith.index_cast %add3A_517 : i32 to index
        %get3A_521 = arith.constant 0 : index
        %get3A_522 = tpu.vector_load %arg7[%get3A_519, %get3A_520, %get3A_521] {strides = array<i32>} : memref<2x50x128xf32, #tpu.memory_space<vmem>>, vector<1x1x16xf32>,
        %get3A_523 = vector.shape_cast %get3A_522 : vector<1x1x16xf32> to vector<16xf32>
        %add3A_524 = arith.addf %add3A_464, %get3A_523 : vector<16xf32>
        %get3A_525 = arith.constant 1 : i32
        %get3A_526 = arith.index_cast %get3A_525 : i32 to index
        %get3A_527 = arith.index_cast %add3A_517 : i32 to index
        %get3A_528 = arith.constant 16 : index
        %get3A_529 = tpu.vector_load %arg7[%get3A_526, %get3A_527, %get3A_528] {strides = array<i32>} : memref<2x50x128xf32, #tpu.memory_space<vmem>>, vector<1x1x16xf32>,
        %get3A_530 = vector.shape_cast %get3A_529 : vector<1x1x16xf32> to vector<16xf32>
        %add3A_531 = arith.addf %add3A_471, %get3A_530 : vector<16xf32>
        %get3A_532 = arith.constant 1 : i32
        %get3A_533 = arith.index_cast %get3A_532 : i32 to index
        %get3A_534 = arith.index_cast %add3A_517 : i32 to index
        %get3A_535 = arith.constant 32 : index
        %get3A_536 = tpu.vector_load %arg7[%get3A_533, %get3A_534, %get3A_535] {strides = array<i32>} : memref<2x50x128xf32, #tpu.memory_space<vmem>>, vector<1x1x16xf32>,
        %get3A_537 = vector.shape_cast %get3A_536 : vector<1x1x16xf32> to vector<16xf32>
        %add3A_538 = arith.addf %add3A_478, %get3A_537 : vector<16xf32>
        %get3A_539 = arith.constant 1 : i32
        %get3A_540 = arith.index_cast %get3A_539 : i32 to index
        %get3A_541 = arith.index_cast %add3A_517 : i32 to index
        %get3A_542 = arith.constant 48 : index
        %get3A_543 = tpu.vector_load %arg7[%get3A_540, %get3A_541, %get3A_542] {strides = array<i32>} : memref<2x50x128xf32, #tpu.memory_space<vmem>>, vector<1x1x16xf32>,
        %get3A_544 = vector.shape_cast %get3A_543 : vector<1x1x16xf32> to vector<16xf32>
        %add3A_545 = arith.addf %add3A_485, %get3A_544 : vector<16xf32>
        %get3A_546 = arith.constant 1 : i32
        %get3A_547 = arith.index_cast %get3A_546 : i32 to index
        %get3A_548 = arith.index_cast %add3A_517 : i32 to index
        %get3A_549 = arith.constant 64 : index
        %get3A_550 = tpu.vector_load %arg7[%get3A_547, %get3A_548, %get3A_549] {strides = array<i32>} : memref<2x50x128xf32, #tpu.memory_space<vmem>>, vector<1x1x16xf32>,
        %get3A_551 = vector.shape_cast %get3A_550 : vector<1x1x16xf32> to vector<16xf32>
        %add3A_552 = arith.addf %add3A_492, %get3A_551 : vector<16xf32>
        %get3A_553 = arith.constant 1 : i32
        %get3A_554 = arith.index_cast %get3A_553 : i32 to index
        %get3A_555 = arith.index_cast %add3A_517 : i32 to index
        %get3A_556 = arith.constant 80 : index
        %get3A_557 = tpu.vector_load %arg7[%get3A_554, %get3A_555, %get3A_556] {strides = array<i32>} : memref<2x50x128xf32, #tpu.memory_space<vmem>>, vector<1x1x16xf32>,
        %get3A_558 = vector.shape_cast %get3A_557 : vector<1x1x16xf32> to vector<16xf32>
        %add3A_559 = arith.addf %add3A_499, %get3A_558 : vector<16xf32>
        %get3A_560 = arith.constant 1 : i32
        %get3A_561 = arith.index_cast %get3A_560 : i32 to index
        %get3A_562 = arith.index_cast %add3A_517 : i32 to index
        %get3A_563 = arith.constant 96 : index
        %get3A_564 = tpu.vector_load %arg7[%get3A_561, %get3A_562, %get3A_563] {strides = array<i32>} : memref<2x50x128xf32, #tpu.memory_space<vmem>>, vector<1x1x16xf32>,
        %get3A_565 = vector.shape_cast %get3A_564 : vector<1x1x16xf32> to vector<16xf32>
        %add3A_566 = arith.addf %add3A_506, %get3A_565 : vector<16xf32>
        %get3A_567 = arith.constant 1 : i32
        %get3A_568 = arith.index_cast %get3A_567 : i32 to index
        %get3A_569 = arith.index_cast %add3A_517 : i32 to index
        %get3A_570 = arith.constant 112 : index
        %get3A_571 = tpu.vector_load %arg7[%get3A_568, %get3A_569, %get3A_570] {strides = array<i32>} : memref<2x50x128xf32, #tpu.memory_space<vmem>>, vector<1x1x16xf32>,
        %get3A_572 = vector.shape_cast %get3A_571 : vector<1x1x16xf32> to vector<16xf32>
        %add3A_573 = arith.addf %add3A_513, %get3A_572 : vector<16xf32>
        %mul3A_574 = arith.constant 5 : i32
        %mul3A_575 = arith.muli %scan3A_385, %mul3A_574 : i32
        %add3A_576 = arith.constant 3 : i32
        %add3A_577 = arith.addi %mul3A_575, %add3A_576 : i32
        %get3A_578 = arith.constant 1 : i32
        %get3A_579 = arith.index_cast %get3A_578 : i32 to index
        %get3A_580 = arith.index_cast %add3A_577 : i32 to index
        %get3A_581 = arith.constant 0 : index
        %get3A_582 = tpu.vector_load %arg7[%get3A_579, %get3A_580, %get3A_581] {strides = array<i32>} : memref<2x50x128xf32, #tpu.memory_space<vmem>>, vector<1x1x16xf32>,
        %get3A_583 = vector.shape_cast %get3A_582 : vector<1x1x16xf32> to vector<16xf32>
        %add3A_584 = arith.addf %add3A_524, %get3A_583 : vector<16xf32>
        %get3A_585 = arith.constant 1 : i32
        %get3A_586 = arith.index_cast %get3A_585 : i32 to index
        %get3A_587 = arith.index_cast %add3A_577 : i32 to index
        %get3A_588 = arith.constant 16 : index
        %get3A_589 = tpu.vector_load %arg7[%get3A_586, %get3A_587, %get3A_588] {strides = array<i32>} : memref<2x50x128xf32, #tpu.memory_space<vmem>>, vector<1x1x16xf32>,
        %get3A_590 = vector.shape_cast %get3A_589 : vector<1x1x16xf32> to vector<16xf32>
        %add3A_591 = arith.addf %add3A_531, %get3A_590 : vector<16xf32>
        %get3A_592 = arith.constant 1 : i32
        %get3A_593 = arith.index_cast %get3A_592 : i32 to index
        %get3A_594 = arith.index_cast %add3A_577 : i32 to index
        %get3A_595 = arith.constant 32 : index
        %get3A_596 = tpu.vector_load %arg7[%get3A_593, %get3A_594, %get3A_595] {strides = array<i32>} : memref<2x50x128xf32, #tpu.memory_space<vmem>>, vector<1x1x16xf32>,
        %get3A_597 = vector.shape_cast %get3A_596 : vector<1x1x16xf32> to vector<16xf32>
        %add3A_598 = arith.addf %add3A_538, %get3A_597 : vector<16xf32>
        %get3A_599 = arith.constant 1 : i32
        %get3A_600 = arith.index_cast %get3A_599 : i32 to index
        %get3A_601 = arith.index_cast %add3A_577 : i32 to index
        %get3A_602 = arith.constant 48 : index
        %get3A_603 = tpu.vector_load %arg7[%get3A_600, %get3A_601, %get3A_602] {strides = array<i32>} : memref<2x50x128xf32, #tpu.memory_space<vmem>>, vector<1x1x16xf32>,
        %get3A_604 = vector.shape_cast %get3A_603 : vector<1x1x16xf32> to vector<16xf32>
        %add3A_605 = arith.addf %add3A_545, %get3A_604 : vector<16xf32>
        %get3A_606 = arith.constant 1 : i32
        %get3A_607 = arith.index_cast %get3A_606 : i32 to index
        %get3A_608 = arith.index_cast %add3A_577 : i32 to index
        %get3A_609 = arith.constant 64 : index
        %get3A_610 = tpu.vector_load %arg7[%get3A_607, %get3A_608, %get3A_609] {strides = array<i32>} : memref<2x50x128xf32, #tpu.memory_space<vmem>>, vector<1x1x16xf32>,
        %get3A_611 = vector.shape_cast %get3A_610 : vector<1x1x16xf32> to vector<16xf32>
        %add3A_612 = arith.addf %add3A_552, %get3A_611 : vector<16xf32>
        %get3A_613 = arith.constant 1 : i32
        %get3A_614 = arith.index_cast %get3A_613 : i32 to index
        %get3A_615 = arith.index_cast %add3A_577 : i32 to index
        %get3A_616 = arith.constant 80 : index
        %get3A_617 = tpu.vector_load %arg7[%get3A_614, %get3A_615, %get3A_616] {strides = array<i32>} : memref<2x50x128xf32, #tpu.memory_space<vmem>>, vector<1x1x16xf32>,
        %get3A_618 = vector.shape_cast %get3A_617 : vector<1x1x16xf32> to vector<16xf32>
        %add3A_619 = arith.addf %add3A_559, %get3A_618 : vector<16xf32>
        %get3A_620 = arith.constant 1 : i32
        %get3A_621 = arith.index_cast %get3A_620 : i32 to index
        %get3A_622 = arith.index_cast %add3A_577 : i32 to index
        %get3A_623 = arith.constant 96 : index
        %get3A_624 = tpu.vector_load %arg7[%get3A_621, %get3A_622, %get3A_623] {strides = array<i32>} : memref<2x50x128xf32, #tpu.memory_space<vmem>>, vector<1x1x16xf32>,
        %get3A_625 = vector.shape_cast %get3A_624 : vector<1x1x16xf32> to vector<16xf32>
        %add3A_626 = arith.addf %add3A_566, %get3A_625 : vector<16xf32>
        %get3A_627 = arith.constant 1 : i32
        %get3A_628 = arith.index_cast %get3A_627 : i32 to index
        %get3A_629 = arith.index_cast %add3A_577 : i32 to index
        %get3A_630 = arith.constant 112 : index
        %get3A_631 = tpu.vector_load %arg7[%get3A_628, %get3A_629, %get3A_630] {strides = array<i32>} : memref<2x50x128xf32, #tpu.memory_space<vmem>>, vector<1x1x16xf32>,
        %get3A_632 = vector.shape_cast %get3A_631 : vector<1x1x16xf32> to vector<16xf32>
        %add3A_633 = arith.addf %add3A_573, %get3A_632 : vector<16xf32>
        %mul3A_634 = arith.constant 5 : i32
        %mul3A_635 = arith.muli %scan3A_385, %mul3A_634 : i32
        %add3A_636 = arith.constant 4 : i32
        %add3A_637 = arith.addi %mul3A_635, %add3A_636 : i32
        %get3A_638 = arith.constant 1 : i32
        %get3A_639 = arith.index_cast %get3A_638 : i32 to index
        %get3A_640 = arith.index_cast %add3A_637 : i32 to index
        %get3A_641 = arith.constant 0 : index
        %get3A_642 = tpu.vector_load %arg7[%get3A_639, %get3A_640, %get3A_641] {strides = array<i32>} : memref<2x50x128xf32, #tpu.memory_space<vmem>>, vector<1x1x16xf32>,
        %get3A_643 = vector.shape_cast %get3A_642 : vector<1x1x16xf32> to vector<16xf32>
        %add3A_644 = arith.addf %add3A_584, %get3A_643 : vector<16xf32>
        %get3A_645 = arith.constant 1 : i32
        %get3A_646 = arith.index_cast %get3A_645 : i32 to index
        %get3A_647 = arith.index_cast %add3A_637 : i32 to index
        %get3A_648 = arith.constant 16 : index
        %get3A_649 = tpu.vector_load %arg7[%get3A_646, %get3A_647, %get3A_648] {strides = array<i32>} : memref<2x50x128xf32, #tpu.memory_space<vmem>>, vector<1x1x16xf32>,
        %get3A_650 = vector.shape_cast %get3A_649 : vector<1x1x16xf32> to vector<16xf32>
        %add3A_651 = arith.addf %add3A_591, %get3A_650 : vector<16xf32>
        %get3A_652 = arith.constant 1 : i32
        %get3A_653 = arith.index_cast %get3A_652 : i32 to index
        %get3A_654 = arith.index_cast %add3A_637 : i32 to index
        %get3A_655 = arith.constant 32 : index
        %get3A_656 = tpu.vector_load %arg7[%get3A_653, %get3A_654, %get3A_655] {strides = array<i32>} : memref<2x50x128xf32, #tpu.memory_space<vmem>>, vector<1x1x16xf32>,
        %get3A_657 = vector.shape_cast %get3A_656 : vector<1x1x16xf32> to vector<16xf32>
        %add3A_658 = arith.addf %add3A_598, %get3A_657 : vector<16xf32>
        %get3A_659 = arith.constant 1 : i32
        %get3A_660 = arith.index_cast %get3A_659 : i32 to index
        %get3A_661 = arith.index_cast %add3A_637 : i32 to index
        %get3A_662 = arith.constant 48 : index
        %get3A_663 = tpu.vector_load %arg7[%get3A_660, %get3A_661, %get3A_662] {strides = array<i32>} : memref<2x50x128xf32, #tpu.memory_space<vmem>>, vector<1x1x16xf32>,
        %get3A_664 = vector.shape_cast %get3A_663 : vector<1x1x16xf32> to vector<16xf32>
        %add3A_665 = arith.addf %add3A_605, %get3A_664 : vector<16xf32>
        %get3A_666 = arith.constant 1 : i32
        %get3A_667 = arith.index_cast %get3A_666 : i32 to index
        %get3A_668 = arith.index_cast %add3A_637 : i32 to index
        %get3A_669 = arith.constant 64 : index
        %get3A_670 = tpu.vector_load %arg7[%get3A_667, %get3A_668, %get3A_669] {strides = array<i32>} : memref<2x50x128xf32, #tpu.memory_space<vmem>>, vector<1x1x16xf32>,
        %get3A_671 = vector.shape_cast %get3A_670 : vector<1x1x16xf32> to vector<16xf32>
        %add3A_672 = arith.addf %add3A_612, %get3A_671 : vector<16xf32>
        %get3A_673 = arith.constant 1 : i32
        %get3A_674 = arith.index_cast %get3A_673 : i32 to index
        %get3A_675 = arith.index_cast %add3A_637 : i32 to index
        %get3A_676 = arith.constant 80 : index
        %get3A_677 = tpu.vector_load %arg7[%get3A_674, %get3A_675, %get3A_676] {strides = array<i32>} : memref<2x50x128xf32, #tpu.memory_space<vmem>>, vector<1x1x16xf32>,
        %get3A_678 = vector.shape_cast %get3A_677 : vector<1x1x16xf32> to vector<16xf32>
        %add3A_679 = arith.addf %add3A_619, %get3A_678 : vector<16xf32>
        %get3A_680 = arith.constant 1 : i32
        %get3A_681 = arith.index_cast %get3A_680 : i32 to index
        %get3A_682 = arith.index_cast %add3A_637 : i32 to index
        %get3A_683 = arith.constant 96 : index
        %get3A_684 = tpu.vector_load %arg7[%get3A_681, %get3A_682, %get3A_683] {strides = array<i32>} : memref<2x50x128xf32, #tpu.memory_space<vmem>>, vector<1x1x16xf32>,
        %get3A_685 = vector.shape_cast %get3A_684 : vector<1x1x16xf32> to vector<16xf32>
        %add3A_686 = arith.addf %add3A_626, %get3A_685 : vector<16xf32>
        %get3A_687 = arith.constant 1 : i32
        %get3A_688 = arith.index_cast %get3A_687 : i32 to index
        %get3A_689 = arith.index_cast %add3A_637 : i32 to index
        %get3A_690 = arith.constant 112 : index
        %get3A_691 = tpu.vector_load %arg7[%get3A_688, %get3A_689, %get3A_690] {strides = array<i32>} : memref<2x50x128xf32, #tpu.memory_space<vmem>>, vector<1x1x16xf32>,
        %get3A_692 = vector.shape_cast %get3A_691 : vector<1x1x16xf32> to vector<16xf32>
        %add3A_693 = arith.addf %add3A_633, %get3A_692 : vector<16xf32>
        scf.yield %add3A_644, %add3A_651, %add3A_658, %add3A_665, %add3A_672, %add3A_679, %add3A_686, %add3A_693 : vector<16xf32>, vector<16xf32>, vector<16xf32>, vector<16xf32>, vector<16xf32>, vector<16xf32>, vector<16xf32>, vector<16xf32>
      }
      %scan3A_315 = arith.constant 10 : i32
      %mul3A_316 = vector.broadcast %squeeze3A : f32 to vector<16xf32>
      %mul3A_317 = arith.mulf %scan3A_314#0, %mul3A_316 : vector<16xf32>
      %swap3A_318 = arith.index_cast %add3A_296 : i32 to index
      %swap3A_319 = arith.constant 0 : index
      %swap3A_320 = tpu.vector_load %arg8[%swap3A_318, %swap3A_319] {strides = array<i32>} : memref<64x128xf32, #tpu.memory_space<vmem>>, vector<1x16xf32>,
      %swap3A_321 = vector.shape_cast %swap3A_320 : vector<1x16xf32> to vector<16xf32>
      %swap3A_322 = vector.shape_cast %mul3A_317 : vector<16xf32> to vector<1x16xf32>
      tpu.vector_store %arg8[%swap3A_318, %swap3A_319], %swap3A_322 {strides = array<i32>} : memref<64x128xf32, #tpu.memory_space<vmem>>, vector<1x16xf32>,
      %mul3A_323 = vector.broadcast %squeeze3A : f32 to vector<16xf32>
      %mul3A_324 = arith.mulf %scan3A_314#1, %mul3A_323 : vector<16xf32>
      %swap3A_325 = arith.index_cast %add3A_296 : i32 to index
      %swap3A_326 = arith.constant 16 : index
      %swap3A_327 = tpu.vector_load %arg8[%swap3A_325, %swap3A_326] {strides = array<i32>} : memref<64x128xf32, #tpu.memory_space<vmem>>, vector<1x16xf32>,
      %swap3A_328 = vector.shape_cast %swap3A_327 : vector<1x16xf32> to vector<16xf32>
      %swap3A_329 = vector.shape_cast %mul3A_324 : vector<16xf32> to vector<1x16xf32>
      tpu.vector_store %arg8[%swap3A_325, %swap3A_326], %swap3A_329 {strides = array<i32>} : memref<64x128xf32, #tpu.memory_space<vmem>>, vector<1x16xf32>,
      %mul3A_330 = vector.broadcast %squeeze3A : f32 to vector<16xf32>
      %mul3A_331 = arith.mulf %scan3A_314#2, %mul3A_330 : vector<16xf32>
      %swap3A_332 = arith.index_cast %add3A_296 : i32 to index
      %swap3A_333 = arith.constant 32 : index
      %swap3A_334 = tpu.vector_load %arg8[%swap3A_332, %swap3A_333] {strides = array<i32>} : memref<64x128xf32, #tpu.memory_space<vmem>>, vector<1x16xf32>,
      %swap3A_335 = vector.shape_cast %swap3A_334 : vector<1x16xf32> to vector<16xf32>
      %swap3A_336 = vector.shape_cast %mul3A_331 : vector<16xf32> to vector<1x16xf32>
      tpu.vector_store %arg8[%swap3A_332, %swap3A_333], %swap3A_336 {strides = array<i32>} : memref<64x128xf32, #tpu.memory_space<vmem>>, vector<1x16xf32>,
      %mul3A_337 = vector.broadcast %squeeze3A : f32 to vector<16xf32>
      %mul3A_338 = arith.mulf %scan3A_314#3, %mul3A_337 : vector<16xf32>
      %swap3A_339 = arith.index_cast %add3A_296 : i32 to index
      %swap3A_340 = arith.constant 48 : index
      %swap3A_341 = tpu.vector_load %arg8[%swap3A_339, %swap3A_340] {strides = array<i32>} : memref<64x128xf32, #tpu.memory_space<vmem>>, vector<1x16xf32>,
      %swap3A_342 = vector.shape_cast %swap3A_341 : vector<1x16xf32> to vector<16xf32>
      %swap3A_343 = vector.shape_cast %mul3A_338 : vector<16xf32> to vector<1x16xf32>
      tpu.vector_store %arg8[%swap3A_339, %swap3A_340], %swap3A_343 {strides = array<i32>} : memref<64x128xf32, #tpu.memory_space<vmem>>, vector<1x16xf32>,
      %mul3A_344 = vector.broadcast %squeeze3A : f32 to vector<16xf32>
      %mul3A_345 = arith.mulf %scan3A_314#4, %mul3A_344 : vector<16xf32>
      %swap3A_346 = arith.index_cast %add3A_296 : i32 to index
      %swap3A_347 = arith.constant 64 : index
      %swap3A_348 = tpu.vector_load %arg8[%swap3A_346, %swap3A_347] {strides = array<i32>} : memref<64x128xf32, #tpu.memory_space<vmem>>, vector<1x16xf32>,
      %swap3A_349 = vector.shape_cast %swap3A_348 : vector<1x16xf32> to vector<16xf32>
      %swap3A_350 = vector.shape_cast %mul3A_345 : vector<16xf32> to vector<1x16xf32>
      tpu.vector_store %arg8[%swap3A_346, %swap3A_347], %swap3A_350 {strides = array<i32>} : memref<64x128xf32, #tpu.memory_space<vmem>>, vector<1x16xf32>,
      %mul3A_351 = vector.broadcast %squeeze3A : f32 to vector<16xf32>
      %mul3A_352 = arith.mulf %scan3A_314#5, %mul3A_351 : vector<16xf32>
      %swap3A_353 = arith.index_cast %add3A_296 : i32 to index
      %swap3A_354 = arith.constant 80 : index
      %swap3A_355 = tpu.vector_load %arg8[%swap3A_353, %swap3A_354] {strides = array<i32>} : memref<64x128xf32, #tpu.memory_space<vmem>>, vector<1x16xf32>,
      %swap3A_356 = vector.shape_cast %swap3A_355 : vector<1x16xf32> to vector<16xf32>
      %swap3A_357 = vector.shape_cast %mul3A_352 : vector<16xf32> to vector<1x16xf32>
      tpu.vector_store %arg8[%swap3A_353, %swap3A_354], %swap3A_357 {strides = array<i32>} : memref<64x128xf32, #tpu.memory_space<vmem>>, vector<1x16xf32>,
      %mul3A_358 = vector.broadcast %squeeze3A : f32 to vector<16xf32>
      %mul3A_359 = arith.mulf %scan3A_314#6, %mul3A_358 : vector<16xf32>
      %swap3A_360 = arith.index_cast %add3A_296 : i32 to index
      %swap3A_361 = arith.constant 96 : index
      %swap3A_362 = tpu.vector_load %arg8[%swap3A_360, %swap3A_361] {strides = array<i32>} : memref<64x128xf32, #tpu.memory_space<vmem>>, vector<1x16xf32>,
      %swap3A_363 = vector.shape_cast %swap3A_362 : vector<1x16xf32> to vector<16xf32>
      %swap3A_364 = vector.shape_cast %mul3A_359 : vector<16xf32> to vector<1x16xf32>
      tpu.vector_store %arg8[%swap3A_360, %swap3A_361], %swap3A_364 {strides = array<i32>} : memref<64x128xf32, #tpu.memory_space<vmem>>, vector<1x16xf32>,
      %mul3A_365 = vector.broadcast %squeeze3A : f32 to vector<16xf32>
      %mul3A_366 = arith.mulf %scan3A_314#7, %mul3A_365 : vector<16xf32>
      %swap3A_367 = arith.index_cast %add3A_296 : i32 to index
      %swap3A_368 = arith.constant 112 : index
      %swap3A_369 = tpu.vector_load %arg8[%swap3A_367, %swap3A_368] {strides = array<i32>} : memref<64x128xf32, #tpu.memory_space<vmem>>, vector<1x16xf32>,
      %swap3A_370 = vector.shape_cast %swap3A_369 : vector<1x16xf32> to vector<16xf32>
      %swap3A_371 = vector.shape_cast %mul3A_366 : vector<16xf32> to vector<1x16xf32>
      tpu.vector_store %arg8[%swap3A_367, %swap3A_368], %swap3A_371 {strides = array<i32>} : memref<64x128xf32, #tpu.memory_space<vmem>>, vector<1x16xf32>,
      %add3A_372 = arith.constant 2 : i32
      %add3A_373 = arith.addi %add3A_296, %add3A_372 : i32
      %dma_start3A_374 = arith.constant 1 : i32
      %dma_start3A_375 = arith.constant 0 : i32
      %dma_start3A_376 = arith.constant 0 : i32
      %dma_start3A_377 = tpu.memref_slice %arg7[%dma_start3A_374, %dma_start3A_375, %dma_start3A_376] : memref<2x50x128xf32, #tpu.memory_space<vmem>> -> memref<1x50x128xf32, #tpu.memory_space<vmem>>
      %dma_start3A_378 = tpu.memref_squeeze %dma_start3A_377 : memref<1x50x128xf32, #tpu.memory_space<vmem>> -> memref<50x128xf32, #tpu.memory_space<vmem>>
      %dma_start3A_379 = arith.constant 0 : i32
      %dma_start3A_380 = tpu.memref_slice %arg6[%add3A_373, %dma_start3A_379] : memref<64x50xi32, #tpu.memory_space<vmem>> -> memref<1x50xi32, #tpu.memory_space<vmem>>
      %dma_start3A_381 = tpu.memref_squeeze %dma_start3A_380 : memref<1x50xi32, #tpu.memory_space<vmem>> -> memref<50xi32, #tpu.memory_space<vmem>>
      %dma_start3A_382 = arith.constant 0 : i32
      %dma_start3A_383 = arith.constant 0 : i32
      %dma_start3A_384 = tpu.memref_slice %arg9[%dma_start3A_382, %dma_start3A_383] : memref<10000x128xf32, #tpu.memory_space<vmem_shared>> -> memref<10000x128xf32, #tpu.memory_space<vmem_shared>>
      tpu.enqueue_indirect_dma source(%dma_start3A_384 : memref<10000x128xf32, #tpu.memory_space<vmem_shared>>) target(%dma_start3A_378 : memref<50x128xf32, #tpu.memory_space<vmem>>) offsets(%dma_start3A_381 : memref<50xi32, #tpu.memory_space<vmem>>) semaphore(%arg11 : memref<!tpu.dma_semaphore, #tpu.memory_space<semaphore_mem>>)
    }
    %scan3A_34 = arith.constant 31 : i32
    %dma_wait3A = arith.constant 62 : i32
    %dma_wait3A_35 = arith.constant 0 : i32
    %dma_wait3A_36 = arith.constant 0 : i32
    %dma_wait3A_37 = arith.constant 0 : i32
    %dma_wait3A_38 = tpu.memref_slice %arg7[%dma_wait3A_35, %dma_wait3A_36, %dma_wait3A_37] : memref<2x50x128xf32, #tpu.memory_space<vmem>> -> memref<1x50x128xf32, #tpu.memory_space<vmem>>
    %dma_wait3A_39 = tpu.memref_squeeze %dma_wait3A_38 : memref<1x50x128xf32, #tpu.memory_space<vmem>> -> memref<50x128xf32, #tpu.memory_space<vmem>>
    %dma_wait3A_40 = arith.constant 0 : i32
    %dma_wait3A_41 = tpu.memref_slice %arg6[%dma_wait3A, %dma_wait3A_40] : memref<64x50xi32, #tpu.memory_space<vmem>> -> memref<1x50xi32, #tpu.memory_space<vmem>>
    %dma_wait3A_42 = tpu.memref_squeeze %dma_wait3A_41 : memref<1x50xi32, #tpu.memory_space<vmem>> -> memref<50xi32, #tpu.memory_space<vmem>>
    %dma_wait3A_43 = arith.constant 0 : i32
    %dma_wait3A_44 = arith.constant 0 : i32
    %dma_wait3A_45 = tpu.memref_slice %arg9[%dma_wait3A_43, %dma_wait3A_44] : memref<10000x128xf32, #tpu.memory_space<vmem_shared>> -> memref<10000x128xf32, #tpu.memory_space<vmem_shared>>
    tpu.wait_indirect_dma semaphore(%arg10 : memref<!tpu.dma_semaphore, #tpu.memory_space<semaphore_mem>>) src(%dma_wait3A_45 : memref<10000x128xf32, #tpu.memory_space<vmem_shared>>) dst(%dma_wait3A_39 : memref<50x128xf32, #tpu.memory_space<vmem>>)
    %broadcast_in_dim3A = arith.constant 0.000000e+00 : f32
    %broadcast_in_dim3A_46 = vector.broadcast %broadcast_in_dim3A : f32 to vector<16xf32>
    %scan3A_47 = arith.constant 0 : i32
    %scan3A_48 = arith.constant 10 : i32
    %scan3A_49 = arith.addi %scan3A_47, %scan3A_48 : i32
    %scan3A_50 = arith.constant 1 : i32
    %scan3A_51:8 = scf.for %scan3A_200 = %scan3A_47 to %scan3A_49 step %scan3A_50 iter_args(%scan3A_201 = %broadcast_in_dim3A_46, %scan3A_202 = %broadcast_in_dim3A_46, %scan3A_203 = %broadcast_in_dim3A_46, %scan3A_204 = %broadcast_in_dim3A_46, %scan3A_205 = %broadcast_in_dim3A_46, %scan3A_206 = %broadcast_in_dim3A_46, %scan3A_207 = %broadcast_in_dim3A_46, %scan3A_208 = %broadcast_in_dim3A_46) -> (vector<16xf32>, vector<16xf32>, vector<16xf32>, vector<16xf32>, vector<16xf32>, vector<16xf32>, vector<16xf32>, vector<16xf32>)  : i32 {
      %mul3A_209 = arith.constant 5 : i32
      %mul3A_210 = arith.muli %scan3A_200, %mul3A_209 : i32
      %add3A_211 = arith.constant 0 : i32
      %add3A_212 = arith.addi %mul3A_210, %add3A_211 : i32
      %get3A_213 = arith.constant 0 : i32
      %get3A_214 = arith.index_cast %get3A_213 : i32 to index
      %get3A_215 = arith.index_cast %add3A_212 : i32 to index
      %get3A_216 = arith.constant 0 : index
      %get3A_217 = tpu.vector_load %arg7[%get3A_214, %get3A_215, %get3A_216] {strides = array<i32>} : memref<2x50x128xf32, #tpu.memory_space<vmem>>, vector<1x1x16xf32>,
      %get3A_218 = vector.shape_cast %get3A_217 : vector<1x1x16xf32> to vector<16xf32>
      %add3A_219 = arith.addf %scan3A_201, %get3A_218 : vector<16xf32>
      %get3A_220 = arith.constant 0 : i32
      %get3A_221 = arith.index_cast %get3A_220 : i32 to index
      %get3A_222 = arith.index_cast %add3A_212 : i32 to index
      %get3A_223 = arith.constant 16 : index
      %get3A_224 = tpu.vector_load %arg7[%get3A_221, %get3A_222, %get3A_223] {strides = array<i32>} : memref<2x50x128xf32, #tpu.memory_space<vmem>>, vector<1x1x16xf32>,
      %get3A_225 = vector.shape_cast %get3A_224 : vector<1x1x16xf32> to vector<16xf32>
      %add3A_226 = arith.addf %scan3A_202, %get3A_225 : vector<16xf32>
      %get3A_227 = arith.constant 0 : i32
      %get3A_228 = arith.index_cast %get3A_227 : i32 to index
      %get3A_229 = arith.index_cast %add3A_212 : i32 to index
      %get3A_230 = arith.constant 32 : index
      %get3A_231 = tpu.vector_load %arg7[%get3A_228, %get3A_229, %get3A_230] {strides = array<i32>} : memref<2x50x128xf32, #tpu.memory_space<vmem>>, vector<1x1x16xf32>,
      %get3A_232 = vector.shape_cast %get3A_231 : vector<1x1x16xf32> to vector<16xf32>
      %add3A_233 = arith.addf %scan3A_203, %get3A_232 : vector<16xf32>
      %get3A_234 = arith.constant 0 : i32
      %get3A_235 = arith.index_cast %get3A_234 : i32 to index
      %get3A_236 = arith.index_cast %add3A_212 : i32 to index
      %get3A_237 = arith.constant 48 : index
      %get3A_238 = tpu.vector_load %arg7[%get3A_235, %get3A_236, %get3A_237] {strides = array<i32>} : memref<2x50x128xf32, #tpu.memory_space<vmem>>, vector<1x1x16xf32>,
      %get3A_239 = vector.shape_cast %get3A_238 : vector<1x1x16xf32> to vector<16xf32>
      %add3A_240 = arith.addf %scan3A_204, %get3A_239 : vector<16xf32>
      %get3A_241 = arith.constant 0 : i32
      %get3A_242 = arith.index_cast %get3A_241 : i32 to index
      %get3A_243 = arith.index_cast %add3A_212 : i32 to index
      %get3A_244 = arith.constant 64 : index
      %get3A_245 = tpu.vector_load %arg7[%get3A_242, %get3A_243, %get3A_244] {strides = array<i32>} : memref<2x50x128xf32, #tpu.memory_space<vmem>>, vector<1x1x16xf32>,
      %get3A_246 = vector.shape_cast %get3A_245 : vector<1x1x16xf32> to vector<16xf32>
      %add3A_247 = arith.addf %scan3A_205, %get3A_246 : vector<16xf32>
      %get3A_248 = arith.constant 0 : i32
      %get3A_249 = arith.index_cast %get3A_248 : i32 to index
      %get3A_250 = arith.index_cast %add3A_212 : i32 to index
      %get3A_251 = arith.constant 80 : index
      %get3A_252 = tpu.vector_load %arg7[%get3A_249, %get3A_250, %get3A_251] {strides = array<i32>} : memref<2x50x128xf32, #tpu.memory_space<vmem>>, vector<1x1x16xf32>,
      %get3A_253 = vector.shape_cast %get3A_252 : vector<1x1x16xf32> to vector<16xf32>
      %add3A_254 = arith.addf %scan3A_206, %get3A_253 : vector<16xf32>
      %get3A_255 = arith.constant 0 : i32
      %get3A_256 = arith.index_cast %get3A_255 : i32 to index
      %get3A_257 = arith.index_cast %add3A_212 : i32 to index
      %get3A_258 = arith.constant 96 : index
      %get3A_259 = tpu.vector_load %arg7[%get3A_256, %get3A_257, %get3A_258] {strides = array<i32>} : memref<2x50x128xf32, #tpu.memory_space<vmem>>, vector<1x1x16xf32>,
      %get3A_260 = vector.shape_cast %get3A_259 : vector<1x1x16xf32> to vector<16xf32>
      %add3A_261 = arith.addf %scan3A_207, %get3A_260 : vector<16xf32>
      %get3A_262 = arith.constant 0 : i32
      %get3A_263 = arith.index_cast %get3A_262 : i32 to index
      %get3A_264 = arith.index_cast %add3A_212 : i32 to index
      %get3A_265 = arith.constant 112 : index
      %get3A_266 = tpu.vector_load %arg7[%get3A_263, %get3A_264, %get3A_265] {strides = array<i32>} : memref<2x50x128xf32, #tpu.memory_space<vmem>>, vector<1x1x16xf32>,
      %get3A_267 = vector.shape_cast %get3A_266 : vector<1x1x16xf32> to vector<16xf32>
      %add3A_268 = arith.addf %scan3A_208, %get3A_267 : vector<16xf32>
      %mul3A_269 = arith.constant 5 : i32
      %mul3A_270 = arith.muli %scan3A_200, %mul3A_269 : i32
      %add3A_271 = arith.constant 1 : i32
      %add3A_272 = arith.addi %mul3A_270, %add3A_271 : i32
      %get3A_273 = arith.constant 0 : i32
      %get3A_274 = arith.index_cast %get3A_273 : i32 to index
      %get3A_275 = arith.index_cast %add3A_272 : i32 to index
      %get3A_276 = arith.constant 0 : index
      %get3A_277 = tpu.vector_load %arg7[%get3A_274, %get3A_275, %get3A_276] {strides = array<i32>} : memref<2x50x128xf32, #tpu.memory_space<vmem>>, vector<1x1x16xf32>,
      %get3A_278 = vector.shape_cast %get3A_277 : vector<1x1x16xf32> to vector<16xf32>
      %add3A_279 = arith.addf %add3A_219, %get3A_278 : vector<16xf32>
      %get3A_280 = arith.constant 0 : i32
      %get3A_281 = arith.index_cast %get3A_280 : i32 to index
      %get3A_282 = arith.index_cast %add3A_272 : i32 to index
      %get3A_283 = arith.constant 16 : index
      %get3A_284 = tpu.vector_load %arg7[%get3A_281, %get3A_282, %get3A_283] {strides = array<i32>} : memref<2x50x128xf32, #tpu.memory_space<vmem>>, vector<1x1x16xf32>,
      %get3A_285 = vector.shape_cast %get3A_284 : vector<1x1x16xf32> to vector<16xf32>
      %add3A_286 = arith.addf %add3A_226, %get3A_285 : vector<16xf32>
      %get3A_287 = arith.constant 0 : i32
      %get3A_288 = arith.index_cast %get3A_287 : i32 to index
      %get3A_289 = arith.index_cast %add3A_272 : i32 to index
      %get3A_290 = arith.constant 32 : index
      %get3A_291 = tpu.vector_load %arg7[%get3A_288, %get3A_289, %get3A_290] {strides = array<i32>} : memref<2x50x128xf32, #tpu.memory_space<vmem>>, vector<1x1x16xf32>,
      %get3A_292 = vector.shape_cast %get3A_291 : vector<1x1x16xf32> to vector<16xf32>
      %add3A_293 = arith.addf %add3A_233, %get3A_292 : vector<16xf32>
      %get3A_294 = arith.constant 0 : i32
      %get3A_295 = arith.index_cast %get3A_294 : i32 to index
      %get3A_296 = arith.index_cast %add3A_272 : i32 to index
      %get3A_297 = arith.constant 48 : index
      %get3A_298 = tpu.vector_load %arg7[%get3A_295, %get3A_296, %get3A_297] {strides = array<i32>} : memref<2x50x128xf32, #tpu.memory_space<vmem>>, vector<1x1x16xf32>,
      %get3A_299 = vector.shape_cast %get3A_298 : vector<1x1x16xf32> to vector<16xf32>
      %add3A_300 = arith.addf %add3A_240, %get3A_299 : vector<16xf32>
      %get3A_301 = arith.constant 0 : i32
      %get3A_302 = arith.index_cast %get3A_301 : i32 to index
      %get3A_303 = arith.index_cast %add3A_272 : i32 to index
      %get3A_304 = arith.constant 64 : index
      %get3A_305 = tpu.vector_load %arg7[%get3A_302, %get3A_303, %get3A_304] {strides = array<i32>} : memref<2x50x128xf32, #tpu.memory_space<vmem>>, vector<1x1x16xf32>,
      %get3A_306 = vector.shape_cast %get3A_305 : vector<1x1x16xf32> to vector<16xf32>
      %add3A_307 = arith.addf %add3A_247, %get3A_306 : vector<16xf32>
      %get3A_308 = arith.constant 0 : i32
      %get3A_309 = arith.index_cast %get3A_308 : i32 to index
      %get3A_310 = arith.index_cast %add3A_272 : i32 to index
      %get3A_311 = arith.constant 80 : index
      %get3A_312 = tpu.vector_load %arg7[%get3A_309, %get3A_310, %get3A_311] {strides = array<i32>} : memref<2x50x128xf32, #tpu.memory_space<vmem>>, vector<1x1x16xf32>,
      %get3A_313 = vector.shape_cast %get3A_312 : vector<1x1x16xf32> to vector<16xf32>
      %add3A_314 = arith.addf %add3A_254, %get3A_313 : vector<16xf32>
      %get3A_315 = arith.constant 0 : i32
      %get3A_316 = arith.index_cast %get3A_315 : i32 to index
      %get3A_317 = arith.index_cast %add3A_272 : i32 to index
      %get3A_318 = arith.constant 96 : index
      %get3A_319 = tpu.vector_load %arg7[%get3A_316, %get3A_317, %get3A_318] {strides = array<i32>} : memref<2x50x128xf32, #tpu.memory_space<vmem>>, vector<1x1x16xf32>,
      %get3A_320 = vector.shape_cast %get3A_319 : vector<1x1x16xf32> to vector<16xf32>
      %add3A_321 = arith.addf %add3A_261, %get3A_320 : vector<16xf32>
      %get3A_322 = arith.constant 0 : i32
      %get3A_323 = arith.index_cast %get3A_322 : i32 to index
      %get3A_324 = arith.index_cast %add3A_272 : i32 to index
      %get3A_325 = arith.constant 112 : index
      %get3A_326 = tpu.vector_load %arg7[%get3A_323, %get3A_324, %get3A_325] {strides = array<i32>} : memref<2x50x128xf32, #tpu.memory_space<vmem>>, vector<1x1x16xf32>,
      %get3A_327 = vector.shape_cast %get3A_326 : vector<1x1x16xf32> to vector<16xf32>
      %add3A_328 = arith.addf %add3A_268, %get3A_327 : vector<16xf32>
      %mul3A_329 = arith.constant 5 : i32
      %mul3A_330 = arith.muli %scan3A_200, %mul3A_329 : i32
      %add3A_331 = arith.constant 2 : i32
      %add3A_332 = arith.addi %mul3A_330, %add3A_331 : i32
      %get3A_333 = arith.constant 0 : i32
      %get3A_334 = arith.index_cast %get3A_333 : i32 to index
      %get3A_335 = arith.index_cast %add3A_332 : i32 to index
      %get3A_336 = arith.constant 0 : index
      %get3A_337 = tpu.vector_load %arg7[%get3A_334, %get3A_335, %get3A_336] {strides = array<i32>} : memref<2x50x128xf32, #tpu.memory_space<vmem>>, vector<1x1x16xf32>,
      %get3A_338 = vector.shape_cast %get3A_337 : vector<1x1x16xf32> to vector<16xf32>
      %add3A_339 = arith.addf %add3A_279, %get3A_338 : vector<16xf32>
      %get3A_340 = arith.constant 0 : i32
      %get3A_341 = arith.index_cast %get3A_340 : i32 to index
      %get3A_342 = arith.index_cast %add3A_332 : i32 to index
      %get3A_343 = arith.constant 16 : index
      %get3A_344 = tpu.vector_load %arg7[%get3A_341, %get3A_342, %get3A_343] {strides = array<i32>} : memref<2x50x128xf32, #tpu.memory_space<vmem>>, vector<1x1x16xf32>,
      %get3A_345 = vector.shape_cast %get3A_344 : vector<1x1x16xf32> to vector<16xf32>
      %add3A_346 = arith.addf %add3A_286, %get3A_345 : vector<16xf32>
      %get3A_347 = arith.constant 0 : i32
      %get3A_348 = arith.index_cast %get3A_347 : i32 to index
      %get3A_349 = arith.index_cast %add3A_332 : i32 to index
      %get3A_350 = arith.constant 32 : index
      %get3A_351 = tpu.vector_load %arg7[%get3A_348, %get3A_349, %get3A_350] {strides = array<i32>} : memref<2x50x128xf32, #tpu.memory_space<vmem>>, vector<1x1x16xf32>,
      %get3A_352 = vector.shape_cast %get3A_351 : vector<1x1x16xf32> to vector<16xf32>
      %add3A_353 = arith.addf %add3A_293, %get3A_352 : vector<16xf32>
      %get3A_354 = arith.constant 0 : i32
      %get3A_355 = arith.index_cast %get3A_354 : i32 to index
      %get3A_356 = arith.index_cast %add3A_332 : i32 to index
      %get3A_357 = arith.constant 48 : index
      %get3A_358 = tpu.vector_load %arg7[%get3A_355, %get3A_356, %get3A_357] {strides = array<i32>} : memref<2x50x128xf32, #tpu.memory_space<vmem>>, vector<1x1x16xf32>,
      %get3A_359 = vector.shape_cast %get3A_358 : vector<1x1x16xf32> to vector<16xf32>
      %add3A_360 = arith.addf %add3A_300, %get3A_359 : vector<16xf32>
      %get3A_361 = arith.constant 0 : i32
      %get3A_362 = arith.index_cast %get3A_361 : i32 to index
      %get3A_363 = arith.index_cast %add3A_332 : i32 to index
      %get3A_364 = arith.constant 64 : index
      %get3A_365 = tpu.vector_load %arg7[%get3A_362, %get3A_363, %get3A_364] {strides = array<i32>} : memref<2x50x128xf32, #tpu.memory_space<vmem>>, vector<1x1x16xf32>,
      %get3A_366 = vector.shape_cast %get3A_365 : vector<1x1x16xf32> to vector<16xf32>
      %add3A_367 = arith.addf %add3A_307, %get3A_366 : vector<16xf32>
      %get3A_368 = arith.constant 0 : i32
      %get3A_369 = arith.index_cast %get3A_368 : i32 to index
      %get3A_370 = arith.index_cast %add3A_332 : i32 to index
      %get3A_371 = arith.constant 80 : index
      %get3A_372 = tpu.vector_load %arg7[%get3A_369, %get3A_370, %get3A_371] {strides = array<i32>} : memref<2x50x128xf32, #tpu.memory_space<vmem>>, vector<1x1x16xf32>,
      %get3A_373 = vector.shape_cast %get3A_372 : vector<1x1x16xf32> to vector<16xf32>
      %add3A_374 = arith.addf %add3A_314, %get3A_373 : vector<16xf32>
      %get3A_375 = arith.constant 0 : i32
      %get3A_376 = arith.index_cast %get3A_375 : i32 to index
      %get3A_377 = arith.index_cast %add3A_332 : i32 to index
      %get3A_378 = arith.constant 96 : index
      %get3A_379 = tpu.vector_load %arg7[%get3A_376, %get3A_377, %get3A_378] {strides = array<i32>} : memref<2x50x128xf32, #tpu.memory_space<vmem>>, vector<1x1x16xf32>,
      %get3A_380 = vector.shape_cast %get3A_379 : vector<1x1x16xf32> to vector<16xf32>
      %add3A_381 = arith.addf %add3A_321, %get3A_380 : vector<16xf32>
      %get3A_382 = arith.constant 0 : i32
      %get3A_383 = arith.index_cast %get3A_382 : i32 to index
      %get3A_384 = arith.index_cast %add3A_332 : i32 to index
      %get3A_385 = arith.constant 112 : index
      %get3A_386 = tpu.vector_load %arg7[%get3A_383, %get3A_384, %get3A_385] {strides = array<i32>} : memref<2x50x128xf32, #tpu.memory_space<vmem>>, vector<1x1x16xf32>,
      %get3A_387 = vector.shape_cast %get3A_386 : vector<1x1x16xf32> to vector<16xf32>
      %add3A_388 = arith.addf %add3A_328, %get3A_387 : vector<16xf32>
      %mul3A_389 = arith.constant 5 : i32
      %mul3A_390 = arith.muli %scan3A_200, %mul3A_389 : i32
      %add3A_391 = arith.constant 3 : i32
      %add3A_392 = arith.addi %mul3A_390, %add3A_391 : i32
      %get3A_393 = arith.constant 0 : i32
      %get3A_394 = arith.index_cast %get3A_393 : i32 to index
      %get3A_395 = arith.index_cast %add3A_392 : i32 to index
      %get3A_396 = arith.constant 0 : index
      %get3A_397 = tpu.vector_load %arg7[%get3A_394, %get3A_395, %get3A_396] {strides = array<i32>} : memref<2x50x128xf32, #tpu.memory_space<vmem>>, vector<1x1x16xf32>,
      %get3A_398 = vector.shape_cast %get3A_397 : vector<1x1x16xf32> to vector<16xf32>
      %add3A_399 = arith.addf %add3A_339, %get3A_398 : vector<16xf32>
      %get3A_400 = arith.constant 0 : i32
      %get3A_401 = arith.index_cast %get3A_400 : i32 to index
      %get3A_402 = arith.index_cast %add3A_392 : i32 to index
      %get3A_403 = arith.constant 16 : index
      %get3A_404 = tpu.vector_load %arg7[%get3A_401, %get3A_402, %get3A_403] {strides = array<i32>} : memref<2x50x128xf32, #tpu.memory_space<vmem>>, vector<1x1x16xf32>,
      %get3A_405 = vector.shape_cast %get3A_404 : vector<1x1x16xf32> to vector<16xf32>
      %add3A_406 = arith.addf %add3A_346, %get3A_405 : vector<16xf32>
      %get3A_407 = arith.constant 0 : i32
      %get3A_408 = arith.index_cast %get3A_407 : i32 to index
      %get3A_409 = arith.index_cast %add3A_392 : i32 to index
      %get3A_410 = arith.constant 32 : index
      %get3A_411 = tpu.vector_load %arg7[%get3A_408, %get3A_409, %get3A_410] {strides = array<i32>} : memref<2x50x128xf32, #tpu.memory_space<vmem>>, vector<1x1x16xf32>,
      %get3A_412 = vector.shape_cast %get3A_411 : vector<1x1x16xf32> to vector<16xf32>
      %add3A_413 = arith.addf %add3A_353, %get3A_412 : vector<16xf32>
      %get3A_414 = arith.constant 0 : i32
      %get3A_415 = arith.index_cast %get3A_414 : i32 to index
      %get3A_416 = arith.index_cast %add3A_392 : i32 to index
      %get3A_417 = arith.constant 48 : index
      %get3A_418 = tpu.vector_load %arg7[%get3A_415, %get3A_416, %get3A_417] {strides = array<i32>} : memref<2x50x128xf32, #tpu.memory_space<vmem>>, vector<1x1x16xf32>,
      %get3A_419 = vector.shape_cast %get3A_418 : vector<1x1x16xf32> to vector<16xf32>
      %add3A_420 = arith.addf %add3A_360, %get3A_419 : vector<16xf32>
      %get3A_421 = arith.constant 0 : i32
      %get3A_422 = arith.index_cast %get3A_421 : i32 to index
      %get3A_423 = arith.index_cast %add3A_392 : i32 to index
      %get3A_424 = arith.constant 64 : index
      %get3A_425 = tpu.vector_load %arg7[%get3A_422, %get3A_423, %get3A_424] {strides = array<i32>} : memref<2x50x128xf32, #tpu.memory_space<vmem>>, vector<1x1x16xf32>,
      %get3A_426 = vector.shape_cast %get3A_425 : vector<1x1x16xf32> to vector<16xf32>
      %add3A_427 = arith.addf %add3A_367, %get3A_426 : vector<16xf32>
      %get3A_428 = arith.constant 0 : i32
      %get3A_429 = arith.index_cast %get3A_428 : i32 to index
      %get3A_430 = arith.index_cast %add3A_392 : i32 to index
      %get3A_431 = arith.constant 80 : index
      %get3A_432 = tpu.vector_load %arg7[%get3A_429, %get3A_430, %get3A_431] {strides = array<i32>} : memref<2x50x128xf32, #tpu.memory_space<vmem>>, vector<1x1x16xf32>,
      %get3A_433 = vector.shape_cast %get3A_432 : vector<1x1x16xf32> to vector<16xf32>
      %add3A_434 = arith.addf %add3A_374, %get3A_433 : vector<16xf32>
      %get3A_435 = arith.constant 0 : i32
      %get3A_436 = arith.index_cast %get3A_435 : i32 to index
      %get3A_437 = arith.index_cast %add3A_392 : i32 to index
      %get3A_438 = arith.constant 96 : index
      %get3A_439 = tpu.vector_load %arg7[%get3A_436, %get3A_437, %get3A_438] {strides = array<i32>} : memref<2x50x128xf32, #tpu.memory_space<vmem>>, vector<1x1x16xf32>,
      %get3A_440 = vector.shape_cast %get3A_439 : vector<1x1x16xf32> to vector<16xf32>
      %add3A_441 = arith.addf %add3A_381, %get3A_440 : vector<16xf32>
      %get3A_442 = arith.constant 0 : i32
      %get3A_443 = arith.index_cast %get3A_442 : i32 to index
      %get3A_444 = arith.index_cast %add3A_392 : i32 to index
      %get3A_445 = arith.constant 112 : index
      %get3A_446 = tpu.vector_load %arg7[%get3A_443, %get3A_444, %get3A_445] {strides = array<i32>} : memref<2x50x128xf32, #tpu.memory_space<vmem>>, vector<1x1x16xf32>,
      %get3A_447 = vector.shape_cast %get3A_446 : vector<1x1x16xf32> to vector<16xf32>
      %add3A_448 = arith.addf %add3A_388, %get3A_447 : vector<16xf32>
      %mul3A_449 = arith.constant 5 : i32
      %mul3A_450 = arith.muli %scan3A_200, %mul3A_449 : i32
      %add3A_451 = arith.constant 4 : i32
      %add3A_452 = arith.addi %mul3A_450, %add3A_451 : i32
      %get3A_453 = arith.constant 0 : i32
      %get3A_454 = arith.index_cast %get3A_453 : i32 to index
      %get3A_455 = arith.index_cast %add3A_452 : i32 to index
      %get3A_456 = arith.constant 0 : index
      %get3A_457 = tpu.vector_load %arg7[%get3A_454, %get3A_455, %get3A_456] {strides = array<i32>} : memref<2x50x128xf32, #tpu.memory_space<vmem>>, vector<1x1x16xf32>,
      %get3A_458 = vector.shape_cast %get3A_457 : vector<1x1x16xf32> to vector<16xf32>
      %add3A_459 = arith.addf %add3A_399, %get3A_458 : vector<16xf32>
      %get3A_460 = arith.constant 0 : i32
      %get3A_461 = arith.index_cast %get3A_460 : i32 to index
      %get3A_462 = arith.index_cast %add3A_452 : i32 to index
      %get3A_463 = arith.constant 16 : index
      %get3A_464 = tpu.vector_load %arg7[%get3A_461, %get3A_462, %get3A_463] {strides = array<i32>} : memref<2x50x128xf32, #tpu.memory_space<vmem>>, vector<1x1x16xf32>,
      %get3A_465 = vector.shape_cast %get3A_464 : vector<1x1x16xf32> to vector<16xf32>
      %add3A_466 = arith.addf %add3A_406, %get3A_465 : vector<16xf32>
      %get3A_467 = arith.constant 0 : i32
      %get3A_468 = arith.index_cast %get3A_467 : i32 to index
      %get3A_469 = arith.index_cast %add3A_452 : i32 to index
      %get3A_470 = arith.constant 32 : index
      %get3A_471 = tpu.vector_load %arg7[%get3A_468, %get3A_469, %get3A_470] {strides = array<i32>} : memref<2x50x128xf32, #tpu.memory_space<vmem>>, vector<1x1x16xf32>,
      %get3A_472 = vector.shape_cast %get3A_471 : vector<1x1x16xf32> to vector<16xf32>
      %add3A_473 = arith.addf %add3A_413, %get3A_472 : vector<16xf32>
      %get3A_474 = arith.constant 0 : i32
      %get3A_475 = arith.index_cast %get3A_474 : i32 to index
      %get3A_476 = arith.index_cast %add3A_452 : i32 to index
      %get3A_477 = arith.constant 48 : index
      %get3A_478 = tpu.vector_load %arg7[%get3A_475, %get3A_476, %get3A_477] {strides = array<i32>} : memref<2x50x128xf32, #tpu.memory_space<vmem>>, vector<1x1x16xf32>,
      %get3A_479 = vector.shape_cast %get3A_478 : vector<1x1x16xf32> to vector<16xf32>
      %add3A_480 = arith.addf %add3A_420, %get3A_479 : vector<16xf32>
      %get3A_481 = arith.constant 0 : i32
      %get3A_482 = arith.index_cast %get3A_481 : i32 to index
      %get3A_483 = arith.index_cast %add3A_452 : i32 to index
      %get3A_484 = arith.constant 64 : index
      %get3A_485 = tpu.vector_load %arg7[%get3A_482, %get3A_483, %get3A_484] {strides = array<i32>} : memref<2x50x128xf32, #tpu.memory_space<vmem>>, vector<1x1x16xf32>,
      %get3A_486 = vector.shape_cast %get3A_485 : vector<1x1x16xf32> to vector<16xf32>
      %add3A_487 = arith.addf %add3A_427, %get3A_486 : vector<16xf32>
      %get3A_488 = arith.constant 0 : i32
      %get3A_489 = arith.index_cast %get3A_488 : i32 to index
      %get3A_490 = arith.index_cast %add3A_452 : i32 to index
      %get3A_491 = arith.constant 80 : index
      %get3A_492 = tpu.vector_load %arg7[%get3A_489, %get3A_490, %get3A_491] {strides = array<i32>} : memref<2x50x128xf32, #tpu.memory_space<vmem>>, vector<1x1x16xf32>,
      %get3A_493 = vector.shape_cast %get3A_492 : vector<1x1x16xf32> to vector<16xf32>
      %add3A_494 = arith.addf %add3A_434, %get3A_493 : vector<16xf32>
      %get3A_495 = arith.constant 0 : i32
      %get3A_496 = arith.index_cast %get3A_495 : i32 to index
      %get3A_497 = arith.index_cast %add3A_452 : i32 to index
      %get3A_498 = arith.constant 96 : index
      %get3A_499 = tpu.vector_load %arg7[%get3A_496, %get3A_497, %get3A_498] {strides = array<i32>} : memref<2x50x128xf32, #tpu.memory_space<vmem>>, vector<1x1x16xf32>,
      %get3A_500 = vector.shape_cast %get3A_499 : vector<1x1x16xf32> to vector<16xf32>
      %add3A_501 = arith.addf %add3A_441, %get3A_500 : vector<16xf32>
      %get3A_502 = arith.constant 0 : i32
      %get3A_503 = arith.index_cast %get3A_502 : i32 to index
      %get3A_504 = arith.index_cast %add3A_452 : i32 to index
      %get3A_505 = arith.constant 112 : index
      %get3A_506 = tpu.vector_load %arg7[%get3A_503, %get3A_504, %get3A_505] {strides = array<i32>} : memref<2x50x128xf32, #tpu.memory_space<vmem>>, vector<1x1x16xf32>,
      %get3A_507 = vector.shape_cast %get3A_506 : vector<1x1x16xf32> to vector<16xf32>
      %add3A_508 = arith.addf %add3A_448, %get3A_507 : vector<16xf32>
      scf.yield %add3A_459, %add3A_466, %add3A_473, %add3A_480, %add3A_487, %add3A_494, %add3A_501, %add3A_508 : vector<16xf32>, vector<16xf32>, vector<16xf32>, vector<16xf32>, vector<16xf32>, vector<16xf32>, vector<16xf32>, vector<16xf32>
    }
    %scan3A_52 = arith.constant 10 : i32
    %mul3A_53 = vector.broadcast %squeeze3A : f32 to vector<16xf32>
    %mul3A_54 = arith.mulf %scan3A_51#0, %mul3A_53 : vector<16xf32>
    %swap3A = arith.constant 62 : i32
    %swap3A_55 = arith.index_cast %swap3A : i32 to index
    %swap3A_56 = arith.constant 0 : index
    %swap3A_57 = tpu.vector_load %arg8[%swap3A_55, %swap3A_56] {strides = array<i32>} : memref<64x128xf32, #tpu.memory_space<vmem>>, vector<1x16xf32>,
    %swap3A_58 = vector.shape_cast %swap3A_57 : vector<1x16xf32> to vector<16xf32>
    %swap3A_59 = vector.shape_cast %mul3A_54 : vector<16xf32> to vector<1x16xf32>
    tpu.vector_store %arg8[%swap3A_55, %swap3A_56], %swap3A_59 {strides = array<i32>} : memref<64x128xf32, #tpu.memory_space<vmem>>, vector<1x16xf32>,
    %mul3A_60 = vector.broadcast %squeeze3A : f32 to vector<16xf32>
    %mul3A_61 = arith.mulf %scan3A_51#1, %mul3A_60 : vector<16xf32>
    %swap3A_62 = arith.constant 62 : i32
    %swap3A_63 = arith.index_cast %swap3A_62 : i32 to index
    %swap3A_64 = arith.constant 16 : index
    %swap3A_65 = tpu.vector_load %arg8[%swap3A_63, %swap3A_64] {strides = array<i32>} : memref<64x128xf32, #tpu.memory_space<vmem>>, vector<1x16xf32>,
    %swap3A_66 = vector.shape_cast %swap3A_65 : vector<1x16xf32> to vector<16xf32>
    %swap3A_67 = vector.shape_cast %mul3A_61 : vector<16xf32> to vector<1x16xf32>
    tpu.vector_store %arg8[%swap3A_63, %swap3A_64], %swap3A_67 {strides = array<i32>} : memref<64x128xf32, #tpu.memory_space<vmem>>, vector<1x16xf32>,
    %mul3A_68 = vector.broadcast %squeeze3A : f32 to vector<16xf32>
    %mul3A_69 = arith.mulf %scan3A_51#2, %mul3A_68 : vector<16xf32>
    %swap3A_70 = arith.constant 62 : i32
    %swap3A_71 = arith.index_cast %swap3A_70 : i32 to index
    %swap3A_72 = arith.constant 32 : index
    %swap3A_73 = tpu.vector_load %arg8[%swap3A_71, %swap3A_72] {strides = array<i32>} : memref<64x128xf32, #tpu.memory_space<vmem>>, vector<1x16xf32>,
    %swap3A_74 = vector.shape_cast %swap3A_73 : vector<1x16xf32> to vector<16xf32>
    %swap3A_75 = vector.shape_cast %mul3A_69 : vector<16xf32> to vector<1x16xf32>
    tpu.vector_store %arg8[%swap3A_71, %swap3A_72], %swap3A_75 {strides = array<i32>} : memref<64x128xf32, #tpu.memory_space<vmem>>, vector<1x16xf32>,
    %mul3A_76 = vector.broadcast %squeeze3A : f32 to vector<16xf32>
    %mul3A_77 = arith.mulf %scan3A_51#3, %mul3A_76 : vector<16xf32>
    %swap3A_78 = arith.constant 62 : i32
    %swap3A_79 = arith.index_cast %swap3A_78 : i32 to index
    %swap3A_80 = arith.constant 48 : index
    %swap3A_81 = tpu.vector_load %arg8[%swap3A_79, %swap3A_80] {strides = array<i32>} : memref<64x128xf32, #tpu.memory_space<vmem>>, vector<1x16xf32>,
    %swap3A_82 = vector.shape_cast %swap3A_81 : vector<1x16xf32> to vector<16xf32>
    %swap3A_83 = vector.shape_cast %mul3A_77 : vector<16xf32> to vector<1x16xf32>
    tpu.vector_store %arg8[%swap3A_79, %swap3A_80], %swap3A_83 {strides = array<i32>} : memref<64x128xf32, #tpu.memory_space<vmem>>, vector<1x16xf32>,
    %mul3A_84 = vector.broadcast %squeeze3A : f32 to vector<16xf32>
    %mul3A_85 = arith.mulf %scan3A_51#4, %mul3A_84 : vector<16xf32>
    %swap3A_86 = arith.constant 62 : i32
    %swap3A_87 = arith.index_cast %swap3A_86 : i32 to index
    %swap3A_88 = arith.constant 64 : index
    %swap3A_89 = tpu.vector_load %arg8[%swap3A_87, %swap3A_88] {strides = array<i32>} : memref<64x128xf32, #tpu.memory_space<vmem>>, vector<1x16xf32>,
    %swap3A_90 = vector.shape_cast %swap3A_89 : vector<1x16xf32> to vector<16xf32>
    %swap3A_91 = vector.shape_cast %mul3A_85 : vector<16xf32> to vector<1x16xf32>
    tpu.vector_store %arg8[%swap3A_87, %swap3A_88], %swap3A_91 {strides = array<i32>} : memref<64x128xf32, #tpu.memory_space<vmem>>, vector<1x16xf32>,
    %mul3A_92 = vector.broadcast %squeeze3A : f32 to vector<16xf32>
    %mul3A_93 = arith.mulf %scan3A_51#5, %mul3A_92 : vector<16xf32>
    %swap3A_94 = arith.constant 62 : i32
    %swap3A_95 = arith.index_cast %swap3A_94 : i32 to index
    %swap3A_96 = arith.constant 80 : index
    %swap3A_97 = tpu.vector_load %arg8[%swap3A_95, %swap3A_96] {strides = array<i32>} : memref<64x128xf32, #tpu.memory_space<vmem>>, vector<1x16xf32>,
    %swap3A_98 = vector.shape_cast %swap3A_97 : vector<1x16xf32> to vector<16xf32>
    %swap3A_99 = vector.shape_cast %mul3A_93 : vector<16xf32> to vector<1x16xf32>
    tpu.vector_store %arg8[%swap3A_95, %swap3A_96], %swap3A_99 {strides = array<i32>} : memref<64x128xf32, #tpu.memory_space<vmem>>, vector<1x16xf32>,
    %mul3A_100 = vector.broadcast %squeeze3A : f32 to vector<16xf32>
    %mul3A_101 = arith.mulf %scan3A_51#6, %mul3A_100 : vector<16xf32>
    %swap3A_102 = arith.constant 62 : i32
    %swap3A_103 = arith.index_cast %swap3A_102 : i32 to index
    %swap3A_104 = arith.constant 96 : index
    %swap3A_105 = tpu.vector_load %arg8[%swap3A_103, %swap3A_104] {strides = array<i32>} : memref<64x128xf32, #tpu.memory_space<vmem>>, vector<1x16xf32>,
    %swap3A_106 = vector.shape_cast %swap3A_105 : vector<1x16xf32> to vector<16xf32>
    %swap3A_107 = vector.shape_cast %mul3A_101 : vector<16xf32> to vector<1x16xf32>
    tpu.vector_store %arg8[%swap3A_103, %swap3A_104], %swap3A_107 {strides = array<i32>} : memref<64x128xf32, #tpu.memory_space<vmem>>, vector<1x16xf32>,
    %mul3A_108 = vector.broadcast %squeeze3A : f32 to vector<16xf32>
    %mul3A_109 = arith.mulf %scan3A_51#7, %mul3A_108 : vector<16xf32>
    %swap3A_110 = arith.constant 62 : i32
    %swap3A_111 = arith.index_cast %swap3A_110 : i32 to index
    %swap3A_112 = arith.constant 112 : index
    %swap3A_113 = tpu.vector_load %arg8[%swap3A_111, %swap3A_112] {strides = array<i32>} : memref<64x128xf32, #tpu.memory_space<vmem>>, vector<1x16xf32>,
    %swap3A_114 = vector.shape_cast %swap3A_113 : vector<1x16xf32> to vector<16xf32>
    %swap3A_115 = vector.shape_cast %mul3A_109 : vector<16xf32> to vector<1x16xf32>
    tpu.vector_store %arg8[%swap3A_111, %swap3A_112], %swap3A_115 {strides = array<i32>} : memref<64x128xf32, #tpu.memory_space<vmem>>, vector<1x16xf32>,
    %dma_wait3A_116 = arith.constant 63 : i32
    %dma_wait3A_117 = arith.constant 1 : i32
    %dma_wait3A_118 = arith.constant 0 : i32
    %dma_wait3A_119 = arith.constant 0 : i32
    %dma_wait3A_120 = tpu.memref_slice %arg7[%dma_wait3A_117, %dma_wait3A_118, %dma_wait3A_119] : memref<2x50x128xf32, #tpu.memory_space<vmem>> -> memref<1x50x128xf32, #tpu.memory_space<vmem>>
    %dma_wait3A_121 = tpu.memref_squeeze %dma_wait3A_120 : memref<1x50x128xf32, #tpu.memory_space<vmem>> -> memref<50x128xf32, #tpu.memory_space<vmem>>
    %dma_wait3A_122 = arith.constant 0 : i32
    %dma_wait3A_123 = tpu.memref_slice %arg6[%dma_wait3A_116, %dma_wait3A_122] : memref<64x50xi32, #tpu.memory_space<vmem>> -> memref<1x50xi32, #tpu.memory_space<vmem>>
    %dma_wait3A_124 = tpu.memref_squeeze %dma_wait3A_123 : memref<1x50xi32, #tpu.memory_space<vmem>> -> memref<50xi32, #tpu.memory_space<vmem>>
    %dma_wait3A_125 = arith.constant 0 : i32
    %dma_wait3A_126 = arith.constant 0 : i32
    %dma_wait3A_127 = tpu.memref_slice %arg9[%dma_wait3A_125, %dma_wait3A_126] : memref<10000x128xf32, #tpu.memory_space<vmem_shared>> -> memref<10000x128xf32, #tpu.memory_space<vmem_shared>>
    tpu.wait_indirect_dma semaphore(%arg11 : memref<!tpu.dma_semaphore, #tpu.memory_space<semaphore_mem>>) src(%dma_wait3A_127 : memref<10000x128xf32, #tpu.memory_space<vmem_shared>>) dst(%dma_wait3A_121 : memref<50x128xf32, #tpu.memory_space<vmem>>)
    %broadcast_in_dim3A_128 = arith.constant 0.000000e+00 : f32
    %broadcast_in_dim3A_129 = vector.broadcast %broadcast_in_dim3A_128 : f32 to vector<16xf32>
    %scan3A_130 = arith.constant 0 : i32
    %scan3A_131 = arith.constant 10 : i32
    %scan3A_132 = arith.addi %scan3A_130, %scan3A_131 : i32
    %scan3A_133 = arith.constant 1 : i32
    %scan3A_134:8 = scf.for %scan3A_200 = %scan3A_130 to %scan3A_132 step %scan3A_133 iter_args(%scan3A_201 = %broadcast_in_dim3A_129, %scan3A_202 = %broadcast_in_dim3A_129, %scan3A_203 = %broadcast_in_dim3A_129, %scan3A_204 = %broadcast_in_dim3A_129, %scan3A_205 = %broadcast_in_dim3A_129, %scan3A_206 = %broadcast_in_dim3A_129, %scan3A_207 = %broadcast_in_dim3A_129, %scan3A_208 = %broadcast_in_dim3A_129) -> (vector<16xf32>, vector<16xf32>, vector<16xf32>, vector<16xf32>, vector<16xf32>, vector<16xf32>, vector<16xf32>, vector<16xf32>)  : i32 {
      %mul3A_209 = arith.constant 5 : i32
      %mul3A_210 = arith.muli %scan3A_200, %mul3A_209 : i32
      %add3A_211 = arith.constant 0 : i32
      %add3A_212 = arith.addi %mul3A_210, %add3A_211 : i32
      %get3A_213 = arith.constant 1 : i32
      %get3A_214 = arith.index_cast %get3A_213 : i32 to index
      %get3A_215 = arith.index_cast %add3A_212 : i32 to index
      %get3A_216 = arith.constant 0 : index
      %get3A_217 = tpu.vector_load %arg7[%get3A_214, %get3A_215, %get3A_216] {strides = array<i32>} : memref<2x50x128xf32, #tpu.memory_space<vmem>>, vector<1x1x16xf32>,
      %get3A_218 = vector.shape_cast %get3A_217 : vector<1x1x16xf32> to vector<16xf32>
      %add3A_219 = arith.addf %scan3A_201, %get3A_218 : vector<16xf32>
      %get3A_220 = arith.constant 1 : i32
      %get3A_221 = arith.index_cast %get3A_220 : i32 to index
      %get3A_222 = arith.index_cast %add3A_212 : i32 to index
      %get3A_223 = arith.constant 16 : index
      %get3A_224 = tpu.vector_load %arg7[%get3A_221, %get3A_222, %get3A_223] {strides = array<i32>} : memref<2x50x128xf32, #tpu.memory_space<vmem>>, vector<1x1x16xf32>,
      %get3A_225 = vector.shape_cast %get3A_224 : vector<1x1x16xf32> to vector<16xf32>
      %add3A_226 = arith.addf %scan3A_202, %get3A_225 : vector<16xf32>
      %get3A_227 = arith.constant 1 : i32
      %get3A_228 = arith.index_cast %get3A_227 : i32 to index
      %get3A_229 = arith.index_cast %add3A_212 : i32 to index
      %get3A_230 = arith.constant 32 : index
      %get3A_231 = tpu.vector_load %arg7[%get3A_228, %get3A_229, %get3A_230] {strides = array<i32>} : memref<2x50x128xf32, #tpu.memory_space<vmem>>, vector<1x1x16xf32>,
      %get3A_232 = vector.shape_cast %get3A_231 : vector<1x1x16xf32> to vector<16xf32>
      %add3A_233 = arith.addf %scan3A_203, %get3A_232 : vector<16xf32>
      %get3A_234 = arith.constant 1 : i32
      %get3A_235 = arith.index_cast %get3A_234 : i32 to index
      %get3A_236 = arith.index_cast %add3A_212 : i32 to index
      %get3A_237 = arith.constant 48 : index
      %get3A_238 = tpu.vector_load %arg7[%get3A_235, %get3A_236, %get3A_237] {strides = array<i32>} : memref<2x50x128xf32, #tpu.memory_space<vmem>>, vector<1x1x16xf32>,
      %get3A_239 = vector.shape_cast %get3A_238 : vector<1x1x16xf32> to vector<16xf32>
      %add3A_240 = arith.addf %scan3A_204, %get3A_239 : vector<16xf32>
      %get3A_241 = arith.constant 1 : i32
      %get3A_242 = arith.index_cast %get3A_241 : i32 to index
      %get3A_243 = arith.index_cast %add3A_212 : i32 to index
      %get3A_244 = arith.constant 64 : index
      %get3A_245 = tpu.vector_load %arg7[%get3A_242, %get3A_243, %get3A_244] {strides = array<i32>} : memref<2x50x128xf32, #tpu.memory_space<vmem>>, vector<1x1x16xf32>,
      %get3A_246 = vector.shape_cast %get3A_245 : vector<1x1x16xf32> to vector<16xf32>
      %add3A_247 = arith.addf %scan3A_205, %get3A_246 : vector<16xf32>
      %get3A_248 = arith.constant 1 : i32
      %get3A_249 = arith.index_cast %get3A_248 : i32 to index
      %get3A_250 = arith.index_cast %add3A_212 : i32 to index
      %get3A_251 = arith.constant 80 : index
      %get3A_252 = tpu.vector_load %arg7[%get3A_249, %get3A_250, %get3A_251] {strides = array<i32>} : memref<2x50x128xf32, #tpu.memory_space<vmem>>, vector<1x1x16xf32>,
      %get3A_253 = vector.shape_cast %get3A_252 : vector<1x1x16xf32> to vector<16xf32>
      %add3A_254 = arith.addf %scan3A_206, %get3A_253 : vector<16xf32>
      %get3A_255 = arith.constant 1 : i32
      %get3A_256 = arith.index_cast %get3A_255 : i32 to index
      %get3A_257 = arith.index_cast %add3A_212 : i32 to index
      %get3A_258 = arith.constant 96 : index
      %get3A_259 = tpu.vector_load %arg7[%get3A_256, %get3A_257, %get3A_258] {strides = array<i32>} : memref<2x50x128xf32, #tpu.memory_space<vmem>>, vector<1x1x16xf32>,
      %get3A_260 = vector.shape_cast %get3A_259 : vector<1x1x16xf32> to vector<16xf32>
      %add3A_261 = arith.addf %scan3A_207, %get3A_260 : vector<16xf32>
      %get3A_262 = arith.constant 1 : i32
      %get3A_263 = arith.index_cast %get3A_262 : i32 to index
      %get3A_264 = arith.index_cast %add3A_212 : i32 to index
      %get3A_265 = arith.constant 112 : index
      %get3A_266 = tpu.vector_load %arg7[%get3A_263, %get3A_264, %get3A_265] {strides = array<i32>} : memref<2x50x128xf32, #tpu.memory_space<vmem>>, vector<1x1x16xf32>,
      %get3A_267 = vector.shape_cast %get3A_266 : vector<1x1x16xf32> to vector<16xf32>
      %add3A_268 = arith.addf %scan3A_208, %get3A_267 : vector<16xf32>
      %mul3A_269 = arith.constant 5 : i32
      %mul3A_270 = arith.muli %scan3A_200, %mul3A_269 : i32
      %add3A_271 = arith.constant 1 : i32
      %add3A_272 = arith.addi %mul3A_270, %add3A_271 : i32
      %get3A_273 = arith.constant 1 : i32
      %get3A_274 = arith.index_cast %get3A_273 : i32 to index
      %get3A_275 = arith.index_cast %add3A_272 : i32 to index
      %get3A_276 = arith.constant 0 : index
      %get3A_277 = tpu.vector_load %arg7[%get3A_274, %get3A_275, %get3A_276] {strides = array<i32>} : memref<2x50x128xf32, #tpu.memory_space<vmem>>, vector<1x1x16xf32>,
      %get3A_278 = vector.shape_cast %get3A_277 : vector<1x1x16xf32> to vector<16xf32>
      %add3A_279 = arith.addf %add3A_219, %get3A_278 : vector<16xf32>
      %get3A_280 = arith.constant 1 : i32
      %get3A_281 = arith.index_cast %get3A_280 : i32 to index
      %get3A_282 = arith.index_cast %add3A_272 : i32 to index
      %get3A_283 = arith.constant 16 : index
      %get3A_284 = tpu.vector_load %arg7[%get3A_281, %get3A_282, %get3A_283] {strides = array<i32>} : memref<2x50x128xf32, #tpu.memory_space<vmem>>, vector<1x1x16xf32>,
      %get3A_285 = vector.shape_cast %get3A_284 : vector<1x1x16xf32> to vector<16xf32>
      %add3A_286 = arith.addf %add3A_226, %get3A_285 : vector<16xf32>
      %get3A_287 = arith.constant 1 : i32
      %get3A_288 = arith.index_cast %get3A_287 : i32 to index
      %get3A_289 = arith.index_cast %add3A_272 : i32 to index
      %get3A_290 = arith.constant 32 : index
      %get3A_291 = tpu.vector_load %arg7[%get3A_288, %get3A_289, %get3A_290] {strides = array<i32>} : memref<2x50x128xf32, #tpu.memory_space<vmem>>, vector<1x1x16xf32>,
      %get3A_292 = vector.shape_cast %get3A_291 : vector<1x1x16xf32> to vector<16xf32>
      %add3A_293 = arith.addf %add3A_233, %get3A_292 : vector<16xf32>
      %get3A_294 = arith.constant 1 : i32
      %get3A_295 = arith.index_cast %get3A_294 : i32 to index
      %get3A_296 = arith.index_cast %add3A_272 : i32 to index
      %get3A_297 = arith.constant 48 : index
      %get3A_298 = tpu.vector_load %arg7[%get3A_295, %get3A_296, %get3A_297] {strides = array<i32>} : memref<2x50x128xf32, #tpu.memory_space<vmem>>, vector<1x1x16xf32>,
      %get3A_299 = vector.shape_cast %get3A_298 : vector<1x1x16xf32> to vector<16xf32>
      %add3A_300 = arith.addf %add3A_240, %get3A_299 : vector<16xf32>
      %get3A_301 = arith.constant 1 : i32
      %get3A_302 = arith.index_cast %get3A_301 : i32 to index
      %get3A_303 = arith.index_cast %add3A_272 : i32 to index
      %get3A_304 = arith.constant 64 : index
      %get3A_305 = tpu.vector_load %arg7[%get3A_302, %get3A_303, %get3A_304] {strides = array<i32>} : memref<2x50x128xf32, #tpu.memory_space<vmem>>, vector<1x1x16xf32>,
      %get3A_306 = vector.shape_cast %get3A_305 : vector<1x1x16xf32> to vector<16xf32>
      %add3A_307 = arith.addf %add3A_247, %get3A_306 : vector<16xf32>
      %get3A_308 = arith.constant 1 : i32
      %get3A_309 = arith.index_cast %get3A_308 : i32 to index
      %get3A_310 = arith.index_cast %add3A_272 : i32 to index
      %get3A_311 = arith.constant 80 : index
      %get3A_312 = tpu.vector_load %arg7[%get3A_309, %get3A_310, %get3A_311] {strides = array<i32>} : memref<2x50x128xf32, #tpu.memory_space<vmem>>, vector<1x1x16xf32>,
      %get3A_313 = vector.shape_cast %get3A_312 : vector<1x1x16xf32> to vector<16xf32>
      %add3A_314 = arith.addf %add3A_254, %get3A_313 : vector<16xf32>
      %get3A_315 = arith.constant 1 : i32
      %get3A_316 = arith.index_cast %get3A_315 : i32 to index
      %get3A_317 = arith.index_cast %add3A_272 : i32 to index
      %get3A_318 = arith.constant 96 : index
      %get3A_319 = tpu.vector_load %arg7[%get3A_316, %get3A_317, %get3A_318] {strides = array<i32>} : memref<2x50x128xf32, #tpu.memory_space<vmem>>, vector<1x1x16xf32>,
      %get3A_320 = vector.shape_cast %get3A_319 : vector<1x1x16xf32> to vector<16xf32>
      %add3A_321 = arith.addf %add3A_261, %get3A_320 : vector<16xf32>
      %get3A_322 = arith.constant 1 : i32
      %get3A_323 = arith.index_cast %get3A_322 : i32 to index
      %get3A_324 = arith.index_cast %add3A_272 : i32 to index
      %get3A_325 = arith.constant 112 : index
      %get3A_326 = tpu.vector_load %arg7[%get3A_323, %get3A_324, %get3A_325] {strides = array<i32>} : memref<2x50x128xf32, #tpu.memory_space<vmem>>, vector<1x1x16xf32>,
      %get3A_327 = vector.shape_cast %get3A_326 : vector<1x1x16xf32> to vector<16xf32>
      %add3A_328 = arith.addf %add3A_268, %get3A_327 : vector<16xf32>
      %mul3A_329 = arith.constant 5 : i32
      %mul3A_330 = arith.muli %scan3A_200, %mul3A_329 : i32
      %add3A_331 = arith.constant 2 : i32
      %add3A_332 = arith.addi %mul3A_330, %add3A_331 : i32
      %get3A_333 = arith.constant 1 : i32
      %get3A_334 = arith.index_cast %get3A_333 : i32 to index
      %get3A_335 = arith.index_cast %add3A_332 : i32 to index
      %get3A_336 = arith.constant 0 : index
      %get3A_337 = tpu.vector_load %arg7[%get3A_334, %get3A_335, %get3A_336] {strides = array<i32>} : memref<2x50x128xf32, #tpu.memory_space<vmem>>, vector<1x1x16xf32>,
      %get3A_338 = vector.shape_cast %get3A_337 : vector<1x1x16xf32> to vector<16xf32>
      %add3A_339 = arith.addf %add3A_279, %get3A_338 : vector<16xf32>
      %get3A_340 = arith.constant 1 : i32
      %get3A_341 = arith.index_cast %get3A_340 : i32 to index
      %get3A_342 = arith.index_cast %add3A_332 : i32 to index
      %get3A_343 = arith.constant 16 : index
      %get3A_344 = tpu.vector_load %arg7[%get3A_341, %get3A_342, %get3A_343] {strides = array<i32>} : memref<2x50x128xf32, #tpu.memory_space<vmem>>, vector<1x1x16xf32>,
      %get3A_345 = vector.shape_cast %get3A_344 : vector<1x1x16xf32> to vector<16xf32>
      %add3A_346 = arith.addf %add3A_286, %get3A_345 : vector<16xf32>
      %get3A_347 = arith.constant 1 : i32
      %get3A_348 = arith.index_cast %get3A_347 : i32 to index
      %get3A_349 = arith.index_cast %add3A_332 : i32 to index
      %get3A_350 = arith.constant 32 : index
      %get3A_351 = tpu.vector_load %arg7[%get3A_348, %get3A_349, %get3A_350] {strides = array<i32>} : memref<2x50x128xf32, #tpu.memory_space<vmem>>, vector<1x1x16xf32>,
      %get3A_352 = vector.shape_cast %get3A_351 : vector<1x1x16xf32> to vector<16xf32>
      %add3A_353 = arith.addf %add3A_293, %get3A_352 : vector<16xf32>
      %get3A_354 = arith.constant 1 : i32
      %get3A_355 = arith.index_cast %get3A_354 : i32 to index
      %get3A_356 = arith.index_cast %add3A_332 : i32 to index
      %get3A_357 = arith.constant 48 : index
      %get3A_358 = tpu.vector_load %arg7[%get3A_355, %get3A_356, %get3A_357] {strides = array<i32>} : memref<2x50x128xf32, #tpu.memory_space<vmem>>, vector<1x1x16xf32>,
      %get3A_359 = vector.shape_cast %get3A_358 : vector<1x1x16xf32> to vector<16xf32>
      %add3A_360 = arith.addf %add3A_300, %get3A_359 : vector<16xf32>
      %get3A_361 = arith.constant 1 : i32
      %get3A_362 = arith.index_cast %get3A_361 : i32 to index
      %get3A_363 = arith.index_cast %add3A_332 : i32 to index
      %get3A_364 = arith.constant 64 : index
      %get3A_365 = tpu.vector_load %arg7[%get3A_362, %get3A_363, %get3A_364] {strides = array<i32>} : memref<2x50x128xf32, #tpu.memory_space<vmem>>, vector<1x1x16xf32>,
      %get3A_366 = vector.shape_cast %get3A_365 : vector<1x1x16xf32> to vector<16xf32>
      %add3A_367 = arith.addf %add3A_307, %get3A_366 : vector<16xf32>
      %get3A_368 = arith.constant 1 : i32
      %get3A_369 = arith.index_cast %get3A_368 : i32 to index
      %get3A_370 = arith.index_cast %add3A_332 : i32 to index
      %get3A_371 = arith.constant 80 : index
      %get3A_372 = tpu.vector_load %arg7[%get3A_369, %get3A_370, %get3A_371] {strides = array<i32>} : memref<2x50x128xf32, #tpu.memory_space<vmem>>, vector<1x1x16xf32>,
      %get3A_373 = vector.shape_cast %get3A_372 : vector<1x1x16xf32> to vector<16xf32>
      %add3A_374 = arith.addf %add3A_314, %get3A_373 : vector<16xf32>
      %get3A_375 = arith.constant 1 : i32
      %get3A_376 = arith.index_cast %get3A_375 : i32 to index
      %get3A_377 = arith.index_cast %add3A_332 : i32 to index
      %get3A_378 = arith.constant 96 : index
      %get3A_379 = tpu.vector_load %arg7[%get3A_376, %get3A_377, %get3A_378] {strides = array<i32>} : memref<2x50x128xf32, #tpu.memory_space<vmem>>, vector<1x1x16xf32>,
      %get3A_380 = vector.shape_cast %get3A_379 : vector<1x1x16xf32> to vector<16xf32>
      %add3A_381 = arith.addf %add3A_321, %get3A_380 : vector<16xf32>
      %get3A_382 = arith.constant 1 : i32
      %get3A_383 = arith.index_cast %get3A_382 : i32 to index
      %get3A_384 = arith.index_cast %add3A_332 : i32 to index
      %get3A_385 = arith.constant 112 : index
      %get3A_386 = tpu.vector_load %arg7[%get3A_383, %get3A_384, %get3A_385] {strides = array<i32>} : memref<2x50x128xf32, #tpu.memory_space<vmem>>, vector<1x1x16xf32>,
      %get3A_387 = vector.shape_cast %get3A_386 : vector<1x1x16xf32> to vector<16xf32>
      %add3A_388 = arith.addf %add3A_328, %get3A_387 : vector<16xf32>
      %mul3A_389 = arith.constant 5 : i32
      %mul3A_390 = arith.muli %scan3A_200, %mul3A_389 : i32
      %add3A_391 = arith.constant 3 : i32
      %add3A_392 = arith.addi %mul3A_390, %add3A_391 : i32
      %get3A_393 = arith.constant 1 : i32
      %get3A_394 = arith.index_cast %get3A_393 : i32 to index
      %get3A_395 = arith.index_cast %add3A_392 : i32 to index
      %get3A_396 = arith.constant 0 : index
      %get3A_397 = tpu.vector_load %arg7[%get3A_394, %get3A_395, %get3A_396] {strides = array<i32>} : memref<2x50x128xf32, #tpu.memory_space<vmem>>, vector<1x1x16xf32>,
      %get3A_398 = vector.shape_cast %get3A_397 : vector<1x1x16xf32> to vector<16xf32>
      %add3A_399 = arith.addf %add3A_339, %get3A_398 : vector<16xf32>
      %get3A_400 = arith.constant 1 : i32
      %get3A_401 = arith.index_cast %get3A_400 : i32 to index
      %get3A_402 = arith.index_cast %add3A_392 : i32 to index
      %get3A_403 = arith.constant 16 : index
      %get3A_404 = tpu.vector_load %arg7[%get3A_401, %get3A_402, %get3A_403] {strides = array<i32>} : memref<2x50x128xf32, #tpu.memory_space<vmem>>, vector<1x1x16xf32>,
      %get3A_405 = vector.shape_cast %get3A_404 : vector<1x1x16xf32> to vector<16xf32>
      %add3A_406 = arith.addf %add3A_346, %get3A_405 : vector<16xf32>
      %get3A_407 = arith.constant 1 : i32
      %get3A_408 = arith.index_cast %get3A_407 : i32 to index
      %get3A_409 = arith.index_cast %add3A_392 : i32 to index
      %get3A_410 = arith.constant 32 : index
      %get3A_411 = tpu.vector_load %arg7[%get3A_408, %get3A_409, %get3A_410] {strides = array<i32>} : memref<2x50x128xf32, #tpu.memory_space<vmem>>, vector<1x1x16xf32>,
      %get3A_412 = vector.shape_cast %get3A_411 : vector<1x1x16xf32> to vector<16xf32>
      %add3A_413 = arith.addf %add3A_353, %get3A_412 : vector<16xf32>
      %get3A_414 = arith.constant 1 : i32
      %get3A_415 = arith.index_cast %get3A_414 : i32 to index
      %get3A_416 = arith.index_cast %add3A_392 : i32 to index
      %get3A_417 = arith.constant 48 : index
      %get3A_418 = tpu.vector_load %arg7[%get3A_415, %get3A_416, %get3A_417] {strides = array<i32>} : memref<2x50x128xf32, #tpu.memory_space<vmem>>, vector<1x1x16xf32>,
      %get3A_419 = vector.shape_cast %get3A_418 : vector<1x1x16xf32> to vector<16xf32>
      %add3A_420 = arith.addf %add3A_360, %get3A_419 : vector<16xf32>
      %get3A_421 = arith.constant 1 : i32
      %get3A_422 = arith.index_cast %get3A_421 : i32 to index
      %get3A_423 = arith.index_cast %add3A_392 : i32 to index
      %get3A_424 = arith.constant 64 : index
      %get3A_425 = tpu.vector_load %arg7[%get3A_422, %get3A_423, %get3A_424] {strides = array<i32>} : memref<2x50x128xf32, #tpu.memory_space<vmem>>, vector<1x1x16xf32>,
      %get3A_426 = vector.shape_cast %get3A_425 : vector<1x1x16xf32> to vector<16xf32>
      %add3A_427 = arith.addf %add3A_367, %get3A_426 : vector<16xf32>
      %get3A_428 = arith.constant 1 : i32
      %get3A_429 = arith.index_cast %get3A_428 : i32 to index
      %get3A_430 = arith.index_cast %add3A_392 : i32 to index
      %get3A_431 = arith.constant 80 : index
      %get3A_432 = tpu.vector_load %arg7[%get3A_429, %get3A_430, %get3A_431] {strides = array<i32>} : memref<2x50x128xf32, #tpu.memory_space<vmem>>, vector<1x1x16xf32>,
      %get3A_433 = vector.shape_cast %get3A_432 : vector<1x1x16xf32> to vector<16xf32>
      %add3A_434 = arith.addf %add3A_374, %get3A_433 : vector<16xf32>
      %get3A_435 = arith.constant 1 : i32
      %get3A_436 = arith.index_cast %get3A_435 : i32 to index
      %get3A_437 = arith.index_cast %add3A_392 : i32 to index
      %get3A_438 = arith.constant 96 : index
      %get3A_439 = tpu.vector_load %arg7[%get3A_436, %get3A_437, %get3A_438] {strides = array<i32>} : memref<2x50x128xf32, #tpu.memory_space<vmem>>, vector<1x1x16xf32>,
      %get3A_440 = vector.shape_cast %get3A_439 : vector<1x1x16xf32> to vector<16xf32>
      %add3A_441 = arith.addf %add3A_381, %get3A_440 : vector<16xf32>
      %get3A_442 = arith.constant 1 : i32
      %get3A_443 = arith.index_cast %get3A_442 : i32 to index
      %get3A_444 = arith.index_cast %add3A_392 : i32 to index
      %get3A_445 = arith.constant 112 : index
      %get3A_446 = tpu.vector_load %arg7[%get3A_443, %get3A_444, %get3A_445] {strides = array<i32>} : memref<2x50x128xf32, #tpu.memory_space<vmem>>, vector<1x1x16xf32>,
      %get3A_447 = vector.shape_cast %get3A_446 : vector<1x1x16xf32> to vector<16xf32>
      %add3A_448 = arith.addf %add3A_388, %get3A_447 : vector<16xf32>
      %mul3A_449 = arith.constant 5 : i32
      %mul3A_450 = arith.muli %scan3A_200, %mul3A_449 : i32
      %add3A_451 = arith.constant 4 : i32
      %add3A_452 = arith.addi %mul3A_450, %add3A_451 : i32
      %get3A_453 = arith.constant 1 : i32
      %get3A_454 = arith.index_cast %get3A_453 : i32 to index
      %get3A_455 = arith.index_cast %add3A_452 : i32 to index
      %get3A_456 = arith.constant 0 : index
      %get3A_457 = tpu.vector_load %arg7[%get3A_454, %get3A_455, %get3A_456] {strides = array<i32>} : memref<2x50x128xf32, #tpu.memory_space<vmem>>, vector<1x1x16xf32>,
      %get3A_458 = vector.shape_cast %get3A_457 : vector<1x1x16xf32> to vector<16xf32>
      %add3A_459 = arith.addf %add3A_399, %get3A_458 : vector<16xf32>
      %get3A_460 = arith.constant 1 : i32
      %get3A_461 = arith.index_cast %get3A_460 : i32 to index
      %get3A_462 = arith.index_cast %add3A_452 : i32 to index
      %get3A_463 = arith.constant 16 : index
      %get3A_464 = tpu.vector_load %arg7[%get3A_461, %get3A_462, %get3A_463] {strides = array<i32>} : memref<2x50x128xf32, #tpu.memory_space<vmem>>, vector<1x1x16xf32>,
      %get3A_465 = vector.shape_cast %get3A_464 : vector<1x1x16xf32> to vector<16xf32>
      %add3A_466 = arith.addf %add3A_406, %get3A_465 : vector<16xf32>
      %get3A_467 = arith.constant 1 : i32
      %get3A_468 = arith.index_cast %get3A_467 : i32 to index
      %get3A_469 = arith.index_cast %add3A_452 : i32 to index
      %get3A_470 = arith.constant 32 : index
      %get3A_471 = tpu.vector_load %arg7[%get3A_468, %get3A_469, %get3A_470] {strides = array<i32>} : memref<2x50x128xf32, #tpu.memory_space<vmem>>, vector<1x1x16xf32>,
      %get3A_472 = vector.shape_cast %get3A_471 : vector<1x1x16xf32> to vector<16xf32>
      %add3A_473 = arith.addf %add3A_413, %get3A_472 : vector<16xf32>
      %get3A_474 = arith.constant 1 : i32
      %get3A_475 = arith.index_cast %get3A_474 : i32 to index
      %get3A_476 = arith.index_cast %add3A_452 : i32 to index
      %get3A_477 = arith.constant 48 : index
      %get3A_478 = tpu.vector_load %arg7[%get3A_475, %get3A_476, %get3A_477] {strides = array<i32>} : memref<2x50x128xf32, #tpu.memory_space<vmem>>, vector<1x1x16xf32>,
      %get3A_479 = vector.shape_cast %get3A_478 : vector<1x1x16xf32> to vector<16xf32>
      %add3A_480 = arith.addf %add3A_420, %get3A_479 : vector<16xf32>
      %get3A_481 = arith.constant 1 : i32
      %get3A_482 = arith.index_cast %get3A_481 : i32 to index
      %get3A_483 = arith.index_cast %add3A_452 : i32 to index
      %get3A_484 = arith.constant 64 : index
      %get3A_485 = tpu.vector_load %arg7[%get3A_482, %get3A_483, %get3A_484] {strides = array<i32>} : memref<2x50x128xf32, #tpu.memory_space<vmem>>, vector<1x1x16xf32>,
      %get3A_486 = vector.shape_cast %get3A_485 : vector<1x1x16xf32> to vector<16xf32>
      %add3A_487 = arith.addf %add3A_427, %get3A_486 : vector<16xf32>
      %get3A_488 = arith.constant 1 : i32
      %get3A_489 = arith.index_cast %get3A_488 : i32 to index
      %get3A_490 = arith.index_cast %add3A_452 : i32 to index
      %get3A_491 = arith.constant 80 : index
      %get3A_492 = tpu.vector_load %arg7[%get3A_489, %get3A_490, %get3A_491] {strides = array<i32>} : memref<2x50x128xf32, #tpu.memory_space<vmem>>, vector<1x1x16xf32>,
      %get3A_493 = vector.shape_cast %get3A_492 : vector<1x1x16xf32> to vector<16xf32>
      %add3A_494 = arith.addf %add3A_434, %get3A_493 : vector<16xf32>
      %get3A_495 = arith.constant 1 : i32
      %get3A_496 = arith.index_cast %get3A_495 : i32 to index
      %get3A_497 = arith.index_cast %add3A_452 : i32 to index
      %get3A_498 = arith.constant 96 : index
      %get3A_499 = tpu.vector_load %arg7[%get3A_496, %get3A_497, %get3A_498] {strides = array<i32>} : memref<2x50x128xf32, #tpu.memory_space<vmem>>, vector<1x1x16xf32>,
      %get3A_500 = vector.shape_cast %get3A_499 : vector<1x1x16xf32> to vector<16xf32>
      %add3A_501 = arith.addf %add3A_441, %get3A_500 : vector<16xf32>
      %get3A_502 = arith.constant 1 : i32
      %get3A_503 = arith.index_cast %get3A_502 : i32 to index
      %get3A_504 = arith.index_cast %add3A_452 : i32 to index
      %get3A_505 = arith.constant 112 : index
      %get3A_506 = tpu.vector_load %arg7[%get3A_503, %get3A_504, %get3A_505] {strides = array<i32>} : memref<2x50x128xf32, #tpu.memory_space<vmem>>, vector<1x1x16xf32>,
      %get3A_507 = vector.shape_cast %get3A_506 : vector<1x1x16xf32> to vector<16xf32>
      %add3A_508 = arith.addf %add3A_448, %get3A_507 : vector<16xf32>
      scf.yield %add3A_459, %add3A_466, %add3A_473, %add3A_480, %add3A_487, %add3A_494, %add3A_501, %add3A_508 : vector<16xf32>, vector<16xf32>, vector<16xf32>, vector<16xf32>, vector<16xf32>, vector<16xf32>, vector<16xf32>, vector<16xf32>
    }
    %scan3A_135 = arith.constant 10 : i32
    %mul3A_136 = vector.broadcast %squeeze3A : f32 to vector<16xf32>
    %mul3A_137 = arith.mulf %scan3A_134#0, %mul3A_136 : vector<16xf32>
    %swap3A_138 = arith.constant 63 : i32
    %swap3A_139 = arith.index_cast %swap3A_138 : i32 to index
    %swap3A_140 = arith.constant 0 : index
    %swap3A_141 = tpu.vector_load %arg8[%swap3A_139, %swap3A_140] {strides = array<i32>} : memref<64x128xf32, #tpu.memory_space<vmem>>, vector<1x16xf32>,
    %swap3A_142 = vector.shape_cast %swap3A_141 : vector<1x16xf32> to vector<16xf32>
    %swap3A_143 = vector.shape_cast %mul3A_137 : vector<16xf32> to vector<1x16xf32>
    tpu.vector_store %arg8[%swap3A_139, %swap3A_140], %swap3A_143 {strides = array<i32>} : memref<64x128xf32, #tpu.memory_space<vmem>>, vector<1x16xf32>,
    %mul3A_144 = vector.broadcast %squeeze3A : f32 to vector<16xf32>
    %mul3A_145 = arith.mulf %scan3A_134#1, %mul3A_144 : vector<16xf32>
    %swap3A_146 = arith.constant 63 : i32
    %swap3A_147 = arith.index_cast %swap3A_146 : i32 to index
    %swap3A_148 = arith.constant 16 : index
    %swap3A_149 = tpu.vector_load %arg8[%swap3A_147, %swap3A_148] {strides = array<i32>} : memref<64x128xf32, #tpu.memory_space<vmem>>, vector<1x16xf32>,
    %swap3A_150 = vector.shape_cast %swap3A_149 : vector<1x16xf32> to vector<16xf32>
    %swap3A_151 = vector.shape_cast %mul3A_145 : vector<16xf32> to vector<1x16xf32>
    tpu.vector_store %arg8[%swap3A_147, %swap3A_148], %swap3A_151 {strides = array<i32>} : memref<64x128xf32, #tpu.memory_space<vmem>>, vector<1x16xf32>,
    %mul3A_152 = vector.broadcast %squeeze3A : f32 to vector<16xf32>
    %mul3A_153 = arith.mulf %scan3A_134#2, %mul3A_152 : vector<16xf32>
    %swap3A_154 = arith.constant 63 : i32
    %swap3A_155 = arith.index_cast %swap3A_154 : i32 to index
    %swap3A_156 = arith.constant 32 : index
    %swap3A_157 = tpu.vector_load %arg8[%swap3A_155, %swap3A_156] {strides = array<i32>} : memref<64x128xf32, #tpu.memory_space<vmem>>, vector<1x16xf32>,
    %swap3A_158 = vector.shape_cast %swap3A_157 : vector<1x16xf32> to vector<16xf32>
    %swap3A_159 = vector.shape_cast %mul3A_153 : vector<16xf32> to vector<1x16xf32>
    tpu.vector_store %arg8[%swap3A_155, %swap3A_156], %swap3A_159 {strides = array<i32>} : memref<64x128xf32, #tpu.memory_space<vmem>>, vector<1x16xf32>,
    %mul3A_160 = vector.broadcast %squeeze3A : f32 to vector<16xf32>
    %mul3A_161 = arith.mulf %scan3A_134#3, %mul3A_160 : vector<16xf32>
    %swap3A_162 = arith.constant 63 : i32
    %swap3A_163 = arith.index_cast %swap3A_162 : i32 to index
    %swap3A_164 = arith.constant 48 : index
    %swap3A_165 = tpu.vector_load %arg8[%swap3A_163, %swap3A_164] {strides = array<i32>} : memref<64x128xf32, #tpu.memory_space<vmem>>, vector<1x16xf32>,
    %swap3A_166 = vector.shape_cast %swap3A_165 : vector<1x16xf32> to vector<16xf32>
    %swap3A_167 = vector.shape_cast %mul3A_161 : vector<16xf32> to vector<1x16xf32>
    tpu.vector_store %arg8[%swap3A_163, %swap3A_164], %swap3A_167 {strides = array<i32>} : memref<64x128xf32, #tpu.memory_space<vmem>>, vector<1x16xf32>,
    %mul3A_168 = vector.broadcast %squeeze3A : f32 to vector<16xf32>
    %mul3A_169 = arith.mulf %scan3A_134#4, %mul3A_168 : vector<16xf32>
    %swap3A_170 = arith.constant 63 : i32
    %swap3A_171 = arith.index_cast %swap3A_170 : i32 to index
    %swap3A_172 = arith.constant 64 : index
    %swap3A_173 = tpu.vector_load %arg8[%swap3A_171, %swap3A_172] {strides = array<i32>} : memref<64x128xf32, #tpu.memory_space<vmem>>, vector<1x16xf32>,
    %swap3A_174 = vector.shape_cast %swap3A_173 : vector<1x16xf32> to vector<16xf32>
    %swap3A_175 = vector.shape_cast %mul3A_169 : vector<16xf32> to vector<1x16xf32>
    tpu.vector_store %arg8[%swap3A_171, %swap3A_172], %swap3A_175 {strides = array<i32>} : memref<64x128xf32, #tpu.memory_space<vmem>>, vector<1x16xf32>,
    %mul3A_176 = vector.broadcast %squeeze3A : f32 to vector<16xf32>
    %mul3A_177 = arith.mulf %scan3A_134#5, %mul3A_176 : vector<16xf32>
    %swap3A_178 = arith.constant 63 : i32
    %swap3A_179 = arith.index_cast %swap3A_178 : i32 to index
    %swap3A_180 = arith.constant 80 : index
    %swap3A_181 = tpu.vector_load %arg8[%swap3A_179, %swap3A_180] {strides = array<i32>} : memref<64x128xf32, #tpu.memory_space<vmem>>, vector<1x16xf32>,
    %swap3A_182 = vector.shape_cast %swap3A_181 : vector<1x16xf32> to vector<16xf32>
    %swap3A_183 = vector.shape_cast %mul3A_177 : vector<16xf32> to vector<1x16xf32>
    tpu.vector_store %arg8[%swap3A_179, %swap3A_180], %swap3A_183 {strides = array<i32>} : memref<64x128xf32, #tpu.memory_space<vmem>>, vector<1x16xf32>,
    %mul3A_184 = vector.broadcast %squeeze3A : f32 to vector<16xf32>
    %mul3A_185 = arith.mulf %scan3A_134#6, %mul3A_184 : vector<16xf32>
    %swap3A_186 = arith.constant 63 : i32
    %swap3A_187 = arith.index_cast %swap3A_186 : i32 to index
    %swap3A_188 = arith.constant 96 : index
    %swap3A_189 = tpu.vector_load %arg8[%swap3A_187, %swap3A_188] {strides = array<i32>} : memref<64x128xf32, #tpu.memory_space<vmem>>, vector<1x16xf32>,
    %swap3A_190 = vector.shape_cast %swap3A_189 : vector<1x16xf32> to vector<16xf32>
    %swap3A_191 = vector.shape_cast %mul3A_185 : vector<16xf32> to vector<1x16xf32>
    tpu.vector_store %arg8[%swap3A_187, %swap3A_188], %swap3A_191 {strides = array<i32>} : memref<64x128xf32, #tpu.memory_space<vmem>>, vector<1x16xf32>,
    %mul3A_192 = vector.broadcast %squeeze3A : f32 to vector<16xf32>
    %mul3A_193 = arith.mulf %scan3A_134#7, %mul3A_192 : vector<16xf32>
    %swap3A_194 = arith.constant 63 : i32
    %swap3A_195 = arith.index_cast %swap3A_194 : i32 to index
    %swap3A_196 = arith.constant 112 : index
    %swap3A_197 = tpu.vector_load %arg8[%swap3A_195, %swap3A_196] {strides = array<i32>} : memref<64x128xf32, #tpu.memory_space<vmem>>, vector<1x16xf32>,
    %swap3A_198 = vector.shape_cast %swap3A_197 : vector<1x16xf32> to vector<16xf32>
    %swap3A_199 = vector.shape_cast %mul3A_193 : vector<16xf32> to vector<1x16xf32>
    tpu.vector_store %arg8[%swap3A_195, %swap3A_196], %swap3A_199 {strides = array<i32>} : memref<64x128xf32, #tpu.memory_space<vmem>>, vector<1x16xf32>,
    "tpu.region"() ({
      %run_scoped3A = tpu.sem_alloc : memref<!tpu.dma_semaphore, #tpu.memory_space<semaphore_mem>>
      %dma_start3A_200 = arith.constant 0 : i32
      %dma_start3A_201 = tpu.memref_slice %arg5[%mul3A_4, %dma_start3A_200] : memref<2048x128xf32, #tpu.memory_space<hbm>> -> memref<64x128xf32, #tpu.memory_space<hbm>>
      %dma_start3A_202 = arith.constant 0 : i32
      %dma_start3A_203 = tpu.memref_slice %arg5[%mul3A_4, %dma_start3A_202] : memref<2048x128xf32, #tpu.memory_space<hbm>> -> memref<64x128xf32, #tpu.memory_space<hbm>>
      tpu.enqueue_dma source(%arg8 : memref<64x128xf32, #tpu.memory_space<vmem>>) target(%dma_start3A_203 : memref<64x128xf32, #tpu.memory_space<hbm>>) target_semaphore(%run_scoped3A : memref<!tpu.dma_semaphore, #tpu.memory_space<semaphore_mem>>)
      %dma_wait3A_204 = arith.constant 0 : i32
      %dma_wait3A_205 = tpu.memref_slice %arg5[%mul3A_4, %dma_wait3A_204] : memref<2048x128xf32, #tpu.memory_space<hbm>> -> memref<64x128xf32, #tpu.memory_space<hbm>>
      %dma_wait3A_206 = arith.constant 0 : i32
      %dma_wait3A_207 = tpu.memref_slice %arg5[%mul3A_4, %dma_wait3A_206] : memref<2048x128xf32, #tpu.memory_space<hbm>> -> memref<64x128xf32, #tpu.memory_space<hbm>>
      tpu.wait_dma2 semaphore(%run_scoped3A : memref<!tpu.dma_semaphore, #tpu.memory_space<semaphore_mem>>) src(%arg8 : memref<64x128xf32, #tpu.memory_space<vmem>>) dst(%dma_wait3A_207 : memref<64x128xf32, #tpu.memory_space<hbm>>)
      tpu.yield
    }) : () -> ()
    return
  }
}

module attributes {stable_mosaic.version = 14 : i64} {
  func.func @body(%arg0: i32, %arg1: memref<256x128xf32, #tpu.memory_space<vmem>>, %arg2: memref<128x10000xf32, #tpu.memory_space<vmem>>, %arg3: memref<1x10000xf32, #tpu.memory_space<vmem>>, %arg4: memref<256x10000xf32, #tpu.memory_space<vmem>>) attributes {dimension_semantics = [#tpu.dimension_semantics<arbitrary>], iteration_bounds = array<i64: 8>, scalar_prefetch = 0 : i64, scratch_operands = 0 : i64, tpu.core_type = #tpu.core_type<tc>, window_params = [{transform_indices = @transform_0, window_bounds = array<i64: 256, 128>}, {pipeline_mode = #tpu.pipeline_mode<synchronous>, transform_indices = @transform_1, window_bounds = array<i64: 128, 10000>}, {pipeline_mode = #tpu.pipeline_mode<synchronous>, transform_indices = @transform_2, window_bounds = array<i64: 1, 10000>}, {transform_indices = @transform_3, window_bounds = array<i64: 256, 10000>}]} {
    %get3A = arith.constant 0 : index
    %get3A_0 = arith.constant 0 : index
    %get3A_1 = vector.load %arg1[%get3A, %get3A_0] : memref<256x128xf32, #tpu.memory_space<vmem>>, vector<256x128xf32>
    %get3A_2 = arith.constant 0 : index
    %get3A_3 = arith.constant 0 : index
    %get3A_4 = vector.load %arg2[%get3A_2, %get3A_3] : memref<128x10000xf32, #tpu.memory_space<vmem>>, vector<128x10000xf32>
    %dot_general3A = arith.constant dense<0.000000e+00> : vector<256x10000xf32>
    %dot_general3A_5 = tpu.matmul %get3A_1, %get3A_4, %dot_general3A {dimension_numbers = #tpu.dot_dimension_numbers<[1], [0], [0], [1], [0, 0, 1, 1], [], []>, transpose_lhs_hint = false} : vector<256x128xf32>, vector<128x10000xf32>, vector<256x10000xf32> -> vector<256x10000xf32>
    %get3A_6 = arith.constant 0 : index
    %get3A_7 = arith.constant 0 : index
    %get3A_8 = vector.load %arg3[%get3A_6, %get3A_7] : memref<1x10000xf32, #tpu.memory_space<vmem>>, vector<1x10000xf32>
    %add3A = vector.broadcast %get3A_8 : vector<1x10000xf32> to vector<256x10000xf32>
    %add3A_9 = arith.addf %dot_general3A_5, %add3A : vector<256x10000xf32>
    %reduce_max3A = arith.constant dense<0xFF800000> : vector<256xf32>
    %reduce_max3A_10 = vector.multi_reduction <maximumf>, %add3A_9, %reduce_max3A [1] : vector<256x10000xf32> to vector<256xf32>
    %broadcast_in_dim3A = vector.shape_cast %reduce_max3A_10 : vector<256xf32> to vector<256x1xf32>
    %sub3A = vector.broadcast %broadcast_in_dim3A : vector<256x1xf32> to vector<256x10000xf32>
    %sub3A_11 = arith.subf %add3A_9, %sub3A : vector<256x10000xf32>
    %exp3A = math.exp %sub3A_11 : vector<256x10000xf32>
    %reduce_sum3A = arith.constant dense<0.000000e+00> : vector<256xf32>
    %reduce_sum3A_12 = vector.multi_reduction <add>, %exp3A, %reduce_sum3A [1] : vector<256x10000xf32> to vector<256xf32>
    %broadcast_in_dim3A_13 = vector.shape_cast %reduce_sum3A_12 : vector<256xf32> to vector<256x1xf32>
    %div3A = vector.broadcast %broadcast_in_dim3A_13 : vector<256x1xf32> to vector<256x10000xf32>
    %div3A_14 = arith.divf %exp3A, %div3A : vector<256x10000xf32>
    %swap3A = arith.constant 0 : index
    %swap3A_15 = arith.constant 0 : index
    %swap3A_16 = vector.load %arg4[%swap3A, %swap3A_15] : memref<256x10000xf32, #tpu.memory_space<vmem>>, vector<256x10000xf32>
    tpu.vector_store %arg4[%swap3A, %swap3A_15], %div3A_14 {strides = array<i32>} : memref<256x10000xf32, #tpu.memory_space<vmem>>, vector<256x10000xf32>,
    return
  }
  func.func @transform_0(%arg0: i32) -> (i32, i32) {
    %c0_i32 = arith.constant 0 : i32
    %c0_i32_0 = arith.constant 0 : i32
    return %arg0, %c0_i32 : i32, i32
  }
  func.func @transform_1(%arg0: i32) -> (i32, i32) {
    %c0_i32 = arith.constant 0 : i32
    %c0_i32_0 = arith.constant 0 : i32
    %c0_i32_1 = arith.constant 0 : i32
    return %c0_i32, %c0_i32_0 : i32, i32
  }
  func.func @transform_2(%arg0: i32) -> (i32, i32) {
    %c0_i32 = arith.constant 0 : i32
    %c0_i32_0 = arith.constant 0 : i32
    %c0_i32_1 = arith.constant 0 : i32
    return %c0_i32, %c0_i32_0 : i32, i32
  }
  func.func @transform_3(%arg0: i32) -> (i32, i32) {
    %add3A = arith.constant 0 : i32
    %add3A_0 = arith.addi %arg0, %add3A : i32
    %c0_i32 = arith.constant 0 : i32
    %c0_i32_1 = arith.constant 0 : i32
    return %add3A_0, %c0_i32 : i32, i32
  }
}

module attributes {stable_mosaic.version = 14 : i64} {
  func.func @body(%arg0: i32, %arg1: memref<256x128xf32, #tpu.memory_space<vmem>>, %arg2: memref<128x10000xf32, #tpu.memory_space<vmem>>, %arg3: memref<1x10000xf32, #tpu.memory_space<vmem>>, %arg4: memref<4096x10000xf32, #tpu.memory_space<any>>, %arg5: memref<256x10000xf32, #tpu.memory_space<vmem>>) attributes {dimension_semantics = [#tpu.dimension_semantics<arbitrary>], iteration_bounds = array<i64: 8>, scalar_prefetch = 0 : i64, scratch_operands = 0 : i64, tpu.core_type = #tpu.core_type<tc>, window_params = [{transform_indices = @transform_0, window_bounds = array<i64: 256, 128>}, {pipeline_mode = #tpu.pipeline_mode<synchronous>, transform_indices = @transform_1, window_bounds = array<i64: 128, 10000>}, {pipeline_mode = #tpu.pipeline_mode<synchronous>, transform_indices = @transform_2, window_bounds = array<i64: 1, 10000>}, {}, {transform_indices = @transform_4, window_bounds = array<i64: 256, 10000>}]} {
    %get3A = arith.constant 0 : index
    %get3A_0 = arith.constant 0 : index
    %get3A_1 = vector.load %arg1[%get3A, %get3A_0] : memref<256x128xf32, #tpu.memory_space<vmem>>, vector<256x128xf32>
    %get3A_2 = arith.constant 0 : index
    %get3A_3 = arith.constant 0 : index
    %get3A_4 = vector.load %arg2[%get3A_2, %get3A_3] : memref<128x10000xf32, #tpu.memory_space<vmem>>, vector<128x10000xf32>
    %dot_general3A = arith.constant dense<0.000000e+00> : vector<256x10000xf32>
    %dot_general3A_5 = tpu.matmul %get3A_1, %get3A_4, %dot_general3A {dimension_numbers = #tpu.dot_dimension_numbers<[1], [0], [0], [1], [0, 0, 1, 1], [], []>, transpose_lhs_hint = false} : vector<256x128xf32>, vector<128x10000xf32>, vector<256x10000xf32> -> vector<256x10000xf32>
    %get3A_6 = arith.constant 0 : index
    %get3A_7 = arith.constant 0 : index
    %get3A_8 = vector.load %arg3[%get3A_6, %get3A_7] : memref<1x10000xf32, #tpu.memory_space<vmem>>, vector<1x10000xf32>
    %add3A = vector.broadcast %get3A_8 : vector<1x10000xf32> to vector<256x10000xf32>
    %add3A_9 = arith.addf %dot_general3A_5, %add3A : vector<256x10000xf32>
    %reduce_max3A = arith.constant dense<0xFF800000> : vector<256xf32>
    %reduce_max3A_10 = vector.multi_reduction <maximumf>, %add3A_9, %reduce_max3A [1] : vector<256x10000xf32> to vector<256xf32>
    %broadcast_in_dim3A = vector.shape_cast %reduce_max3A_10 : vector<256xf32> to vector<256x1xf32>
    %sub3A = vector.broadcast %broadcast_in_dim3A : vector<256x1xf32> to vector<256x10000xf32>
    %sub3A_11 = arith.subf %add3A_9, %sub3A : vector<256x10000xf32>
    %exp3A = math.exp %sub3A_11 : vector<256x10000xf32>
    %reduce_sum3A = arith.constant dense<0.000000e+00> : vector<256xf32>
    %reduce_sum3A_12 = vector.multi_reduction <add>, %exp3A, %reduce_sum3A [1] : vector<256x10000xf32> to vector<256xf32>
    %broadcast_in_dim3A_13 = vector.shape_cast %reduce_sum3A_12 : vector<256xf32> to vector<256x1xf32>
    %div3A = vector.broadcast %broadcast_in_dim3A_13 : vector<256x1xf32> to vector<256x10000xf32>
    %div3A_14 = arith.divf %exp3A, %div3A : vector<256x10000xf32>
    %swap3A = arith.constant 0 : index
    %swap3A_15 = arith.constant 0 : index
    %swap3A_16 = vector.load %arg5[%swap3A, %swap3A_15] : memref<256x10000xf32, #tpu.memory_space<vmem>>, vector<256x10000xf32>
    tpu.vector_store %arg5[%swap3A, %swap3A_15], %div3A_14 {strides = array<i32>} : memref<256x10000xf32, #tpu.memory_space<vmem>>, vector<256x10000xf32>,
    return
  }
  func.func @transform_0(%arg0: i32) -> (i32, i32) {
    %c0_i32 = arith.constant 0 : i32
    %c0_i32_0 = arith.constant 0 : i32
    return %arg0, %c0_i32 : i32, i32
  }
  func.func @transform_1(%arg0: i32) -> (i32, i32) {
    %c0_i32 = arith.constant 0 : i32
    %c0_i32_0 = arith.constant 0 : i32
    %c0_i32_1 = arith.constant 0 : i32
    return %c0_i32, %c0_i32_0 : i32, i32
  }
  func.func @transform_2(%arg0: i32) -> (i32, i32) {
    %c0_i32 = arith.constant 0 : i32
    %c0_i32_0 = arith.constant 0 : i32
    %c0_i32_1 = arith.constant 0 : i32
    return %c0_i32, %c0_i32_0 : i32, i32
  }
  func.func @transform_4(%arg0: i32) -> (i32, i32) {
    %add3A = arith.constant 8 : i32
    %add3A_0 = arith.addi %arg0, %add3A : i32
    %c0_i32 = arith.constant 0 : i32
    %c0_i32_1 = arith.constant 0 : i32
    return %add3A_0, %c0_i32 : i32, i32
  }
}

</mosaic_0001>

<sc_bundles>
// kernel: kernel.6.cloned.1.call-start
scs
__scs_entry_jumppad:
0x0: {  	(pc) =	sbr.rel $0x88, $3  }
0x1: {  	(tag) =	ssettag $0x0;
	lr =	simm.s32 $0x1  }
0x2: {  	[smem:$0x3F9D] =	sst lr;
	_ =	strace $0xD0000000  }
0x3: {  	_ = 	snop  }
0x4: {  	_ = 	snop  }
0x5: {  	_ = 	snop  }
0x6: {  	_ = 	snop  }
0x7: {  	_ = 	snop  }
__scs_overlays_trampoline_lowered:
0x8: {  	[smem:$0x3FAC] =	sst s0  }
0x9: {  	[smem:$0x3FAD] =	sst s1  }
0xa: {  	[smem:$0x3FAE] =	sst s2  }
0xb: {  	[smem:$0x3FAF] =	sst s3  }
0xc: {  	[smem:$0x3FB0] =	sst s4  }
0xd: {  	[smem:$0x3FB1] =	sst s5  }
0xe: {  	[smem:$0x3FB2] =	sst s6  }
0xf: {  	[smem:$0x3FB3] =	sst s7  }
0x10: {  	[smem:$0x3FB4] =	sst s8  }
0x11: {  	[smem:$0x3FB5] =	sst s9;
	s0 =	simm.s32 @!p0 $0x0  }
0x12: {  	s1 =	sld [smem:$0x3F9B];
	s0 =	simm.s32 @p0 $0x1  }
0x13: {  	[smem:$0x3FB6] =	sst s0;
	s0 =	simm.s32 @!p1 $0x0  }
0x14: {  	s2 =	sld [smem:$0x3F9A];
	s0 =	simm.s32 @p1 $0x1  }
0x15: {  	[smem:$0x3FB7] =	sst s0;
	s0 =	simm.s32 @!p2 $0x0  }
0x16: {  	s3 =	sld [smem:$0x3FDB];
	s0 =	simm.s32 @p2 $0x1  }
0x17: {  	s4 =	simm.s32 $0x1BF5;
	[smem:$0x3FB9] =	sst s0  }
0x18: {  	s0 =	sld [smem:$0x3F9C];
	_ =	swait.ge [sflag:s4], $0x0  }
0x19: {  	s7 =	sld [smem:$0x3F9D]  }
0x1a: {  	s8 =	sadd.s32 $0xFFFFE003, lr  }
0x1b: {  	s9 =	sadd.s32 $0xFFFFFEF7, lr;
	s5 =	simm.s32 $0xFFFFFFFF;
	p2 =	slt.u32 s8, $0xFFFFF086  }
0x1c: {  	p1 =	slt.u32 s9, $0xF7A;
	s5 =	simm.s32 @!p2 $0x0  }
0x1d: {  	s5 =	simm.s32 @p1 $0x1;
	p0 =	seq.s32 s7, s2  }
0x1e: {  	s7 =	smul.u32 @!p0 $0xF7A, s2;
	p2 =	seq.s32 @!p0 s5, $0x0  }
0x1f: {  	s9 =	smul.u32 $0xF7A, s1;
	s8 =	simm.s32 @!p0 $0x1BF5;
	p2 =	por !p2, p0  }
0x20: {  	[sflag:s8] =	ssyncset.s32 @!p0 $0xFFFFF086;
	s6 =	sadd.s32 @!p0 s3, s7;
	s7 =	simm.s32 @!p0 $0x108  }
0x21: {  	s3 =	sadd.s32 s3, s9;
	s6 =	sadd.s32 @!p0 $0x88, s6;
	s7 =	simm.s32 @p2 $0x1082  }
0x22: {  	[simem:s7], [sflag:s8] =	dma.local @!p0 [hbm:s6], $0xF7A  }
0x23: {  	s9 =	sor.u32 $0xD0000000, s2;
	s6 =	simm.s32 $0x108;
	_ =	swait.ge @!p0 [sflag:s8], $0x0  }
0x24: {  	s3 =	sadd.s32 $0x88, s3;
	s6 =	simm.s32 @!p1 $0x1082;
	[sflag:s4] =	ssyncset.s32 $0xFFFFF086  }
0x25: {  	[simem:s6], [sflag:s4] =	dma.local [hbm:s3], $0xF7A  }
0x26: {  	[smem:$0x3F9D] =	sst s1;
	(tag) =	ssettag s2;
	_ =	strace s9  }
0x27: {  	s1 =	sld [smem:$0x3FAD]  }
0x28: {  	s2 =	sld [smem:$0x3FAE]  }
0x29: {  	s4 =	sld [smem:$0x3FB0]  }
0x2a: {  	p0 =	seq.s32 s5, $0x0;
	s5 =	sld [smem:$0x3FB1]  }
0x2b: {  	s6 =	sld [smem:$0x3FB2]  }
0x2c: {  	s7 =	sld [smem:$0x3FB3]  }
0x2d: {  	s3 =	simm.s32 $0x108;
	s8 =	sld [smem:$0x3FB4]  }
0x2e: {  	s3 =	simm.s32 @!p0 $0x1082;
	s9 =	sld [smem:$0x3FB5]  }
0x2f: {  	lr =	sadd.s32 s0, s3;
	s0 =	sld [smem:$0x3FAC]  }
0x30: {  	s3 =	sld [smem:$0x3FAF]  }
0x31: {  	[smem:$0x3FB8] =	sst s10  }
0x32: {  	s10 =	sld [smem:$0x3FB6];
	_ =	sdelay $0x3  }
0x33: {  	p0 =	seq.s32 s10, $0x1;
	s10 =	sld [smem:$0x3FB8];
	_ =	sdelay $0x3  }
0x34: {  	[smem:$0x3FB8] =	sst s10  }
0x35: {  	s10 =	sld [smem:$0x3FB7];
	_ =	sdelay $0x3  }
0x36: {  	p1 =	seq.s32 s10, $0x1;
	s10 =	sld [smem:$0x3FB8];
	_ =	sdelay $0x3  }
0x37: {  	[smem:$0x3FB8] =	sst s10  }
0x38: {  	s10 =	sld [smem:$0x3FB9]  }
0x39: {  	_ = 	snop;
	(pc) =	sbr.ind lr, $3  }
0x3a: {  	_ = 	snop  }
0x3b: {  	_ = 	snop  }
0x3c: {  	p2 =	seq.s32 s10, $0x1;
	s10 =	sld [smem:$0x3FB8]  }
0x3d: {  	_ =	shalt  }
0x3e: {  	_ =	shalt  }
0x3f: {  	_ =	shalt  }
0x40: {  	_ =	shalt  }
0x41: {  	_ =	shalt  }
0x42: {  	_ =	shalt  }
0x43: {  	_ =	shalt  }
0x44: {  	_ =	shalt  }
0x45: {  	_ =	shalt  }
0x46: {  	_ =	shalt  }
0x47: {  	_ =	shalt  }
0x48: {  	_ =	shalt  }
0x49: {  	_ =	shalt  }
0x4a: {  	_ =	shalt  }
0x4b: {  	_ =	shalt  }
0x4c: {  	_ =	shalt  }
0x4d: {  	_ =	shalt  }
0x4e: {  	_ =	shalt  }
0x4f: {  	_ =	shalt  }
0x50: {  	_ =	shalt  }
0x51: {  	_ =	shalt  }
0x52: {  	_ =	shalt  }
0x53: {  	_ =	shalt  }
0x54: {  	_ =	shalt  }
0x55: {  	_ =	shalt  }
0x56: {  	_ =	shalt  }
0x57: {  	_ =	shalt  }
0x58: {  	_ =	shalt  }
0x59: {  	_ =	shalt  }
0x5a: {  	_ =	shalt  }
0x5b: {  	_ =	shalt  }
0x5c: {  	_ =	shalt  }
0x5d: {  	_ =	shalt  }
0x5e: {  	_ =	shalt  }
0x5f: {  	_ =	shalt  }
0x60: {  	_ =	shalt  }
0x61: {  	_ =	shalt  }
0x62: {  	_ =	shalt  }
0x63: {  	_ =	shalt  }
0x64: {  	_ =	shalt  }
0x65: {  	_ =	shalt  }
0x66: {  	_ =	shalt  }
0x67: {  	_ =	shalt  }
0x68: {  	_ =	shalt  }
0x69: {  	_ =	shalt  }
0x6a: {  	_ =	shalt  }
0x6b: {  	_ =	shalt  }
0x6c: {  	_ =	shalt  }
0x6d: {  	_ =	shalt  }
0x6e: {  	_ =	shalt  }
0x6f: {  	_ =	shalt  }
0x70: {  	_ =	shalt  }
0x71: {  	_ =	shalt  }
0x72: {  	_ =	shalt  }
0x73: {  	_ =	shalt  }
0x74: {  	_ =	shalt  }
0x75: {  	_ =	shalt  }
0x76: {  	_ =	shalt  }
0x77: {  	_ =	shalt  }
0x78: {  	_ =	shalt  }
0x79: {  	_ =	shalt  }
0x7a: {  	_ =	shalt  }
0x7b: {  	_ =	shalt  }
0x7c: {  	_ =	shalt  }
0x7d: {  	_ =	shalt  }
0x7e: {  	_ =	shalt  }
0x7f: {  	_ =	shalt  }
0x80: {  	_ =	shalt  }
0x81: {  	_ =	shalt  }
0x82: {  	_ =	shalt  }
0x83: {  	_ =	shalt  }
0x84: {  	_ =	shalt  }
0x85: {  	_ =	shalt  }
0x86: {  	_ =	shalt  }
0x87: {  	_ =	shalt  }
.Lfunc_end0:
.L_simem_size_0:
called_computation_lowered:
.L_overlay_start_0:
0x88: {  	s2 =	sld [smem:$0x3FD9]  }
0x89: {  	s3 =	sld [smem:$0x3FFE];
	_ =	sdelay $0x1  }
0x8a: {  	s1 =	srdreg.scid  }
0x8b: {  	s0 =	sand.u32 $0x1, s1  }
0x8c: {  	s17 =	sshll.u32 s0, $0xA;
	s2 =	sadd.s32 s3, s2  }
0x8d: {  	s2 =	sadd.s32 s2, s17  }
0x8e: {  	[smem:$0x3FC4] =	sst s2  }
0x8f: {  	_ = 	snop  }
0x90: {  	s2 =	sld [smem:$0x3FC8];
	(tm) =	ssettm $0x1  }
0x91: {  	s18 =	sld [smem:$0x3FFB];
	_ =	sdelay $0x3  }
0x92: {  	_ =	strace s18  }
0x93: {  	s3 =	sld [smem:$0x3FFC];
	_ =	sdelay $0x3  }
0x94: {  	_ =	strace s3  }
0x95: {  	s3 =	sld [smem:$0x3FFD];
	_ =	sdelay $0x3  }
0x96: {  	_ =	strace s3  }
0x97: {  	_ =	strace $0x8FFFFFFF  }
0x98: {  	s19 =	sld [smem:$0x3FDB];
	_ =	sdelay $0x1  }
0x99: {  	s4 =	simm.s32 $_scs_section_size  }
0x9a: {  	s5 =	simm.s32 $_size__tile_overlayer_lowered;
	s6 =	simm.s32 $_tile_overlayer_lowered  }
0x9b: {  	s22 =	simm.s32 $0x1BFF;
	s21 =	sshll.u32 s6, $0x1;
	s3 =	sadd.s32 s4, s19  }
0x9c: {  	s7 =	simm.s32 $0x0;
	s20 =	sshll.u32 s5, $0x1;
	s5 =	sadd.s32 s21, s3  }
0x9d: {  	[timem:s7], [sflag:s22] =	dma.local [hbm:s5], s20  }
0x9e: {  	_ =	swait.ge [sflag:s22], s20  }
0x9f: {  	s4 =	ssub.s32 $0x0, s20;
	[sflag:s22] =	ssyncset.done $0x0  }
0xa0: {  	[sflag:s22] =	ssyncadd.s32 s4;
	_ =	sdelay $0x1  }
0xa1: {  	s23 =	simm.s32 $0x1B8B  }
0xa2: {  	_ =	swait.ge [sflag:s23], $0x1  }
0xa3: {  	[sflag:s23] =	ssyncset.done $0x0  }
0xa4: {  	s25 =	simm.s32 $0x1B8E;
	s24 =	sld [smem:$0x3FFE];
	[sflag:s23] =	ssyncadd.s32 $0xFFFFFFFF  }
0xa5: {  	s26 =	simm.s32 $execute0_lowered;
	[smem:$0x3FD2] =	sst s25  }
0xa6: {  	s5 =	sshll.u32 s26, $0x1;
	_ =	strace $0x80000046;
	[dreg:$0x1] =	wrdreg $0xFFFFFFFF  }
0xa7: {  	s28 =	simm.s32 $_size_execute0_lowered;
	s3 =	sadd.s32 s3, s5;
	[dreg:$0x0] =	wrdreg $0x0  }
0xa8: {  	s5 =	sshll.u32 s28, $0x1;
	[dreg:$0x2] =	wrdreg s3  }
0xa9: {  	[dreg:$0x3] =	wrdreg s5  }
0xaa: {  	[dreg:$0x4] =	wrdreg $0xC0  }
0xab: {  	_ =	task [dreg:s7], $0x5FFFF  }
0xac: {  	[dreg:$0x1] =	wrdreg $0xFFFFFFFF  }
0xad: {  	[dreg:$0x0] =	wrdreg $0x60  }
0xae: {  	[dreg:$0x2] =	wrdreg s24  }
0xaf: {  	[dreg:$0x3] =	wrdreg s2  }
0xb0: {  	[dreg:$0x4] =	wrdreg $0x78000  }
0xb1: {  	[dreg:$0x5] =	wrdreg $0x9  }
0xb2: {  	_ =	task.clear_ibuf [dreg:s7], $0x6FFFF;
	_ =	strace $0x90000046  }
0xb3: {  	s29 =	simm.s32 $0x9;
	_ =	strace $0x80000048  }
0xb4: {  	_ =	swait.ge [sflag:s29], $0x1  }
0xb5: {  	[sflag:s29] =	ssyncadd.s32 $0xFFFFFFFF  }
0xb6: {  	_ =	strace $0x90000048  }
0xb7: {  	_ =	sfence  }
0xb8: {  	s30 =	sld [smem:$0x0];
	_ =	sdelay $0x2  }
0xb9: {  	s31 =	sshll.u32 s1, $0xD;
	s1 =	sshrl.u32 s1, $0x2  }
0xba: {  	s3 =	sand.u32 $0x4000, s31;
	s1 =	sadd.s32 s1, s30  }
0xbb: {  	s0 =	sor.u32 s3, s0;
	s1 =	sshll.u32 s1, $0x11  }
0xbc: {  	s0 =	sor.u32 s1, s0  }
0xbd: {  	s0 =	sadd.s32 $0x8F2B, s0  }
0xbe: {  	[sflag:s0] =	ssyncadd.remote.s32 $0x1  }
0xbf: {  	_ =	sfence.sel $0xFFFF  }
0xc0: {  	[dreg:$0x0] =	wrdreg $0xFFFFFFFF;
	(pc) =	sbr.abs _section_cstart, $3  }
0xc1: {  	[dreg:$0x1] =	wrdreg $0xFFFFFFFF  }
0xc2: {  	_ =	task.clear_ibuf [dreg:s7], $0x2FFFF;
	_ =	strace $0x9FFFFFFF  }
0xc3: {  	(tm) =	ssettm $0x7FFFFFFF  }
tec
execute0_lowered:
.L_overlay_start_1:
0x0: {  	(tag) =	ssettag $0x1  }
0x1: {  	s5 =	rddreg [dreg:$0x0]  }
0x2: {  	s6 =	rddreg [dreg:$0x1]  }
0x3: {  	s1 =	rddreg [dreg:$0x2]  }
0x4: {  	s0 =	rddreg [dreg:$0x3]  }
0x5: {  	s3 =	simm.s32 $0x0;
	s4 =	srdreg.scid;
	s2 =	stileid.u32  }
0x6: {  	s13 =	simm.s32 $0x32;
	s14 =	simm.s32 $0x2000;
	s15 =	simm.s32 $0x80  }
0x7: {  	s16 =	simm.s32 $0x3C00;
	s17 =	simm.s32 $0x1;
	s18 =	simm.s32 $0x2  }
0x8: {  	s19 =	simm.s32 $0x5800;
	s20 =	simm.s32 $0x0;
	[smem:$0x7FF] =	sst s3  }
0x9: {  	s7 =	sand.u32 $0x1, s4;
	s8 =	sshll.u32 s2, $0xB;
	s10 =	smul.u32 $0x7D000, s2  }
0xa: {  	s4 =	sadd.s32 $0x8E00, s5;
	s11 =	smul.u32 $0x3E80, s2;
	p0 =	sgt.u32 s2, $0x9  }
0xb: {  	_ =	strace $0x80000047;
	s9 =	sshll.u32 s7, $0xA;
	s7 =	ssub.s32 $0x2, s7  }
0xc: {  	s8 =	sor.u32 s9, s8;
	s31 =	sshrl.u32 s7, $0x1;
	s10 =	sshrl.u32 s10, $0x2  }
0xd: {  	s8 =	sadd.s32 s8, s5;
	s9 =	ssub.s32 s7, s31;
	s12 =	sadd.s32 s10, s1  }
0xe: {  	s5 =	sadd.s32 s6, s11;
	s11 =	sshll.u32 @!p0 s2, $0x6;
	s10 =	simm.s32 $0x3  }
0xf: {  	s6 =	sadd.s32 $0xE00, s8;
	s7 =	sadd.s32 $0x9200, s8;
	s8 =	smax.u32 s9, $0x1  }
0x10: {  	s9 =	simm.s32 $0x1B080;
	s11 =	sor.u32 @!p0 $0x1C03, s11;
	s12 =	sshrl.u32 @!p0 s12, $0x3  }
.LBB2_1:
0x11: {  	[tilespmem:s9], [sflag:$0x3] =	stream.linear.gather [hbm4b:s4+s3], $0x1, $0x38;
	[tilespmem:$0x1B100] =	vst v63  }
0x12: {  	_ =	swait.ge [sflag:s10], $0x1  }
0x13: {  	[sflag:s10] =	ssyncset.done $0x0  }
0x14: {  	s21 =	simm.s32 @!p0 $0x3;
	[sflag:s10] =	ssyncadd.s32 $0xFFFFFFFF  }
0x15: {  	v0 =	vld [tilespmem:$0x1B080];
	[spmem:s12], [sflag:s11] =	dma.local @!p0 [hbm:s5], $0x3E80  }
0x16: {  	_ =	swait.ge @!p0 [sflag:s21], $0x3E80  }
0x17: {  	[sflag:s21] =	ssyncset.done @!p0 $0x0  }
0x18: {  	[sflag:s21] =	ssyncadd.s32 @!p0 $0xFFFFC180  }
0x19: {  	[tilespmem:s3], [sflag:$0x3] =	stream.linear.gather [hbm4b:s6+s3], $0x2000, $0x38;
	[tilespmem:$0x1B100] =	vst v63  }
0x1a: {  	_ =	swait.ge [sflag:s10], $0x2000  }
0x1b: {  	[sflag:s10] =	ssyncset.done $0x0  }
0x1c: {  	[sflag:s10] =	ssyncadd.s32 $0xFFFFE000  }
0x1d: {  	[bflag:$0x0] =	sbarrier.arrive $0xFFFF  }
0x1e: {  	[tilespmem:s14], [sflag:$0x1] =	stream.indirect.gather [spmem:s1], $0x80, s3, s13, $0xb8;
	[tilespmem:$0x1B100] =	vst v63  }
0x1f: {  	s21 =	simm.s32 $0x0  }
0x20: {  	v0 =	vbroadcast v0, $0x0;
	[tilespmem:s16], [sflag:$0x2] =	stream.indirect.gather [spmem:s1], $0x80, s15, s13, $0xb8;
	[tilespmem:$0x1B100] =	vst v63  }
.LBB2_2:
0x21: {  	_ =	swait.ge [sflag:s17], $0x1900  }
0x22: {  	[sflag:s17] =	ssyncset.done $0x0  }
0x23: {  	s22 =	simm.s32 $0x0;
	[sflag:s17] =	ssyncadd.s32 $0xFFFFE700  }
0x24: {  	v5 =	vld [tilespmem:s22+$0x2200]  }
0x25: {  	v6 =	vld [tilespmem:s22+$0x2210]  }
0x26: {  	v7 =	vld [tilespmem:s22+$0x2220]  }
0x27: {  	v8 =	vld [tilespmem:s22+$0x2230]  }
0x28: {  	v1 =	vld [tilespmem:s22+$0x2240]  }
0x29: {  	v2 =	vld [tilespmem:s22+$0x2250]  }
0x2a: {  	v11 =	vld [tilespmem:s22+$0x2180]  }
0x2b: {  	v14 =	vld [tilespmem:s22+$0x2190]  }
0x2c: {  	v10 =	vld [tilespmem:s22+$0x21A0]  }
0x2d: {  	v12 =	vld [tilespmem:s22+$0x21B0]  }
0x2e: {  	v4 =	vld [tilespmem:s22+$0x21C0]  }
0x2f: {  	v3 =	vld [tilespmem:s22+$0x21D0]  }
0x30: {  	v13 =	vld [tilespmem:s22+$0x2100]  }
0x31: {  	v15 =	vld [tilespmem:s22+$0x2110]  }
0x32: {  	v16 =	vld [tilespmem:s22+$0x2120]  }
0x33: {  	v20 =	vld [tilespmem:s22+$0x2080]  }
0x34: {  	v21 =	vld [tilespmem:s22+$0x2090]  }
0x35: {  	v18 =	vld [tilespmem:s22+$0x2000]  }
0x36: {  	v19 =	vld [tilespmem:s22+$0x2010]  }
0x37: {  	v22 =	vld [tilespmem:s22+$0x2020]  }
0x38: {  	v23 =	vld [tilespmem:s22+$0x2030]  }
0x39: {  	v24 =	vld [tilespmem:s22+$0x20A0]  }
0x3a: {  	v25 =	vld [tilespmem:s22+$0x20B0]  }
0x3b: {  	v9 =	vimm.f32 $0.0e+00;
	v27 =	vld [tilespmem:s22+$0x2130]  }
0x3c: {  	v17 =	vld [tilespmem:s22+$0x2140];
	v26 =	vadd.f32 v18, v9;
	v28 =	vadd.f32 v19, v9  }
0x3d: {  	v18 =	vld [tilespmem:s22+$0x2150];
	v22 =	vadd.f32 v22, v9;
	v23 =	vadd.f32 v23, v9  }
0x3e: {  	v19 =	vld [tilespmem:s22+$0x20C0];
	v26 =	vadd.f32 v20, v26;
	v28 =	vadd.f32 v21, v28  }
0x3f: {  	v20 =	vld [tilespmem:s22+$0x20D0];
	v29 =	vadd.f32 v24, v22;
	v23 =	vadd.f32 v25, v23  }
0x40: {  	v21 =	vld [tilespmem:s22+$0x2040];
	v24 =	vadd.f32 v13, v26;
	v25 =	vadd.f32 v15, v28  }
0x41: {  	v22 =	vld [tilespmem:s22+$0x2050];
	v26 =	vadd.f32 v16, v29;
	v27 =	vadd.f32 v27, v23  }
0x42: {  	s23 =	simm.s32 $0xA00;
	v23 =	vld [tilespmem:s22+$0x2060];
	v16 =	vimm.f32 $0.0e+00;
	v15 =	vimm.f32 $0.0e+00;
	v13 =	vimm.f32 $0.0e+00  }
.LBB2_3:
0x43: {  	p1 =	sne.s32 s23, $0x5A00;
	v28 =	vld [tilespmem:s22+$0x2070];
	v11 =	vadd.f32 v11, v24;
	v14 =	vadd.f32 v14, v25  }
0x44: {  	v24 =	vld [tilespmem:s22+$0x20E0];
	v10 =	vadd.f32 v10, v26;
	v12 =	vadd.f32 v12, v27  }
0x45: {  	v25 =	vld [tilespmem:s22+$0x20F0];
	v26 =	vadd.f32 v5, v11;
	v27 =	vadd.f32 v6, v14  }
0x46: {  	v6 =	vld [tilespmem:s22+$0x2160];
	v29 =	vadd.f32 v7, v10;
	v30 =	vadd.f32 v8, v12  }
0x47: {  	v5 =	vadd.f32 v21, v9;
	v7 =	vadd.f32 v22, v16;
	v8 =	vld [tilespmem:s22+$0x2170]  }
0x48: {  	v9 =	vadd.f32 v23, v15;
	v10 =	vadd.f32 v28, v13;
	v11 =	vld [tilespmem:s22+$0x21E0]  }
0x49: {  	v5 =	vadd.f32 v19, v5;
	v7 =	vadd.f32 v20, v7;
	v12 =	vld [tilespmem:s22+$0x21F0]  }
0x4a: {  	v9 =	vadd.f32 v24, v9;
	v10 =	vadd.f32 v25, v10;
	v13 =	vld [tilespmem:s22+$0x2260]  }
0x4b: {  	v14 =	vadd.f32 v17, v5;
	v7 =	vadd.f32 v18, v7;
	v17 =	vld [tilespmem:s22+$0x2270];
	s22 =	sshra.s32 s23, $0x2  }
0x4c: {  	v9 =	vadd.f32 v6, v9;
	v5 =	vld [tilespmem:s22+$0x2200];
	v8 =	vadd.f32 v8, v10  }
0x4d: {  	v4 =	vadd.f32 v4, v14;
	v3 =	vadd.f32 v3, v7;
	v6 =	vld [tilespmem:s22+$0x2210]  }
0x4e: {  	v10 =	vadd.f32 v11, v9;
	v7 =	vld [tilespmem:s22+$0x2220];
	v11 =	vadd.f32 v12, v8  }
0x4f: {  	v9 =	vadd.f32 v1, v4;
	v16 =	vadd.f32 v2, v3;
	v8 =	vld [tilespmem:s22+$0x2230]  }
0x50: {  	v15 =	vadd.f32 v13, v10;
	v1 =	vld [tilespmem:s22+$0x2240];
	v13 =	vadd.f32 v17, v11  }
0x51: {  	v2 =	vld [tilespmem:s22+$0x2250]  }
0x52: {  	v11 =	vld [tilespmem:s22+$0x2180]  }
0x53: {  	v14 =	vld [tilespmem:s22+$0x2190]  }
0x54: {  	v10 =	vld [tilespmem:s22+$0x21A0]  }
0x55: {  	v12 =	vld [tilespmem:s22+$0x21B0]  }
0x56: {  	v4 =	vld [tilespmem:s22+$0x21C0]  }
0x57: {  	v3 =	vld [tilespmem:s22+$0x21D0]  }
0x58: {  	v23 =	vld [tilespmem:s22+$0x2100]  }
0x59: {  	v25 =	vld [tilespmem:s22+$0x2110]  }
0x5a: {  	v28 =	vld [tilespmem:s22+$0x2120]  }
0x5b: {  	v31 =	vld [tilespmem:s22+$0x2130]  }
0x5c: {  	v20 =	vld [tilespmem:s22+$0x2080]  }
0x5d: {  	v21 =	vld [tilespmem:s22+$0x2090]  }
0x5e: {  	v18 =	vld [tilespmem:s22+$0x2000]  }
0x5f: {  	v19 =	vld [tilespmem:s22+$0x2010]  }
0x60: {  	v22 =	vld [tilespmem:s22+$0x2020]  }
0x61: {  	v24 =	vld [tilespmem:s22+$0x2030]  }
0x62: {  	v32 =	vld [tilespmem:s22+$0x20A0]  }
0x63: {  	v33 =	vld [tilespmem:s22+$0x20B0]  }
0x64: {  	v17 =	vld [tilespmem:s22+$0x2140]  }
0x65: {  	v26 =	vadd.f32 v18, v26;
	v27 =	vadd.f32 v19, v27;
	v18 =	vld [tilespmem:s22+$0x2150]  }
.Ltmp0:
0x66: {  	v22 =	vadd.f32 v22, v29;
	v24 =	vadd.f32 v24, v30;
	v19 =	vld [tilespmem:s22+$0x20C0];
	(pc) =	sbr.rel @p1 .LBB2_3-.Ltmp0, $4  }
0x67: {  	v26 =	vadd.f32 v20, v26;
	v27 =	vadd.f32 v21, v27;
	v20 =	vld [tilespmem:s22+$0x20D0]  }
0x68: {  	v29 =	vadd.f32 v32, v22;
	v21 =	vld [tilespmem:s22+$0x2040];
	v30 =	vadd.f32 v33, v24  }
0x69: {  	v24 =	vadd.f32 v23, v26;
	v25 =	vadd.f32 v25, v27;
	v22 =	vld [tilespmem:s22+$0x2050]  }
0x6a: {  	s23 =	sadd.s32 $0xA00, s23;
	v26 =	vadd.f32 v28, v29;
	v23 =	vld [tilespmem:s22+$0x2060];
	v27 =	vadd.f32 v31, v30  }
0x6b: {  	v11 =	vadd.f32 v11, v24;
	v14 =	vadd.f32 v14, v25  }
0x6c: {  	v24 =	vld [tilespmem:s22+$0x2070];
	v10 =	vadd.f32 v10, v26;
	v12 =	vadd.f32 v12, v27  }
0x6d: {  	v25 =	vld [tilespmem:s22+$0x20E0];
	v5 =	vadd.f32 v5, v11;
	v6 =	vadd.f32 v6, v14  }
0x6e: {  	v11 =	vld [tilespmem:s22+$0x20F0];
	v9 =	vadd.f32 v21, v9;
	v7 =	vadd.f32 v7, v10  }
0x6f: {  	v10 =	vld [tilespmem:s22+$0x2160];
	v8 =	vadd.f32 v8, v12;
	v12 =	vadd.f32 v22, v16  }
0x70: {  	v14 =	vld [tilespmem:s22+$0x2170];
	v15 =	vadd.f32 v23, v15;
	v9 =	vadd.f32 v19, v9  }
0x71: {  	v16 =	vld [tilespmem:s22+$0x21E0];
	v13 =	vadd.f32 v24, v13;
	v12 =	vadd.f32 v20, v12  }
0x72: {  	v19 =	vld [tilespmem:s22+$0x21F0];
	v15 =	vadd.f32 v25, v15;
	v9 =	vadd.f32 v17, v9  }
0x73: {  	v11 =	vadd.f32 v11, v13;
	v13 =	vld [tilespmem:s22+$0x2260];
	v12 =	vadd.f32 v18, v12  }
0x74: {  	s31 =	sshll.u32 s21, $0x8;
	v5 =	vmul.f32 v5, v0;
	v17 =	vld [tilespmem:s22+$0x2270];
	v10 =	vadd.f32 v10, v15;
	v4 =	vadd.f32 v4, v9  }
0x75: {  	v6 =	vmul.f32 v6, v0;
	s22 =	sand.u32 $0x3FFFFF00, s31;
	v9 =	vadd.f32 v14, v11;
	v3 =	vadd.f32 v3, v12  }
0x76: {  	[tilespmem:s22+$0x5800] =	vst v5;
	v10 =	vadd.f32 v16, v10;
	v1 =	vadd.f32 v1, v4;
	v4 =	vmul.f32 v7, v0  }
0x77: {  	[tilespmem:s22+$0x5810] =	vst v6;
	v5 =	vadd.f32 v19, v9;
	v2 =	vadd.f32 v2, v3;
	v3 =	vmul.f32 v8, v0  }
0x78: {  	v6 =	vadd.f32 v13, v10;
	[tilespmem:s22+$0x5820] =	vst v4;
	v1 =	vmul.f32 v1, v0  }
0x79: {  	v4 =	vadd.f32 v17, v5;
	[tilespmem:s22+$0x5830] =	vst v3;
	v2 =	vmul.f32 v2, v0  }
0x7a: {  	[tilespmem:s22+$0x5840] =	vst v1;
	v1 =	vmul.f32 v6, v0  }
0x7b: {  	[tilespmem:s22+$0x5850] =	vst v2;
	v2 =	vmul.f32 v4, v0  }
0x7c: {  	[tilespmem:s22+$0x5860] =	vst v1  }
0x7d: {  	s23 =	sadd.s32 $0x100, s22;
	[tilespmem:s22+$0x5870] =	vst v2  }
0x7e: {  	[tilespmem:s14], [sflag:$0x1] =	stream.indirect.gather [spmem:s1], $0x80, s23, s13, $0xb8;
	[tilespmem:$0x1B100] =	vst v63  }
0x7f: {  	_ =	swait.ge [sflag:s18], $0x1900  }
0x80: {  	[sflag:s18] =	ssyncset.done $0x0  }
0x81: {  	s23 =	simm.s32 $0x0;
	[sflag:s18] =	ssyncadd.s32 $0xFFFFE700  }
0x82: {  	v5 =	vld [tilespmem:s23+$0x3E00]  }
0x83: {  	v6 =	vld [tilespmem:s23+$0x3E10]  }
0x84: {  	v7 =	vld [tilespmem:s23+$0x3E20]  }
0x85: {  	v8 =	vld [tilespmem:s23+$0x3E30]  }
0x86: {  	v1 =	vld [tilespmem:s23+$0x3E40]  }
0x87: {  	v2 =	vld [tilespmem:s23+$0x3E50]  }
0x88: {  	v11 =	vld [tilespmem:s23+$0x3D80]  }
0x89: {  	v14 =	vld [tilespmem:s23+$0x3D90]  }
0x8a: {  	v10 =	vld [tilespmem:s23+$0x3DA0]  }
0x8b: {  	v12 =	vld [tilespmem:s23+$0x3DB0]  }
0x8c: {  	v4 =	vld [tilespmem:s23+$0x3DC0]  }
0x8d: {  	v3 =	vld [tilespmem:s23+$0x3DD0]  }
0x8e: {  	v13 =	vld [tilespmem:s23+$0x3D00]  }
0x8f: {  	v15 =	vld [tilespmem:s23+$0x3D10]  }
0x90: {  	v16 =	vld [tilespmem:s23+$0x3D20]  }
0x91: {  	v20 =	vld [tilespmem:s23+$0x3C80]  }
0x92: {  	v21 =	vld [tilespmem:s23+$0x3C90]  }
0x93: {  	v18 =	vld [tilespmem:s23+$0x3C00]  }
0x94: {  	v19 =	vld [tilespmem:s23+$0x3C10]  }
0x95: {  	v22 =	vld [tilespmem:s23+$0x3C20]  }
0x96: {  	v23 =	vld [tilespmem:s23+$0x3C30]  }
0x97: {  	v24 =	vld [tilespmem:s23+$0x3CA0]  }
0x98: {  	v25 =	vld [tilespmem:s23+$0x3CB0]  }
0x99: {  	v9 =	vimm.f32 $0.0e+00;
	v27 =	vld [tilespmem:s23+$0x3D30]  }
0x9a: {  	v17 =	vld [tilespmem:s23+$0x3D40];
	v26 =	vadd.f32 v18, v9;
	v28 =	vadd.f32 v19, v9  }
0x9b: {  	v18 =	vld [tilespmem:s23+$0x3D50];
	v22 =	vadd.f32 v22, v9;
	v23 =	vadd.f32 v23, v9  }
0x9c: {  	v19 =	vld [tilespmem:s23+$0x3CC0];
	v26 =	vadd.f32 v20, v26;
	v28 =	vadd.f32 v21, v28  }
0x9d: {  	v20 =	vld [tilespmem:s23+$0x3CD0];
	v29 =	vadd.f32 v24, v22;
	v23 =	vadd.f32 v25, v23  }
0x9e: {  	v21 =	vld [tilespmem:s23+$0x3C40];
	v24 =	vadd.f32 v13, v26;
	v25 =	vadd.f32 v15, v28  }
0x9f: {  	v22 =	vld [tilespmem:s23+$0x3C50];
	v26 =	vadd.f32 v16, v29;
	v27 =	vadd.f32 v27, v23  }
0xa0: {  	s24 =	simm.s32 $0xA00;
	v23 =	vld [tilespmem:s23+$0x3C60];
	v16 =	vimm.f32 $0.0e+00;
	v15 =	vimm.f32 $0.0e+00;
	v13 =	vimm.f32 $0.0e+00  }
.LBB2_5:
0xa1: {  	p1 =	sne.s32 s24, $0x5A00;
	v28 =	vld [tilespmem:s23+$0x3C70];
	v11 =	vadd.f32 v11, v24;
	v14 =	vadd.f32 v14, v25  }
0xa2: {  	v24 =	vld [tilespmem:s23+$0x3CE0];
	v10 =	vadd.f32 v10, v26;
	v12 =	vadd.f32 v12, v27  }
0xa3: {  	v25 =	vld [tilespmem:s23+$0x3CF0];
	v26 =	vadd.f32 v5, v11;
	v27 =	vadd.f32 v6, v14  }
0xa4: {  	v6 =	vld [tilespmem:s23+$0x3D60];
	v29 =	vadd.f32 v7, v10;
	v30 =	vadd.f32 v8, v12  }
0xa5: {  	v5 =	vadd.f32 v21, v9;
	v7 =	vadd.f32 v22, v16;
	v8 =	vld [tilespmem:s23+$0x3D70]  }
0xa6: {  	v9 =	vadd.f32 v23, v15;
	v10 =	vadd.f32 v28, v13;
	v11 =	vld [tilespmem:s23+$0x3DE0]  }
0xa7: {  	v5 =	vadd.f32 v19, v5;
	v7 =	vadd.f32 v20, v7;
	v12 =	vld [tilespmem:s23+$0x3DF0]  }
0xa8: {  	v9 =	vadd.f32 v24, v9;
	v10 =	vadd.f32 v25, v10;
	v13 =	vld [tilespmem:s23+$0x3E60]  }
0xa9: {  	v14 =	vadd.f32 v17, v5;
	v7 =	vadd.f32 v18, v7;
	v17 =	vld [tilespmem:s23+$0x3E70];
	s23 =	sshra.s32 s24, $0x2  }
0xaa: {  	v9 =	vadd.f32 v6, v9;
	v5 =	vld [tilespmem:s23+$0x3E00];
	v8 =	vadd.f32 v8, v10  }
0xab: {  	v4 =	vadd.f32 v4, v14;
	v3 =	vadd.f32 v3, v7;
	v6 =	vld [tilespmem:s23+$0x3E10]  }
0xac: {  	v10 =	vadd.f32 v11, v9;
	v7 =	vld [tilespmem:s23+$0x3E20];
	v11 =	vadd.f32 v12, v8  }
0xad: {  	v9 =	vadd.f32 v1, v4;
	v16 =	vadd.f32 v2, v3;
	v8 =	vld [tilespmem:s23+$0x3E30]  }
0xae: {  	v15 =	vadd.f32 v13, v10;
	v1 =	vld [tilespmem:s23+$0x3E40];
	v13 =	vadd.f32 v17, v11  }
0xaf: {  	v2 =	vld [tilespmem:s23+$0x3E50]  }
0xb0: {  	v11 =	vld [tilespmem:s23+$0x3D80]  }
0xb1: {  	v14 =	vld [tilespmem:s23+$0x3D90]  }
0xb2: {  	v10 =	vld [tilespmem:s23+$0x3DA0]  }
0xb3: {  	v12 =	vld [tilespmem:s23+$0x3DB0]  }
0xb4: {  	v4 =	vld [tilespmem:s23+$0x3DC0]  }
0xb5: {  	v3 =	vld [tilespmem:s23+$0x3DD0]  }
0xb6: {  	v23 =	vld [tilespmem:s23+$0x3D00]  }
0xb7: {  	v25 =	vld [tilespmem:s23+$0x3D10]  }
0xb8: {  	v28 =	vld [tilespmem:s23+$0x3D20]  }
0xb9: {  	v31 =	vld [tilespmem:s23+$0x3D30]  }
0xba: {  	v20 =	vld [tilespmem:s23+$0x3C80]  }
0xbb: {  	v21 =	vld [tilespmem:s23+$0x3C90]  }
0xbc: {  	v18 =	vld [tilespmem:s23+$0x3C00]  }
0xbd: {  	v19 =	vld [tilespmem:s23+$0x3C10]  }
0xbe: {  	v22 =	vld [tilespmem:s23+$0x3C20]  }
0xbf: {  	v24 =	vld [tilespmem:s23+$0x3C30]  }
0xc0: {  	v32 =	vld [tilespmem:s23+$0x3CA0]  }
0xc1: {  	v33 =	vld [tilespmem:s23+$0x3CB0]  }
0xc2: {  	v17 =	vld [tilespmem:s23+$0x3D40]  }
0xc3: {  	v26 =	vadd.f32 v18, v26;
	v27 =	vadd.f32 v19, v27;
	v18 =	vld [tilespmem:s23+$0x3D50]  }
.Ltmp1:
0xc4: {  	v22 =	vadd.f32 v22, v29;
	v24 =	vadd.f32 v24, v30;
	v19 =	vld [tilespmem:s23+$0x3CC0];
	(pc) =	sbr.rel @p1 .LBB2_5-.Ltmp1, $4  }
0xc5: {  	v26 =	vadd.f32 v20, v26;
	v27 =	vadd.f32 v21, v27;
	v20 =	vld [tilespmem:s23+$0x3CD0]  }
0xc6: {  	v29 =	vadd.f32 v32, v22;
	v21 =	vld [tilespmem:s23+$0x3C40];
	v30 =	vadd.f32 v33, v24  }
0xc7: {  	v24 =	vadd.f32 v23, v26;
	v25 =	vadd.f32 v25, v27;
	v22 =	vld [tilespmem:s23+$0x3C50]  }
0xc8: {  	s24 =	sadd.s32 $0xA00, s24;
	v26 =	vadd.f32 v28, v29;
	v23 =	vld [tilespmem:s23+$0x3C60];
	v27 =	vadd.f32 v31, v30  }
0xc9: {  	v11 =	vadd.f32 v11, v24;
	v14 =	vadd.f32 v14, v25  }
0xca: {  	v49 =	vld [tilespmem:s23+$0x3C70];
	v10 =	vadd.f32 v10, v26;
	v12 =	vadd.f32 v12, v27  }
0xcb: {  	v50 =	vld [tilespmem:s23+$0x3CE0];
	v5 =	vadd.f32 v5, v11;
	v6 =	vadd.f32 v6, v14  }
0xcc: {  	v51 =	vld [tilespmem:s23+$0x3CF0];
	v9 =	vadd.f32 v21, v9;
	v7 =	vadd.f32 v7, v10  }
0xcd: {  	v52 =	vld [tilespmem:s23+$0x3D60];
	v8 =	vadd.f32 v8, v12;
	v53 =	vadd.f32 v22, v16  }
0xce: {  	v54 =	vld [tilespmem:s23+$0x3D70];
	v15 =	vadd.f32 v23, v15;
	v9 =	vadd.f32 v19, v9  }
0xcf: {  	v55 =	vld [tilespmem:s23+$0x3DE0];
	v13 =	vadd.f32 v49, v13;
	v12 =	vadd.f32 v20, v53  }
0xd0: {  	v56 =	vld [tilespmem:s23+$0x3DF0];
	v15 =	vadd.f32 v50, v15;
	v9 =	vadd.f32 v17, v9  }
0xd1: {  	v57 =	vld [tilespmem:s23+$0x3E60];
	v11 =	vadd.f32 v51, v13;
	v12 =	vadd.f32 v18, v12  }
0xd2: {  	v58 =	vld [tilespmem:s23+$0x3E70];
	v5 =	vmul.f32 v5, v0;
	v10 =	vadd.f32 v52, v15;
	v4 =	vadd.f32 v4, v9  }
0xd3: {  	v6 =	vmul.f32 v6, v0;
	v59 =	vadd.f32 v54, v11;
	v3 =	vadd.f32 v3, v12  }
0xd4: {  	v60 =	vmul.f32 v7, v0;
	[tilespmem:s22+$0x5880] =	vst v5;
	v10 =	vadd.f32 v55, v10;
	v1 =	vadd.f32 v1, v4  }
0xd5: {  	[tilespmem:s22+$0x5890] =	vst v6;
	v61 =	vadd.f32 v56, v59;
	v2 =	vadd.f32 v2, v3;
	v3 =	vmul.f32 v8, v0  }
0xd6: {  	s21 =	sadd.s32 $0x1, s21;
	[tilespmem:s22+$0x58A0] =	vst v60;
	v62 =	vadd.f32 v57, v10;
	v1 =	vmul.f32 v1, v0  }
0xd7: {  	p1 =	sne.s32 s21, $0x1F;
	v63 =	vadd.f32 v58, v61;
	[tilespmem:s22+$0x58B0] =	vst v3;
	v2 =	vmul.f32 v2, v0  }
.Ltmp2:
0xd8: {  	[tilespmem:s22+$0x58C0] =	vst v1;
	v1 =	vmul.f32 v62, v0;
	(pc) =	sbr.rel @p1 .LBB2_2-.Ltmp2, $4  }
0xd9: {  	[tilespmem:s22+$0x58D0] =	vst v2;
	v2 =	vmul.f32 v63, v0  }
0xda: {  	[tilespmem:s22+$0x58E0] =	vst v1  }
0xdb: {  	s31 =	sadd.s32 $0x180, s22;
	[tilespmem:s22+$0x58F0] =	vst v2  }
0xdc: {  	[tilespmem:s16], [sflag:$0x2] =	stream.indirect.gather [spmem:s1], $0x80, s31, s13, $0xb8;
	[tilespmem:$0x1B100] =	vst v63  }
0xdd: {  	_ =	swait.ge [sflag:s17], $0x1900  }
0xde: {  	[sflag:s17] =	ssyncset.done $0x0  }
0xdf: {  	s21 =	simm.s32 $0x0;
	[sflag:s17] =	ssyncadd.s32 $0xFFFFE700  }
0xe0: {  	v5 =	vld [tilespmem:s21+$0x2200]  }
0xe1: {  	v6 =	vld [tilespmem:s21+$0x2210]  }
0xe2: {  	v7 =	vld [tilespmem:s21+$0x2220]  }
0xe3: {  	v8 =	vld [tilespmem:s21+$0x2230]  }
0xe4: {  	v1 =	vld [tilespmem:s21+$0x2240]  }
0xe5: {  	v2 =	vld [tilespmem:s21+$0x2250]  }
0xe6: {  	v11 =	vld [tilespmem:s21+$0x2180]  }
0xe7: {  	v14 =	vld [tilespmem:s21+$0x2190]  }
0xe8: {  	v10 =	vld [tilespmem:s21+$0x21A0]  }
0xe9: {  	v12 =	vld [tilespmem:s21+$0x21B0]  }
0xea: {  	v4 =	vld [tilespmem:s21+$0x21C0]  }
0xeb: {  	v3 =	vld [tilespmem:s21+$0x21D0]  }
0xec: {  	v13 =	vld [tilespmem:s21+$0x2100]  }
0xed: {  	v15 =	vld [tilespmem:s21+$0x2110]  }
0xee: {  	v16 =	vld [tilespmem:s21+$0x2120]  }
0xef: {  	v20 =	vld [tilespmem:s21+$0x2080]  }
0xf0: {  	v21 =	vld [tilespmem:s21+$0x2090]  }
0xf1: {  	v18 =	vld [tilespmem:s21+$0x2000]  }
0xf2: {  	v19 =	vld [tilespmem:s21+$0x2010]  }
0xf3: {  	v22 =	vld [tilespmem:s21+$0x2020]  }
0xf4: {  	v23 =	vld [tilespmem:s21+$0x2030]  }
0xf5: {  	v24 =	vld [tilespmem:s21+$0x20A0]  }
0xf6: {  	v25 =	vld [tilespmem:s21+$0x20B0]  }
0xf7: {  	v9 =	vimm.f32 $0.0e+00;
	v27 =	vld [tilespmem:s21+$0x2130]  }
0xf8: {  	v17 =	vld [tilespmem:s21+$0x2140];
	v26 =	vadd.f32 v18, v9;
	v28 =	vadd.f32 v19, v9  }
0xf9: {  	v18 =	vld [tilespmem:s21+$0x2150];
	v22 =	vadd.f32 v22, v9;
	v23 =	vadd.f32 v23, v9  }
0xfa: {  	v19 =	vld [tilespmem:s21+$0x20C0];
	v26 =	vadd.f32 v20, v26;
	v28 =	vadd.f32 v21, v28  }
0xfb: {  	v20 =	vld [tilespmem:s21+$0x20D0];
	v29 =	vadd.f32 v24, v22;
	v23 =	vadd.f32 v25, v23  }
0xfc: {  	v21 =	vld [tilespmem:s21+$0x2040];
	v24 =	vadd.f32 v13, v26;
	v25 =	vadd.f32 v15, v28  }
0xfd: {  	v22 =	vld [tilespmem:s21+$0x2050];
	v26 =	vadd.f32 v16, v29;
	v27 =	vadd.f32 v27, v23  }
0xfe: {  	s22 =	simm.s32 $0xA00;
	v23 =	vld [tilespmem:s21+$0x2060];
	v16 =	vimm.f32 $0.0e+00;
	v15 =	vimm.f32 $0.0e+00;
	v13 =	vimm.f32 $0.0e+00  }
.LBB2_8:
0xff: {  	p1 =	sne.s32 s22, $0x5A00;
	v28 =	vld [tilespmem:s21+$0x2070];
	v11 =	vadd.f32 v11, v24;
	v14 =	vadd.f32 v14, v25  }
0x100: {  	v24 =	vld [tilespmem:s21+$0x20E0];
	v10 =	vadd.f32 v10, v26;
	v12 =	vadd.f32 v12, v27  }
0x101: {  	v25 =	vld [tilespmem:s21+$0x20F0];
	v26 =	vadd.f32 v5, v11;
	v27 =	vadd.f32 v6, v14  }
0x102: {  	v6 =	vld [tilespmem:s21+$0x2160];
	v29 =	vadd.f32 v7, v10;
	v30 =	vadd.f32 v8, v12  }
0x103: {  	v5 =	vadd.f32 v21, v9;
	v7 =	vadd.f32 v22, v16;
	v8 =	vld [tilespmem:s21+$0x2170]  }
0x104: {  	v9 =	vadd.f32 v23, v15;
	v10 =	vadd.f32 v28, v13;
	v11 =	vld [tilespmem:s21+$0x21E0]  }
0x105: {  	v5 =	vadd.f32 v19, v5;
	v7 =	vadd.f32 v20, v7;
	v12 =	vld [tilespmem:s21+$0x21F0]  }
0x106: {  	v9 =	vadd.f32 v24, v9;
	v10 =	vadd.f32 v25, v10;
	v13 =	vld [tilespmem:s21+$0x2260]  }
0x107: {  	v14 =	vadd.f32 v17, v5;
	v7 =	vadd.f32 v18, v7;
	v17 =	vld [tilespmem:s21+$0x2270];
	s21 =	sshra.s32 s22, $0x2  }
0x108: {  	v9 =	vadd.f32 v6, v9;
	v5 =	vld [tilespmem:s21+$0x2200];
	v8 =	vadd.f32 v8, v10  }
0x109: {  	v4 =	vadd.f32 v4, v14;
	v3 =	vadd.f32 v3, v7;
	v6 =	vld [tilespmem:s21+$0x2210]  }
0x10a: {  	v10 =	vadd.f32 v11, v9;
	v7 =	vld [tilespmem:s21+$0x2220];
	v11 =	vadd.f32 v12, v8  }
0x10b: {  	v9 =	vadd.f32 v1, v4;
	v16 =	vadd.f32 v2, v3;
	v8 =	vld [tilespmem:s21+$0x2230]  }
0x10c: {  	v15 =	vadd.f32 v13, v10;
	v1 =	vld [tilespmem:s21+$0x2240];
	v13 =	vadd.f32 v17, v11  }
0x10d: {  	v2 =	vld [tilespmem:s21+$0x2250]  }
0x10e: {  	v11 =	vld [tilespmem:s21+$0x2180]  }
0x10f: {  	v14 =	vld [tilespmem:s21+$0x2190]  }
0x110: {  	v10 =	vld [tilespmem:s21+$0x21A0]  }
0x111: {  	v12 =	vld [tilespmem:s21+$0x21B0]  }
0x112: {  	v4 =	vld [tilespmem:s21+$0x21C0]  }
0x113: {  	v3 =	vld [tilespmem:s21+$0x21D0]  }
0x114: {  	v23 =	vld [tilespmem:s21+$0x2100]  }
0x115: {  	v25 =	vld [tilespmem:s21+$0x2110]  }
0x116: {  	v28 =	vld [tilespmem:s21+$0x2120]  }
0x117: {  	v31 =	vld [tilespmem:s21+$0x2130]  }
0x118: {  	v20 =	vld [tilespmem:s21+$0x2080]  }
0x119: {  	v21 =	vld [tilespmem:s21+$0x2090]  }
0x11a: {  	v18 =	vld [tilespmem:s21+$0x2000]  }
0x11b: {  	v19 =	vld [tilespmem:s21+$0x2010]  }
0x11c: {  	v22 =	vld [tilespmem:s21+$0x2020]  }
0x11d: {  	v24 =	vld [tilespmem:s21+$0x2030]  }
0x11e: {  	v32 =	vld [tilespmem:s21+$0x20A0]  }
0x11f: {  	v33 =	vld [tilespmem:s21+$0x20B0]  }
0x120: {  	v17 =	vld [tilespmem:s21+$0x2140]  }
0x121: {  	v26 =	vadd.f32 v18, v26;
	v27 =	vadd.f32 v19, v27;
	v18 =	vld [tilespmem:s21+$0x2150]  }
.Ltmp3:
0x122: {  	v22 =	vadd.f32 v22, v29;
	v24 =	vadd.f32 v24, v30;
	v19 =	vld [tilespmem:s21+$0x20C0];
	(pc) =	sbr.rel @p1 .LBB2_8-.Ltmp3, $4  }
0x123: {  	v26 =	vadd.f32 v20, v26;
	v27 =	vadd.f32 v21, v27;
	v20 =	vld [tilespmem:s21+$0x20D0]  }
0x124: {  	v29 =	vadd.f32 v32, v22;
	v21 =	vld [tilespmem:s21+$0x2040];
	v30 =	vadd.f32 v33, v24  }
0x125: {  	v24 =	vadd.f32 v23, v26;
	v25 =	vadd.f32 v25, v27;
	v22 =	vld [tilespmem:s21+$0x2050]  }
0x126: {  	s22 =	sadd.s32 $0xA00, s22;
	v26 =	vadd.f32 v28, v29;
	v23 =	vld [tilespmem:s21+$0x2060];
	v27 =	vadd.f32 v31, v30  }
0x127: {  	v11 =	vadd.f32 v11, v24;
	v14 =	vadd.f32 v14, v25  }
0x128: {  	v24 =	vld [tilespmem:s21+$0x2070];
	v10 =	vadd.f32 v10, v26;
	v12 =	vadd.f32 v12, v27  }
0x129: {  	v25 =	vld [tilespmem:s21+$0x20E0];
	v5 =	vadd.f32 v5, v11;
	v6 =	vadd.f32 v6, v14  }
0x12a: {  	v11 =	vld [tilespmem:s21+$0x20F0];
	v9 =	vadd.f32 v21, v9;
	v7 =	vadd.f32 v7, v10  }
0x12b: {  	v10 =	vld [tilespmem:s21+$0x2160];
	v8 =	vadd.f32 v8, v12;
	v12 =	vadd.f32 v22, v16  }
0x12c: {  	v14 =	vld [tilespmem:s21+$0x2170];
	v15 =	vadd.f32 v23, v15;
	v9 =	vadd.f32 v19, v9  }
0x12d: {  	v16 =	vld [tilespmem:s21+$0x21E0];
	v13 =	vadd.f32 v24, v13;
	v12 =	vadd.f32 v20, v12  }
0x12e: {  	v19 =	vld [tilespmem:s21+$0x21F0];
	v15 =	vadd.f32 v25, v15;
	v9 =	vadd.f32 v17, v9  }
0x12f: {  	v11 =	vadd.f32 v11, v13;
	v13 =	vld [tilespmem:s21+$0x2260];
	v12 =	vadd.f32 v18, v12  }
0x130: {  	v5 =	vmul.f32 v5, v0;
	v17 =	vld [tilespmem:s21+$0x2270];
	v10 =	vadd.f32 v10, v15;
	v4 =	vadd.f32 v4, v9  }
0x131: {  	v6 =	vmul.f32 v6, v0;
	v9 =	vadd.f32 v14, v11;
	v3 =	vadd.f32 v3, v12  }
0x132: {  	[tilespmem:$0x7700] =	vst v5;
	v10 =	vadd.f32 v16, v10;
	v1 =	vadd.f32 v1, v4;
	v4 =	vmul.f32 v7, v0  }
0x133: {  	[tilespmem:$0x7710] =	vst v6;
	v5 =	vadd.f32 v19, v9;
	v2 =	vadd.f32 v2, v3;
	v3 =	vmul.f32 v8, v0  }
0x134: {  	v6 =	vadd.f32 v13, v10;
	[tilespmem:$0x7720] =	vst v4;
	v1 =	vmul.f32 v1, v0  }
0x135: {  	v4 =	vadd.f32 v17, v5;
	[tilespmem:$0x7730] =	vst v3;
	v2 =	vmul.f32 v2, v0  }
0x136: {  	[tilespmem:$0x7740] =	vst v1;
	v1 =	vmul.f32 v6, v0  }
0x137: {  	[tilespmem:$0x7750] =	vst v2;
	v2 =	vmul.f32 v4, v0  }
0x138: {  	[tilespmem:$0x7760] =	vst v1  }
0x139: {  	[tilespmem:$0x7770] =	vst v2  }
0x13a: {  	_ =	swait.ge [sflag:s18], $0x1900  }
0x13b: {  	[sflag:s18] =	ssyncset.done $0x0  }
0x13c: {  	s21 =	simm.s32 $0x0;
	[sflag:s18] =	ssyncadd.s32 $0xFFFFE700  }
0x13d: {  	v5 =	vld [tilespmem:s21+$0x3E00]  }
0x13e: {  	v6 =	vld [tilespmem:s21+$0x3E10]  }
0x13f: {  	v7 =	vld [tilespmem:s21+$0x3E20]  }
0x140: {  	v8 =	vld [tilespmem:s21+$0x3E30]  }
0x141: {  	v1 =	vld [tilespmem:s21+$0x3E40]  }
0x142: {  	v2 =	vld [tilespmem:s21+$0x3E50]  }
0x143: {  	v11 =	vld [tilespmem:s21+$0x3D80]  }
0x144: {  	v14 =	vld [tilespmem:s21+$0x3D90]  }
0x145: {  	v10 =	vld [tilespmem:s21+$0x3DA0]  }
0x146: {  	v12 =	vld [tilespmem:s21+$0x3DB0]  }
0x147: {  	v4 =	vld [tilespmem:s21+$0x3DC0]  }
0x148: {  	v3 =	vld [tilespmem:s21+$0x3DD0]  }
0x149: {  	v13 =	vld [tilespmem:s21+$0x3D00]  }
0x14a: {  	v15 =	vld [tilespmem:s21+$0x3D10]  }
0x14b: {  	v16 =	vld [tilespmem:s21+$0x3D20]  }
0x14c: {  	v20 =	vld [tilespmem:s21+$0x3C80]  }
0x14d: {  	v21 =	vld [tilespmem:s21+$0x3C90]  }
0x14e: {  	v18 =	vld [tilespmem:s21+$0x3C00]  }
0x14f: {  	v19 =	vld [tilespmem:s21+$0x3C10]  }
0x150: {  	v22 =	vld [tilespmem:s21+$0x3C20]  }
0x151: {  	v23 =	vld [tilespmem:s21+$0x3C30]  }
0x152: {  	v24 =	vld [tilespmem:s21+$0x3CA0]  }
0x153: {  	v25 =	vld [tilespmem:s21+$0x3CB0]  }
0x154: {  	v9 =	vimm.f32 $0.0e+00;
	v27 =	vld [tilespmem:s21+$0x3D30]  }
0x155: {  	v17 =	vld [tilespmem:s21+$0x3D40];
	v26 =	vadd.f32 v18, v9;
	v28 =	vadd.f32 v19, v9  }
0x156: {  	v18 =	vld [tilespmem:s21+$0x3D50];
	v22 =	vadd.f32 v22, v9;
	v23 =	vadd.f32 v23, v9  }
0x157: {  	v19 =	vld [tilespmem:s21+$0x3CC0];
	v26 =	vadd.f32 v20, v26;
	v28 =	vadd.f32 v21, v28  }
0x158: {  	v20 =	vld [tilespmem:s21+$0x3CD0];
	v29 =	vadd.f32 v24, v22;
	v23 =	vadd.f32 v25, v23  }
0x159: {  	v21 =	vld [tilespmem:s21+$0x3C40];
	v24 =	vadd.f32 v13, v26;
	v25 =	vadd.f32 v15, v28  }
0x15a: {  	v22 =	vld [tilespmem:s21+$0x3C50];
	v26 =	vadd.f32 v16, v29;
	v27 =	vadd.f32 v27, v23  }
0x15b: {  	s22 =	simm.s32 $0xA00;
	v23 =	vld [tilespmem:s21+$0x3C60];
	v16 =	vimm.f32 $0.0e+00;
	v15 =	vimm.f32 $0.0e+00;
	v13 =	vimm.f32 $0.0e+00  }
.LBB2_10:
0x15c: {  	p1 =	sne.s32 s22, $0x5A00;
	v28 =	vld [tilespmem:s21+$0x3C70];
	v11 =	vadd.f32 v11, v24;
	v14 =	vadd.f32 v14, v25  }
0x15d: {  	v24 =	vld [tilespmem:s21+$0x3CE0];
	v10 =	vadd.f32 v10, v26;
	v12 =	vadd.f32 v12, v27  }
0x15e: {  	v25 =	vld [tilespmem:s21+$0x3CF0];
	v26 =	vadd.f32 v5, v11;
	v27 =	vadd.f32 v6, v14  }
0x15f: {  	v6 =	vld [tilespmem:s21+$0x3D60];
	v29 =	vadd.f32 v7, v10;
	v30 =	vadd.f32 v8, v12  }
0x160: {  	v5 =	vadd.f32 v21, v9;
	v7 =	vadd.f32 v22, v16;
	v8 =	vld [tilespmem:s21+$0x3D70]  }
0x161: {  	v9 =	vadd.f32 v23, v15;
	v10 =	vadd.f32 v28, v13;
	v11 =	vld [tilespmem:s21+$0x3DE0]  }
0x162: {  	v5 =	vadd.f32 v19, v5;
	v7 =	vadd.f32 v20, v7;
	v12 =	vld [tilespmem:s21+$0x3DF0]  }
0x163: {  	v9 =	vadd.f32 v24, v9;
	v10 =	vadd.f32 v25, v10;
	v13 =	vld [tilespmem:s21+$0x3E60]  }
0x164: {  	v14 =	vadd.f32 v17, v5;
	v7 =	vadd.f32 v18, v7;
	v17 =	vld [tilespmem:s21+$0x3E70];
	s21 =	sshra.s32 s22, $0x2  }
0x165: {  	v9 =	vadd.f32 v6, v9;
	v5 =	vld [tilespmem:s21+$0x3E00];
	v8 =	vadd.f32 v8, v10  }
0x166: {  	v4 =	vadd.f32 v4, v14;
	v3 =	vadd.f32 v3, v7;
	v6 =	vld [tilespmem:s21+$0x3E10]  }
0x167: {  	v10 =	vadd.f32 v11, v9;
	v7 =	vld [tilespmem:s21+$0x3E20];
	v11 =	vadd.f32 v12, v8  }
0x168: {  	v9 =	vadd.f32 v1, v4;
	v16 =	vadd.f32 v2, v3;
	v8 =	vld [tilespmem:s21+$0x3E30]  }
0x169: {  	v15 =	vadd.f32 v13, v10;
	v1 =	vld [tilespmem:s21+$0x3E40];
	v13 =	vadd.f32 v17, v11  }
0x16a: {  	v2 =	vld [tilespmem:s21+$0x3E50]  }
0x16b: {  	v11 =	vld [tilespmem:s21+$0x3D80]  }
0x16c: {  	v14 =	vld [tilespmem:s21+$0x3D90]  }
0x16d: {  	v10 =	vld [tilespmem:s21+$0x3DA0]  }
0x16e: {  	v12 =	vld [tilespmem:s21+$0x3DB0]  }
0x16f: {  	v4 =	vld [tilespmem:s21+$0x3DC0]  }
0x170: {  	v3 =	vld [tilespmem:s21+$0x3DD0]  }
0x171: {  	v23 =	vld [tilespmem:s21+$0x3D00]  }
0x172: {  	v25 =	vld [tilespmem:s21+$0x3D10]  }
0x173: {  	v28 =	vld [tilespmem:s21+$0x3D20]  }
0x174: {  	v31 =	vld [tilespmem:s21+$0x3D30]  }
0x175: {  	v20 =	vld [tilespmem:s21+$0x3C80]  }
0x176: {  	v21 =	vld [tilespmem:s21+$0x3C90]  }
0x177: {  	v18 =	vld [tilespmem:s21+$0x3C00]  }
0x178: {  	v19 =	vld [tilespmem:s21+$0x3C10]  }
0x179: {  	v22 =	vld [tilespmem:s21+$0x3C20]  }
0x17a: {  	v24 =	vld [tilespmem:s21+$0x3C30]  }
0x17b: {  	v32 =	vld [tilespmem:s21+$0x3CA0]  }
0x17c: {  	v33 =	vld [tilespmem:s21+$0x3CB0]  }
0x17d: {  	v17 =	vld [tilespmem:s21+$0x3D40]  }
0x17e: {  	v26 =	vadd.f32 v18, v26;
	v27 =	vadd.f32 v19, v27;
	v18 =	vld [tilespmem:s21+$0x3D50]  }
.Ltmp4:
0x17f: {  	v22 =	vadd.f32 v22, v29;
	v24 =	vadd.f32 v24, v30;
	v19 =	vld [tilespmem:s21+$0x3CC0];
	(pc) =	sbr.rel @p1 .LBB2_10-.Ltmp4, $4  }
0x180: {  	v26 =	vadd.f32 v20, v26;
	v27 =	vadd.f32 v21, v27;
	v20 =	vld [tilespmem:s21+$0x3CD0]  }
0x181: {  	v29 =	vadd.f32 v32, v22;
	v21 =	vld [tilespmem:s21+$0x3C40];
	v30 =	vadd.f32 v33, v24  }
0x182: {  	v24 =	vadd.f32 v23, v26;
	v25 =	vadd.f32 v25, v27;
	v22 =	vld [tilespmem:s21+$0x3C50]  }
0x183: {  	s22 =	sadd.s32 $0xA00, s22;
	v26 =	vadd.f32 v28, v29;
	v23 =	vld [tilespmem:s21+$0x3C60];
	v27 =	vadd.f32 v31, v30  }
0x184: {  	v11 =	vadd.f32 v11, v24;
	v14 =	vadd.f32 v14, v25  }
0x185: {  	v46 =	vld [tilespmem:s21+$0x3C70];
	v10 =	vadd.f32 v10, v26;
	v12 =	vadd.f32 v12, v27  }
0x186: {  	v47 =	vld [tilespmem:s21+$0x3CE0];
	v5 =	vadd.f32 v5, v11;
	v6 =	vadd.f32 v6, v14  }
0x187: {  	v48 =	vld [tilespmem:s21+$0x3CF0];
	v9 =	vadd.f32 v21, v9;
	v7 =	vadd.f32 v7, v10  }
0x188: {  	v49 =	vld [tilespmem:s21+$0x3D60];
	v8 =	vadd.f32 v8, v12;
	v50 =	vadd.f32 v22, v16  }
0x189: {  	v51 =	vld [tilespmem:s21+$0x3D70];
	v15 =	vadd.f32 v23, v15;
	v9 =	vadd.f32 v19, v9  }
0x18a: {  	v52 =	vld [tilespmem:s21+$0x3DE0];
	v13 =	vadd.f32 v46, v13;
	v12 =	vadd.f32 v20, v50  }
0x18b: {  	v53 =	vld [tilespmem:s21+$0x3DF0];
	v15 =	vadd.f32 v47, v15;
	v9 =	vadd.f32 v17, v9  }
0x18c: {  	v54 =	vld [tilespmem:s21+$0x3E60];
	v11 =	vadd.f32 v48, v13;
	v12 =	vadd.f32 v18, v12  }
0x18d: {  	v55 =	vld [tilespmem:s21+$0x3E70];
	v5 =	vmul.f32 v5, v0;
	v10 =	vadd.f32 v49, v15;
	v4 =	vadd.f32 v4, v9  }
0x18e: {  	v6 =	vmul.f32 v6, v0;
	v56 =	vadd.f32 v51, v11;
	v3 =	vadd.f32 v3, v12  }
0x18f: {  	v57 =	vmul.f32 v7, v0;
	[tilespmem:$0x7780] =	vst v5;
	v10 =	vadd.f32 v52, v10;
	v1 =	vadd.f32 v1, v4  }
0x190: {  	v59 =	vmul.f32 v8, v0;
	[tilespmem:$0x7790] =	vst v6;
	v58 =	vadd.f32 v53, v56;
	v2 =	vadd.f32 v2, v3  }
0x191: {  	[tilespmem:$0x77A0] =	vst v57;
	v60 =	vadd.f32 v54, v10;
	v1 =	vmul.f32 v1, v0  }
0x192: {  	[tilespmem:$0x77B0] =	vst v59;
	v61 =	vadd.f32 v55, v58;
	v2 =	vmul.f32 v2, v0  }
0x193: {  	[tilespmem:$0x77C0] =	vst v1;
	v62 =	vmul.f32 v60, v0  }
0x194: {  	s20 =	sadd.s32 $0x1, s20;
	[tilespmem:$0x77D0] =	vst v2;
	v63 =	vmul.f32 v61, v0  }
0x195: {  	p1 =	sne.s32 s20, s8;
	[tilespmem:$0x77E0] =	vst v62  }
.Ltmp5:
0x196: {  	[tilespmem:$0x77F0] =	vst v63;
	(pc) =	sbr.rel @p1 .LBB2_1-.Ltmp5, $4  }
0x197: {  	[hbm4b:s7+s3] =	stream.linear.scatter [tilespmem:s19], [sflag:$0x3], $0x2000, $0x38;
	[tilespmem:$0x1B100] =	vst v63  }
0x198: {  	_ =	swait.ge [sflag:s10], $0x2000  }
0x199: {  	[sflag:s10] =	ssyncset.done $0x0  }
0x19a: {  	[sflag:s10] =	ssyncadd.s32 $0xFFFFE000  }
0x19b: {  	_ =	sfence.sel $0x180000  }
0x19c: {  	[bflag:$0x0] =	sbarrier.arrive $0xFFFF  }
0x19d: {  	p0 =	sne.s32 s2, $0x0;
	_ =	strace $0x90000047  }
0x19e: {  	s0 =	sadd.s32 @!p0 $0x100000, s0;
	[bflag:$0x2] =	sbarrier.arrive $0xFFFF  }
0x19f: {  	[sflag:s0] =	ssyncadd.tile.s32 @!p0 $0x1;
	_ =	shalt  }
.Lfunc_end2:
_tile_overlayer_lowered:
.L_overlay_start_2:
0x1a0: {  	(tag) =	ssettag $0x2  }
0x1a1: {  	s0 =	rddreg [dreg:$0x0];
	s2 =	stileid.u32  }
0x1a2: {  	s1 =	rddreg [dreg:$0x1];
	p0 =	sne.s32 s2, $0x0  }
0x1a3: {  	s3 =	rddreg [dreg:$0x2];
	[bflag:$0x3] =	sbarrier.arrive $0xFFFF;
	s2 =	simm.s32 @!p0 $0x1C03  }
0x1a4: {  	[timem:s3], [sflag:s2] =	dma.local @!p0 [hbm:s0], s1  }
0x1a5: {  	s0 =	simm.s32 @!p0 $0x3  }
0x1a6: {  	_ =	swait.ge @!p0 [sflag:s0], s1  }
0x1a7: {  	s1 =	ssub.s32 @!p0 $0x0, s1;
	[sflag:s0] =	ssyncset.done @!p0 $0x0  }
0x1a8: {  	[sflag:s0] =	ssyncadd.s32 @!p0 s1  }
0x1a9: {  	[bflag:$0x3] =	sbarrier.arrive $0xFFFF  }
0x1aa: {  	_ =	shalt  }

// kernel: kernel.9.cloned.1.call-start
scs
__scs_entry_jumppad:
0x0: {  	(pc) =	sbr.rel $0x88, $3  }
0x1: {  	(tag) =	ssettag $0x0;
	lr =	simm.s32 $0x1  }
0x2: {  	[smem:$0x3F9D] =	sst lr;
	_ =	strace $0xD0000000  }
0x3: {  	_ = 	snop  }
0x4: {  	_ = 	snop  }
0x5: {  	_ = 	snop  }
0x6: {  	_ = 	snop  }
0x7: {  	_ = 	snop  }
__scs_overlays_trampoline_lowered:
0x8: {  	[smem:$0x3FAC] =	sst s0  }
0x9: {  	[smem:$0x3FAD] =	sst s1  }
0xa: {  	[smem:$0x3FAE] =	sst s2  }
0xb: {  	[smem:$0x3FAF] =	sst s3  }
0xc: {  	[smem:$0x3FB0] =	sst s4  }
0xd: {  	[smem:$0x3FB1] =	sst s5  }
0xe: {  	[smem:$0x3FB2] =	sst s6  }
0xf: {  	[smem:$0x3FB3] =	sst s7  }
0x10: {  	[smem:$0x3FB4] =	sst s8  }
0x11: {  	[smem:$0x3FB5] =	sst s9;
	s0 =	simm.s32 @!p0 $0x0  }
0x12: {  	s1 =	sld [smem:$0x3F9B];
	s0 =	simm.s32 @p0 $0x1  }
0x13: {  	[smem:$0x3FB6] =	sst s0;
	s0 =	simm.s32 @!p1 $0x0  }
0x14: {  	s2 =	sld [smem:$0x3F9A];
	s0 =	simm.s32 @p1 $0x1  }
0x15: {  	[smem:$0x3FB7] =	sst s0;
	s0 =	simm.s32 @!p2 $0x0  }
0x16: {  	s3 =	sld [smem:$0x3FDB];
	s0 =	simm.s32 @p2 $0x1  }
0x17: {  	s4 =	simm.s32 $0x1BF5;
	[smem:$0x3FB9] =	sst s0  }
0x18: {  	s0 =	sld [smem:$0x3F9C];
	_ =	swait.ge [sflag:s4], $0x0  }
0x19: {  	s7 =	sld [smem:$0x3F9D]  }
0x1a: {  	s8 =	sadd.s32 $0xFFFFE003, lr  }
0x1b: {  	s9 =	sadd.s32 $0xFFFFFEF7, lr;
	s5 =	simm.s32 $0xFFFFFFFF;
	p2 =	slt.u32 s8, $0xFFFFF086  }
0x1c: {  	p1 =	slt.u32 s9, $0xF7A;
	s5 =	simm.s32 @!p2 $0x0  }
0x1d: {  	s5 =	simm.s32 @p1 $0x1;
	p0 =	seq.s32 s7, s2  }
0x1e: {  	s7 =	smul.u32 @!p0 $0xF7A, s2;
	p2 =	seq.s32 @!p0 s5, $0x0  }
0x1f: {  	s9 =	smul.u32 $0xF7A, s1;
	s8 =	simm.s32 @!p0 $0x1BF5;
	p2 =	por !p2, p0  }
0x20: {  	[sflag:s8] =	ssyncset.s32 @!p0 $0xFFFFF086;
	s6 =	sadd.s32 @!p0 s3, s7;
	s7 =	simm.s32 @!p0 $0x108  }
0x21: {  	s3 =	sadd.s32 s3, s9;
	s6 =	sadd.s32 @!p0 $0x88, s6;
	s7 =	simm.s32 @p2 $0x1082  }
0x22: {  	[simem:s7], [sflag:s8] =	dma.local @!p0 [hbm:s6], $0xF7A  }
0x23: {  	s9 =	sor.u32 $0xD0000000, s2;
	s6 =	simm.s32 $0x108;
	_ =	swait.ge @!p0 [sflag:s8], $0x0  }
0x24: {  	s3 =	sadd.s32 $0x88, s3;
	s6 =	simm.s32 @!p1 $0x1082;
	[sflag:s4] =	ssyncset.s32 $0xFFFFF086  }
0x25: {  	[simem:s6], [sflag:s4] =	dma.local [hbm:s3], $0xF7A  }
0x26: {  	[smem:$0x3F9D] =	sst s1;
	(tag) =	ssettag s2;
	_ =	strace s9  }
0x27: {  	s1 =	sld [smem:$0x3FAD]  }
0x28: {  	s2 =	sld [smem:$0x3FAE]  }
0x29: {  	s4 =	sld [smem:$0x3FB0]  }
0x2a: {  	p0 =	seq.s32 s5, $0x0;
	s5 =	sld [smem:$0x3FB1]  }
0x2b: {  	s6 =	sld [smem:$0x3FB2]  }
0x2c: {  	s7 =	sld [smem:$0x3FB3]  }
0x2d: {  	s3 =	simm.s32 $0x108;
	s8 =	sld [smem:$0x3FB4]  }
0x2e: {  	s3 =	simm.s32 @!p0 $0x1082;
	s9 =	sld [smem:$0x3FB5]  }
0x2f: {  	lr =	sadd.s32 s0, s3;
	s0 =	sld [smem:$0x3FAC]  }
0x30: {  	s3 =	sld [smem:$0x3FAF]  }
0x31: {  	[smem:$0x3FB8] =	sst s10  }
0x32: {  	s10 =	sld [smem:$0x3FB6];
	_ =	sdelay $0x3  }
0x33: {  	p0 =	seq.s32 s10, $0x1;
	s10 =	sld [smem:$0x3FB8];
	_ =	sdelay $0x3  }
0x34: {  	[smem:$0x3FB8] =	sst s10  }
0x35: {  	s10 =	sld [smem:$0x3FB7];
	_ =	sdelay $0x3  }
0x36: {  	p1 =	seq.s32 s10, $0x1;
	s10 =	sld [smem:$0x3FB8];
	_ =	sdelay $0x3  }
0x37: {  	[smem:$0x3FB8] =	sst s10  }
0x38: {  	s10 =	sld [smem:$0x3FB9]  }
0x39: {  	_ = 	snop;
	(pc) =	sbr.ind lr, $3  }
0x3a: {  	_ = 	snop  }
0x3b: {  	_ = 	snop  }
0x3c: {  	p2 =	seq.s32 s10, $0x1;
	s10 =	sld [smem:$0x3FB8]  }
0x3d: {  	_ =	shalt  }
0x3e: {  	_ =	shalt  }
0x3f: {  	_ =	shalt  }
0x40: {  	_ =	shalt  }
0x41: {  	_ =	shalt  }
0x42: {  	_ =	shalt  }
0x43: {  	_ =	shalt  }
0x44: {  	_ =	shalt  }
0x45: {  	_ =	shalt  }
0x46: {  	_ =	shalt  }
0x47: {  	_ =	shalt  }
0x48: {  	_ =	shalt  }
0x49: {  	_ =	shalt  }
0x4a: {  	_ =	shalt  }
0x4b: {  	_ =	shalt  }
0x4c: {  	_ =	shalt  }
0x4d: {  	_ =	shalt  }
0x4e: {  	_ =	shalt  }
0x4f: {  	_ =	shalt  }
0x50: {  	_ =	shalt  }
0x51: {  	_ =	shalt  }
0x52: {  	_ =	shalt  }
0x53: {  	_ =	shalt  }
0x54: {  	_ =	shalt  }
0x55: {  	_ =	shalt  }
0x56: {  	_ =	shalt  }
0x57: {  	_ =	shalt  }
0x58: {  	_ =	shalt  }
0x59: {  	_ =	shalt  }
0x5a: {  	_ =	shalt  }
0x5b: {  	_ =	shalt  }
0x5c: {  	_ =	shalt  }
0x5d: {  	_ =	shalt  }
0x5e: {  	_ =	shalt  }
0x5f: {  	_ =	shalt  }
0x60: {  	_ =	shalt  }
0x61: {  	_ =	shalt  }
0x62: {  	_ =	shalt  }
0x63: {  	_ =	shalt  }
0x64: {  	_ =	shalt  }
0x65: {  	_ =	shalt  }
0x66: {  	_ =	shalt  }
0x67: {  	_ =	shalt  }
0x68: {  	_ =	shalt  }
0x69: {  	_ =	shalt  }
0x6a: {  	_ =	shalt  }
0x6b: {  	_ =	shalt  }
0x6c: {  	_ =	shalt  }
0x6d: {  	_ =	shalt  }
0x6e: {  	_ =	shalt  }
0x6f: {  	_ =	shalt  }
0x70: {  	_ =	shalt  }
0x71: {  	_ =	shalt  }
0x72: {  	_ =	shalt  }
0x73: {  	_ =	shalt  }
0x74: {  	_ =	shalt  }
0x75: {  	_ =	shalt  }
0x76: {  	_ =	shalt  }
0x77: {  	_ =	shalt  }
0x78: {  	_ =	shalt  }
0x79: {  	_ =	shalt  }
0x7a: {  	_ =	shalt  }
0x7b: {  	_ =	shalt  }
0x7c: {  	_ =	shalt  }
0x7d: {  	_ =	shalt  }
0x7e: {  	_ =	shalt  }
0x7f: {  	_ =	shalt  }
0x80: {  	_ =	shalt  }
0x81: {  	_ =	shalt  }
0x82: {  	_ =	shalt  }
0x83: {  	_ =	shalt  }
0x84: {  	_ =	shalt  }
0x85: {  	_ =	shalt  }
0x86: {  	_ =	shalt  }
0x87: {  	_ =	shalt  }
.Lfunc_end0:
.L_simem_size_0:
called_computation.1_lowered:
.L_overlay_start_0:
0x88: {  	s2 =	sld [smem:$0x3FD9]  }
0x89: {  	s3 =	sld [smem:$0x3FFE];
	_ =	sdelay $0x1  }
0x8a: {  	s1 =	srdreg.scid  }
0x8b: {  	s0 =	sand.u32 $0x1, s1  }
0x8c: {  	s17 =	sshll.u32 s0, $0xA;
	s2 =	sadd.s32 s3, s2  }
0x8d: {  	s2 =	sadd.s32 s2, s17  }
0x8e: {  	[smem:$0x3FC4] =	sst s2  }
0x8f: {  	_ = 	snop  }
0x90: {  	s18 =	sld [smem:$0x3FC8]  }
0x91: {  	s4 =	sld [smem:$0x3FD0];
	(tm) =	ssettm $0x1  }
0x92: {  	s19 =	sld [smem:$0x3FFB];
	_ =	sdelay $0x3  }
0x93: {  	_ =	strace s19  }
0x94: {  	s2 =	sld [smem:$0x3FFC];
	_ =	sdelay $0x3  }
0x95: {  	_ =	strace s2  }
0x96: {  	s2 =	sld [smem:$0x3FFD];
	_ =	sdelay $0x3  }
0x97: {  	_ =	strace s2  }
0x98: {  	_ =	strace $0x8FFFFFFF  }
0x99: {  	s20 =	sld [smem:$0x3FDB];
	_ =	sdelay $0x1  }
0x9a: {  	s5 =	simm.s32 $_scs_section_size  }
0x9b: {  	s6 =	simm.s32 $_size__tile_overlayer_lowered;
	s7 =	simm.s32 $_tile_overlayer_lowered  }
0x9c: {  	s8 =	simm.s32 $0x1BFF;
	s21 =	sshll.u32 s7, $0x1;
	s5 =	sadd.s32 s5, s20  }
0x9d: {  	s22 =	simm.s32 $0x0;
	s6 =	sshll.u32 s6, $0x1;
	s7 =	sadd.s32 s21, s5  }
0x9e: {  	[timem:s22], [sflag:s8] =	dma.local [hbm:s7], s6  }
0x9f: {  	_ =	swait.ge [sflag:s8], s6  }
0xa0: {  	s6 =	ssub.s32 $0x0, s6;
	[sflag:s8] =	ssyncset.done $0x0  }
0xa1: {  	[sflag:s8] =	ssyncadd.s32 s6;
	_ =	sdelay $0x1  }
0xa2: {  	s23 =	simm.s32 $0x1B8B  }
0xa3: {  	_ =	swait.ge [sflag:s23], $0x1  }
0xa4: {  	[sflag:s23] =	ssyncset.done $0x0  }
0xa5: {  	[sflag:s23] =	ssyncadd.s32 $0xFFFFFFFF  }
0xa6: {  	s6 =	sld [smem:$0x0]  }
0xa7: {  	s7 =	sand.u32 $0xFFFFFFFE, s1  }
0xa8: {  	p0 =	sne.s32 s1, s7  }
0xa9: {  	s7 =	sshll.u32 @p0 s7, $0xE  }
0xaa: {  	s7 =	sadd.s32 @p0 $0x11B8D, s7;
	s8 =	sshll.u32 @p0 s6, $0x11  }
0xab: {  	s7 =	sor.u32 @p0 s8, s7  }
0xac: {  	[sflag:s7] =	ssyncadd.remote.s32 @p0 $0x1;
	_ =	sdelay $0x1  }
0xad: {  	s7 =	simm.s32 @p0 $0x1B8D  }
0xae: {  	_ =	swait.eq @p0 [sflag:s7], $0x1  }
0xaf: {  	[sflag:s7] =	ssyncadd.s32 @p0 $0xFFFFFFFF  }
0xb0: {  	s8 =	sshll.u32 @!p0 s1, $0xE  }
0xb1: {  	s8 =	sor.u32 @!p0 $0x4000, s8;
	s7 =	simm.s32 @!p0 $0x1B8D  }
0xb2: {  	s6 =	sshll.u32 @!p0 s6, $0x11;
	s8 =	sadd.s32 @!p0 $0x11B8D, s8;
	_ =	swait.eq @!p0 [sflag:s7], $0x1  }
0xb3: {  	s6 =	sor.u32 @!p0 s6, s8;
	[sflag:s7] =	ssyncadd.s32 @!p0 $0xFFFFFFFF  }
0xb4: {  	s25 =	simm.s32 $0x1B8E;
	s24 =	sld [smem:$0x3FFE];
	[sflag:s6] =	ssyncadd.remote.s32 @!p0 $0x1  }
0xb5: {  	s26 =	simm.s32 $execute0_lowered;
	[smem:$0x3FD2] =	sst s25  }
0xb6: {  	s7 =	sshll.u32 s26, $0x1;
	_ =	strace $0x80000049;
	[dreg:$0x1] =	wrdreg $0xFFFFFFFF  }
0xb7: {  	s28 =	simm.s32 $_size_execute0_lowered;
	s5 =	sadd.s32 s5, s7;
	[dreg:$0x0] =	wrdreg $0x0  }
0xb8: {  	s7 =	sshll.u32 s28, $0x1;
	[dreg:$0x2] =	wrdreg s5  }
0xb9: {  	[dreg:$0x3] =	wrdreg s7  }
0xba: {  	[dreg:$0x4] =	wrdreg $0xC0  }
0xbb: {  	_ =	task [dreg:s22], $0x5FFFF  }
0xbc: {  	[dreg:$0x1] =	wrdreg $0xFFFFFFFF  }
0xbd: {  	[dreg:$0x0] =	wrdreg $0x60  }
0xbe: {  	[dreg:$0x2] =	wrdreg s4  }
0xbf: {  	[dreg:$0x3] =	wrdreg s18  }
0xc0: {  	[dreg:$0x4] =	wrdreg s24  }
0xc1: {  	[dreg:$0x5] =	wrdreg $0x78000  }
0xc2: {  	[dreg:$0x6] =	wrdreg $0xA  }
0xc3: {  	_ =	task.clear_ibuf [dreg:s22], $0x7FFFF;
	_ =	strace $0x90000049  }
0xc4: {  	s29 =	simm.s32 $0xA;
	_ =	strace $0x8000004B  }
0xc5: {  	_ =	swait.ge [sflag:s29], $0x1  }
0xc6: {  	[sflag:s29] =	ssyncadd.s32 $0xFFFFFFFF  }
0xc7: {  	_ =	strace $0x9000004B  }
0xc8: {  	_ =	sfence  }
0xc9: {  	s30 =	sld [smem:$0x0];
	_ =	sdelay $0x2  }
0xca: {  	s31 =	sshll.u32 s1, $0xD;
	s1 =	sshrl.u32 s1, $0x2  }
0xcb: {  	s4 =	sand.u32 $0x4000, s31;
	s1 =	sadd.s32 s1, s30  }
0xcc: {  	s0 =	sor.u32 s4, s0;
	s1 =	sshll.u32 s1, $0x11  }
0xcd: {  	s0 =	sor.u32 s1, s0  }
0xce: {  	s0 =	sadd.s32 $0x8F2B, s0  }
0xcf: {  	[sflag:s0] =	ssyncadd.remote.s32 $0x1  }
0xd0: {  	_ =	sfence.sel $0xFFFF  }
0xd1: {  	[dreg:$0x0] =	wrdreg $0xFFFFFFFF;
	(pc) =	sbr.abs _section_cstart, $3  }
0xd2: {  	[dreg:$0x1] =	wrdreg $0xFFFFFFFF  }
0xd3: {  	_ =	task.clear_ibuf [dreg:s22], $0x2FFFF;
	_ =	strace $0x9FFFFFFF  }
0xd4: {  	(tm) =	ssettm $0x7FFFFFFF  }
0xd5: {  	_ =	shalt  }
tec
execute0_lowered:
.L_overlay_start_1:
0x0: {  	(tag) =	ssettag $0x1  }
0x1: {  	s6 =	rddreg [dreg:$0x0]  }
0x2: {  	s5 =	rddreg [dreg:$0x1]  }
0x3: {  	s7 =	rddreg [dreg:$0x2]  }
0x4: {  	s1 =	rddreg [dreg:$0x3]  }
0x5: {  	s0 =	rddreg [dreg:$0x4]  }
0x6: {  	s3 =	simm.s32 $0x0;
	s4 =	srdreg.scid;
	s2 =	stileid.u32  }
0x7: {  	s14 =	simm.s32 $0x2000;
	s15 =	simm.s32 $0x80;
	s16 =	simm.s32 $0x3C00  }
0x8: {  	s17 =	simm.s32 $0x1;
	s18 =	simm.s32 $0x2;
	s19 =	simm.s32 $0x5800  }
0x9: {  	s20 =	simm.s32 $0x0;
	[smem:$0x7FF] =	sst s3;
	s8 =	sand.u32 $0x1, s4  }
0xa: {  	s9 =	sshll.u32 s2, $0xB;
	s11 =	smul.u32 $0x7D000, s2;
	s4 =	sadd.s32 $0x9000, s7  }
0xb: {  	s12 =	smul.u32 $0x3E80, s2;
	p0 =	sgt.u32 s2, $0x9;
	s10 =	sshll.u32 s8, $0xA  }
0xc: {  	_ =	strace $0x8000004A;
	s8 =	ssub.s32 $0x2, s8;
	s9 =	sor.u32 s10, s9  }
0xd: {  	s31 =	sshrl.u32 s8, $0x1;
	s11 =	sshrl.u32 s11, $0x2;
	s5 =	sadd.s32 s5, s12  }
0xe: {  	s10 =	simm.s32 $0x3;
	s7 =	sadd.s32 s9, s7;
	s8 =	ssub.s32 s8, s31  }
0xf: {  	s13 =	sadd.s32 s11, s1;
	s6 =	sadd.s32 s6, s9;
	s11 =	sshll.u32 @!p0 s2, $0x6  }
0x10: {  	s9 =	simm.s32 $0x1B080;
	s7 =	sadd.s32 $0x11200, s7;
	s8 =	smax.u32 s8, $0x1  }
0x11: {  	s11 =	sor.u32 @!p0 $0x1C03, s11;
	s12 =	sshrl.u32 @!p0 s13, $0x3;
	s13 =	simm.s32 $0x32  }
.LBB2_1:
0x12: {  	[tilespmem:s9], [sflag:$0x3] =	stream.linear.gather [hbm4b:s4+s3], $0x1, $0x38;
	[tilespmem:$0x1B100] =	vst v63  }
0x13: {  	_ =	swait.ge [sflag:s10], $0x1  }
0x14: {  	[sflag:s10] =	ssyncset.done $0x0  }
0x15: {  	s21 =	simm.s32 @!p0 $0x3;
	[sflag:s10] =	ssyncadd.s32 $0xFFFFFFFF  }
0x16: {  	v0 =	vld [tilespmem:$0x1B080];
	[spmem:s12], [sflag:s11] =	dma.local @!p0 [hbm:s5], $0x3E80  }
0x17: {  	_ =	swait.ge @!p0 [sflag:s21], $0x3E80  }
0x18: {  	[sflag:s21] =	ssyncset.done @!p0 $0x0  }
0x19: {  	[sflag:s21] =	ssyncadd.s32 @!p0 $0xFFFFC180  }
0x1a: {  	[tilespmem:s3], [sflag:$0x3] =	stream.linear.gather [hbm4b:s6+s3], $0x2000, $0x38;
	[tilespmem:$0x1B100] =	vst v63  }
0x1b: {  	_ =	swait.ge [sflag:s10], $0x2000  }
0x1c: {  	[sflag:s10] =	ssyncset.done $0x0  }
0x1d: {  	[sflag:s10] =	ssyncadd.s32 $0xFFFFE000  }
0x1e: {  	[bflag:$0x0] =	sbarrier.arrive $0xFFFF  }
0x1f: {  	[tilespmem:s14], [sflag:$0x1] =	stream.indirect.gather [spmem:s1], $0x80, s3, s13, $0xb8;
	[tilespmem:$0x1B100] =	vst v63  }
0x20: {  	s21 =	simm.s32 $0x0  }
0x21: {  	v0 =	vbroadcast v0, $0x0;
	[tilespmem:s16], [sflag:$0x2] =	stream.indirect.gather [spmem:s1], $0x80, s15, s13, $0xb8;
	[tilespmem:$0x1B100] =	vst v63  }
.LBB2_2:
0x22: {  	_ =	swait.ge [sflag:s17], $0x1900  }
0x23: {  	[sflag:s17] =	ssyncset.done $0x0  }
0x24: {  	s22 =	simm.s32 $0x0;
	[sflag:s17] =	ssyncadd.s32 $0xFFFFE700  }
0x25: {  	v5 =	vld [tilespmem:s22+$0x2200]  }
0x26: {  	v6 =	vld [tilespmem:s22+$0x2210]  }
0x27: {  	v7 =	vld [tilespmem:s22+$0x2220]  }
0x28: {  	v8 =	vld [tilespmem:s22+$0x2230]  }
0x29: {  	v1 =	vld [tilespmem:s22+$0x2240]  }
0x2a: {  	v2 =	vld [tilespmem:s22+$0x2250]  }
0x2b: {  	v11 =	vld [tilespmem:s22+$0x2180]  }
0x2c: {  	v14 =	vld [tilespmem:s22+$0x2190]  }
0x2d: {  	v10 =	vld [tilespmem:s22+$0x21A0]  }
0x2e: {  	v12 =	vld [tilespmem:s22+$0x21B0]  }
0x2f: {  	v4 =	vld [tilespmem:s22+$0x21C0]  }
0x30: {  	v3 =	vld [tilespmem:s22+$0x21D0]  }
0x31: {  	v13 =	vld [tilespmem:s22+$0x2100]  }
0x32: {  	v15 =	vld [tilespmem:s22+$0x2110]  }
0x33: {  	v16 =	vld [tilespmem:s22+$0x2120]  }
0x34: {  	v20 =	vld [tilespmem:s22+$0x2080]  }
0x35: {  	v21 =	vld [tilespmem:s22+$0x2090]  }
0x36: {  	v18 =	vld [tilespmem:s22+$0x2000]  }
0x37: {  	v19 =	vld [tilespmem:s22+$0x2010]  }
0x38: {  	v22 =	vld [tilespmem:s22+$0x2020]  }
0x39: {  	v23 =	vld [tilespmem:s22+$0x2030]  }
0x3a: {  	v24 =	vld [tilespmem:s22+$0x20A0]  }
0x3b: {  	v25 =	vld [tilespmem:s22+$0x20B0]  }
0x3c: {  	v9 =	vimm.f32 $0.0e+00;
	v27 =	vld [tilespmem:s22+$0x2130]  }
0x3d: {  	v17 =	vld [tilespmem:s22+$0x2140];
	v26 =	vadd.f32 v18, v9;
	v28 =	vadd.f32 v19, v9  }
0x3e: {  	v18 =	vld [tilespmem:s22+$0x2150];
	v22 =	vadd.f32 v22, v9;
	v23 =	vadd.f32 v23, v9  }
0x3f: {  	v19 =	vld [tilespmem:s22+$0x20C0];
	v26 =	vadd.f32 v20, v26;
	v28 =	vadd.f32 v21, v28  }
0x40: {  	v20 =	vld [tilespmem:s22+$0x20D0];
	v29 =	vadd.f32 v24, v22;
	v23 =	vadd.f32 v25, v23  }
0x41: {  	v21 =	vld [tilespmem:s22+$0x2040];
	v24 =	vadd.f32 v13, v26;
	v25 =	vadd.f32 v15, v28  }
0x42: {  	v22 =	vld [tilespmem:s22+$0x2050];
	v26 =	vadd.f32 v16, v29;
	v27 =	vadd.f32 v27, v23  }
0x43: {  	s23 =	simm.s32 $0xA00;
	v23 =	vld [tilespmem:s22+$0x2060];
	v16 =	vimm.f32 $0.0e+00;
	v15 =	vimm.f32 $0.0e+00;
	v13 =	vimm.f32 $0.0e+00  }
.LBB2_3:
0x44: {  	p1 =	sne.s32 s23, $0x5A00;
	v28 =	vld [tilespmem:s22+$0x2070];
	v11 =	vadd.f32 v11, v24;
	v14 =	vadd.f32 v14, v25  }
0x45: {  	v24 =	vld [tilespmem:s22+$0x20E0];
	v10 =	vadd.f32 v10, v26;
	v12 =	vadd.f32 v12, v27  }
0x46: {  	v25 =	vld [tilespmem:s22+$0x20F0];
	v26 =	vadd.f32 v5, v11;
	v27 =	vadd.f32 v6, v14  }
0x47: {  	v6 =	vld [tilespmem:s22+$0x2160];
	v29 =	vadd.f32 v7, v10;
	v30 =	vadd.f32 v8, v12  }
0x48: {  	v5 =	vadd.f32 v21, v9;
	v7 =	vadd.f32 v22, v16;
	v8 =	vld [tilespmem:s22+$0x2170]  }
0x49: {  	v9 =	vadd.f32 v23, v15;
	v10 =	vadd.f32 v28, v13;
	v11 =	vld [tilespmem:s22+$0x21E0]  }
0x4a: {  	v5 =	vadd.f32 v19, v5;
	v7 =	vadd.f32 v20, v7;
	v12 =	vld [tilespmem:s22+$0x21F0]  }
0x4b: {  	v9 =	vadd.f32 v24, v9;
	v10 =	vadd.f32 v25, v10;
	v13 =	vld [tilespmem:s22+$0x2260]  }
0x4c: {  	v14 =	vadd.f32 v17, v5;
	v7 =	vadd.f32 v18, v7;
	v17 =	vld [tilespmem:s22+$0x2270];
	s22 =	sshra.s32 s23, $0x2  }
0x4d: {  	v9 =	vadd.f32 v6, v9;
	v5 =	vld [tilespmem:s22+$0x2200];
	v8 =	vadd.f32 v8, v10  }
0x4e: {  	v4 =	vadd.f32 v4, v14;
	v3 =	vadd.f32 v3, v7;
	v6 =	vld [tilespmem:s22+$0x2210]  }
0x4f: {  	v10 =	vadd.f32 v11, v9;
	v7 =	vld [tilespmem:s22+$0x2220];
	v11 =	vadd.f32 v12, v8  }
0x50: {  	v9 =	vadd.f32 v1, v4;
	v16 =	vadd.f32 v2, v3;
	v8 =	vld [tilespmem:s22+$0x2230]  }
0x51: {  	v15 =	vadd.f32 v13, v10;
	v1 =	vld [tilespmem:s22+$0x2240];
	v13 =	vadd.f32 v17, v11  }
0x52: {  	v2 =	vld [tilespmem:s22+$0x2250]  }
0x53: {  	v11 =	vld [tilespmem:s22+$0x2180]  }
0x54: {  	v14 =	vld [tilespmem:s22+$0x2190]  }
0x55: {  	v10 =	vld [tilespmem:s22+$0x21A0]  }
0x56: {  	v12 =	vld [tilespmem:s22+$0x21B0]  }
0x57: {  	v4 =	vld [tilespmem:s22+$0x21C0]  }
0x58: {  	v3 =	vld [tilespmem:s22+$0x21D0]  }
0x59: {  	v23 =	vld [tilespmem:s22+$0x2100]  }
0x5a: {  	v25 =	vld [tilespmem:s22+$0x2110]  }
0x5b: {  	v28 =	vld [tilespmem:s22+$0x2120]  }
0x5c: {  	v31 =	vld [tilespmem:s22+$0x2130]  }
0x5d: {  	v20 =	vld [tilespmem:s22+$0x2080]  }
0x5e: {  	v21 =	vld [tilespmem:s22+$0x2090]  }
0x5f: {  	v18 =	vld [tilespmem:s22+$0x2000]  }
0x60: {  	v19 =	vld [tilespmem:s22+$0x2010]  }
0x61: {  	v22 =	vld [tilespmem:s22+$0x2020]  }
0x62: {  	v24 =	vld [tilespmem:s22+$0x2030]  }
0x63: {  	v32 =	vld [tilespmem:s22+$0x20A0]  }
0x64: {  	v33 =	vld [tilespmem:s22+$0x20B0]  }
0x65: {  	v17 =	vld [tilespmem:s22+$0x2140]  }
0x66: {  	v26 =	vadd.f32 v18, v26;
	v27 =	vadd.f32 v19, v27;
	v18 =	vld [tilespmem:s22+$0x2150]  }
.Ltmp0:
0x67: {  	v22 =	vadd.f32 v22, v29;
	v24 =	vadd.f32 v24, v30;
	v19 =	vld [tilespmem:s22+$0x20C0];
	(pc) =	sbr.rel @p1 .LBB2_3-.Ltmp0, $4  }
0x68: {  	v26 =	vadd.f32 v20, v26;
	v27 =	vadd.f32 v21, v27;
	v20 =	vld [tilespmem:s22+$0x20D0]  }
0x69: {  	v29 =	vadd.f32 v32, v22;
	v21 =	vld [tilespmem:s22+$0x2040];
	v30 =	vadd.f32 v33, v24  }
0x6a: {  	v24 =	vadd.f32 v23, v26;
	v25 =	vadd.f32 v25, v27;
	v22 =	vld [tilespmem:s22+$0x2050]  }
0x6b: {  	s23 =	sadd.s32 $0xA00, s23;
	v26 =	vadd.f32 v28, v29;
	v23 =	vld [tilespmem:s22+$0x2060];
	v27 =	vadd.f32 v31, v30  }
0x6c: {  	v11 =	vadd.f32 v11, v24;
	v14 =	vadd.f32 v14, v25  }
0x6d: {  	v24 =	vld [tilespmem:s22+$0x2070];
	v10 =	vadd.f32 v10, v26;
	v12 =	vadd.f32 v12, v27  }
0x6e: {  	v25 =	vld [tilespmem:s22+$0x20E0];
	v5 =	vadd.f32 v5, v11;
	v6 =	vadd.f32 v6, v14  }
0x6f: {  	v11 =	vld [tilespmem:s22+$0x20F0];
	v9 =	vadd.f32 v21, v9;
	v7 =	vadd.f32 v7, v10  }
0x70: {  	v10 =	vld [tilespmem:s22+$0x2160];
	v8 =	vadd.f32 v8, v12;
	v12 =	vadd.f32 v22, v16  }
0x71: {  	v14 =	vld [tilespmem:s22+$0x2170];
	v15 =	vadd.f32 v23, v15;
	v9 =	vadd.f32 v19, v9  }
0x72: {  	v16 =	vld [tilespmem:s22+$0x21E0];
	v13 =	vadd.f32 v24, v13;
	v12 =	vadd.f32 v20, v12  }
0x73: {  	v19 =	vld [tilespmem:s22+$0x21F0];
	v15 =	vadd.f32 v25, v15;
	v9 =	vadd.f32 v17, v9  }
0x74: {  	v11 =	vadd.f32 v11, v13;
	v13 =	vld [tilespmem:s22+$0x2260];
	v12 =	vadd.f32 v18, v12  }
0x75: {  	s31 =	sshll.u32 s21, $0x8;
	v5 =	vmul.f32 v5, v0;
	v17 =	vld [tilespmem:s22+$0x2270];
	v10 =	vadd.f32 v10, v15;
	v4 =	vadd.f32 v4, v9  }
0x76: {  	v6 =	vmul.f32 v6, v0;
	s22 =	sand.u32 $0x3FFFFF00, s31;
	v9 =	vadd.f32 v14, v11;
	v3 =	vadd.f32 v3, v12  }
0x77: {  	[tilespmem:s22+$0x5800] =	vst v5;
	v10 =	vadd.f32 v16, v10;
	v1 =	vadd.f32 v1, v4;
	v4 =	vmul.f32 v7, v0  }
0x78: {  	[tilespmem:s22+$0x5810] =	vst v6;
	v5 =	vadd.f32 v19, v9;
	v2 =	vadd.f32 v2, v3;
	v3 =	vmul.f32 v8, v0  }
0x79: {  	v6 =	vadd.f32 v13, v10;
	[tilespmem:s22+$0x5820] =	vst v4;
	v1 =	vmul.f32 v1, v0  }
0x7a: {  	v4 =	vadd.f32 v17, v5;
	[tilespmem:s22+$0x5830] =	vst v3;
	v2 =	vmul.f32 v2, v0  }
0x7b: {  	[tilespmem:s22+$0x5840] =	vst v1;
	v1 =	vmul.f32 v6, v0  }
0x7c: {  	[tilespmem:s22+$0x5850] =	vst v2;
	v2 =	vmul.f32 v4, v0  }
0x7d: {  	[tilespmem:s22+$0x5860] =	vst v1  }
0x7e: {  	s23 =	sadd.s32 $0x100, s22;
	[tilespmem:s22+$0x5870] =	vst v2  }
0x7f: {  	[tilespmem:s14], [sflag:$0x1] =	stream.indirect.gather [spmem:s1], $0x80, s23, s13, $0xb8;
	[tilespmem:$0x1B100] =	vst v63  }
0x80: {  	_ =	swait.ge [sflag:s18], $0x1900  }
0x81: {  	[sflag:s18] =	ssyncset.done $0x0  }
0x82: {  	s23 =	simm.s32 $0x0;
	[sflag:s18] =	ssyncadd.s32 $0xFFFFE700  }
0x83: {  	v5 =	vld [tilespmem:s23+$0x3E00]  }
0x84: {  	v6 =	vld [tilespmem:s23+$0x3E10]  }
0x85: {  	v7 =	vld [tilespmem:s23+$0x3E20]  }
0x86: {  	v8 =	vld [tilespmem:s23+$0x3E30]  }
0x87: {  	v1 =	vld [tilespmem:s23+$0x3E40]  }
0x88: {  	v2 =	vld [tilespmem:s23+$0x3E50]  }
0x89: {  	v11 =	vld [tilespmem:s23+$0x3D80]  }
0x8a: {  	v14 =	vld [tilespmem:s23+$0x3D90]  }
0x8b: {  	v10 =	vld [tilespmem:s23+$0x3DA0]  }
0x8c: {  	v12 =	vld [tilespmem:s23+$0x3DB0]  }
0x8d: {  	v4 =	vld [tilespmem:s23+$0x3DC0]  }
0x8e: {  	v3 =	vld [tilespmem:s23+$0x3DD0]  }
0x8f: {  	v13 =	vld [tilespmem:s23+$0x3D00]  }
0x90: {  	v15 =	vld [tilespmem:s23+$0x3D10]  }
0x91: {  	v16 =	vld [tilespmem:s23+$0x3D20]  }
0x92: {  	v20 =	vld [tilespmem:s23+$0x3C80]  }
0x93: {  	v21 =	vld [tilespmem:s23+$0x3C90]  }
0x94: {  	v18 =	vld [tilespmem:s23+$0x3C00]  }
0x95: {  	v19 =	vld [tilespmem:s23+$0x3C10]  }
0x96: {  	v22 =	vld [tilespmem:s23+$0x3C20]  }
0x97: {  	v23 =	vld [tilespmem:s23+$0x3C30]  }
0x98: {  	v24 =	vld [tilespmem:s23+$0x3CA0]  }
0x99: {  	v25 =	vld [tilespmem:s23+$0x3CB0]  }
0x9a: {  	v9 =	vimm.f32 $0.0e+00;
	v27 =	vld [tilespmem:s23+$0x3D30]  }
0x9b: {  	v17 =	vld [tilespmem:s23+$0x3D40];
	v26 =	vadd.f32 v18, v9;
	v28 =	vadd.f32 v19, v9  }
0x9c: {  	v18 =	vld [tilespmem:s23+$0x3D50];
	v22 =	vadd.f32 v22, v9;
	v23 =	vadd.f32 v23, v9  }
0x9d: {  	v19 =	vld [tilespmem:s23+$0x3CC0];
	v26 =	vadd.f32 v20, v26;
	v28 =	vadd.f32 v21, v28  }
0x9e: {  	v20 =	vld [tilespmem:s23+$0x3CD0];
	v29 =	vadd.f32 v24, v22;
	v23 =	vadd.f32 v25, v23  }
0x9f: {  	v21 =	vld [tilespmem:s23+$0x3C40];
	v24 =	vadd.f32 v13, v26;
	v25 =	vadd.f32 v15, v28  }
0xa0: {  	v22 =	vld [tilespmem:s23+$0x3C50];
	v26 =	vadd.f32 v16, v29;
	v27 =	vadd.f32 v27, v23  }
0xa1: {  	s24 =	simm.s32 $0xA00;
	v23 =	vld [tilespmem:s23+$0x3C60];
	v16 =	vimm.f32 $0.0e+00;
	v15 =	vimm.f32 $0.0e+00;
	v13 =	vimm.f32 $0.0e+00  }
.LBB2_5:
0xa2: {  	p1 =	sne.s32 s24, $0x5A00;
	v28 =	vld [tilespmem:s23+$0x3C70];
	v11 =	vadd.f32 v11, v24;
	v14 =	vadd.f32 v14, v25  }
0xa3: {  	v24 =	vld [tilespmem:s23+$0x3CE0];
	v10 =	vadd.f32 v10, v26;
	v12 =	vadd.f32 v12, v27  }
0xa4: {  	v25 =	vld [tilespmem:s23+$0x3CF0];
	v26 =	vadd.f32 v5, v11;
	v27 =	vadd.f32 v6, v14  }
0xa5: {  	v6 =	vld [tilespmem:s23+$0x3D60];
	v29 =	vadd.f32 v7, v10;
	v30 =	vadd.f32 v8, v12  }
0xa6: {  	v5 =	vadd.f32 v21, v9;
	v7 =	vadd.f32 v22, v16;
	v8 =	vld [tilespmem:s23+$0x3D70]  }
0xa7: {  	v9 =	vadd.f32 v23, v15;
	v10 =	vadd.f32 v28, v13;
	v11 =	vld [tilespmem:s23+$0x3DE0]  }
0xa8: {  	v5 =	vadd.f32 v19, v5;
	v7 =	vadd.f32 v20, v7;
	v12 =	vld [tilespmem:s23+$0x3DF0]  }
0xa9: {  	v9 =	vadd.f32 v24, v9;
	v10 =	vadd.f32 v25, v10;
	v13 =	vld [tilespmem:s23+$0x3E60]  }
0xaa: {  	v14 =	vadd.f32 v17, v5;
	v7 =	vadd.f32 v18, v7;
	v17 =	vld [tilespmem:s23+$0x3E70];
	s23 =	sshra.s32 s24, $0x2  }
0xab: {  	v9 =	vadd.f32 v6, v9;
	v5 =	vld [tilespmem:s23+$0x3E00];
	v8 =	vadd.f32 v8, v10  }
0xac: {  	v4 =	vadd.f32 v4, v14;
	v3 =	vadd.f32 v3, v7;
	v6 =	vld [tilespmem:s23+$0x3E10]  }
0xad: {  	v10 =	vadd.f32 v11, v9;
	v7 =	vld [tilespmem:s23+$0x3E20];
	v11 =	vadd.f32 v12, v8  }
0xae: {  	v9 =	vadd.f32 v1, v4;
	v16 =	vadd.f32 v2, v3;
	v8 =	vld [tilespmem:s23+$0x3E30]  }
0xaf: {  	v15 =	vadd.f32 v13, v10;
	v1 =	vld [tilespmem:s23+$0x3E40];
	v13 =	vadd.f32 v17, v11  }
0xb0: {  	v2 =	vld [tilespmem:s23+$0x3E50]  }
0xb1: {  	v11 =	vld [tilespmem:s23+$0x3D80]  }
0xb2: {  	v14 =	vld [tilespmem:s23+$0x3D90]  }
0xb3: {  	v10 =	vld [tilespmem:s23+$0x3DA0]  }
0xb4: {  	v12 =	vld [tilespmem:s23+$0x3DB0]  }
0xb5: {  	v4 =	vld [tilespmem:s23+$0x3DC0]  }
0xb6: {  	v3 =	vld [tilespmem:s23+$0x3DD0]  }
0xb7: {  	v23 =	vld [tilespmem:s23+$0x3D00]  }
0xb8: {  	v25 =	vld [tilespmem:s23+$0x3D10]  }
0xb9: {  	v28 =	vld [tilespmem:s23+$0x3D20]  }
0xba: {  	v31 =	vld [tilespmem:s23+$0x3D30]  }
0xbb: {  	v20 =	vld [tilespmem:s23+$0x3C80]  }
0xbc: {  	v21 =	vld [tilespmem:s23+$0x3C90]  }
0xbd: {  	v18 =	vld [tilespmem:s23+$0x3C00]  }
0xbe: {  	v19 =	vld [tilespmem:s23+$0x3C10]  }
0xbf: {  	v22 =	vld [tilespmem:s23+$0x3C20]  }
0xc0: {  	v24 =	vld [tilespmem:s23+$0x3C30]  }
0xc1: {  	v32 =	vld [tilespmem:s23+$0x3CA0]  }
0xc2: {  	v33 =	vld [tilespmem:s23+$0x3CB0]  }
0xc3: {  	v17 =	vld [tilespmem:s23+$0x3D40]  }
0xc4: {  	v26 =	vadd.f32 v18, v26;
	v27 =	vadd.f32 v19, v27;
	v18 =	vld [tilespmem:s23+$0x3D50]  }
.Ltmp1:
0xc5: {  	v22 =	vadd.f32 v22, v29;
	v24 =	vadd.f32 v24, v30;
	v19 =	vld [tilespmem:s23+$0x3CC0];
	(pc) =	sbr.rel @p1 .LBB2_5-.Ltmp1, $4  }
0xc6: {  	v26 =	vadd.f32 v20, v26;
	v27 =	vadd.f32 v21, v27;
	v20 =	vld [tilespmem:s23+$0x3CD0]  }
0xc7: {  	v29 =	vadd.f32 v32, v22;
	v21 =	vld [tilespmem:s23+$0x3C40];
	v30 =	vadd.f32 v33, v24  }
0xc8: {  	v24 =	vadd.f32 v23, v26;
	v25 =	vadd.f32 v25, v27;
	v22 =	vld [tilespmem:s23+$0x3C50]  }
0xc9: {  	s24 =	sadd.s32 $0xA00, s24;
	v26 =	vadd.f32 v28, v29;
	v23 =	vld [tilespmem:s23+$0x3C60];
	v27 =	vadd.f32 v31, v30  }
0xca: {  	v11 =	vadd.f32 v11, v24;
	v14 =	vadd.f32 v14, v25  }
0xcb: {  	v49 =	vld [tilespmem:s23+$0x3C70];
	v10 =	vadd.f32 v10, v26;
	v12 =	vadd.f32 v12, v27  }
0xcc: {  	v50 =	vld [tilespmem:s23+$0x3CE0];
	v5 =	vadd.f32 v5, v11;
	v6 =	vadd.f32 v6, v14  }
0xcd: {  	v51 =	vld [tilespmem:s23+$0x3CF0];
	v9 =	vadd.f32 v21, v9;
	v7 =	vadd.f32 v7, v10  }
0xce: {  	v52 =	vld [tilespmem:s23+$0x3D60];
	v8 =	vadd.f32 v8, v12;
	v53 =	vadd.f32 v22, v16  }
0xcf: {  	v54 =	vld [tilespmem:s23+$0x3D70];
	v15 =	vadd.f32 v23, v15;
	v9 =	vadd.f32 v19, v9  }
0xd0: {  	v55 =	vld [tilespmem:s23+$0x3DE0];
	v13 =	vadd.f32 v49, v13;
	v12 =	vadd.f32 v20, v53  }
0xd1: {  	v56 =	vld [tilespmem:s23+$0x3DF0];
	v15 =	vadd.f32 v50, v15;
	v9 =	vadd.f32 v17, v9  }
0xd2: {  	v57 =	vld [tilespmem:s23+$0x3E60];
	v11 =	vadd.f32 v51, v13;
	v12 =	vadd.f32 v18, v12  }
0xd3: {  	v58 =	vld [tilespmem:s23+$0x3E70];
	v5 =	vmul.f32 v5, v0;
	v10 =	vadd.f32 v52, v15;
	v4 =	vadd.f32 v4, v9  }
0xd4: {  	v6 =	vmul.f32 v6, v0;
	v59 =	vadd.f32 v54, v11;
	v3 =	vadd.f32 v3, v12  }
0xd5: {  	v60 =	vmul.f32 v7, v0;
	[tilespmem:s22+$0x5880] =	vst v5;
	v10 =	vadd.f32 v55, v10;
	v1 =	vadd.f32 v1, v4  }
0xd6: {  	[tilespmem:s22+$0x5890] =	vst v6;
	v61 =	vadd.f32 v56, v59;
	v2 =	vadd.f32 v2, v3;
	v3 =	vmul.f32 v8, v0  }
0xd7: {  	s21 =	sadd.s32 $0x1, s21;
	[tilespmem:s22+$0x58A0] =	vst v60;
	v62 =	vadd.f32 v57, v10;
	v1 =	vmul.f32 v1, v0  }
0xd8: {  	p1 =	sne.s32 s21, $0x1F;
	v63 =	vadd.f32 v58, v61;
	[tilespmem:s22+$0x58B0] =	vst v3;
	v2 =	vmul.f32 v2, v0  }
.Ltmp2:
0xd9: {  	[tilespmem:s22+$0x58C0] =	vst v1;
	v1 =	vmul.f32 v62, v0;
	(pc) =	sbr.rel @p1 .LBB2_2-.Ltmp2, $4  }
0xda: {  	[tilespmem:s22+$0x58D0] =	vst v2;
	v2 =	vmul.f32 v63, v0  }
0xdb: {  	[tilespmem:s22+$0x58E0] =	vst v1  }
0xdc: {  	s31 =	sadd.s32 $0x180, s22;
	[tilespmem:s22+$0x58F0] =	vst v2  }
0xdd: {  	[tilespmem:s16], [sflag:$0x2] =	stream.indirect.gather [spmem:s1], $0x80, s31, s13, $0xb8;
	[tilespmem:$0x1B100] =	vst v63  }
0xde: {  	_ =	swait.ge [sflag:s17], $0x1900  }
0xdf: {  	[sflag:s17] =	ssyncset.done $0x0  }
0xe0: {  	s21 =	simm.s32 $0x0;
	[sflag:s17] =	ssyncadd.s32 $0xFFFFE700  }
0xe1: {  	v5 =	vld [tilespmem:s21+$0x2200]  }
0xe2: {  	v6 =	vld [tilespmem:s21+$0x2210]  }
0xe3: {  	v7 =	vld [tilespmem:s21+$0x2220]  }
0xe4: {  	v8 =	vld [tilespmem:s21+$0x2230]  }
0xe5: {  	v1 =	vld [tilespmem:s21+$0x2240]  }
0xe6: {  	v2 =	vld [tilespmem:s21+$0x2250]  }
0xe7: {  	v11 =	vld [tilespmem:s21+$0x2180]  }
0xe8: {  	v14 =	vld [tilespmem:s21+$0x2190]  }
0xe9: {  	v10 =	vld [tilespmem:s21+$0x21A0]  }
0xea: {  	v12 =	vld [tilespmem:s21+$0x21B0]  }
0xeb: {  	v4 =	vld [tilespmem:s21+$0x21C0]  }
0xec: {  	v3 =	vld [tilespmem:s21+$0x21D0]  }
0xed: {  	v13 =	vld [tilespmem:s21+$0x2100]  }
0xee: {  	v15 =	vld [tilespmem:s21+$0x2110]  }
0xef: {  	v16 =	vld [tilespmem:s21+$0x2120]  }
0xf0: {  	v20 =	vld [tilespmem:s21+$0x2080]  }
0xf1: {  	v21 =	vld [tilespmem:s21+$0x2090]  }
0xf2: {  	v18 =	vld [tilespmem:s21+$0x2000]  }
0xf3: {  	v19 =	vld [tilespmem:s21+$0x2010]  }
0xf4: {  	v22 =	vld [tilespmem:s21+$0x2020]  }
0xf5: {  	v23 =	vld [tilespmem:s21+$0x2030]  }
0xf6: {  	v24 =	vld [tilespmem:s21+$0x20A0]  }
0xf7: {  	v25 =	vld [tilespmem:s21+$0x20B0]  }
0xf8: {  	v9 =	vimm.f32 $0.0e+00;
	v27 =	vld [tilespmem:s21+$0x2130]  }
0xf9: {  	v17 =	vld [tilespmem:s21+$0x2140];
	v26 =	vadd.f32 v18, v9;
	v28 =	vadd.f32 v19, v9  }
0xfa: {  	v18 =	vld [tilespmem:s21+$0x2150];
	v22 =	vadd.f32 v22, v9;
	v23 =	vadd.f32 v23, v9  }
0xfb: {  	v19 =	vld [tilespmem:s21+$0x20C0];
	v26 =	vadd.f32 v20, v26;
	v28 =	vadd.f32 v21, v28  }
0xfc: {  	v20 =	vld [tilespmem:s21+$0x20D0];
	v29 =	vadd.f32 v24, v22;
	v23 =	vadd.f32 v25, v23  }
0xfd: {  	v21 =	vld [tilespmem:s21+$0x2040];
	v24 =	vadd.f32 v13, v26;
	v25 =	vadd.f32 v15, v28  }
0xfe: {  	v22 =	vld [tilespmem:s21+$0x2050];
	v26 =	vadd.f32 v16, v29;
	v27 =	vadd.f32 v27, v23  }
0xff: {  	s22 =	simm.s32 $0xA00;
	v23 =	vld [tilespmem:s21+$0x2060];
	v16 =	vimm.f32 $0.0e+00;
	v15 =	vimm.f32 $0.0e+00;
	v13 =	vimm.f32 $0.0e+00  }
.LBB2_8:
0x100: {  	p1 =	sne.s32 s22, $0x5A00;
	v28 =	vld [tilespmem:s21+$0x2070];
	v11 =	vadd.f32 v11, v24;
	v14 =	vadd.f32 v14, v25  }
0x101: {  	v24 =	vld [tilespmem:s21+$0x20E0];
	v10 =	vadd.f32 v10, v26;
	v12 =	vadd.f32 v12, v27  }
0x102: {  	v25 =	vld [tilespmem:s21+$0x20F0];
	v26 =	vadd.f32 v5, v11;
	v27 =	vadd.f32 v6, v14  }
0x103: {  	v6 =	vld [tilespmem:s21+$0x2160];
	v29 =	vadd.f32 v7, v10;
	v30 =	vadd.f32 v8, v12  }
0x104: {  	v5 =	vadd.f32 v21, v9;
	v7 =	vadd.f32 v22, v16;
	v8 =	vld [tilespmem:s21+$0x2170]  }
0x105: {  	v9 =	vadd.f32 v23, v15;
	v10 =	vadd.f32 v28, v13;
	v11 =	vld [tilespmem:s21+$0x21E0]  }
0x106: {  	v5 =	vadd.f32 v19, v5;
	v7 =	vadd.f32 v20, v7;
	v12 =	vld [tilespmem:s21+$0x21F0]  }
0x107: {  	v9 =	vadd.f32 v24, v9;
	v10 =	vadd.f32 v25, v10;
	v13 =	vld [tilespmem:s21+$0x2260]  }
0x108: {  	v14 =	vadd.f32 v17, v5;
	v7 =	vadd.f32 v18, v7;
	v17 =	vld [tilespmem:s21+$0x2270];
	s21 =	sshra.s32 s22, $0x2  }
0x109: {  	v9 =	vadd.f32 v6, v9;
	v5 =	vld [tilespmem:s21+$0x2200];
	v8 =	vadd.f32 v8, v10  }
0x10a: {  	v4 =	vadd.f32 v4, v14;
	v3 =	vadd.f32 v3, v7;
	v6 =	vld [tilespmem:s21+$0x2210]  }
0x10b: {  	v10 =	vadd.f32 v11, v9;
	v7 =	vld [tilespmem:s21+$0x2220];
	v11 =	vadd.f32 v12, v8  }
0x10c: {  	v9 =	vadd.f32 v1, v4;
	v16 =	vadd.f32 v2, v3;
	v8 =	vld [tilespmem:s21+$0x2230]  }
0x10d: {  	v15 =	vadd.f32 v13, v10;
	v1 =	vld [tilespmem:s21+$0x2240];
	v13 =	vadd.f32 v17, v11  }
0x10e: {  	v2 =	vld [tilespmem:s21+$0x2250]  }
0x10f: {  	v11 =	vld [tilespmem:s21+$0x2180]  }
0x110: {  	v14 =	vld [tilespmem:s21+$0x2190]  }
0x111: {  	v10 =	vld [tilespmem:s21+$0x21A0]  }
0x112: {  	v12 =	vld [tilespmem:s21+$0x21B0]  }
0x113: {  	v4 =	vld [tilespmem:s21+$0x21C0]  }
0x114: {  	v3 =	vld [tilespmem:s21+$0x21D0]  }
0x115: {  	v23 =	vld [tilespmem:s21+$0x2100]  }
0x116: {  	v25 =	vld [tilespmem:s21+$0x2110]  }
0x117: {  	v28 =	vld [tilespmem:s21+$0x2120]  }
0x118: {  	v31 =	vld [tilespmem:s21+$0x2130]  }
0x119: {  	v20 =	vld [tilespmem:s21+$0x2080]  }
0x11a: {  	v21 =	vld [tilespmem:s21+$0x2090]  }
0x11b: {  	v18 =	vld [tilespmem:s21+$0x2000]  }
0x11c: {  	v19 =	vld [tilespmem:s21+$0x2010]  }
0x11d: {  	v22 =	vld [tilespmem:s21+$0x2020]  }
0x11e: {  	v24 =	vld [tilespmem:s21+$0x2030]  }
0x11f: {  	v32 =	vld [tilespmem:s21+$0x20A0]  }
0x120: {  	v33 =	vld [tilespmem:s21+$0x20B0]  }
0x121: {  	v17 =	vld [tilespmem:s21+$0x2140]  }
0x122: {  	v26 =	vadd.f32 v18, v26;
	v27 =	vadd.f32 v19, v27;
	v18 =	vld [tilespmem:s21+$0x2150]  }
.Ltmp3:
0x123: {  	v22 =	vadd.f32 v22, v29;
	v24 =	vadd.f32 v24, v30;
	v19 =	vld [tilespmem:s21+$0x20C0];
	(pc) =	sbr.rel @p1 .LBB2_8-.Ltmp3, $4  }
0x124: {  	v26 =	vadd.f32 v20, v26;
	v27 =	vadd.f32 v21, v27;
	v20 =	vld [tilespmem:s21+$0x20D0]  }
0x125: {  	v29 =	vadd.f32 v32, v22;
	v21 =	vld [tilespmem:s21+$0x2040];
	v30 =	vadd.f32 v33, v24  }
0x126: {  	v24 =	vadd.f32 v23, v26;
	v25 =	vadd.f32 v25, v27;
	v22 =	vld [tilespmem:s21+$0x2050]  }
0x127: {  	s22 =	sadd.s32 $0xA00, s22;
	v26 =	vadd.f32 v28, v29;
	v23 =	vld [tilespmem:s21+$0x2060];
	v27 =	vadd.f32 v31, v30  }
0x128: {  	v11 =	vadd.f32 v11, v24;
	v14 =	vadd.f32 v14, v25  }
0x129: {  	v24 =	vld [tilespmem:s21+$0x2070];
	v10 =	vadd.f32 v10, v26;
	v12 =	vadd.f32 v12, v27  }
0x12a: {  	v25 =	vld [tilespmem:s21+$0x20E0];
	v5 =	vadd.f32 v5, v11;
	v6 =	vadd.f32 v6, v14  }
0x12b: {  	v11 =	vld [tilespmem:s21+$0x20F0];
	v9 =	vadd.f32 v21, v9;
	v7 =	vadd.f32 v7, v10  }
0x12c: {  	v10 =	vld [tilespmem:s21+$0x2160];
	v8 =	vadd.f32 v8, v12;
	v12 =	vadd.f32 v22, v16  }
0x12d: {  	v14 =	vld [tilespmem:s21+$0x2170];
	v15 =	vadd.f32 v23, v15;
	v9 =	vadd.f32 v19, v9  }
0x12e: {  	v16 =	vld [tilespmem:s21+$0x21E0];
	v13 =	vadd.f32 v24, v13;
	v12 =	vadd.f32 v20, v12  }
0x12f: {  	v19 =	vld [tilespmem:s21+$0x21F0];
	v15 =	vadd.f32 v25, v15;
	v9 =	vadd.f32 v17, v9  }
0x130: {  	v11 =	vadd.f32 v11, v13;
	v13 =	vld [tilespmem:s21+$0x2260];
	v12 =	vadd.f32 v18, v12  }
0x131: {  	v5 =	vmul.f32 v5, v0;
	v17 =	vld [tilespmem:s21+$0x2270];
	v10 =	vadd.f32 v10, v15;
	v4 =	vadd.f32 v4, v9  }
0x132: {  	v6 =	vmul.f32 v6, v0;
	v9 =	vadd.f32 v14, v11;
	v3 =	vadd.f32 v3, v12  }
0x133: {  	[tilespmem:$0x7700] =	vst v5;
	v10 =	vadd.f32 v16, v10;
	v1 =	vadd.f32 v1, v4;
	v4 =	vmul.f32 v7, v0  }
0x134: {  	[tilespmem:$0x7710] =	vst v6;
	v5 =	vadd.f32 v19, v9;
	v2 =	vadd.f32 v2, v3;
	v3 =	vmul.f32 v8, v0  }
0x135: {  	v6 =	vadd.f32 v13, v10;
	[tilespmem:$0x7720] =	vst v4;
	v1 =	vmul.f32 v1, v0  }
0x136: {  	v4 =	vadd.f32 v17, v5;
	[tilespmem:$0x7730] =	vst v3;
	v2 =	vmul.f32 v2, v0  }
0x137: {  	[tilespmem:$0x7740] =	vst v1;
	v1 =	vmul.f32 v6, v0  }
0x138: {  	[tilespmem:$0x7750] =	vst v2;
	v2 =	vmul.f32 v4, v0  }
0x139: {  	[tilespmem:$0x7760] =	vst v1  }
0x13a: {  	[tilespmem:$0x7770] =	vst v2  }
0x13b: {  	_ =	swait.ge [sflag:s18], $0x1900  }
0x13c: {  	[sflag:s18] =	ssyncset.done $0x0  }
0x13d: {  	s21 =	simm.s32 $0x0;
	[sflag:s18] =	ssyncadd.s32 $0xFFFFE700  }
0x13e: {  	v5 =	vld [tilespmem:s21+$0x3E00]  }
0x13f: {  	v6 =	vld [tilespmem:s21+$0x3E10]  }
0x140: {  	v7 =	vld [tilespmem:s21+$0x3E20]  }
0x141: {  	v8 =	vld [tilespmem:s21+$0x3E30]  }
0x142: {  	v1 =	vld [tilespmem:s21+$0x3E40]  }
0x143: {  	v2 =	vld [tilespmem:s21+$0x3E50]  }
0x144: {  	v11 =	vld [tilespmem:s21+$0x3D80]  }
0x145: {  	v14 =	vld [tilespmem:s21+$0x3D90]  }
0x146: {  	v10 =	vld [tilespmem:s21+$0x3DA0]  }
0x147: {  	v12 =	vld [tilespmem:s21+$0x3DB0]  }
0x148: {  	v4 =	vld [tilespmem:s21+$0x3DC0]  }
0x149: {  	v3 =	vld [tilespmem:s21+$0x3DD0]  }
0x14a: {  	v13 =	vld [tilespmem:s21+$0x3D00]  }
0x14b: {  	v15 =	vld [tilespmem:s21+$0x3D10]  }
0x14c: {  	v16 =	vld [tilespmem:s21+$0x3D20]  }
0x14d: {  	v20 =	vld [tilespmem:s21+$0x3C80]  }
0x14e: {  	v21 =	vld [tilespmem:s21+$0x3C90]  }
0x14f: {  	v18 =	vld [tilespmem:s21+$0x3C00]  }
0x150: {  	v19 =	vld [tilespmem:s21+$0x3C10]  }
0x151: {  	v22 =	vld [tilespmem:s21+$0x3C20]  }
0x152: {  	v23 =	vld [tilespmem:s21+$0x3C30]  }
0x153: {  	v24 =	vld [tilespmem:s21+$0x3CA0]  }
0x154: {  	v25 =	vld [tilespmem:s21+$0x3CB0]  }
0x155: {  	v9 =	vimm.f32 $0.0e+00;
	v27 =	vld [tilespmem:s21+$0x3D30]  }
0x156: {  	v17 =	vld [tilespmem:s21+$0x3D40];
	v26 =	vadd.f32 v18, v9;
	v28 =	vadd.f32 v19, v9  }
0x157: {  	v18 =	vld [tilespmem:s21+$0x3D50];
	v22 =	vadd.f32 v22, v9;
	v23 =	vadd.f32 v23, v9  }
0x158: {  	v19 =	vld [tilespmem:s21+$0x3CC0];
	v26 =	vadd.f32 v20, v26;
	v28 =	vadd.f32 v21, v28  }
0x159: {  	v20 =	vld [tilespmem:s21+$0x3CD0];
	v29 =	vadd.f32 v24, v22;
	v23 =	vadd.f32 v25, v23  }
0x15a: {  	v21 =	vld [tilespmem:s21+$0x3C40];
	v24 =	vadd.f32 v13, v26;
	v25 =	vadd.f32 v15, v28  }
0x15b: {  	v22 =	vld [tilespmem:s21+$0x3C50];
	v26 =	vadd.f32 v16, v29;
	v27 =	vadd.f32 v27, v23  }
0x15c: {  	s22 =	simm.s32 $0xA00;
	v23 =	vld [tilespmem:s21+$0x3C60];
	v16 =	vimm.f32 $0.0e+00;
	v15 =	vimm.f32 $0.0e+00;
	v13 =	vimm.f32 $0.0e+00  }
.LBB2_10:
0x15d: {  	p1 =	sne.s32 s22, $0x5A00;
	v28 =	vld [tilespmem:s21+$0x3C70];
	v11 =	vadd.f32 v11, v24;
	v14 =	vadd.f32 v14, v25  }
0x15e: {  	v24 =	vld [tilespmem:s21+$0x3CE0];
	v10 =	vadd.f32 v10, v26;
	v12 =	vadd.f32 v12, v27  }
0x15f: {  	v25 =	vld [tilespmem:s21+$0x3CF0];
	v26 =	vadd.f32 v5, v11;
	v27 =	vadd.f32 v6, v14  }
0x160: {  	v6 =	vld [tilespmem:s21+$0x3D60];
	v29 =	vadd.f32 v7, v10;
	v30 =	vadd.f32 v8, v12  }
0x161: {  	v5 =	vadd.f32 v21, v9;
	v7 =	vadd.f32 v22, v16;
	v8 =	vld [tilespmem:s21+$0x3D70]  }
0x162: {  	v9 =	vadd.f32 v23, v15;
	v10 =	vadd.f32 v28, v13;
	v11 =	vld [tilespmem:s21+$0x3DE0]  }
0x163: {  	v5 =	vadd.f32 v19, v5;
	v7 =	vadd.f32 v20, v7;
	v12 =	vld [tilespmem:s21+$0x3DF0]  }
0x164: {  	v9 =	vadd.f32 v24, v9;
	v10 =	vadd.f32 v25, v10;
	v13 =	vld [tilespmem:s21+$0x3E60]  }
0x165: {  	v14 =	vadd.f32 v17, v5;
	v7 =	vadd.f32 v18, v7;
	v17 =	vld [tilespmem:s21+$0x3E70];
	s21 =	sshra.s32 s22, $0x2  }
0x166: {  	v9 =	vadd.f32 v6, v9;
	v5 =	vld [tilespmem:s21+$0x3E00];
	v8 =	vadd.f32 v8, v10  }
0x167: {  	v4 =	vadd.f32 v4, v14;
	v3 =	vadd.f32 v3, v7;
	v6 =	vld [tilespmem:s21+$0x3E10]  }
0x168: {  	v10 =	vadd.f32 v11, v9;
	v7 =	vld [tilespmem:s21+$0x3E20];
	v11 =	vadd.f32 v12, v8  }
0x169: {  	v9 =	vadd.f32 v1, v4;
	v16 =	vadd.f32 v2, v3;
	v8 =	vld [tilespmem:s21+$0x3E30]  }
0x16a: {  	v15 =	vadd.f32 v13, v10;
	v1 =	vld [tilespmem:s21+$0x3E40];
	v13 =	vadd.f32 v17, v11  }
0x16b: {  	v2 =	vld [tilespmem:s21+$0x3E50]  }
0x16c: {  	v11 =	vld [tilespmem:s21+$0x3D80]  }
0x16d: {  	v14 =	vld [tilespmem:s21+$0x3D90]  }
0x16e: {  	v10 =	vld [tilespmem:s21+$0x3DA0]  }
0x16f: {  	v12 =	vld [tilespmem:s21+$0x3DB0]  }
0x170: {  	v4 =	vld [tilespmem:s21+$0x3DC0]  }
0x171: {  	v3 =	vld [tilespmem:s21+$0x3DD0]  }
0x172: {  	v23 =	vld [tilespmem:s21+$0x3D00]  }
0x173: {  	v25 =	vld [tilespmem:s21+$0x3D10]  }
0x174: {  	v28 =	vld [tilespmem:s21+$0x3D20]  }
0x175: {  	v31 =	vld [tilespmem:s21+$0x3D30]  }
0x176: {  	v20 =	vld [tilespmem:s21+$0x3C80]  }
0x177: {  	v21 =	vld [tilespmem:s21+$0x3C90]  }
0x178: {  	v18 =	vld [tilespmem:s21+$0x3C00]  }
0x179: {  	v19 =	vld [tilespmem:s21+$0x3C10]  }
0x17a: {  	v22 =	vld [tilespmem:s21+$0x3C20]  }
0x17b: {  	v24 =	vld [tilespmem:s21+$0x3C30]  }
0x17c: {  	v32 =	vld [tilespmem:s21+$0x3CA0]  }
0x17d: {  	v33 =	vld [tilespmem:s21+$0x3CB0]  }
0x17e: {  	v17 =	vld [tilespmem:s21+$0x3D40]  }
0x17f: {  	v26 =	vadd.f32 v18, v26;
	v27 =	vadd.f32 v19, v27;
	v18 =	vld [tilespmem:s21+$0x3D50]  }
.Ltmp4:
0x180: {  	v22 =	vadd.f32 v22, v29;
	v24 =	vadd.f32 v24, v30;
	v19 =	vld [tilespmem:s21+$0x3CC0];
	(pc) =	sbr.rel @p1 .LBB2_10-.Ltmp4, $4  }
0x181: {  	v26 =	vadd.f32 v20, v26;
	v27 =	vadd.f32 v21, v27;
	v20 =	vld [tilespmem:s21+$0x3CD0]  }
0x182: {  	v29 =	vadd.f32 v32, v22;
	v21 =	vld [tilespmem:s21+$0x3C40];
	v30 =	vadd.f32 v33, v24  }
0x183: {  	v24 =	vadd.f32 v23, v26;
	v25 =	vadd.f32 v25, v27;
	v22 =	vld [tilespmem:s21+$0x3C50]  }
0x184: {  	s22 =	sadd.s32 $0xA00, s22;
	v26 =	vadd.f32 v28, v29;
	v23 =	vld [tilespmem:s21+$0x3C60];
	v27 =	vadd.f32 v31, v30  }
0x185: {  	v11 =	vadd.f32 v11, v24;
	v14 =	vadd.f32 v14, v25  }
0x186: {  	v46 =	vld [tilespmem:s21+$0x3C70];
	v10 =	vadd.f32 v10, v26;
	v12 =	vadd.f32 v12, v27  }
0x187: {  	v47 =	vld [tilespmem:s21+$0x3CE0];
	v5 =	vadd.f32 v5, v11;
	v6 =	vadd.f32 v6, v14  }
0x188: {  	v48 =	vld [tilespmem:s21+$0x3CF0];
	v9 =	vadd.f32 v21, v9;
	v7 =	vadd.f32 v7, v10  }
0x189: {  	v49 =	vld [tilespmem:s21+$0x3D60];
	v8 =	vadd.f32 v8, v12;
	v50 =	vadd.f32 v22, v16  }
0x18a: {  	v51 =	vld [tilespmem:s21+$0x3D70];
	v15 =	vadd.f32 v23, v15;
	v9 =	vadd.f32 v19, v9  }
0x18b: {  	v52 =	vld [tilespmem:s21+$0x3DE0];
	v13 =	vadd.f32 v46, v13;
	v12 =	vadd.f32 v20, v50  }
0x18c: {  	v53 =	vld [tilespmem:s21+$0x3DF0];
	v15 =	vadd.f32 v47, v15;
	v9 =	vadd.f32 v17, v9  }
0x18d: {  	v54 =	vld [tilespmem:s21+$0x3E60];
	v11 =	vadd.f32 v48, v13;
	v12 =	vadd.f32 v18, v12  }
0x18e: {  	v55 =	vld [tilespmem:s21+$0x3E70];
	v5 =	vmul.f32 v5, v0;
	v10 =	vadd.f32 v49, v15;
	v4 =	vadd.f32 v4, v9  }
0x18f: {  	v6 =	vmul.f32 v6, v0;
	v56 =	vadd.f32 v51, v11;
	v3 =	vadd.f32 v3, v12  }
0x190: {  	v57 =	vmul.f32 v7, v0;
	[tilespmem:$0x7780] =	vst v5;
	v10 =	vadd.f32 v52, v10;
	v1 =	vadd.f32 v1, v4  }
0x191: {  	v59 =	vmul.f32 v8, v0;
	[tilespmem:$0x7790] =	vst v6;
	v58 =	vadd.f32 v53, v56;
	v2 =	vadd.f32 v2, v3  }
0x192: {  	[tilespmem:$0x77A0] =	vst v57;
	v60 =	vadd.f32 v54, v10;
	v1 =	vmul.f32 v1, v0  }
0x193: {  	[tilespmem:$0x77B0] =	vst v59;
	v61 =	vadd.f32 v55, v58;
	v2 =	vmul.f32 v2, v0  }
0x194: {  	[tilespmem:$0x77C0] =	vst v1;
	v62 =	vmul.f32 v60, v0  }
0x195: {  	s20 =	sadd.s32 $0x1, s20;
	[tilespmem:$0x77D0] =	vst v2;
	v63 =	vmul.f32 v61, v0  }
0x196: {  	p1 =	sne.s32 s20, s8;
	[tilespmem:$0x77E0] =	vst v62  }
.Ltmp5:
0x197: {  	[tilespmem:$0x77F0] =	vst v63;
	(pc) =	sbr.rel @p1 .LBB2_1-.Ltmp5, $4  }
0x198: {  	[hbm4b:s7+s3] =	stream.linear.scatter [tilespmem:s19], [sflag:$0x3], $0x2000, $0x38;
	[tilespmem:$0x1B100] =	vst v63  }
0x199: {  	_ =	swait.ge [sflag:s10], $0x2000  }
0x19a: {  	[sflag:s10] =	ssyncset.done $0x0  }
0x19b: {  	[sflag:s10] =	ssyncadd.s32 $0xFFFFE000  }
0x19c: {  	_ =	sfence.sel $0x180000  }
0x19d: {  	[bflag:$0x0] =	sbarrier.arrive $0xFFFF  }
0x19e: {  	p0 =	sne.s32 s2, $0x0;
	_ =	strace $0x9000004A  }
0x19f: {  	s0 =	sadd.s32 @!p0 $0x100000, s0;
	[bflag:$0x2] =	sbarrier.arrive $0xFFFF  }
0x1a0: {  	[sflag:s0] =	ssyncadd.tile.s32 @!p0 $0x1;
	_ =	shalt  }
.Lfunc_end2:
_tile_overlayer_lowered:
.L_overlay_start_2:
0x1a1: {  	(tag) =	ssettag $0x2  }
0x1a2: {  	s0 =	rddreg [dreg:$0x0];
	s2 =	stileid.u32  }
0x1a3: {  	s1 =	rddreg [dreg:$0x1];
	p0 =	sne.s32 s2, $0x0  }
0x1a4: {  	s3 =	rddreg [dreg:$0x2];
	[bflag:$0x3] =	sbarrier.arrive $0xFFFF;
	s2 =	simm.s32 @!p0 $0x1C03  }
0x1a5: {  	[timem:s3], [sflag:s2] =	dma.local @!p0 [hbm:s0], s1  }
0x1a6: {  	s0 =	simm.s32 @!p0 $0x3  }
0x1a7: {  	_ =	swait.ge @!p0 [sflag:s0], s1  }
0x1a8: {  	s1 =	ssub.s32 @!p0 $0x0, s1;
	[sflag:s0] =	ssyncset.done @!p0 $0x0  }
0x1a9: {  	[sflag:s0] =	ssyncadd.s32 @!p0 s1  }
0x1aa: {  	[bflag:$0x3] =	sbarrier.arrive $0xFFFF  }
0x1ab: {  	_ =	shalt  }

</sc_bundles>
